<compile_context>
chip_gen: v7x
topology: tpu7x:2x2x1
jax: 0.10.2.dev20260603
libtpu: 0.0.44.dev20260713+nightly
codegen_flags: <defaults>
</compile_context>

<pallas_src>
import functools

import jax
import jax.numpy as jnp
from jax import lax
from jax.experimental import pallas as pl
from jax.experimental.pallas import tpu as pltpu
from jax.experimental.pallas import tpu_sc as plsc

N = 10000
E = 320000
F_IN = 128
NOUT = 16
NIN = 48
G = 128
EPS = 1e-5

NC = 2
NS = 16
NW = NC * NS
CHUNK = 128
CH = 80
EPW = CH * CHUNK
E_PAD = NW * EPW
RPS = 632
N_ACC = NS * RPS
NPW = 320
N_POOL = NW * NPW
GP = 136

BN = 1000
GRID = N // BN



def _proj(z, pp):
    za, zm1, zm2 = z[:, 0:16], z[:, 16:32], z[:, 32:48]
    a = pp[3:4] * jax.nn.relu(za + pp[0:1]) + pp[4:5]
    m = pp[5:6] * (jax.nn.relu(zm1 + pp[1:2]) * jax.nn.relu(zm2 + pp[2:3])) + pp[6:7]
    return jnp.concatenate([a, m], axis=1)


def _d0_body(x_ref, w_ref, pp_ref, am_ref, hc_ref):
    z = jnp.dot(x_ref[...], w_ref[...], preferred_element_type=jnp.float32)
    am_ref[...] = _proj(z, pp_ref[...])
    hc_ref[...] = z[:, 48:64]


def _finish_c(p, cp):
    return cp[1:2] * jax.nn.relu(p[0] + p[1] + cp[0:1]) + cp[2:3]


def _dmid_body(am_ref, p_ref, cp_ref, w_ref, pp_ref, am_o, hc_o):
    amp = am_ref[...]
    c = _finish_c(p_ref[...], cp_ref[...])
    h = jnp.concatenate([amp[:, 0:16], c, amp[:, 16:32]], axis=1)
    z = jnp.dot(h, w_ref[...], preferred_element_type=jnp.float32)
    am_o[...] = _proj(z, pp_ref[...])
    hc_o[...] = z[:, 48:64]


def _d4_body(am_ref, p_ref, cp_ref, ha_o, hc_o, hm_o):
    amp = am_ref[...]
    ha_o[...] = amp[:, 0:16]
    hc_o[...] = _finish_c(p_ref[...], cp_ref[...])
    hm_o[...] = amp[:, 16:32]


def _d5_body(b_ref, sa_ref, sc_ref, sm_ref, xa_ref, xc_ref, xm_ref,
             w2_ref, out_ref):
    b = b_ref[...]
    iota = lax.broadcasted_iota(jnp.int32, (GRID, G, BN), 1)
    mask = (b == iota).astype(jnp.float32)
    m2 = jnp.sum(mask, axis=0)
    counts = jnp.dot(m2, jnp.ones((BN, 1), jnp.float32),
                     preferred_element_type=jnp.float32)
    sums = jnp.concatenate(
        [jnp.sum(r[...][:, :G, :], axis=0) for r in (sa_ref, sc_ref, sm_ref)],
        axis=1)
    maxs = jnp.concatenate(
        [jnp.max(r[...][:, :G, :], axis=0) for r in (xa_ref, xc_ref, xm_ref)],
        axis=1)
    meanp = sums / jnp.maximum(counts, 1.0)
    hg = jnp.concatenate([meanp, maxs], axis=1)
    w2b = w2_ref[...]
    logits = jnp.dot(hg, w2b[:96], preferred_element_type=jnp.float32) + w2b[96:97]
    mx = jnp.max(logits, axis=1, keepdims=True)
    sh = logits - mx
    out_ref[...] = sh - jnp.log(jnp.sum(jnp.exp(sh), axis=1, keepdims=True))


_d0 = pl.pallas_call(
    _d0_body,
    grid=(GRID,),
    in_specs=[
        pl.BlockSpec((BN, F_IN), lambda i: (i, 0)),
        pl.BlockSpec((F_IN, 64), lambda i: (0, 0)),
        pl.BlockSpec((8, 16), lambda i: (0, 0)),
    ],
    out_specs=[
        pl.BlockSpec((BN, 32), lambda i: (i, 0)),
        pl.BlockSpec((BN, 16), lambda i: (i, 0)),
    ],
    out_shape=[
        jax.ShapeDtypeStruct((N, 32), jnp.float32),
        jax.ShapeDtypeStruct((N_ACC, 16), jnp.float32),
    ],
)

_dmid = pl.pallas_call(
    _dmid_body,
    grid=(GRID,),
    in_specs=[
        pl.BlockSpec((BN, 32), lambda i: (i, 0)),
        pl.BlockSpec((NC, BN, 16), lambda i: (0, i, 0)),
        pl.BlockSpec((8, 16), lambda i: (0, 0)),
        pl.BlockSpec((NIN, 64), lambda i: (0, 0)),
        pl.BlockSpec((8, 16), lambda i: (0, 0)),
    ],
    out_specs=[
        pl.BlockSpec((BN, 32), lambda i: (i, 0)),
        pl.BlockSpec((BN, 16), lambda i: (i, 0)),
    ],
    out_shape=[
        jax.ShapeDtypeStruct((N, 32), jnp.float32),
        jax.ShapeDtypeStruct((N_ACC, 16), jnp.float32),
    ],
)

_d4 = pl.pallas_call(
    _d4_body,
    grid=(GRID,),
    in_specs=[
        pl.BlockSpec((BN, 32), lambda i: (i, 0)),
        pl.BlockSpec((NC, BN, 16), lambda i: (0, i, 0)),
        pl.BlockSpec((8, 16), lambda i: (0, 0)),
    ],
    out_specs=[
        pl.BlockSpec((BN, 16), lambda i: (i, 0)),
        pl.BlockSpec((BN, 16), lambda i: (i, 0)),
        pl.BlockSpec((BN, 16), lambda i: (i, 0)),
    ],
    out_shape=[
        jax.ShapeDtypeStruct((N_POOL, 16), jnp.float32),
        jax.ShapeDtypeStruct((N_POOL, 16), jnp.float32),
        jax.ShapeDtypeStruct((N_POOL, 16), jnp.float32),
    ],
)

_d5 = pl.pallas_call(
    _d5_body,
    grid=(1,),
    in_specs=[pl.BlockSpec((GRID, 1, BN), lambda i: (0, 0, 0))]
    + [pl.BlockSpec((NW, GP, 16), lambda i: (0, 0, 0))] * 6
    + [pl.BlockSpec((104, 6), lambda i: (0, 0))],
    out_specs=pl.BlockSpec((G, 6), lambda i: (0, 0)),
    out_shape=jax.ShapeDtypeStruct((G, 6), jnp.float32),
)



_MESH = plsc.VectorSubcoreMesh(core_axis_name="c", subcore_axis_name="s")


ZR = 79


@functools.partial(
    pl.kernel,
    out_type=jax.ShapeDtypeStruct((NC, N_ACC, NOUT), jnp.float32),
    mesh=_MESH,
    scratch_types=[
        pltpu.VMEM((2, 1, CHUNK), jnp.int32),
        pltpu.VMEM((2, 1, CHUNK), jnp.int32),
        pltpu.VMEM((2, CHUNK, NOUT), jnp.float32),
        pltpu.VMEM((ZR, NOUT), jnp.float32),
        pltpu.VMEM_SHARED((N_ACC, NOUT), jnp.float32),
        pltpu.SemaphoreType.DMA,
        pltpu.SemaphoreType.DMA,
        pltpu.SemaphoreType.DMA,
        pltpu.SemaphoreType.DMA,
    ],
    compiler_params=pltpu.CompilerParams(use_tc_tiling_on_sc=False),
)
def _agg(table_hbm, src_hbm, dst_hbm, out_hbm,
         src_v, dst_v, rows_v, zbuf_v, acc_sh, g0, g1, i0, i1):
    c = lax.axis_index("c")
    s = lax.axis_index("s")
    w = c * NS + s
    gsem = (g0, g1)
    isem = (i0, i1)

    def zero_row(i, carry):
        zbuf_v[i, :] = jnp.zeros((NOUT,), jnp.float32)
        return carry
    lax.fori_loop(0, ZR, zero_row, 0)
    for k in range(RPS // ZR):
        pltpu.sync_copy(zbuf_v, acc_sh.at[pl.ds(s * RPS + k * ZR, ZR)])
    plsc.subcore_barrier()

    def idx_start(j, p, sem):
        pltpu.make_async_copy(src_hbm.at[w, j], src_v.at[p], sem).start()
        pltpu.make_async_copy(dst_hbm.at[w, j], dst_v.at[p], sem).start()

    def idx_wait(p, sem):
        pltpu.make_async_copy(src_hbm.at[w, 0], src_v.at[p], sem).wait()
        pltpu.make_async_copy(dst_hbm.at[w, 0], dst_v.at[p], sem).wait()

    def gather_start(p, sem):
        pltpu.make_async_copy(
            table_hbm.at[src_v.at[p, 0]], rows_v.at[p], sem).start()

    def gather_wait(p, sem):
        pltpu.make_async_copy(
            table_hbm.at[src_v.at[p, 0]], rows_v.at[p], sem).wait()

    idx_start(0, 0, isem[0])
    idx_wait(0, isem[0])
    gather_start(0, gsem[0])
    idx_start(1, 1, isem[1])

    def half_step(j, p):
        q = 1 - p
        idx_wait(q, isem[q])
        gather_start(q, gsem[q])
        gather_wait(p, gsem[p])
        pltpu.sync_copy(rows_v.at[p], acc_sh.at[dst_v.at[p, 0]], add=True)
        nj = j + 2
        nj = jnp.where(nj >= CH, nj - CH, nj)
        idx_start(nj, p, isem[p])

    def pair(jj, carry):
        half_step(2 * jj, 0)
        half_step(2 * jj + 1, 1)
        return carry
    lax.fori_loop(0, CH // 2, pair, 0)
    gather_wait(0, gsem[0])
    idx_wait(1, isem[1])
    plsc.subcore_barrier()
    pltpu.sync_copy(acc_sh.at[pl.ds(s * RPS, RPS)],
                    out_hbm.at[c, pl.ds(s * RPS, RPS)])


_NEG = float("-inf")


@functools.partial(
    pl.kernel,
    out_type=[jax.ShapeDtypeStruct((NW, GP, 16), jnp.float32)] * 6,
    mesh=_MESH,
    scratch_types=[
        pltpu.VMEM((NPW, 16), jnp.float32),
        pltpu.VMEM((NPW, 16), jnp.float32),
        pltpu.VMEM((NPW, 16), jnp.float32),
        pltpu.VMEM((NPW // 16, 16), jnp.int32),
        pltpu.VMEM((GP, 16), jnp.float32),
        pltpu.VMEM((GP, 16), jnp.float32),
        pltpu.VMEM((GP, 16), jnp.float32),
        pltpu.VMEM((GP, 16), jnp.float32),
        pltpu.VMEM((GP, 16), jnp.float32),
        pltpu.VMEM((GP, 16), jnp.float32),
    ],
    compiler_params=pltpu.CompilerParams(
        needs_layout_passes=False, use_tc_tiling_on_sc=False),
)
def _pool(ha_hbm, hc_hbm, hm_hbm, b_hbm,
          sa_hbm, sc_hbm, sm_hbm, xa_hbm, xc_hbm, xm_hbm,
          ha_v, hc_v, hm_v, b_v, sa_v, sc_v, sm_v, xa_v, xc_v, xm_v):
    c = lax.axis_index("c")
    s = lax.axis_index("s")
    w = c * NS + s
    pltpu.sync_copy(ha_hbm.at[pl.ds(w * NPW, NPW)], ha_v)
    pltpu.sync_copy(hc_hbm.at[pl.ds(w * NPW, NPW)], hc_v)
    pltpu.sync_copy(hm_hbm.at[pl.ds(w * NPW, NPW)], hm_v)
    pltpu.sync_copy(b_hbm.at[w], b_v)

    def init_row(i, carry):
        zv = jnp.zeros((16,), jnp.float32)
        nv = jnp.full((16,), _NEG, jnp.float32)
        sa_v[i, :] = zv
        sc_v[i, :] = zv
        sm_v[i, :] = zv
        xa_v[i, :] = nv
        xc_v[i, :] = nv
        xm_v[i, :] = nv
        return carry
    lax.fori_loop(0, GP, init_row, 0)

    iota16 = lax.broadcasted_iota(jnp.int32, (16,), 0)

    def scan_node(i, carry):
        cur, s0, s1, s2, m0, m1, m2 = carry
        g = i // 16
        l = i - g * 16
        bvec = b_v[g, :]
        seg = jnp.sum(jnp.where(iota16 == l, bvec, 0))
        r0 = ha_v[i, :]
        r1 = hc_v[i, :]
        r2 = hm_v[i, :]
        changed = seg != cur
        s0 = jnp.where(changed, r0, s0 + r0)
        s1 = jnp.where(changed, r1, s1 + r1)
        s2 = jnp.where(changed, r2, s2 + r2)
        m0 = jnp.where(changed, r0, jnp.maximum(m0, r0))
        m1 = jnp.where(changed, r1, jnp.maximum(m1, r1))
        m2 = jnp.where(changed, r2, jnp.maximum(m2, r2))
        sa_v[seg, :] = s0
        sc_v[seg, :] = s1
        sm_v[seg, :] = s2
        xa_v[seg, :] = m0
        xc_v[seg, :] = m1
        xm_v[seg, :] = m2
        return (seg, s0, s1, s2, m0, m1, m2)

    z = jnp.zeros((16,), jnp.float32)
    ninf = jnp.full((16,), _NEG, jnp.float32)
    lax.fori_loop(
        0, NPW, scan_node,
        (jnp.int32(-1), z, z, z, ninf, ninf, ninf))

    pltpu.sync_copy(sa_v, sa_hbm.at[w])
    pltpu.sync_copy(sc_v, sc_hbm.at[w])
    pltpu.sync_copy(sm_v, sm_hbm.at[w])
    pltpu.sync_copy(xa_v, xa_hbm.at[w])
    pltpu.sync_copy(xc_v, xc_hbm.at[w])
    pltpu.sync_copy(xm_v, xm_hbm.at[w])



def kernel(x, edge_index, batch,
           Wa0, bWa0, Wc0, bWc0, Wm10, bWm10, Wm20, bWm20, g0, beta0,
           Wa1, bWa1, Wc1, bWc1, Wm11, bWm11, Wm21, bWm21, g1, beta1,
           Wa2, bWa2, Wc2, bWc2, Wm12, bWm12, Wm22, bWm22, g2, beta2,
           Wa3, bWa3, Wc3, bWc3, Wm13, bWm13, Wm23, bWm23, g3, beta3,
           W2, b2):
    inv = 1.0 / jnp.sqrt(jnp.asarray(1.0 + EPS, jnp.float32))
    Ws, pps, cps = [], [], []
    zero16 = jnp.zeros((16,), jnp.float32)
    for (Wa, bWa, Wc, bWc, Wm1, bWm1, Wm2, bWm2, g, beta) in (
            (Wa0, bWa0, Wc0, bWc0, Wm10, bWm10, Wm20, bWm20, g0, beta0),
            (Wa1, bWa1, Wc1, bWc1, Wm11, bWm11, Wm21, bWm21, g1, beta1),
            (Wa2, bWa2, Wc2, bWc2, Wm12, bWm12, Wm22, bWm22, g2, beta2),
            (Wa3, bWa3, Wc3, bWc3, Wm13, bWm13, Wm23, bWm23, g3, beta3)):
        sca = g * inv
        Ws.append(jnp.concatenate([Wa, Wm1, Wm2, Wc], axis=1))
        pps.append(jnp.stack([bWa, bWm1, bWm2, sca[0:16], beta[0:16],
                              sca[32:48], beta[32:48], zero16]))
        cps.append(jnp.stack([bWc, sca[16:32], beta[16:32], zero16,
                              zero16, zero16, zero16, zero16]))

    src = edge_index[0]
    dst = edge_index[1]
    pad = E_PAD - E
    srcp = jnp.concatenate([src, jnp.zeros((pad,), jnp.int32)]
                           ).reshape(NW, CH, 1, CHUNK)
    dstp = jnp.concatenate([dst, jnp.full((pad,), N, jnp.int32)]
                           ).reshape(NW, CH, 1, CHUNK)
    batch_pad = jnp.concatenate(
        [batch, jnp.full((N_POOL - N,), G, jnp.int32)]
    ).reshape(NW, NPW // 16, 16)
    batch3d = batch.reshape(GRID, 1, BN)
    w2b = jnp.zeros((104, 6), jnp.float32).at[:96].set(W2).at[96].set(b2)

    am, hc = _d0(x, Ws[0], pps[0])
    P = _agg(hc, srcp, dstp)
    for i in (1, 2, 3):
        am, hc = _dmid(am, P, cps[i - 1], Ws[i], pps[i])
        P = _agg(hc, srcp, dstp)
    ha, hcp, hm = _d4(am, P, cps[3])
    sa, sc, sm, xa, xc, xm = _pool(ha, hcp, hm, batch_pad)
    return _d5(batch3d, sa, sc, sm, xa, xc, xm, w2b)

# --- scband reference (transcript-rebuilt; emitter-appended) ---
"""Pipeline reference for scband-gnnml1-64991445123386 (READ-ONLY COPY).

The authoritative reference and input builder live on the scoring server;
editing this copy changes nothing except your own understanding.
"""

import jax, jax.numpy as jnp
import numpy as np

N = 10000
E = 320000
F_IN = 128
NOUT = 16
NIN = 48
G = 128
EPS = 1e-5

def _glorot(key, shape):
    lim = np.sqrt(6.0 / (shape[0] + shape[1]))
    return jax.random.uniform(key, shape, jnp.float32, -lim, lim)

def setup_inputs(seed=0):
    key = jax.random.key(seed)
    ks = iter(jax.random.split(key, 64))
    inp = {}
    inp['x'] = jax.random.normal(next(ks), (N, F_IN), dtype=jnp.float32)
    inp['edge_index'] = jax.random.randint(next(ks), (2, E), 0, N, dtype=jnp.int32)
    inp['batch'] = jnp.sort(jax.random.randint(next(ks), (N,), 0, G, dtype=jnp.int32))
    dims = [F_IN, NIN, NIN, NIN]
    for i, d in enumerate(dims):
        for tag in ['Wa', 'Wc', 'Wm1', 'Wm2']:
            inp[f'{tag}{i}'] = _glorot(next(ks), (d, NOUT))
            inp[f'b{tag}{i}'] = jnp.zeros((NOUT,), jnp.float32)
        inp[f'g{i}'] = jnp.ones((NIN,), jnp.float32)
        inp[f'beta{i}'] = jnp.zeros((NIN,), jnp.float32)
    inp['W2'] = _glorot(next(ks), (2 * NIN, 6))
    inp['b2'] = jnp.zeros((6,), jnp.float32)
    return inp

def _forward(p, edge_index, batch):
    # Eval mode: dropout = identity; BatchNorm uses running stats (mean=0, var=1)
    src = edge_index[0]
    dst = edge_index[1]
    h = p['x']
    for i in range(4):
        # SpectConv with S=1, selfconn=False, edge_attr=ones[E,1]:
        # out[dst] = sum_{edges} 1.0 * h[src]  then linear projection
        agg = jax.ops.segment_sum(h[src], dst, num_segments=N)
        a = jax.nn.relu(h @ p[f'Wa{i}'] + p[f'bWa{i}'])
        c = jax.nn.relu(agg @ p[f'Wc{i}'] + p[f'bWc{i}'])
        m = jax.nn.relu(h @ p[f'Wm1{i}'] + p[f'bWm1{i}']) * jax.nn.relu(h @ p[f'Wm2{i}'] + p[f'bWm2{i}'])
        h = jnp.concatenate([a, c, m], axis=1)
        # BatchNorm1d eval: (h - 0)/sqrt(1+eps) * gamma + beta
        h = p[f'g{i}'] * h / jnp.sqrt(1.0 + EPS) + p[f'beta{i}']
    counts = jnp.maximum(jax.ops.segment_sum(jnp.ones((N,), jnp.float32), batch, num_segments=G), 1.0)
    meanp = jax.ops.segment_sum(h, batch, num_segments=G) / counts[:, None]
    maxp = jax.ops.segment_max(h, batch, num_segments=G)
    hg = jnp.concatenate([meanp, maxp], axis=1)
    logits = hg @ p['W2'] + p['b2']
    return jax.nn.log_softmax(logits, axis=1)

def reference(x, edge_index, batch,
              Wa0, bWa0, Wc0, bWc0, Wm10, bWm10, Wm20, bWm20, g0, beta0,
              Wa1, bWa1, Wc1, bWc1, Wm11, bWm11, Wm21, bWm21, g1, beta1,
              Wa2, bWa2, Wc2, bWc2, Wm12, bWm12, Wm22, bWm22, g2, beta2,
              Wa3, bWa3, Wc3, bWc3, Wm13, bWm13, Wm23, bWm23, g3, beta3,
              W2, b2):
    p = {
        'x': x,
        'Wa0': Wa0, 'bWa0': bWa0, 'Wc0': Wc0, 'bWc0': bWc0,
        'Wm10': Wm10, 'bWm10': bWm10, 'Wm20': Wm20, 'bWm20': bWm20,
        'g0': g0, 'beta0': beta0,
        'Wa1': Wa1, 'bWa1': bWa1, 'Wc1': Wc1, 'bWc1': bWc1,
        'Wm11': Wm11, 'bWm11': bWm11, 'Wm21': Wm21, 'bWm21': bWm21,
        'g1': g1, 'beta1': beta1,
        'Wa2': Wa2, 'bWa2': bWa2, 'Wc2': Wc2, 'bWc2': bWc2,
        'Wm12': Wm12, 'bWm12': bWm12, 'Wm22': Wm22, 'bWm22': bWm22,
        'g2': g2, 'beta2': beta2,
        'Wa3': Wa3, 'bWa3': bWa3, 'Wc3': Wc3, 'bWc3': bWc3,
        'Wm13': Wm13, 'bWm13': bWm13, 'Wm23': Wm23, 'bWm23': bWm23,
        'g3': g3, 'beta3': beta3,
        'W2': W2, 'b2': b2,
    }
    return _forward(p, edge_index, batch)

if __name__ == "__main__":
    import jax
    _d = setup_inputs()
    print(jax.jit(kernel)(*tuple(_d.values())))

</pallas_src>

<mosaic_0001>
#map = affine_map<(d0, d1) -> (0, 0)>
#map1 = affine_map<(d0, d1) -> (0, 0, 0, 0)>
#map2 = affine_map<(d0, d1) -> (0, 0, 0)>
module attributes {stable_mosaic.version = 14 : i64} {
  func.func @_agg(%arg0: i32, %arg1: i32, %arg2: memref<10112x16xf32, #tpu.memory_space<hbm>>, %arg3: memref<32x80x1x128xi32, #tpu.memory_space<hbm>>, %arg4: memref<32x80x1x128xi32, #tpu.memory_space<hbm>>, %arg5: memref<2x10112x16xf32, #tpu.memory_space<hbm>>, %arg6: memref<2x1x128xi32, #tpu.memory_space<vmem>>, %arg7: memref<2x1x128xi32, #tpu.memory_space<vmem>>, %arg8: memref<2x128x16xf32, #tpu.memory_space<vmem>>, %arg9: memref<79x16xf32, #tpu.memory_space<vmem>>, %arg10: memref<10112x16xf32, #tpu.memory_space<vmem_shared>>, %arg11: memref<!tpu.dma_semaphore, #tpu.memory_space<semaphore_mem>>, %arg12: memref<!tpu.dma_semaphore, #tpu.memory_space<semaphore_mem>>, %arg13: memref<!tpu.dma_semaphore, #tpu.memory_space<semaphore_mem>>, %arg14: memref<!tpu.dma_semaphore, #tpu.memory_space<semaphore_mem>>) attributes {dimension_semantics = [#tpu.dimension_semantics<core_parallel>, #tpu.dimension_semantics<subcore_parallel>], iteration_bounds = array<i64: 2, 16>, scalar_prefetch = 0 : i64, scratch_operands = 9 : i64, tpu.core_type = #tpu.core_type<sc_vector_subcore>, window_params = [{transform_indices = #map}, {transform_indices = #map1}, {transform_indices = #map1}, {transform_indices = #map2}]} {
    %mul3A = arith.constant 16 : i32
    %mul3A_0 = arith.muli %arg0, %mul3A : i32
    %add3A = arith.addi %mul3A_0, %arg1 : i32
    %scan3A = arith.constant 0 : i32
    %scan3A_1 = arith.constant 0 : i32
    %scan3A_2 = arith.constant 79 : i32
    %scan3A_3 = arith.addi %scan3A_1, %scan3A_2 : i32
    %scan3A_4 = arith.constant 1 : i32
    scf.for %scan3A_217 = %scan3A_1 to %scan3A_3 step %scan3A_4  : i32 {
      %broadcast_in_dim3A = arith.constant 0.000000e+00 : f32
      %broadcast_in_dim3A_218 = vector.broadcast %broadcast_in_dim3A : f32 to vector<16xf32>
      %swap3A = arith.index_cast %scan3A_217 : i32 to index
      %swap3A_219 = arith.constant 0 : index
      %swap3A_220 = tpu.vector_load %arg9[%swap3A, %swap3A_219] {strides = array<i32>} : memref<79x16xf32, #tpu.memory_space<vmem>>, vector<1x16xf32>,
      %swap3A_221 = vector.shape_cast %swap3A_220 : vector<1x16xf32> to vector<16xf32>
      %swap3A_222 = vector.shape_cast %broadcast_in_dim3A_218 : vector<16xf32> to vector<1x16xf32>
      tpu.vector_store %arg9[%swap3A, %swap3A_219], %swap3A_222 {strides = array<i32>} : memref<79x16xf32, #tpu.memory_space<vmem>>, vector<1x16xf32>,
    }
    %scan3A_5 = arith.constant 79 : i32
    %mul3A_6 = arith.constant 632 : i32
    %mul3A_7 = arith.muli %arg1, %mul3A_6 : i32
    %add3A_8 = arith.constant 0 : i32
    %add3A_9 = arith.addi %mul3A_7, %add3A_8 : i32
    "tpu.region"() ({
      %run_scoped3A = tpu.sem_alloc : memref<!tpu.dma_semaphore, #tpu.memory_space<semaphore_mem>>
      %dma_start3A_217 = arith.constant 0 : i32
      %dma_start3A_218 = tpu.memref_slice %arg10[%add3A_9, %dma_start3A_217] : memref<10112x16xf32, #tpu.memory_space<vmem_shared>> -> memref<79x16xf32, #tpu.memory_space<vmem_shared>>
      %dma_start3A_219 = arith.constant 0 : i32
      %dma_start3A_220 = tpu.memref_slice %arg10[%add3A_9, %dma_start3A_219] : memref<10112x16xf32, #tpu.memory_space<vmem_shared>> -> memref<79x16xf32, #tpu.memory_space<vmem_shared>>
      tpu.enqueue_dma source(%arg9 : memref<79x16xf32, #tpu.memory_space<vmem>>) target(%dma_start3A_220 : memref<79x16xf32, #tpu.memory_space<vmem_shared>>) target_semaphore(%run_scoped3A : memref<!tpu.dma_semaphore, #tpu.memory_space<semaphore_mem>>)
      %dma_wait3A_221 = arith.constant 0 : i32
      %dma_wait3A_222 = tpu.memref_slice %arg10[%add3A_9, %dma_wait3A_221] : memref<10112x16xf32, #tpu.memory_space<vmem_shared>> -> memref<79x16xf32, #tpu.memory_space<vmem_shared>>
      %dma_wait3A_223 = arith.constant 0 : i32
      %dma_wait3A_224 = tpu.memref_slice %arg10[%add3A_9, %dma_wait3A_223] : memref<10112x16xf32, #tpu.memory_space<vmem_shared>> -> memref<79x16xf32, #tpu.memory_space<vmem_shared>>
      tpu.wait_dma2 semaphore(%run_scoped3A : memref<!tpu.dma_semaphore, #tpu.memory_space<semaphore_mem>>) src(%arg9 : memref<79x16xf32, #tpu.memory_space<vmem>>) dst(%dma_wait3A_224 : memref<79x16xf32, #tpu.memory_space<vmem_shared>>)
      tpu.yield
    }) : () -> ()
    %mul3A_10 = arith.constant 632 : i32
    %mul3A_11 = arith.muli %arg1, %mul3A_10 : i32
    %add3A_12 = arith.constant 79 : i32
    %add3A_13 = arith.addi %mul3A_11, %add3A_12 : i32
    "tpu.region"() ({
      %run_scoped3A = tpu.sem_alloc : memref<!tpu.dma_semaphore, #tpu.memory_space<semaphore_mem>>
      %dma_start3A_217 = arith.constant 0 : i32
      %dma_start3A_218 = tpu.memref_slice %arg10[%add3A_13, %dma_start3A_217] : memref<10112x16xf32, #tpu.memory_space<vmem_shared>> -> memref<79x16xf32, #tpu.memory_space<vmem_shared>>
      %dma_start3A_219 = arith.constant 0 : i32
      %dma_start3A_220 = tpu.memref_slice %arg10[%add3A_13, %dma_start3A_219] : memref<10112x16xf32, #tpu.memory_space<vmem_shared>> -> memref<79x16xf32, #tpu.memory_space<vmem_shared>>
      tpu.enqueue_dma source(%arg9 : memref<79x16xf32, #tpu.memory_space<vmem>>) target(%dma_start3A_220 : memref<79x16xf32, #tpu.memory_space<vmem_shared>>) target_semaphore(%run_scoped3A : memref<!tpu.dma_semaphore, #tpu.memory_space<semaphore_mem>>)
      %dma_wait3A_221 = arith.constant 0 : i32
      %dma_wait3A_222 = tpu.memref_slice %arg10[%add3A_13, %dma_wait3A_221] : memref<10112x16xf32, #tpu.memory_space<vmem_shared>> -> memref<79x16xf32, #tpu.memory_space<vmem_shared>>
      %dma_wait3A_223 = arith.constant 0 : i32
      %dma_wait3A_224 = tpu.memref_slice %arg10[%add3A_13, %dma_wait3A_223] : memref<10112x16xf32, #tpu.memory_space<vmem_shared>> -> memref<79x16xf32, #tpu.memory_space<vmem_shared>>
      tpu.wait_dma2 semaphore(%run_scoped3A : memref<!tpu.dma_semaphore, #tpu.memory_space<semaphore_mem>>) src(%arg9 : memref<79x16xf32, #tpu.memory_space<vmem>>) dst(%dma_wait3A_224 : memref<79x16xf32, #tpu.memory_space<vmem_shared>>)
      tpu.yield
    }) : () -> ()
    %mul3A_14 = arith.constant 632 : i32
    %mul3A_15 = arith.muli %arg1, %mul3A_14 : i32
    %add3A_16 = arith.constant 158 : i32
    %add3A_17 = arith.addi %mul3A_15, %add3A_16 : i32
    "tpu.region"() ({
      %run_scoped3A = tpu.sem_alloc : memref<!tpu.dma_semaphore, #tpu.memory_space<semaphore_mem>>
      %dma_start3A_217 = arith.constant 0 : i32
      %dma_start3A_218 = tpu.memref_slice %arg10[%add3A_17, %dma_start3A_217] : memref<10112x16xf32, #tpu.memory_space<vmem_shared>> -> memref<79x16xf32, #tpu.memory_space<vmem_shared>>
      %dma_start3A_219 = arith.constant 0 : i32
      %dma_start3A_220 = tpu.memref_slice %arg10[%add3A_17, %dma_start3A_219] : memref<10112x16xf32, #tpu.memory_space<vmem_shared>> -> memref<79x16xf32, #tpu.memory_space<vmem_shared>>
      tpu.enqueue_dma source(%arg9 : memref<79x16xf32, #tpu.memory_space<vmem>>) target(%dma_start3A_220 : memref<79x16xf32, #tpu.memory_space<vmem_shared>>) target_semaphore(%run_scoped3A : memref<!tpu.dma_semaphore, #tpu.memory_space<semaphore_mem>>)
      %dma_wait3A_221 = arith.constant 0 : i32
      %dma_wait3A_222 = tpu.memref_slice %arg10[%add3A_17, %dma_wait3A_221] : memref<10112x16xf32, #tpu.memory_space<vmem_shared>> -> memref<79x16xf32, #tpu.memory_space<vmem_shared>>
      %dma_wait3A_223 = arith.constant 0 : i32
      %dma_wait3A_224 = tpu.memref_slice %arg10[%add3A_17, %dma_wait3A_223] : memref<10112x16xf32, #tpu.memory_space<vmem_shared>> -> memref<79x16xf32, #tpu.memory_space<vmem_shared>>
      tpu.wait_dma2 semaphore(%run_scoped3A : memref<!tpu.dma_semaphore, #tpu.memory_space<semaphore_mem>>) src(%arg9 : memref<79x16xf32, #tpu.memory_space<vmem>>) dst(%dma_wait3A_224 : memref<79x16xf32, #tpu.memory_space<vmem_shared>>)
      tpu.yield
    }) : () -> ()
    %mul3A_18 = arith.constant 632 : i32
    %mul3A_19 = arith.muli %arg1, %mul3A_18 : i32
    %add3A_20 = arith.constant 237 : i32
    %add3A_21 = arith.addi %mul3A_19, %add3A_20 : i32
    "tpu.region"() ({
      %run_scoped3A = tpu.sem_alloc : memref<!tpu.dma_semaphore, #tpu.memory_space<semaphore_mem>>
      %dma_start3A_217 = arith.constant 0 : i32
      %dma_start3A_218 = tpu.memref_slice %arg10[%add3A_21, %dma_start3A_217] : memref<10112x16xf32, #tpu.memory_space<vmem_shared>> -> memref<79x16xf32, #tpu.memory_space<vmem_shared>>
      %dma_start3A_219 = arith.constant 0 : i32
      %dma_start3A_220 = tpu.memref_slice %arg10[%add3A_21, %dma_start3A_219] : memref<10112x16xf32, #tpu.memory_space<vmem_shared>> -> memref<79x16xf32, #tpu.memory_space<vmem_shared>>
      tpu.enqueue_dma source(%arg9 : memref<79x16xf32, #tpu.memory_space<vmem>>) target(%dma_start3A_220 : memref<79x16xf32, #tpu.memory_space<vmem_shared>>) target_semaphore(%run_scoped3A : memref<!tpu.dma_semaphore, #tpu.memory_space<semaphore_mem>>)
      %dma_wait3A_221 = arith.constant 0 : i32
      %dma_wait3A_222 = tpu.memref_slice %arg10[%add3A_21, %dma_wait3A_221] : memref<10112x16xf32, #tpu.memory_space<vmem_shared>> -> memref<79x16xf32, #tpu.memory_space<vmem_shared>>
      %dma_wait3A_223 = arith.constant 0 : i32
      %dma_wait3A_224 = tpu.memref_slice %arg10[%add3A_21, %dma_wait3A_223] : memref<10112x16xf32, #tpu.memory_space<vmem_shared>> -> memref<79x16xf32, #tpu.memory_space<vmem_shared>>
      tpu.wait_dma2 semaphore(%run_scoped3A : memref<!tpu.dma_semaphore, #tpu.memory_space<semaphore_mem>>) src(%arg9 : memref<79x16xf32, #tpu.memory_space<vmem>>) dst(%dma_wait3A_224 : memref<79x16xf32, #tpu.memory_space<vmem_shared>>)
      tpu.yield
    }) : () -> ()
    %mul3A_22 = arith.constant 632 : i32
    %mul3A_23 = arith.muli %arg1, %mul3A_22 : i32
    %add3A_24 = arith.constant 316 : i32
    %add3A_25 = arith.addi %mul3A_23, %add3A_24 : i32
    "tpu.region"() ({
      %run_scoped3A = tpu.sem_alloc : memref<!tpu.dma_semaphore, #tpu.memory_space<semaphore_mem>>
      %dma_start3A_217 = arith.constant 0 : i32
      %dma_start3A_218 = tpu.memref_slice %arg10[%add3A_25, %dma_start3A_217] : memref<10112x16xf32, #tpu.memory_space<vmem_shared>> -> memref<79x16xf32, #tpu.memory_space<vmem_shared>>
      %dma_start3A_219 = arith.constant 0 : i32
      %dma_start3A_220 = tpu.memref_slice %arg10[%add3A_25, %dma_start3A_219] : memref<10112x16xf32, #tpu.memory_space<vmem_shared>> -> memref<79x16xf32, #tpu.memory_space<vmem_shared>>
      tpu.enqueue_dma source(%arg9 : memref<79x16xf32, #tpu.memory_space<vmem>>) target(%dma_start3A_220 : memref<79x16xf32, #tpu.memory_space<vmem_shared>>) target_semaphore(%run_scoped3A : memref<!tpu.dma_semaphore, #tpu.memory_space<semaphore_mem>>)
      %dma_wait3A_221 = arith.constant 0 : i32
      %dma_wait3A_222 = tpu.memref_slice %arg10[%add3A_25, %dma_wait3A_221] : memref<10112x16xf32, #tpu.memory_space<vmem_shared>> -> memref<79x16xf32, #tpu.memory_space<vmem_shared>>
      %dma_wait3A_223 = arith.constant 0 : i32
      %dma_wait3A_224 = tpu.memref_slice %arg10[%add3A_25, %dma_wait3A_223] : memref<10112x16xf32, #tpu.memory_space<vmem_shared>> -> memref<79x16xf32, #tpu.memory_space<vmem_shared>>
      tpu.wait_dma2 semaphore(%run_scoped3A : memref<!tpu.dma_semaphore, #tpu.memory_space<semaphore_mem>>) src(%arg9 : memref<79x16xf32, #tpu.memory_space<vmem>>) dst(%dma_wait3A_224 : memref<79x16xf32, #tpu.memory_space<vmem_shared>>)
      tpu.yield
    }) : () -> ()
    %mul3A_26 = arith.constant 632 : i32
    %mul3A_27 = arith.muli %arg1, %mul3A_26 : i32
    %add3A_28 = arith.constant 395 : i32
    %add3A_29 = arith.addi %mul3A_27, %add3A_28 : i32
    "tpu.region"() ({
      %run_scoped3A = tpu.sem_alloc : memref<!tpu.dma_semaphore, #tpu.memory_space<semaphore_mem>>
      %dma_start3A_217 = arith.constant 0 : i32
      %dma_start3A_218 = tpu.memref_slice %arg10[%add3A_29, %dma_start3A_217] : memref<10112x16xf32, #tpu.memory_space<vmem_shared>> -> memref<79x16xf32, #tpu.memory_space<vmem_shared>>
      %dma_start3A_219 = arith.constant 0 : i32
      %dma_start3A_220 = tpu.memref_slice %arg10[%add3A_29, %dma_start3A_219] : memref<10112x16xf32, #tpu.memory_space<vmem_shared>> -> memref<79x16xf32, #tpu.memory_space<vmem_shared>>
      tpu.enqueue_dma source(%arg9 : memref<79x16xf32, #tpu.memory_space<vmem>>) target(%dma_start3A_220 : memref<79x16xf32, #tpu.memory_space<vmem_shared>>) target_semaphore(%run_scoped3A : memref<!tpu.dma_semaphore, #tpu.memory_space<semaphore_mem>>)
      %dma_wait3A_221 = arith.constant 0 : i32
      %dma_wait3A_222 = tpu.memref_slice %arg10[%add3A_29, %dma_wait3A_221] : memref<10112x16xf32, #tpu.memory_space<vmem_shared>> -> memref<79x16xf32, #tpu.memory_space<vmem_shared>>
      %dma_wait3A_223 = arith.constant 0 : i32
      %dma_wait3A_224 = tpu.memref_slice %arg10[%add3A_29, %dma_wait3A_223] : memref<10112x16xf32, #tpu.memory_space<vmem_shared>> -> memref<79x16xf32, #tpu.memory_space<vmem_shared>>
      tpu.wait_dma2 semaphore(%run_scoped3A : memref<!tpu.dma_semaphore, #tpu.memory_space<semaphore_mem>>) src(%arg9 : memref<79x16xf32, #tpu.memory_space<vmem>>) dst(%dma_wait3A_224 : memref<79x16xf32, #tpu.memory_space<vmem_shared>>)
      tpu.yield
    }) : () -> ()
    %mul3A_30 = arith.constant 632 : i32
    %mul3A_31 = arith.muli %arg1, %mul3A_30 : i32
    %add3A_32 = arith.constant 474 : i32
    %add3A_33 = arith.addi %mul3A_31, %add3A_32 : i32
    "tpu.region"() ({
      %run_scoped3A = tpu.sem_alloc : memref<!tpu.dma_semaphore, #tpu.memory_space<semaphore_mem>>
      %dma_start3A_217 = arith.constant 0 : i32
      %dma_start3A_218 = tpu.memref_slice %arg10[%add3A_33, %dma_start3A_217] : memref<10112x16xf32, #tpu.memory_space<vmem_shared>> -> memref<79x16xf32, #tpu.memory_space<vmem_shared>>
      %dma_start3A_219 = arith.constant 0 : i32
      %dma_start3A_220 = tpu.memref_slice %arg10[%add3A_33, %dma_start3A_219] : memref<10112x16xf32, #tpu.memory_space<vmem_shared>> -> memref<79x16xf32, #tpu.memory_space<vmem_shared>>
      tpu.enqueue_dma source(%arg9 : memref<79x16xf32, #tpu.memory_space<vmem>>) target(%dma_start3A_220 : memref<79x16xf32, #tpu.memory_space<vmem_shared>>) target_semaphore(%run_scoped3A : memref<!tpu.dma_semaphore, #tpu.memory_space<semaphore_mem>>)
      %dma_wait3A_221 = arith.constant 0 : i32
      %dma_wait3A_222 = tpu.memref_slice %arg10[%add3A_33, %dma_wait3A_221] : memref<10112x16xf32, #tpu.memory_space<vmem_shared>> -> memref<79x16xf32, #tpu.memory_space<vmem_shared>>
      %dma_wait3A_223 = arith.constant 0 : i32
      %dma_wait3A_224 = tpu.memref_slice %arg10[%add3A_33, %dma_wait3A_223] : memref<10112x16xf32, #tpu.memory_space<vmem_shared>> -> memref<79x16xf32, #tpu.memory_space<vmem_shared>>
      tpu.wait_dma2 semaphore(%run_scoped3A : memref<!tpu.dma_semaphore, #tpu.memory_space<semaphore_mem>>) src(%arg9 : memref<79x16xf32, #tpu.memory_space<vmem>>) dst(%dma_wait3A_224 : memref<79x16xf32, #tpu.memory_space<vmem_shared>>)
      tpu.yield
    }) : () -> ()
    %mul3A_34 = arith.constant 632 : i32
    %mul3A_35 = arith.muli %arg1, %mul3A_34 : i32
    %add3A_36 = arith.constant 553 : i32
    %add3A_37 = arith.addi %mul3A_35, %add3A_36 : i32
    "tpu.region"() ({
      %run_scoped3A = tpu.sem_alloc : memref<!tpu.dma_semaphore, #tpu.memory_space<semaphore_mem>>
      %dma_start3A_217 = arith.constant 0 : i32
      %dma_start3A_218 = tpu.memref_slice %arg10[%add3A_37, %dma_start3A_217] : memref<10112x16xf32, #tpu.memory_space<vmem_shared>> -> memref<79x16xf32, #tpu.memory_space<vmem_shared>>
      %dma_start3A_219 = arith.constant 0 : i32
      %dma_start3A_220 = tpu.memref_slice %arg10[%add3A_37, %dma_start3A_219] : memref<10112x16xf32, #tpu.memory_space<vmem_shared>> -> memref<79x16xf32, #tpu.memory_space<vmem_shared>>
      tpu.enqueue_dma source(%arg9 : memref<79x16xf32, #tpu.memory_space<vmem>>) target(%dma_start3A_220 : memref<79x16xf32, #tpu.memory_space<vmem_shared>>) target_semaphore(%run_scoped3A : memref<!tpu.dma_semaphore, #tpu.memory_space<semaphore_mem>>)
      %dma_wait3A_221 = arith.constant 0 : i32
      %dma_wait3A_222 = tpu.memref_slice %arg10[%add3A_37, %dma_wait3A_221] : memref<10112x16xf32, #tpu.memory_space<vmem_shared>> -> memref<79x16xf32, #tpu.memory_space<vmem_shared>>
      %dma_wait3A_223 = arith.constant 0 : i32
      %dma_wait3A_224 = tpu.memref_slice %arg10[%add3A_37, %dma_wait3A_223] : memref<10112x16xf32, #tpu.memory_space<vmem_shared>> -> memref<79x16xf32, #tpu.memory_space<vmem_shared>>
      tpu.wait_dma2 semaphore(%run_scoped3A : memref<!tpu.dma_semaphore, #tpu.memory_space<semaphore_mem>>) src(%arg9 : memref<79x16xf32, #tpu.memory_space<vmem>>) dst(%dma_wait3A_224 : memref<79x16xf32, #tpu.memory_space<vmem_shared>>)
      tpu.yield
    }) : () -> ()
    %barrier3A = arith.constant 0 : index
    tpu.barrier barrier_id(%barrier3A)
    %dma_start3A = arith.constant 0 : i32
    %dma_start3A_38 = arith.constant 0 : i32
    %dma_start3A_39 = arith.constant 0 : i32
    %dma_start3A_40 = arith.constant 0 : i32
    %dma_start3A_41 = tpu.memref_slice %arg6[%dma_start3A_38, %dma_start3A_39, %dma_start3A_40] : memref<2x1x128xi32, #tpu.memory_space<vmem>> -> memref<1x1x128xi32, #tpu.memory_space<vmem>>
    %dma_start3A_42 = tpu.memref_squeeze %dma_start3A_41 : memref<1x1x128xi32, #tpu.memory_space<vmem>> -> memref<1x128xi32, #tpu.memory_space<vmem>>
    %dma_start3A_43 = arith.constant 0 : i32
    %dma_start3A_44 = arith.constant 0 : i32
    %dma_start3A_45 = tpu.memref_slice %arg3[%add3A, %dma_start3A, %dma_start3A_43, %dma_start3A_44] : memref<32x80x1x128xi32, #tpu.memory_space<hbm>> -> memref<1x1x1x128xi32, #tpu.memory_space<hbm>>
    %dma_start3A_46 = tpu.memref_squeeze %dma_start3A_45 : memref<1x1x1x128xi32, #tpu.memory_space<hbm>> -> memref<1x128xi32, #tpu.memory_space<hbm>>
    %dma_start3A_47 = arith.constant 0 : i32
    %dma_start3A_48 = arith.constant 0 : i32
    %dma_start3A_49 = tpu.memref_slice %arg6[%dma_start3A_38, %dma_start3A_47, %dma_start3A_48] : memref<2x1x128xi32, #tpu.memory_space<vmem>> -> memref<1x1x128xi32, #tpu.memory_space<vmem>>
    %dma_start3A_50 = tpu.memref_squeeze %dma_start3A_49 : memref<1x1x128xi32, #tpu.memory_space<vmem>> -> memref<1x128xi32, #tpu.memory_space<vmem>>
    %dma_start3A_51 = arith.constant 0 : i32
    %dma_start3A_52 = arith.constant 0 : i32
    %dma_start3A_53 = tpu.memref_slice %arg3[%add3A, %dma_start3A, %dma_start3A_51, %dma_start3A_52] : memref<32x80x1x128xi32, #tpu.memory_space<hbm>> -> memref<1x1x1x128xi32, #tpu.memory_space<hbm>>
    %dma_start3A_54 = tpu.memref_squeeze %dma_start3A_53 : memref<1x1x1x128xi32, #tpu.memory_space<hbm>> -> memref<1x128xi32, #tpu.memory_space<hbm>>
    tpu.enqueue_dma source(%dma_start3A_54 : memref<1x128xi32, #tpu.memory_space<hbm>>) target(%dma_start3A_50 : memref<1x128xi32, #tpu.memory_space<vmem>>) target_semaphore(%arg13 : memref<!tpu.dma_semaphore, #tpu.memory_space<semaphore_mem>>)
    %dma_start3A_55 = arith.constant 0 : i32
    %dma_start3A_56 = arith.constant 0 : i32
    %dma_start3A_57 = arith.constant 0 : i32
    %dma_start3A_58 = arith.constant 0 : i32
    %dma_start3A_59 = tpu.memref_slice %arg7[%dma_start3A_56, %dma_start3A_57, %dma_start3A_58] : memref<2x1x128xi32, #tpu.memory_space<vmem>> -> memref<1x1x128xi32, #tpu.memory_space<vmem>>
    %dma_start3A_60 = tpu.memref_squeeze %dma_start3A_59 : memref<1x1x128xi32, #tpu.memory_space<vmem>> -> memref<1x128xi32, #tpu.memory_space<vmem>>
    %dma_start3A_61 = arith.constant 0 : i32
    %dma_start3A_62 = arith.constant 0 : i32
    %dma_start3A_63 = tpu.memref_slice %arg4[%add3A, %dma_start3A_55, %dma_start3A_61, %dma_start3A_62] : memref<32x80x1x128xi32, #tpu.memory_space<hbm>> -> memref<1x1x1x128xi32, #tpu.memory_space<hbm>>
    %dma_start3A_64 = tpu.memref_squeeze %dma_start3A_63 : memref<1x1x1x128xi32, #tpu.memory_space<hbm>> -> memref<1x128xi32, #tpu.memory_space<hbm>>
    %dma_start3A_65 = arith.constant 0 : i32
    %dma_start3A_66 = arith.constant 0 : i32
    %dma_start3A_67 = tpu.memref_slice %arg7[%dma_start3A_56, %dma_start3A_65, %dma_start3A_66] : memref<2x1x128xi32, #tpu.memory_space<vmem>> -> memref<1x1x128xi32, #tpu.memory_space<vmem>>
    %dma_start3A_68 = tpu.memref_squeeze %dma_start3A_67 : memref<1x1x128xi32, #tpu.memory_space<vmem>> -> memref<1x128xi32, #tpu.memory_space<vmem>>
    %dma_start3A_69 = arith.constant 0 : i32
    %dma_start3A_70 = arith.constant 0 : i32
    %dma_start3A_71 = tpu.memref_slice %arg4[%add3A, %dma_start3A_55, %dma_start3A_69, %dma_start3A_70] : memref<32x80x1x128xi32, #tpu.memory_space<hbm>> -> memref<1x1x1x128xi32, #tpu.memory_space<hbm>>
    %dma_start3A_72 = tpu.memref_squeeze %dma_start3A_71 : memref<1x1x1x128xi32, #tpu.memory_space<hbm>> -> memref<1x128xi32, #tpu.memory_space<hbm>>
    tpu.enqueue_dma source(%dma_start3A_72 : memref<1x128xi32, #tpu.memory_space<hbm>>) target(%dma_start3A_68 : memref<1x128xi32, #tpu.memory_space<vmem>>) target_semaphore(%arg13 : memref<!tpu.dma_semaphore, #tpu.memory_space<semaphore_mem>>)
    %dma_wait3A = arith.constant 0 : i32
    %dma_wait3A_73 = arith.constant 0 : i32
    %dma_wait3A_74 = arith.constant 0 : i32
    %dma_wait3A_75 = arith.constant 0 : i32
    %dma_wait3A_76 = tpu.memref_slice %arg6[%dma_wait3A_73, %dma_wait3A_74, %dma_wait3A_75] : memref<2x1x128xi32, #tpu.memory_space<vmem>> -> memref<1x1x128xi32, #tpu.memory_space<vmem>>
    %dma_wait3A_77 = tpu.memref_squeeze %dma_wait3A_76 : memref<1x1x128xi32, #tpu.memory_space<vmem>> -> memref<1x128xi32, #tpu.memory_space<vmem>>
    %dma_wait3A_78 = arith.constant 0 : i32
    %dma_wait3A_79 = arith.constant 0 : i32
    %dma_wait3A_80 = tpu.memref_slice %arg3[%add3A, %dma_wait3A, %dma_wait3A_78, %dma_wait3A_79] : memref<32x80x1x128xi32, #tpu.memory_space<hbm>> -> memref<1x1x1x128xi32, #tpu.memory_space<hbm>>
    %dma_wait3A_81 = tpu.memref_squeeze %dma_wait3A_80 : memref<1x1x1x128xi32, #tpu.memory_space<hbm>> -> memref<1x128xi32, #tpu.memory_space<hbm>>
    %dma_wait3A_82 = arith.constant 0 : i32
    %dma_wait3A_83 = arith.constant 0 : i32
    %dma_wait3A_84 = tpu.memref_slice %arg6[%dma_wait3A_73, %dma_wait3A_82, %dma_wait3A_83] : memref<2x1x128xi32, #tpu.memory_space<vmem>> -> memref<1x1x128xi32, #tpu.memory_space<vmem>>
    %dma_wait3A_85 = tpu.memref_squeeze %dma_wait3A_84 : memref<1x1x128xi32, #tpu.memory_space<vmem>> -> memref<1x128xi32, #tpu.memory_space<vmem>>
    %dma_wait3A_86 = arith.constant 0 : i32
    %dma_wait3A_87 = arith.constant 0 : i32
    %dma_wait3A_88 = tpu.memref_slice %arg3[%add3A, %dma_wait3A, %dma_wait3A_86, %dma_wait3A_87] : memref<32x80x1x128xi32, #tpu.memory_space<hbm>> -> memref<1x1x1x128xi32, #tpu.memory_space<hbm>>
    %dma_wait3A_89 = tpu.memref_squeeze %dma_wait3A_88 : memref<1x1x1x128xi32, #tpu.memory_space<hbm>> -> memref<1x128xi32, #tpu.memory_space<hbm>>
    tpu.wait_dma2 semaphore(%arg13 : memref<!tpu.dma_semaphore, #tpu.memory_space<semaphore_mem>>) src(%dma_wait3A_89 : memref<1x128xi32, #tpu.memory_space<hbm>>) dst(%dma_wait3A_85 : memref<1x128xi32, #tpu.memory_space<vmem>>)
    %dma_wait3A_90 = arith.constant 0 : i32
    %dma_wait3A_91 = arith.constant 0 : i32
    %dma_wait3A_92 = arith.constant 0 : i32
    %dma_wait3A_93 = arith.constant 0 : i32
    %dma_wait3A_94 = tpu.memref_slice %arg7[%dma_wait3A_91, %dma_wait3A_92, %dma_wait3A_93] : memref<2x1x128xi32, #tpu.memory_space<vmem>> -> memref<1x1x128xi32, #tpu.memory_space<vmem>>
    %dma_wait3A_95 = tpu.memref_squeeze %dma_wait3A_94 : memref<1x1x128xi32, #tpu.memory_space<vmem>> -> memref<1x128xi32, #tpu.memory_space<vmem>>
    %dma_wait3A_96 = arith.constant 0 : i32
    %dma_wait3A_97 = arith.constant 0 : i32
    %dma_wait3A_98 = tpu.memref_slice %arg4[%add3A, %dma_wait3A_90, %dma_wait3A_96, %dma_wait3A_97] : memref<32x80x1x128xi32, #tpu.memory_space<hbm>> -> memref<1x1x1x128xi32, #tpu.memory_space<hbm>>
    %dma_wait3A_99 = tpu.memref_squeeze %dma_wait3A_98 : memref<1x1x1x128xi32, #tpu.memory_space<hbm>> -> memref<1x128xi32, #tpu.memory_space<hbm>>
    %dma_wait3A_100 = arith.constant 0 : i32
    %dma_wait3A_101 = arith.constant 0 : i32
    %dma_wait3A_102 = tpu.memref_slice %arg7[%dma_wait3A_91, %dma_wait3A_100, %dma_wait3A_101] : memref<2x1x128xi32, #tpu.memory_space<vmem>> -> memref<1x1x128xi32, #tpu.memory_space<vmem>>
    %dma_wait3A_103 = tpu.memref_squeeze %dma_wait3A_102 : memref<1x1x128xi32, #tpu.memory_space<vmem>> -> memref<1x128xi32, #tpu.memory_space<vmem>>
    %dma_wait3A_104 = arith.constant 0 : i32
    %dma_wait3A_105 = arith.constant 0 : i32
    %dma_wait3A_106 = tpu.memref_slice %arg4[%add3A, %dma_wait3A_90, %dma_wait3A_104, %dma_wait3A_105] : memref<32x80x1x128xi32, #tpu.memory_space<hbm>> -> memref<1x1x1x128xi32, #tpu.memory_space<hbm>>
    %dma_wait3A_107 = tpu.memref_squeeze %dma_wait3A_106 : memref<1x1x1x128xi32, #tpu.memory_space<hbm>> -> memref<1x128xi32, #tpu.memory_space<hbm>>
    tpu.wait_dma2 semaphore(%arg13 : memref<!tpu.dma_semaphore, #tpu.memory_space<semaphore_mem>>) src(%dma_wait3A_107 : memref<1x128xi32, #tpu.memory_space<hbm>>) dst(%dma_wait3A_103 : memref<1x128xi32, #tpu.memory_space<vmem>>)
    %dma_start3A_108 = arith.constant 0 : i32
    %dma_start3A_109 = arith.constant 0 : i32
    %dma_start3A_110 = arith.constant 0 : i32
    %dma_start3A_111 = arith.constant 0 : i32
    %dma_start3A_112 = arith.constant 0 : i32
    %dma_start3A_113 = tpu.memref_slice %arg8[%dma_start3A_110, %dma_start3A_111, %dma_start3A_112] : memref<2x128x16xf32, #tpu.memory_space<vmem>> -> memref<1x128x16xf32, #tpu.memory_space<vmem>>
    %dma_start3A_114 = tpu.memref_squeeze %dma_start3A_113 : memref<1x128x16xf32, #tpu.memory_space<vmem>> -> memref<128x16xf32, #tpu.memory_space<vmem>>
    %dma_start3A_115 = arith.constant 0 : i32
    %dma_start3A_116 = tpu.memref_slice %arg6[%dma_start3A_108, %dma_start3A_109, %dma_start3A_115] : memref<2x1x128xi32, #tpu.memory_space<vmem>> -> memref<1x1x128xi32, #tpu.memory_space<vmem>>
    %dma_start3A_117 = tpu.memref_squeeze %dma_start3A_116 : memref<1x1x128xi32, #tpu.memory_space<vmem>> -> memref<128xi32, #tpu.memory_space<vmem>>
    %dma_start3A_118 = arith.constant 0 : i32
    %dma_start3A_119 = arith.constant 0 : i32
    %dma_start3A_120 = tpu.memref_slice %arg2[%dma_start3A_118, %dma_start3A_119] : memref<10112x16xf32, #tpu.memory_space<hbm>> -> memref<10112x16xf32, #tpu.memory_space<hbm>>
    tpu.enqueue_indirect_dma source(%dma_start3A_120 : memref<10112x16xf32, #tpu.memory_space<hbm>>) target(%dma_start3A_114 : memref<128x16xf32, #tpu.memory_space<vmem>>) offsets(%dma_start3A_117 : memref<128xi32, #tpu.memory_space<vmem>>) semaphore(%arg11 : memref<!tpu.dma_semaphore, #tpu.memory_space<semaphore_mem>>)
    %dma_start3A_121 = arith.constant 1 : i32
    %dma_start3A_122 = arith.constant 1 : i32
    %dma_start3A_123 = arith.constant 0 : i32
    %dma_start3A_124 = arith.constant 0 : i32
    %dma_start3A_125 = tpu.memref_slice %arg6[%dma_start3A_122, %dma_start3A_123, %dma_start3A_124] : memref<2x1x128xi32, #tpu.memory_space<vmem>> -> memref<1x1x128xi32, #tpu.memory_space<vmem>>
    %dma_start3A_126 = tpu.memref_squeeze %dma_start3A_125 : memref<1x1x128xi32, #tpu.memory_space<vmem>> -> memref<1x128xi32, #tpu.memory_space<vmem>>
    %dma_start3A_127 = arith.constant 0 : i32
    %dma_start3A_128 = arith.constant 0 : i32
    %dma_start3A_129 = tpu.memref_slice %arg3[%add3A, %dma_start3A_121, %dma_start3A_127, %dma_start3A_128] : memref<32x80x1x128xi32, #tpu.memory_space<hbm>> -> memref<1x1x1x128xi32, #tpu.memory_space<hbm>>
    %dma_start3A_130 = tpu.memref_squeeze %dma_start3A_129 : memref<1x1x1x128xi32, #tpu.memory_space<hbm>> -> memref<1x128xi32, #tpu.memory_space<hbm>>
    %dma_start3A_131 = arith.constant 0 : i32
    %dma_start3A_132 = arith.constant 0 : i32
    %dma_start3A_133 = tpu.memref_slice %arg6[%dma_start3A_122, %dma_start3A_131, %dma_start3A_132] : memref<2x1x128xi32, #tpu.memory_space<vmem>> -> memref<1x1x128xi32, #tpu.memory_space<vmem>>
    %dma_start3A_134 = tpu.memref_squeeze %dma_start3A_133 : memref<1x1x128xi32, #tpu.memory_space<vmem>> -> memref<1x128xi32, #tpu.memory_space<vmem>>
    %dma_start3A_135 = arith.constant 0 : i32
    %dma_start3A_136 = arith.constant 0 : i32
    %dma_start3A_137 = tpu.memref_slice %arg3[%add3A, %dma_start3A_121, %dma_start3A_135, %dma_start3A_136] : memref<32x80x1x128xi32, #tpu.memory_space<hbm>> -> memref<1x1x1x128xi32, #tpu.memory_space<hbm>>
    %dma_start3A_138 = tpu.memref_squeeze %dma_start3A_137 : memref<1x1x1x128xi32, #tpu.memory_space<hbm>> -> memref<1x128xi32, #tpu.memory_space<hbm>>
    tpu.enqueue_dma source(%dma_start3A_138 : memref<1x128xi32, #tpu.memory_space<hbm>>) target(%dma_start3A_134 : memref<1x128xi32, #tpu.memory_space<vmem>>) target_semaphore(%arg14 : memref<!tpu.dma_semaphore, #tpu.memory_space<semaphore_mem>>)
    %dma_start3A_139 = arith.constant 1 : i32
    %dma_start3A_140 = arith.constant 1 : i32
    %dma_start3A_141 = arith.constant 0 : i32
    %dma_start3A_142 = arith.constant 0 : i32
    %dma_start3A_143 = tpu.memref_slice %arg7[%dma_start3A_140, %dma_start3A_141, %dma_start3A_142] : memref<2x1x128xi32, #tpu.memory_space<vmem>> -> memref<1x1x128xi32, #tpu.memory_space<vmem>>
    %dma_start3A_144 = tpu.memref_squeeze %dma_start3A_143 : memref<1x1x128xi32, #tpu.memory_space<vmem>> -> memref<1x128xi32, #tpu.memory_space<vmem>>
    %dma_start3A_145 = arith.constant 0 : i32
    %dma_start3A_146 = arith.constant 0 : i32
    %dma_start3A_147 = tpu.memref_slice %arg4[%add3A, %dma_start3A_139, %dma_start3A_145, %dma_start3A_146] : memref<32x80x1x128xi32, #tpu.memory_space<hbm>> -> memref<1x1x1x128xi32, #tpu.memory_space<hbm>>
    %dma_start3A_148 = tpu.memref_squeeze %dma_start3A_147 : memref<1x1x1x128xi32, #tpu.memory_space<hbm>> -> memref<1x128xi32, #tpu.memory_space<hbm>>
    %dma_start3A_149 = arith.constant 0 : i32
    %dma_start3A_150 = arith.constant 0 : i32
    %dma_start3A_151 = tpu.memref_slice %arg7[%dma_start3A_140, %dma_start3A_149, %dma_start3A_150] : memref<2x1x128xi32, #tpu.memory_space<vmem>> -> memref<1x1x128xi32, #tpu.memory_space<vmem>>
    %dma_start3A_152 = tpu.memref_squeeze %dma_start3A_151 : memref<1x1x128xi32, #tpu.memory_space<vmem>> -> memref<1x128xi32, #tpu.memory_space<vmem>>
    %dma_start3A_153 = arith.constant 0 : i32
    %dma_start3A_154 = arith.constant 0 : i32
    %dma_start3A_155 = tpu.memref_slice %arg4[%add3A, %dma_start3A_139, %dma_start3A_153, %dma_start3A_154] : memref<32x80x1x128xi32, #tpu.memory_space<hbm>> -> memref<1x1x1x128xi32, #tpu.memory_space<hbm>>
    %dma_start3A_156 = tpu.memref_squeeze %dma_start3A_155 : memref<1x1x1x128xi32, #tpu.memory_space<hbm>> -> memref<1x128xi32, #tpu.memory_space<hbm>>
    tpu.enqueue_dma source(%dma_start3A_156 : memref<1x128xi32, #tpu.memory_space<hbm>>) target(%dma_start3A_152 : memref<1x128xi32, #tpu.memory_space<vmem>>) target_semaphore(%arg14 : memref<!tpu.dma_semaphore, #tpu.memory_space<semaphore_mem>>)
    %scan3A_157 = arith.constant 0 : i32
    %scan3A_158 = arith.constant 0 : i32
    %scan3A_159 = arith.constant 40 : i32
    %scan3A_160 = arith.addi %scan3A_158, %scan3A_159 : i32
    %scan3A_161 = arith.constant 1 : i32
    scf.for %scan3A_217 = %scan3A_158 to %scan3A_160 step %scan3A_161  : i32 {
      %mul3A_218 = arith.constant 2 : i32
      %mul3A_219 = arith.muli %mul3A_218, %scan3A_217 : i32
      %dma_wait3A_220 = arith.constant 0 : i32
      %dma_wait3A_221 = arith.constant 1 : i32
      %dma_wait3A_222 = arith.constant 0 : i32
      %dma_wait3A_223 = arith.constant 0 : i32
      %dma_wait3A_224 = tpu.memref_slice %arg6[%dma_wait3A_221, %dma_wait3A_222, %dma_wait3A_223] : memref<2x1x128xi32, #tpu.memory_space<vmem>> -> memref<1x1x128xi32, #tpu.memory_space<vmem>>
      %dma_wait3A_225 = tpu.memref_squeeze %dma_wait3A_224 : memref<1x1x128xi32, #tpu.memory_space<vmem>> -> memref<1x128xi32, #tpu.memory_space<vmem>>
      %dma_wait3A_226 = arith.constant 0 : i32
      %dma_wait3A_227 = arith.constant 0 : i32
      %dma_wait3A_228 = tpu.memref_slice %arg3[%add3A, %dma_wait3A_220, %dma_wait3A_226, %dma_wait3A_227] : memref<32x80x1x128xi32, #tpu.memory_space<hbm>> -> memref<1x1x1x128xi32, #tpu.memory_space<hbm>>
      %dma_wait3A_229 = tpu.memref_squeeze %dma_wait3A_228 : memref<1x1x1x128xi32, #tpu.memory_space<hbm>> -> memref<1x128xi32, #tpu.memory_space<hbm>>
      %dma_wait3A_230 = arith.constant 0 : i32
      %dma_wait3A_231 = arith.constant 0 : i32
      %dma_wait3A_232 = tpu.memref_slice %arg6[%dma_wait3A_221, %dma_wait3A_230, %dma_wait3A_231] : memref<2x1x128xi32, #tpu.memory_space<vmem>> -> memref<1x1x128xi32, #tpu.memory_space<vmem>>
      %dma_wait3A_233 = tpu.memref_squeeze %dma_wait3A_232 : memref<1x1x128xi32, #tpu.memory_space<vmem>> -> memref<1x128xi32, #tpu.memory_space<vmem>>
      %dma_wait3A_234 = arith.constant 0 : i32
      %dma_wait3A_235 = arith.constant 0 : i32
      %dma_wait3A_236 = tpu.memref_slice %arg3[%add3A, %dma_wait3A_220, %dma_wait3A_234, %dma_wait3A_235] : memref<32x80x1x128xi32, #tpu.memory_space<hbm>> -> memref<1x1x1x128xi32, #tpu.memory_space<hbm>>
      %dma_wait3A_237 = tpu.memref_squeeze %dma_wait3A_236 : memref<1x1x1x128xi32, #tpu.memory_space<hbm>> -> memref<1x128xi32, #tpu.memory_space<hbm>>
      tpu.wait_dma2 semaphore(%arg14 : memref<!tpu.dma_semaphore, #tpu.memory_space<semaphore_mem>>) src(%dma_wait3A_237 : memref<1x128xi32, #tpu.memory_space<hbm>>) dst(%dma_wait3A_233 : memref<1x128xi32, #tpu.memory_space<vmem>>)
      %dma_wait3A_238 = arith.constant 0 : i32
      %dma_wait3A_239 = arith.constant 1 : i32
      %dma_wait3A_240 = arith.constant 0 : i32
      %dma_wait3A_241 = arith.constant 0 : i32
      %dma_wait3A_242 = tpu.memref_slice %arg7[%dma_wait3A_239, %dma_wait3A_240, %dma_wait3A_241] : memref<2x1x128xi32, #tpu.memory_space<vmem>> -> memref<1x1x128xi32, #tpu.memory_space<vmem>>
      %dma_wait3A_243 = tpu.memref_squeeze %dma_wait3A_242 : memref<1x1x128xi32, #tpu.memory_space<vmem>> -> memref<1x128xi32, #tpu.memory_space<vmem>>
      %dma_wait3A_244 = arith.constant 0 : i32
      %dma_wait3A_245 = arith.constant 0 : i32
      %dma_wait3A_246 = tpu.memref_slice %arg4[%add3A, %dma_wait3A_238, %dma_wait3A_244, %dma_wait3A_245] : memref<32x80x1x128xi32, #tpu.memory_space<hbm>> -> memref<1x1x1x128xi32, #tpu.memory_space<hbm>>
      %dma_wait3A_247 = tpu.memref_squeeze %dma_wait3A_246 : memref<1x1x1x128xi32, #tpu.memory_space<hbm>> -> memref<1x128xi32, #tpu.memory_space<hbm>>
      %dma_wait3A_248 = arith.constant 0 : i32
      %dma_wait3A_249 = arith.constant 0 : i32
      %dma_wait3A_250 = tpu.memref_slice %arg7[%dma_wait3A_239, %dma_wait3A_248, %dma_wait3A_249] : memref<2x1x128xi32, #tpu.memory_space<vmem>> -> memref<1x1x128xi32, #tpu.memory_space<vmem>>
      %dma_wait3A_251 = tpu.memref_squeeze %dma_wait3A_250 : memref<1x1x128xi32, #tpu.memory_space<vmem>> -> memref<1x128xi32, #tpu.memory_space<vmem>>
      %dma_wait3A_252 = arith.constant 0 : i32
      %dma_wait3A_253 = arith.constant 0 : i32
      %dma_wait3A_254 = tpu.memref_slice %arg4[%add3A, %dma_wait3A_238, %dma_wait3A_252, %dma_wait3A_253] : memref<32x80x1x128xi32, #tpu.memory_space<hbm>> -> memref<1x1x1x128xi32, #tpu.memory_space<hbm>>
      %dma_wait3A_255 = tpu.memref_squeeze %dma_wait3A_254 : memref<1x1x1x128xi32, #tpu.memory_space<hbm>> -> memref<1x128xi32, #tpu.memory_space<hbm>>
      tpu.wait_dma2 semaphore(%arg14 : memref<!tpu.dma_semaphore, #tpu.memory_space<semaphore_mem>>) src(%dma_wait3A_255 : memref<1x128xi32, #tpu.memory_space<hbm>>) dst(%dma_wait3A_251 : memref<1x128xi32, #tpu.memory_space<vmem>>)
      %dma_start3A_256 = arith.constant 1 : i32
      %dma_start3A_257 = arith.constant 0 : i32
      %dma_start3A_258 = arith.constant 1 : i32
      %dma_start3A_259 = arith.constant 0 : i32
      %dma_start3A_260 = arith.constant 0 : i32
      %dma_start3A_261 = tpu.memref_slice %arg8[%dma_start3A_258, %dma_start3A_259, %dma_start3A_260] : memref<2x128x16xf32, #tpu.memory_space<vmem>> -> memref<1x128x16xf32, #tpu.memory_space<vmem>>
      %dma_start3A_262 = tpu.memref_squeeze %dma_start3A_261 : memref<1x128x16xf32, #tpu.memory_space<vmem>> -> memref<128x16xf32, #tpu.memory_space<vmem>>
      %dma_start3A_263 = arith.constant 0 : i32
      %dma_start3A_264 = tpu.memref_slice %arg6[%dma_start3A_256, %dma_start3A_257, %dma_start3A_263] : memref<2x1x128xi32, #tpu.memory_space<vmem>> -> memref<1x1x128xi32, #tpu.memory_space<vmem>>
      %dma_start3A_265 = tpu.memref_squeeze %dma_start3A_264 : memref<1x1x128xi32, #tpu.memory_space<vmem>> -> memref<128xi32, #tpu.memory_space<vmem>>
      %dma_start3A_266 = arith.constant 0 : i32
      %dma_start3A_267 = arith.constant 0 : i32
      %dma_start3A_268 = tpu.memref_slice %arg2[%dma_start3A_266, %dma_start3A_267] : memref<10112x16xf32, #tpu.memory_space<hbm>> -> memref<10112x16xf32, #tpu.memory_space<hbm>>
      tpu.enqueue_indirect_dma source(%dma_start3A_268 : memref<10112x16xf32, #tpu.memory_space<hbm>>) target(%dma_start3A_262 : memref<128x16xf32, #tpu.memory_space<vmem>>) offsets(%dma_start3A_265 : memref<128xi32, #tpu.memory_space<vmem>>) semaphore(%arg12 : memref<!tpu.dma_semaphore, #tpu.memory_space<semaphore_mem>>)
      %dma_wait3A_269 = arith.constant 0 : i32
      %dma_wait3A_270 = arith.constant 0 : i32
      %dma_wait3A_271 = arith.constant 0 : i32
      %dma_wait3A_272 = arith.constant 0 : i32
      %dma_wait3A_273 = arith.constant 0 : i32
      %dma_wait3A_274 = tpu.memref_slice %arg8[%dma_wait3A_271, %dma_wait3A_272, %dma_wait3A_273] : memref<2x128x16xf32, #tpu.memory_space<vmem>> -> memref<1x128x16xf32, #tpu.memory_space<vmem>>
      %dma_wait3A_275 = tpu.memref_squeeze %dma_wait3A_274 : memref<1x128x16xf32, #tpu.memory_space<vmem>> -> memref<128x16xf32, #tpu.memory_space<vmem>>
      %dma_wait3A_276 = arith.constant 0 : i32
      %dma_wait3A_277 = tpu.memref_slice %arg6[%dma_wait3A_269, %dma_wait3A_270, %dma_wait3A_276] : memref<2x1x128xi32, #tpu.memory_space<vmem>> -> memref<1x1x128xi32, #tpu.memory_space<vmem>>
      %dma_wait3A_278 = tpu.memref_squeeze %dma_wait3A_277 : memref<1x1x128xi32, #tpu.memory_space<vmem>> -> memref<128xi32, #tpu.memory_space<vmem>>
      %dma_wait3A_279 = arith.constant 0 : i32
      %dma_wait3A_280 = arith.constant 0 : i32
      %dma_wait3A_281 = tpu.memref_slice %arg2[%dma_wait3A_279, %dma_wait3A_280] : memref<10112x16xf32, #tpu.memory_space<hbm>> -> memref<10112x16xf32, #tpu.memory_space<hbm>>
      tpu.wait_indirect_dma semaphore(%arg11 : memref<!tpu.dma_semaphore, #tpu.memory_space<semaphore_mem>>) src(%dma_wait3A_281 : memref<10112x16xf32, #tpu.memory_space<hbm>>) dst(%dma_wait3A_275 : memref<128x16xf32, #tpu.memory_space<vmem>>)
      %run_scoped3A = arith.constant 0 : i32
      %run_scoped3A_282 = arith.constant 0 : i32
      %run_scoped3A_283 = arith.constant 0 : i32
      "tpu.region"() ({
        %run_scoped3A_432 = tpu.sem_alloc : memref<!tpu.dma_semaphore, #tpu.memory_space<semaphore_mem>>
        %dma_start3A_433 = arith.constant 0 : i32
        %dma_start3A_434 = arith.constant 0 : i32
        %dma_start3A_435 = tpu.memref_slice %arg8[%run_scoped3A, %dma_start3A_433, %dma_start3A_434] : memref<2x128x16xf32, #tpu.memory_space<vmem>> -> memref<1x128x16xf32, #tpu.memory_space<vmem>>
        %dma_start3A_436 = tpu.memref_squeeze %dma_start3A_435 : memref<1x128x16xf32, #tpu.memory_space<vmem>> -> memref<128x16xf32, #tpu.memory_space<vmem>>
        %dma_start3A_437 = arith.constant 0 : i32
        %dma_start3A_438 = tpu.memref_slice %arg7[%run_scoped3A_282, %run_scoped3A_283, %dma_start3A_437] : memref<2x1x128xi32, #tpu.memory_space<vmem>> -> memref<1x1x128xi32, #tpu.memory_space<vmem>>
        %dma_start3A_439 = tpu.memref_squeeze %dma_start3A_438 : memref<1x1x128xi32, #tpu.memory_space<vmem>> -> memref<128xi32, #tpu.memory_space<vmem>>
        %dma_start3A_440 = arith.constant 0 : i32
        %dma_start3A_441 = arith.constant 0 : i32
        %dma_start3A_442 = tpu.memref_slice %arg10[%dma_start3A_440, %dma_start3A_441] : memref<10112x16xf32, #tpu.memory_space<vmem_shared>> -> memref<10112x16xf32, #tpu.memory_space<vmem_shared>>
        tpu.enqueue_indirect_dma source(%dma_start3A_436 : memref<128x16xf32, #tpu.memory_space<vmem>>) target(%dma_start3A_442 : memref<10112x16xf32, #tpu.memory_space<vmem_shared>>) offsets(%dma_start3A_439 : memref<128xi32, #tpu.memory_space<vmem>>) semaphore(%run_scoped3A_432 : memref<!tpu.dma_semaphore, #tpu.memory_space<semaphore_mem>>) {add = true}
        %dma_wait3A_443 = arith.constant 0 : i32
        %dma_wait3A_444 = arith.constant 0 : i32
        %dma_wait3A_445 = tpu.memref_slice %arg8[%run_scoped3A, %dma_wait3A_443, %dma_wait3A_444] : memref<2x128x16xf32, #tpu.memory_space<vmem>> -> memref<1x128x16xf32, #tpu.memory_space<vmem>>
        %dma_wait3A_446 = tpu.memref_squeeze %dma_wait3A_445 : memref<1x128x16xf32, #tpu.memory_space<vmem>> -> memref<128x16xf32, #tpu.memory_space<vmem>>
        %dma_wait3A_447 = arith.constant 0 : i32
        %dma_wait3A_448 = tpu.memref_slice %arg7[%run_scoped3A_282, %run_scoped3A_283, %dma_wait3A_447] : memref<2x1x128xi32, #tpu.memory_space<vmem>> -> memref<1x1x128xi32, #tpu.memory_space<vmem>>
        %dma_wait3A_449 = tpu.memref_squeeze %dma_wait3A_448 : memref<1x1x128xi32, #tpu.memory_space<vmem>> -> memref<128xi32, #tpu.memory_space<vmem>>
        %dma_wait3A_450 = arith.constant 0 : i32
        %dma_wait3A_451 = arith.constant 0 : i32
        %dma_wait3A_452 = tpu.memref_slice %arg10[%dma_wait3A_450, %dma_wait3A_451] : memref<10112x16xf32, #tpu.memory_space<vmem_shared>> -> memref<10112x16xf32, #tpu.memory_space<vmem_shared>>
        tpu.wait_indirect_dma semaphore(%run_scoped3A_432 : memref<!tpu.dma_semaphore, #tpu.memory_space<semaphore_mem>>) src(%dma_wait3A_446 : memref<128x16xf32, #tpu.memory_space<vmem>>) dst(%dma_wait3A_452 : memref<10112x16xf32, #tpu.memory_space<vmem_shared>>)
        tpu.yield
      }) : () -> ()
      %add3A_284 = arith.constant 2 : i32
      %add3A_285 = arith.addi %mul3A_219, %add3A_284 : i32
      %ge3A = arith.constant 80 : i32
      %ge3A_286 = arith.cmpi sge, %add3A_285, %ge3A : i32
      %sub3A = arith.constant 80 : i32
      %sub3A_287 = arith.subi %add3A_285, %sub3A : i32
      %select_n3A = arith.select %ge3A_286, %sub3A_287, %add3A_285 : i32
      %dma_start3A_288 = arith.constant 0 : i32
      %dma_start3A_289 = arith.constant 0 : i32
      %dma_start3A_290 = arith.constant 0 : i32
      %dma_start3A_291 = tpu.memref_slice %arg6[%dma_start3A_288, %dma_start3A_289, %dma_start3A_290] : memref<2x1x128xi32, #tpu.memory_space<vmem>> -> memref<1x1x128xi32, #tpu.memory_space<vmem>>
      %dma_start3A_292 = tpu.memref_squeeze %dma_start3A_291 : memref<1x1x128xi32, #tpu.memory_space<vmem>> -> memref<1x128xi32, #tpu.memory_space<vmem>>
      %dma_start3A_293 = arith.constant 0 : i32
      %dma_start3A_294 = arith.constant 0 : i32
      %dma_start3A_295 = tpu.memref_slice %arg3[%add3A, %select_n3A, %dma_start3A_293, %dma_start3A_294] : memref<32x80x1x128xi32, #tpu.memory_space<hbm>> -> memref<1x1x1x128xi32, #tpu.memory_space<hbm>>
      %dma_start3A_296 = tpu.memref_squeeze %dma_start3A_295 : memref<1x1x1x128xi32, #tpu.memory_space<hbm>> -> memref<1x128xi32, #tpu.memory_space<hbm>>
      %dma_start3A_297 = arith.constant 0 : i32
      %dma_start3A_298 = arith.constant 0 : i32
      %dma_start3A_299 = tpu.memref_slice %arg6[%dma_start3A_288, %dma_start3A_297, %dma_start3A_298] : memref<2x1x128xi32, #tpu.memory_space<vmem>> -> memref<1x1x128xi32, #tpu.memory_space<vmem>>
      %dma_start3A_300 = tpu.memref_squeeze %dma_start3A_299 : memref<1x1x128xi32, #tpu.memory_space<vmem>> -> memref<1x128xi32, #tpu.memory_space<vmem>>
      %dma_start3A_301 = arith.constant 0 : i32
      %dma_start3A_302 = arith.constant 0 : i32
      %dma_start3A_303 = tpu.memref_slice %arg3[%add3A, %select_n3A, %dma_start3A_301, %dma_start3A_302] : memref<32x80x1x128xi32, #tpu.memory_space<hbm>> -> memref<1x1x1x128xi32, #tpu.memory_space<hbm>>
      %dma_start3A_304 = tpu.memref_squeeze %dma_start3A_303 : memref<1x1x1x128xi32, #tpu.memory_space<hbm>> -> memref<1x128xi32, #tpu.memory_space<hbm>>
      tpu.enqueue_dma source(%dma_start3A_304 : memref<1x128xi32, #tpu.memory_space<hbm>>) target(%dma_start3A_300 : memref<1x128xi32, #tpu.memory_space<vmem>>) target_semaphore(%arg13 : memref<!tpu.dma_semaphore, #tpu.memory_space<semaphore_mem>>)
      %dma_start3A_305 = arith.constant 0 : i32
      %dma_start3A_306 = arith.constant 0 : i32
      %dma_start3A_307 = arith.constant 0 : i32
      %dma_start3A_308 = tpu.memref_slice %arg7[%dma_start3A_305, %dma_start3A_306, %dma_start3A_307] : memref<2x1x128xi32, #tpu.memory_space<vmem>> -> memref<1x1x128xi32, #tpu.memory_space<vmem>>
      %dma_start3A_309 = tpu.memref_squeeze %dma_start3A_308 : memref<1x1x128xi32, #tpu.memory_space<vmem>> -> memref<1x128xi32, #tpu.memory_space<vmem>>
      %dma_start3A_310 = arith.constant 0 : i32
      %dma_start3A_311 = arith.constant 0 : i32
      %dma_start3A_312 = tpu.memref_slice %arg4[%add3A, %select_n3A, %dma_start3A_310, %dma_start3A_311] : memref<32x80x1x128xi32, #tpu.memory_space<hbm>> -> memref<1x1x1x128xi32, #tpu.memory_space<hbm>>
      %dma_start3A_313 = tpu.memref_squeeze %dma_start3A_312 : memref<1x1x1x128xi32, #tpu.memory_space<hbm>> -> memref<1x128xi32, #tpu.memory_space<hbm>>
      %dma_start3A_314 = arith.constant 0 : i32
      %dma_start3A_315 = arith.constant 0 : i32
      %dma_start3A_316 = tpu.memref_slice %arg7[%dma_start3A_305, %dma_start3A_314, %dma_start3A_315] : memref<2x1x128xi32, #tpu.memory_space<vmem>> -> memref<1x1x128xi32, #tpu.memory_space<vmem>>
      %dma_start3A_317 = tpu.memref_squeeze %dma_start3A_316 : memref<1x1x128xi32, #tpu.memory_space<vmem>> -> memref<1x128xi32, #tpu.memory_space<vmem>>
      %dma_start3A_318 = arith.constant 0 : i32
      %dma_start3A_319 = arith.constant 0 : i32
      %dma_start3A_320 = tpu.memref_slice %arg4[%add3A, %select_n3A, %dma_start3A_318, %dma_start3A_319] : memref<32x80x1x128xi32, #tpu.memory_space<hbm>> -> memref<1x1x1x128xi32, #tpu.memory_space<hbm>>
      %dma_start3A_321 = tpu.memref_squeeze %dma_start3A_320 : memref<1x1x1x128xi32, #tpu.memory_space<hbm>> -> memref<1x128xi32, #tpu.memory_space<hbm>>
      tpu.enqueue_dma source(%dma_start3A_321 : memref<1x128xi32, #tpu.memory_space<hbm>>) target(%dma_start3A_317 : memref<1x128xi32, #tpu.memory_space<vmem>>) target_semaphore(%arg13 : memref<!tpu.dma_semaphore, #tpu.memory_space<semaphore_mem>>)
      %mul3A_322 = arith.constant 2 : i32
      %mul3A_323 = arith.muli %mul3A_322, %scan3A_217 : i32
      %add3A_324 = arith.constant 1 : i32
      %add3A_325 = arith.addi %mul3A_323, %add3A_324 : i32
      %dma_wait3A_326 = arith.constant 0 : i32
      %dma_wait3A_327 = arith.constant 0 : i32
      %dma_wait3A_328 = arith.constant 0 : i32
      %dma_wait3A_329 = arith.constant 0 : i32
      %dma_wait3A_330 = tpu.memref_slice %arg6[%dma_wait3A_327, %dma_wait3A_328, %dma_wait3A_329] : memref<2x1x128xi32, #tpu.memory_space<vmem>> -> memref<1x1x128xi32, #tpu.memory_space<vmem>>
      %dma_wait3A_331 = tpu.memref_squeeze %dma_wait3A_330 : memref<1x1x128xi32, #tpu.memory_space<vmem>> -> memref<1x128xi32, #tpu.memory_space<vmem>>
      %dma_wait3A_332 = arith.constant 0 : i32
      %dma_wait3A_333 = arith.constant 0 : i32
      %dma_wait3A_334 = tpu.memref_slice %arg3[%add3A, %dma_wait3A_326, %dma_wait3A_332, %dma_wait3A_333] : memref<32x80x1x128xi32, #tpu.memory_space<hbm>> -> memref<1x1x1x128xi32, #tpu.memory_space<hbm>>
      %dma_wait3A_335 = tpu.memref_squeeze %dma_wait3A_334 : memref<1x1x1x128xi32, #tpu.memory_space<hbm>> -> memref<1x128xi32, #tpu.memory_space<hbm>>
      %dma_wait3A_336 = arith.constant 0 : i32
      %dma_wait3A_337 = arith.constant 0 : i32
      %dma_wait3A_338 = tpu.memref_slice %arg6[%dma_wait3A_327, %dma_wait3A_336, %dma_wait3A_337] : memref<2x1x128xi32, #tpu.memory_space<vmem>> -> memref<1x1x128xi32, #tpu.memory_space<vmem>>
      %dma_wait3A_339 = tpu.memref_squeeze %dma_wait3A_338 : memref<1x1x128xi32, #tpu.memory_space<vmem>> -> memref<1x128xi32, #tpu.memory_space<vmem>>
      %dma_wait3A_340 = arith.constant 0 : i32
      %dma_wait3A_341 = arith.constant 0 : i32
      %dma_wait3A_342 = tpu.memref_slice %arg3[%add3A, %dma_wait3A_326, %dma_wait3A_340, %dma_wait3A_341] : memref<32x80x1x128xi32, #tpu.memory_space<hbm>> -> memref<1x1x1x128xi32, #tpu.memory_space<hbm>>
      %dma_wait3A_343 = tpu.memref_squeeze %dma_wait3A_342 : memref<1x1x1x128xi32, #tpu.memory_space<hbm>> -> memref<1x128xi32, #tpu.memory_space<hbm>>
      tpu.wait_dma2 semaphore(%arg13 : memref<!tpu.dma_semaphore, #tpu.memory_space<semaphore_mem>>) src(%dma_wait3A_343 : memref<1x128xi32, #tpu.memory_space<hbm>>) dst(%dma_wait3A_339 : memref<1x128xi32, #tpu.memory_space<vmem>>)
      %dma_wait3A_344 = arith.constant 0 : i32
      %dma_wait3A_345 = arith.constant 0 : i32
      %dma_wait3A_346 = arith.constant 0 : i32
      %dma_wait3A_347 = arith.constant 0 : i32
      %dma_wait3A_348 = tpu.memref_slice %arg7[%dma_wait3A_345, %dma_wait3A_346, %dma_wait3A_347] : memref<2x1x128xi32, #tpu.memory_space<vmem>> -> memref<1x1x128xi32, #tpu.memory_space<vmem>>
      %dma_wait3A_349 = tpu.memref_squeeze %dma_wait3A_348 : memref<1x1x128xi32, #tpu.memory_space<vmem>> -> memref<1x128xi32, #tpu.memory_space<vmem>>
      %dma_wait3A_350 = arith.constant 0 : i32
      %dma_wait3A_351 = arith.constant 0 : i32
      %dma_wait3A_352 = tpu.memref_slice %arg4[%add3A, %dma_wait3A_344, %dma_wait3A_350, %dma_wait3A_351] : memref<32x80x1x128xi32, #tpu.memory_space<hbm>> -> memref<1x1x1x128xi32, #tpu.memory_space<hbm>>
      %dma_wait3A_353 = tpu.memref_squeeze %dma_wait3A_352 : memref<1x1x1x128xi32, #tpu.memory_space<hbm>> -> memref<1x128xi32, #tpu.memory_space<hbm>>
      %dma_wait3A_354 = arith.constant 0 : i32
      %dma_wait3A_355 = arith.constant 0 : i32
      %dma_wait3A_356 = tpu.memref_slice %arg7[%dma_wait3A_345, %dma_wait3A_354, %dma_wait3A_355] : memref<2x1x128xi32, #tpu.memory_space<vmem>> -> memref<1x1x128xi32, #tpu.memory_space<vmem>>
      %dma_wait3A_357 = tpu.memref_squeeze %dma_wait3A_356 : memref<1x1x128xi32, #tpu.memory_space<vmem>> -> memref<1x128xi32, #tpu.memory_space<vmem>>
      %dma_wait3A_358 = arith.constant 0 : i32
      %dma_wait3A_359 = arith.constant 0 : i32
      %dma_wait3A_360 = tpu.memref_slice %arg4[%add3A, %dma_wait3A_344, %dma_wait3A_358, %dma_wait3A_359] : memref<32x80x1x128xi32, #tpu.memory_space<hbm>> -> memref<1x1x1x128xi32, #tpu.memory_space<hbm>>
      %dma_wait3A_361 = tpu.memref_squeeze %dma_wait3A_360 : memref<1x1x1x128xi32, #tpu.memory_space<hbm>> -> memref<1x128xi32, #tpu.memory_space<hbm>>
      tpu.wait_dma2 semaphore(%arg13 : memref<!tpu.dma_semaphore, #tpu.memory_space<semaphore_mem>>) src(%dma_wait3A_361 : memref<1x128xi32, #tpu.memory_space<hbm>>) dst(%dma_wait3A_357 : memref<1x128xi32, #tpu.memory_space<vmem>>)
      %dma_start3A_362 = arith.constant 0 : i32
      %dma_start3A_363 = arith.constant 0 : i32
      %dma_start3A_364 = arith.constant 0 : i32
      %dma_start3A_365 = arith.constant 0 : i32
      %dma_start3A_366 = arith.constant 0 : i32
      %dma_start3A_367 = tpu.memref_slice %arg8[%dma_start3A_364, %dma_start3A_365, %dma_start3A_366] : memref<2x128x16xf32, #tpu.memory_space<vmem>> -> memref<1x128x16xf32, #tpu.memory_space<vmem>>
      %dma_start3A_368 = tpu.memref_squeeze %dma_start3A_367 : memref<1x128x16xf32, #tpu.memory_space<vmem>> -> memref<128x16xf32, #tpu.memory_space<vmem>>
      %dma_start3A_369 = arith.constant 0 : i32
      %dma_start3A_370 = tpu.memref_slice %arg6[%dma_start3A_362, %dma_start3A_363, %dma_start3A_369] : memref<2x1x128xi32, #tpu.memory_space<vmem>> -> memref<1x1x128xi32, #tpu.memory_space<vmem>>
      %dma_start3A_371 = tpu.memref_squeeze %dma_start3A_370 : memref<1x1x128xi32, #tpu.memory_space<vmem>> -> memref<128xi32, #tpu.memory_space<vmem>>
      %dma_start3A_372 = arith.constant 0 : i32
      %dma_start3A_373 = arith.constant 0 : i32
      %dma_start3A_374 = tpu.memref_slice %arg2[%dma_start3A_372, %dma_start3A_373] : memref<10112x16xf32, #tpu.memory_space<hbm>> -> memref<10112x16xf32, #tpu.memory_space<hbm>>
      tpu.enqueue_indirect_dma source(%dma_start3A_374 : memref<10112x16xf32, #tpu.memory_space<hbm>>) target(%dma_start3A_368 : memref<128x16xf32, #tpu.memory_space<vmem>>) offsets(%dma_start3A_371 : memref<128xi32, #tpu.memory_space<vmem>>) semaphore(%arg11 : memref<!tpu.dma_semaphore, #tpu.memory_space<semaphore_mem>>)
      %dma_wait3A_375 = arith.constant 1 : i32
      %dma_wait3A_376 = arith.constant 0 : i32
      %dma_wait3A_377 = arith.constant 1 : i32
      %dma_wait3A_378 = arith.constant 0 : i32
      %dma_wait3A_379 = arith.constant 0 : i32
      %dma_wait3A_380 = tpu.memref_slice %arg8[%dma_wait3A_377, %dma_wait3A_378, %dma_wait3A_379] : memref<2x128x16xf32, #tpu.memory_space<vmem>> -> memref<1x128x16xf32, #tpu.memory_space<vmem>>
      %dma_wait3A_381 = tpu.memref_squeeze %dma_wait3A_380 : memref<1x128x16xf32, #tpu.memory_space<vmem>> -> memref<128x16xf32, #tpu.memory_space<vmem>>
      %dma_wait3A_382 = arith.constant 0 : i32
      %dma_wait3A_383 = tpu.memref_slice %arg6[%dma_wait3A_375, %dma_wait3A_376, %dma_wait3A_382] : memref<2x1x128xi32, #tpu.memory_space<vmem>> -> memref<1x1x128xi32, #tpu.memory_space<vmem>>
      %dma_wait3A_384 = tpu.memref_squeeze %dma_wait3A_383 : memref<1x1x128xi32, #tpu.memory_space<vmem>> -> memref<128xi32, #tpu.memory_space<vmem>>
      %dma_wait3A_385 = arith.constant 0 : i32
      %dma_wait3A_386 = arith.constant 0 : i32
      %dma_wait3A_387 = tpu.memref_slice %arg2[%dma_wait3A_385, %dma_wait3A_386] : memref<10112x16xf32, #tpu.memory_space<hbm>> -> memref<10112x16xf32, #tpu.memory_space<hbm>>
      tpu.wait_indirect_dma semaphore(%arg12 : memref<!tpu.dma_semaphore, #tpu.memory_space<semaphore_mem>>) src(%dma_wait3A_387 : memref<10112x16xf32, #tpu.memory_space<hbm>>) dst(%dma_wait3A_381 : memref<128x16xf32, #tpu.memory_space<vmem>>)
      %run_scoped3A_388 = arith.constant 1 : i32
      %run_scoped3A_389 = arith.constant 1 : i32
      %run_scoped3A_390 = arith.constant 0 : i32
      "tpu.region"() ({
        %run_scoped3A_432 = tpu.sem_alloc : memref<!tpu.dma_semaphore, #tpu.memory_space<semaphore_mem>>
        %dma_start3A_433 = arith.constant 0 : i32
        %dma_start3A_434 = arith.constant 0 : i32
        %dma_start3A_435 = tpu.memref_slice %arg8[%run_scoped3A_388, %dma_start3A_433, %dma_start3A_434] : memref<2x128x16xf32, #tpu.memory_space<vmem>> -> memref<1x128x16xf32, #tpu.memory_space<vmem>>
        %dma_start3A_436 = tpu.memref_squeeze %dma_start3A_435 : memref<1x128x16xf32, #tpu.memory_space<vmem>> -> memref<128x16xf32, #tpu.memory_space<vmem>>
        %dma_start3A_437 = arith.constant 0 : i32
        %dma_start3A_438 = tpu.memref_slice %arg7[%run_scoped3A_389, %run_scoped3A_390, %dma_start3A_437] : memref<2x1x128xi32, #tpu.memory_space<vmem>> -> memref<1x1x128xi32, #tpu.memory_space<vmem>>
        %dma_start3A_439 = tpu.memref_squeeze %dma_start3A_438 : memref<1x1x128xi32, #tpu.memory_space<vmem>> -> memref<128xi32, #tpu.memory_space<vmem>>
        %dma_start3A_440 = arith.constant 0 : i32
        %dma_start3A_441 = arith.constant 0 : i32
        %dma_start3A_442 = tpu.memref_slice %arg10[%dma_start3A_440, %dma_start3A_441] : memref<10112x16xf32, #tpu.memory_space<vmem_shared>> -> memref<10112x16xf32, #tpu.memory_space<vmem_shared>>
        tpu.enqueue_indirect_dma source(%dma_start3A_436 : memref<128x16xf32, #tpu.memory_space<vmem>>) target(%dma_start3A_442 : memref<10112x16xf32, #tpu.memory_space<vmem_shared>>) offsets(%dma_start3A_439 : memref<128xi32, #tpu.memory_space<vmem>>) semaphore(%run_scoped3A_432 : memref<!tpu.dma_semaphore, #tpu.memory_space<semaphore_mem>>) {add = true}
        %dma_wait3A_443 = arith.constant 0 : i32
        %dma_wait3A_444 = arith.constant 0 : i32
        %dma_wait3A_445 = tpu.memref_slice %arg8[%run_scoped3A_388, %dma_wait3A_443, %dma_wait3A_444] : memref<2x128x16xf32, #tpu.memory_space<vmem>> -> memref<1x128x16xf32, #tpu.memory_space<vmem>>
        %dma_wait3A_446 = tpu.memref_squeeze %dma_wait3A_445 : memref<1x128x16xf32, #tpu.memory_space<vmem>> -> memref<128x16xf32, #tpu.memory_space<vmem>>
        %dma_wait3A_447 = arith.constant 0 : i32
        %dma_wait3A_448 = tpu.memref_slice %arg7[%run_scoped3A_389, %run_scoped3A_390, %dma_wait3A_447] : memref<2x1x128xi32, #tpu.memory_space<vmem>> -> memref<1x1x128xi32, #tpu.memory_space<vmem>>
        %dma_wait3A_449 = tpu.memref_squeeze %dma_wait3A_448 : memref<1x1x128xi32, #tpu.memory_space<vmem>> -> memref<128xi32, #tpu.memory_space<vmem>>
        %dma_wait3A_450 = arith.constant 0 : i32
        %dma_wait3A_451 = arith.constant 0 : i32
        %dma_wait3A_452 = tpu.memref_slice %arg10[%dma_wait3A_450, %dma_wait3A_451] : memref<10112x16xf32, #tpu.memory_space<vmem_shared>> -> memref<10112x16xf32, #tpu.memory_space<vmem_shared>>
        tpu.wait_indirect_dma semaphore(%run_scoped3A_432 : memref<!tpu.dma_semaphore, #tpu.memory_space<semaphore_mem>>) src(%dma_wait3A_446 : memref<128x16xf32, #tpu.memory_space<vmem>>) dst(%dma_wait3A_452 : memref<10112x16xf32, #tpu.memory_space<vmem_shared>>)
        tpu.yield
      }) : () -> ()
      %add3A_391 = arith.constant 2 : i32
      %add3A_392 = arith.addi %add3A_325, %add3A_391 : i32
      %ge3A_393 = arith.constant 80 : i32
      %ge3A_394 = arith.cmpi sge, %add3A_392, %ge3A_393 : i32
      %sub3A_395 = arith.constant 80 : i32
      %sub3A_396 = arith.subi %add3A_392, %sub3A_395 : i32
      %select_n3A_397 = arith.select %ge3A_394, %sub3A_396, %add3A_392 : i32
      %dma_start3A_398 = arith.constant 1 : i32
      %dma_start3A_399 = arith.constant 0 : i32
      %dma_start3A_400 = arith.constant 0 : i32
      %dma_start3A_401 = tpu.memref_slice %arg6[%dma_start3A_398, %dma_start3A_399, %dma_start3A_400] : memref<2x1x128xi32, #tpu.memory_space<vmem>> -> memref<1x1x128xi32, #tpu.memory_space<vmem>>
      %dma_start3A_402 = tpu.memref_squeeze %dma_start3A_401 : memref<1x1x128xi32, #tpu.memory_space<vmem>> -> memref<1x128xi32, #tpu.memory_space<vmem>>
      %dma_start3A_403 = arith.constant 0 : i32
      %dma_start3A_404 = arith.constant 0 : i32
      %dma_start3A_405 = tpu.memref_slice %arg3[%add3A, %select_n3A_397, %dma_start3A_403, %dma_start3A_404] : memref<32x80x1x128xi32, #tpu.memory_space<hbm>> -> memref<1x1x1x128xi32, #tpu.memory_space<hbm>>
      %dma_start3A_406 = tpu.memref_squeeze %dma_start3A_405 : memref<1x1x1x128xi32, #tpu.memory_space<hbm>> -> memref<1x128xi32, #tpu.memory_space<hbm>>
      %dma_start3A_407 = arith.constant 0 : i32
      %dma_start3A_408 = arith.constant 0 : i32
      %dma_start3A_409 = tpu.memref_slice %arg6[%dma_start3A_398, %dma_start3A_407, %dma_start3A_408] : memref<2x1x128xi32, #tpu.memory_space<vmem>> -> memref<1x1x128xi32, #tpu.memory_space<vmem>>
      %dma_start3A_410 = tpu.memref_squeeze %dma_start3A_409 : memref<1x1x128xi32, #tpu.memory_space<vmem>> -> memref<1x128xi32, #tpu.memory_space<vmem>>
      %dma_start3A_411 = arith.constant 0 : i32
      %dma_start3A_412 = arith.constant 0 : i32
      %dma_start3A_413 = tpu.memref_slice %arg3[%add3A, %select_n3A_397, %dma_start3A_411, %dma_start3A_412] : memref<32x80x1x128xi32, #tpu.memory_space<hbm>> -> memref<1x1x1x128xi32, #tpu.memory_space<hbm>>
      %dma_start3A_414 = tpu.memref_squeeze %dma_start3A_413 : memref<1x1x1x128xi32, #tpu.memory_space<hbm>> -> memref<1x128xi32, #tpu.memory_space<hbm>>
      tpu.enqueue_dma source(%dma_start3A_414 : memref<1x128xi32, #tpu.memory_space<hbm>>) target(%dma_start3A_410 : memref<1x128xi32, #tpu.memory_space<vmem>>) target_semaphore(%arg14 : memref<!tpu.dma_semaphore, #tpu.memory_space<semaphore_mem>>)
      %dma_start3A_415 = arith.constant 1 : i32
      %dma_start3A_416 = arith.constant 0 : i32
      %dma_start3A_417 = arith.constant 0 : i32
      %dma_start3A_418 = tpu.memref_slice %arg7[%dma_start3A_415, %dma_start3A_416, %dma_start3A_417] : memref<2x1x128xi32, #tpu.memory_space<vmem>> -> memref<1x1x128xi32, #tpu.memory_space<vmem>>
      %dma_start3A_419 = tpu.memref_squeeze %dma_start3A_418 : memref<1x1x128xi32, #tpu.memory_space<vmem>> -> memref<1x128xi32, #tpu.memory_space<vmem>>
      %dma_start3A_420 = arith.constant 0 : i32
      %dma_start3A_421 = arith.constant 0 : i32
      %dma_start3A_422 = tpu.memref_slice %arg4[%add3A, %select_n3A_397, %dma_start3A_420, %dma_start3A_421] : memref<32x80x1x128xi32, #tpu.memory_space<hbm>> -> memref<1x1x1x128xi32, #tpu.memory_space<hbm>>
      %dma_start3A_423 = tpu.memref_squeeze %dma_start3A_422 : memref<1x1x1x128xi32, #tpu.memory_space<hbm>> -> memref<1x128xi32, #tpu.memory_space<hbm>>
      %dma_start3A_424 = arith.constant 0 : i32
      %dma_start3A_425 = arith.constant 0 : i32
      %dma_start3A_426 = tpu.memref_slice %arg7[%dma_start3A_415, %dma_start3A_424, %dma_start3A_425] : memref<2x1x128xi32, #tpu.memory_space<vmem>> -> memref<1x1x128xi32, #tpu.memory_space<vmem>>
      %dma_start3A_427 = tpu.memref_squeeze %dma_start3A_426 : memref<1x1x128xi32, #tpu.memory_space<vmem>> -> memref<1x128xi32, #tpu.memory_space<vmem>>
      %dma_start3A_428 = arith.constant 0 : i32
      %dma_start3A_429 = arith.constant 0 : i32
      %dma_start3A_430 = tpu.memref_slice %arg4[%add3A, %select_n3A_397, %dma_start3A_428, %dma_start3A_429] : memref<32x80x1x128xi32, #tpu.memory_space<hbm>> -> memref<1x1x1x128xi32, #tpu.memory_space<hbm>>
      %dma_start3A_431 = tpu.memref_squeeze %dma_start3A_430 : memref<1x1x1x128xi32, #tpu.memory_space<hbm>> -> memref<1x128xi32, #tpu.memory_space<hbm>>
      tpu.enqueue_dma source(%dma_start3A_431 : memref<1x128xi32, #tpu.memory_space<hbm>>) target(%dma_start3A_427 : memref<1x128xi32, #tpu.memory_space<vmem>>) target_semaphore(%arg14 : memref<!tpu.dma_semaphore, #tpu.memory_space<semaphore_mem>>)
    }
    %scan3A_162 = arith.constant 40 : i32
    %dma_wait3A_163 = arith.constant 0 : i32
    %dma_wait3A_164 = arith.constant 0 : i32
    %dma_wait3A_165 = arith.constant 0 : i32
    %dma_wait3A_166 = arith.constant 0 : i32
    %dma_wait3A_167 = arith.constant 0 : i32
    %dma_wait3A_168 = tpu.memref_slice %arg8[%dma_wait3A_165, %dma_wait3A_166, %dma_wait3A_167] : memref<2x128x16xf32, #tpu.memory_space<vmem>> -> memref<1x128x16xf32, #tpu.memory_space<vmem>>
    %dma_wait3A_169 = tpu.memref_squeeze %dma_wait3A_168 : memref<1x128x16xf32, #tpu.memory_space<vmem>> -> memref<128x16xf32, #tpu.memory_space<vmem>>
    %dma_wait3A_170 = arith.constant 0 : i32
    %dma_wait3A_171 = tpu.memref_slice %arg6[%dma_wait3A_163, %dma_wait3A_164, %dma_wait3A_170] : memref<2x1x128xi32, #tpu.memory_space<vmem>> -> memref<1x1x128xi32, #tpu.memory_space<vmem>>
    %dma_wait3A_172 = tpu.memref_squeeze %dma_wait3A_171 : memref<1x1x128xi32, #tpu.memory_space<vmem>> -> memref<128xi32, #tpu.memory_space<vmem>>
    %dma_wait3A_173 = arith.constant 0 : i32
    %dma_wait3A_174 = arith.constant 0 : i32
    %dma_wait3A_175 = tpu.memref_slice %arg2[%dma_wait3A_173, %dma_wait3A_174] : memref<10112x16xf32, #tpu.memory_space<hbm>> -> memref<10112x16xf32, #tpu.memory_space<hbm>>
    tpu.wait_indirect_dma semaphore(%arg11 : memref<!tpu.dma_semaphore, #tpu.memory_space<semaphore_mem>>) src(%dma_wait3A_175 : memref<10112x16xf32, #tpu.memory_space<hbm>>) dst(%dma_wait3A_169 : memref<128x16xf32, #tpu.memory_space<vmem>>)
    %dma_wait3A_176 = arith.constant 0 : i32
    %dma_wait3A_177 = arith.constant 1 : i32
    %dma_wait3A_178 = arith.constant 0 : i32
    %dma_wait3A_179 = arith.constant 0 : i32
    %dma_wait3A_180 = tpu.memref_slice %arg6[%dma_wait3A_177, %dma_wait3A_178, %dma_wait3A_179] : memref<2x1x128xi32, #tpu.memory_space<vmem>> -> memref<1x1x128xi32, #tpu.memory_space<vmem>>
    %dma_wait3A_181 = tpu.memref_squeeze %dma_wait3A_180 : memref<1x1x128xi32, #tpu.memory_space<vmem>> -> memref<1x128xi32, #tpu.memory_space<vmem>>
    %dma_wait3A_182 = arith.constant 0 : i32
    %dma_wait3A_183 = arith.constant 0 : i32
    %dma_wait3A_184 = tpu.memref_slice %arg3[%add3A, %dma_wait3A_176, %dma_wait3A_182, %dma_wait3A_183] : memref<32x80x1x128xi32, #tpu.memory_space<hbm>> -> memref<1x1x1x128xi32, #tpu.memory_space<hbm>>
    %dma_wait3A_185 = tpu.memref_squeeze %dma_wait3A_184 : memref<1x1x1x128xi32, #tpu.memory_space<hbm>> -> memref<1x128xi32, #tpu.memory_space<hbm>>
    %dma_wait3A_186 = arith.constant 0 : i32
    %dma_wait3A_187 = arith.constant 0 : i32
    %dma_wait3A_188 = tpu.memref_slice %arg6[%dma_wait3A_177, %dma_wait3A_186, %dma_wait3A_187] : memref<2x1x128xi32, #tpu.memory_space<vmem>> -> memref<1x1x128xi32, #tpu.memory_space<vmem>>
    %dma_wait3A_189 = tpu.memref_squeeze %dma_wait3A_188 : memref<1x1x128xi32, #tpu.memory_space<vmem>> -> memref<1x128xi32, #tpu.memory_space<vmem>>
    %dma_wait3A_190 = arith.constant 0 : i32
    %dma_wait3A_191 = arith.constant 0 : i32
    %dma_wait3A_192 = tpu.memref_slice %arg3[%add3A, %dma_wait3A_176, %dma_wait3A_190, %dma_wait3A_191] : memref<32x80x1x128xi32, #tpu.memory_space<hbm>> -> memref<1x1x1x128xi32, #tpu.memory_space<hbm>>
    %dma_wait3A_193 = tpu.memref_squeeze %dma_wait3A_192 : memref<1x1x1x128xi32, #tpu.memory_space<hbm>> -> memref<1x128xi32, #tpu.memory_space<hbm>>
    tpu.wait_dma2 semaphore(%arg14 : memref<!tpu.dma_semaphore, #tpu.memory_space<semaphore_mem>>) src(%dma_wait3A_193 : memref<1x128xi32, #tpu.memory_space<hbm>>) dst(%dma_wait3A_189 : memref<1x128xi32, #tpu.memory_space<vmem>>)
    %dma_wait3A_194 = arith.constant 0 : i32
    %dma_wait3A_195 = arith.constant 1 : i32
    %dma_wait3A_196 = arith.constant 0 : i32
    %dma_wait3A_197 = arith.constant 0 : i32
    %dma_wait3A_198 = tpu.memref_slice %arg7[%dma_wait3A_195, %dma_wait3A_196, %dma_wait3A_197] : memref<2x1x128xi32, #tpu.memory_space<vmem>> -> memref<1x1x128xi32, #tpu.memory_space<vmem>>
    %dma_wait3A_199 = tpu.memref_squeeze %dma_wait3A_198 : memref<1x1x128xi32, #tpu.memory_space<vmem>> -> memref<1x128xi32, #tpu.memory_space<vmem>>
    %dma_wait3A_200 = arith.constant 0 : i32
    %dma_wait3A_201 = arith.constant 0 : i32
    %dma_wait3A_202 = tpu.memref_slice %arg4[%add3A, %dma_wait3A_194, %dma_wait3A_200, %dma_wait3A_201] : memref<32x80x1x128xi32, #tpu.memory_space<hbm>> -> memref<1x1x1x128xi32, #tpu.memory_space<hbm>>
    %dma_wait3A_203 = tpu.memref_squeeze %dma_wait3A_202 : memref<1x1x1x128xi32, #tpu.memory_space<hbm>> -> memref<1x128xi32, #tpu.memory_space<hbm>>
    %dma_wait3A_204 = arith.constant 0 : i32
    %dma_wait3A_205 = arith.constant 0 : i32
    %dma_wait3A_206 = tpu.memref_slice %arg7[%dma_wait3A_195, %dma_wait3A_204, %dma_wait3A_205] : memref<2x1x128xi32, #tpu.memory_space<vmem>> -> memref<1x1x128xi32, #tpu.memory_space<vmem>>
    %dma_wait3A_207 = tpu.memref_squeeze %dma_wait3A_206 : memref<1x1x128xi32, #tpu.memory_space<vmem>> -> memref<1x128xi32, #tpu.memory_space<vmem>>
    %dma_wait3A_208 = arith.constant 0 : i32
    %dma_wait3A_209 = arith.constant 0 : i32
    %dma_wait3A_210 = tpu.memref_slice %arg4[%add3A, %dma_wait3A_194, %dma_wait3A_208, %dma_wait3A_209] : memref<32x80x1x128xi32, #tpu.memory_space<hbm>> -> memref<1x1x1x128xi32, #tpu.memory_space<hbm>>
    %dma_wait3A_211 = tpu.memref_squeeze %dma_wait3A_210 : memref<1x1x1x128xi32, #tpu.memory_space<hbm>> -> memref<1x128xi32, #tpu.memory_space<hbm>>
    tpu.wait_dma2 semaphore(%arg14 : memref<!tpu.dma_semaphore, #tpu.memory_space<semaphore_mem>>) src(%dma_wait3A_211 : memref<1x128xi32, #tpu.memory_space<hbm>>) dst(%dma_wait3A_207 : memref<1x128xi32, #tpu.memory_space<vmem>>)
    %barrier3A_212 = arith.constant 0 : index
    tpu.barrier barrier_id(%barrier3A_212)
    %mul3A_213 = arith.constant 632 : i32
    %mul3A_214 = arith.muli %arg1, %mul3A_213 : i32
    %mul3A_215 = arith.constant 632 : i32
    %mul3A_216 = arith.muli %arg1, %mul3A_215 : i32
    "tpu.region"() ({
      %run_scoped3A = tpu.sem_alloc : memref<!tpu.dma_semaphore, #tpu.memory_space<semaphore_mem>>
      %dma_start3A_217 = arith.constant 0 : i32
      %dma_start3A_218 = tpu.memref_slice %arg5[%arg0, %mul3A_216, %dma_start3A_217] : memref<2x10112x16xf32, #tpu.memory_space<hbm>> -> memref<1x632x16xf32, #tpu.memory_space<hbm>>
      %dma_start3A_219 = tpu.memref_squeeze %dma_start3A_218 : memref<1x632x16xf32, #tpu.memory_space<hbm>> -> memref<632x16xf32, #tpu.memory_space<hbm>>
      %dma_start3A_220 = arith.constant 0 : i32
      %dma_start3A_221 = tpu.memref_slice %arg10[%mul3A_214, %dma_start3A_220] : memref<10112x16xf32, #tpu.memory_space<vmem_shared>> -> memref<632x16xf32, #tpu.memory_space<vmem_shared>>
      tpu.enqueue_dma source(%dma_start3A_221 : memref<632x16xf32, #tpu.memory_space<vmem_shared>>) target(%dma_start3A_219 : memref<632x16xf32, #tpu.memory_space<hbm>>) target_semaphore(%run_scoped3A : memref<!tpu.dma_semaphore, #tpu.memory_space<semaphore_mem>>)
      %dma_wait3A_222 = arith.constant 0 : i32
      %dma_wait3A_223 = tpu.memref_slice %arg5[%arg0, %mul3A_216, %dma_wait3A_222] : memref<2x10112x16xf32, #tpu.memory_space<hbm>> -> memref<1x632x16xf32, #tpu.memory_space<hbm>>
      %dma_wait3A_224 = tpu.memref_squeeze %dma_wait3A_223 : memref<1x632x16xf32, #tpu.memory_space<hbm>> -> memref<632x16xf32, #tpu.memory_space<hbm>>
      %dma_wait3A_225 = arith.constant 0 : i32
      %dma_wait3A_226 = tpu.memref_slice %arg10[%mul3A_214, %dma_wait3A_225] : memref<10112x16xf32, #tpu.memory_space<vmem_shared>> -> memref<632x16xf32, #tpu.memory_space<vmem_shared>>
      tpu.wait_dma2 semaphore(%run_scoped3A : memref<!tpu.dma_semaphore, #tpu.memory_space<semaphore_mem>>) src(%dma_wait3A_226 : memref<632x16xf32, #tpu.memory_space<vmem_shared>>) dst(%dma_wait3A_224 : memref<632x16xf32, #tpu.memory_space<hbm>>)
      tpu.yield
    }) : () -> ()
    return
  }
}

#map = affine_map<(d0, d1) -> (0, 0)>
#map1 = affine_map<(d0, d1) -> (0, 0, 0, 0)>
#map2 = affine_map<(d0, d1) -> (0, 0, 0)>
module attributes {stable_mosaic.version = 14 : i64} {
  func.func @_agg(%arg0: i32, %arg1: i32, %arg2: memref<10112x16xf32, #tpu.memory_space<hbm>>, %arg3: memref<32x80x1x128xi32, #tpu.memory_space<hbm>>, %arg4: memref<32x80x1x128xi32, #tpu.memory_space<hbm>>, %arg5: memref<2x10112x16xf32, #tpu.memory_space<hbm>>, %arg6: memref<2x1x128xi32, #tpu.memory_space<vmem>>, %arg7: memref<2x1x128xi32, #tpu.memory_space<vmem>>, %arg8: memref<2x128x16xf32, #tpu.memory_space<vmem>>, %arg9: memref<79x16xf32, #tpu.memory_space<vmem>>, %arg10: memref<10112x16xf32, #tpu.memory_space<vmem_shared>>, %arg11: memref<!tpu.dma_semaphore, #tpu.memory_space<semaphore_mem>>, %arg12: memref<!tpu.dma_semaphore, #tpu.memory_space<semaphore_mem>>, %arg13: memref<!tpu.dma_semaphore, #tpu.memory_space<semaphore_mem>>, %arg14: memref<!tpu.dma_semaphore, #tpu.memory_space<semaphore_mem>>) attributes {dimension_semantics = [#tpu.dimension_semantics<core_parallel>, #tpu.dimension_semantics<subcore_parallel>], iteration_bounds = array<i64: 2, 16>, scalar_prefetch = 0 : i64, scratch_operands = 9 : i64, tpu.core_type = #tpu.core_type<sc_vector_subcore>, window_params = [{transform_indices = #map}, {transform_indices = #map1}, {transform_indices = #map1}, {transform_indices = #map2}]} {
    %mul3A = arith.constant 16 : i32
    %mul3A_0 = arith.muli %arg0, %mul3A : i32
    %add3A = arith.addi %mul3A_0, %arg1 : i32
    %scan3A = arith.constant 0 : i32
    %scan3A_1 = arith.constant 0 : i32
    %scan3A_2 = arith.constant 79 : i32
    %scan3A_3 = arith.addi %scan3A_1, %scan3A_2 : i32
    %scan3A_4 = arith.constant 1 : i32
    scf.for %scan3A_217 = %scan3A_1 to %scan3A_3 step %scan3A_4  : i32 {
      %broadcast_in_dim3A = arith.constant 0.000000e+00 : f32
      %broadcast_in_dim3A_218 = vector.broadcast %broadcast_in_dim3A : f32 to vector<16xf32>
      %swap3A = arith.index_cast %scan3A_217 : i32 to index
      %swap3A_219 = arith.constant 0 : index
      %swap3A_220 = tpu.vector_load %arg9[%swap3A, %swap3A_219] {strides = array<i32>} : memref<79x16xf32, #tpu.memory_space<vmem>>, vector<1x16xf32>,
      %swap3A_221 = vector.shape_cast %swap3A_220 : vector<1x16xf32> to vector<16xf32>
      %swap3A_222 = vector.shape_cast %broadcast_in_dim3A_218 : vector<16xf32> to vector<1x16xf32>
      tpu.vector_store %arg9[%swap3A, %swap3A_219], %swap3A_222 {strides = array<i32>} : memref<79x16xf32, #tpu.memory_space<vmem>>, vector<1x16xf32>,
    }
    %scan3A_5 = arith.constant 79 : i32
    %mul3A_6 = arith.constant 632 : i32
    %mul3A_7 = arith.muli %arg1, %mul3A_6 : i32
    %add3A_8 = arith.constant 0 : i32
    %add3A_9 = arith.addi %mul3A_7, %add3A_8 : i32
    "tpu.region"() ({
      %run_scoped3A = tpu.sem_alloc : memref<!tpu.dma_semaphore, #tpu.memory_space<semaphore_mem>>
      %dma_start3A_217 = arith.constant 0 : i32
      %dma_start3A_218 = tpu.memref_slice %arg10[%add3A_9, %dma_start3A_217] : memref<10112x16xf32, #tpu.memory_space<vmem_shared>> -> memref<79x16xf32, #tpu.memory_space<vmem_shared>>
      %dma_start3A_219 = arith.constant 0 : i32
      %dma_start3A_220 = tpu.memref_slice %arg10[%add3A_9, %dma_start3A_219] : memref<10112x16xf32, #tpu.memory_space<vmem_shared>> -> memref<79x16xf32, #tpu.memory_space<vmem_shared>>
      tpu.enqueue_dma source(%arg9 : memref<79x16xf32, #tpu.memory_space<vmem>>) target(%dma_start3A_220 : memref<79x16xf32, #tpu.memory_space<vmem_shared>>) target_semaphore(%run_scoped3A : memref<!tpu.dma_semaphore, #tpu.memory_space<semaphore_mem>>)
      %dma_wait3A_221 = arith.constant 0 : i32
      %dma_wait3A_222 = tpu.memref_slice %arg10[%add3A_9, %dma_wait3A_221] : memref<10112x16xf32, #tpu.memory_space<vmem_shared>> -> memref<79x16xf32, #tpu.memory_space<vmem_shared>>
      %dma_wait3A_223 = arith.constant 0 : i32
      %dma_wait3A_224 = tpu.memref_slice %arg10[%add3A_9, %dma_wait3A_223] : memref<10112x16xf32, #tpu.memory_space<vmem_shared>> -> memref<79x16xf32, #tpu.memory_space<vmem_shared>>
      tpu.wait_dma2 semaphore(%run_scoped3A : memref<!tpu.dma_semaphore, #tpu.memory_space<semaphore_mem>>) src(%arg9 : memref<79x16xf32, #tpu.memory_space<vmem>>) dst(%dma_wait3A_224 : memref<79x16xf32, #tpu.memory_space<vmem_shared>>)
      tpu.yield
    }) : () -> ()
    %mul3A_10 = arith.constant 632 : i32
    %mul3A_11 = arith.muli %arg1, %mul3A_10 : i32
    %add3A_12 = arith.constant 79 : i32
    %add3A_13 = arith.addi %mul3A_11, %add3A_12 : i32
    "tpu.region"() ({
      %run_scoped3A = tpu.sem_alloc : memref<!tpu.dma_semaphore, #tpu.memory_space<semaphore_mem>>
      %dma_start3A_217 = arith.constant 0 : i32
      %dma_start3A_218 = tpu.memref_slice %arg10[%add3A_13, %dma_start3A_217] : memref<10112x16xf32, #tpu.memory_space<vmem_shared>> -> memref<79x16xf32, #tpu.memory_space<vmem_shared>>
      %dma_start3A_219 = arith.constant 0 : i32
      %dma_start3A_220 = tpu.memref_slice %arg10[%add3A_13, %dma_start3A_219] : memref<10112x16xf32, #tpu.memory_space<vmem_shared>> -> memref<79x16xf32, #tpu.memory_space<vmem_shared>>
      tpu.enqueue_dma source(%arg9 : memref<79x16xf32, #tpu.memory_space<vmem>>) target(%dma_start3A_220 : memref<79x16xf32, #tpu.memory_space<vmem_shared>>) target_semaphore(%run_scoped3A : memref<!tpu.dma_semaphore, #tpu.memory_space<semaphore_mem>>)
      %dma_wait3A_221 = arith.constant 0 : i32
      %dma_wait3A_222 = tpu.memref_slice %arg10[%add3A_13, %dma_wait3A_221] : memref<10112x16xf32, #tpu.memory_space<vmem_shared>> -> memref<79x16xf32, #tpu.memory_space<vmem_shared>>
      %dma_wait3A_223 = arith.constant 0 : i32
      %dma_wait3A_224 = tpu.memref_slice %arg10[%add3A_13, %dma_wait3A_223] : memref<10112x16xf32, #tpu.memory_space<vmem_shared>> -> memref<79x16xf32, #tpu.memory_space<vmem_shared>>
      tpu.wait_dma2 semaphore(%run_scoped3A : memref<!tpu.dma_semaphore, #tpu.memory_space<semaphore_mem>>) src(%arg9 : memref<79x16xf32, #tpu.memory_space<vmem>>) dst(%dma_wait3A_224 : memref<79x16xf32, #tpu.memory_space<vmem_shared>>)
      tpu.yield
    }) : () -> ()
    %mul3A_14 = arith.constant 632 : i32
    %mul3A_15 = arith.muli %arg1, %mul3A_14 : i32
    %add3A_16 = arith.constant 158 : i32
    %add3A_17 = arith.addi %mul3A_15, %add3A_16 : i32
    "tpu.region"() ({
      %run_scoped3A = tpu.sem_alloc : memref<!tpu.dma_semaphore, #tpu.memory_space<semaphore_mem>>
      %dma_start3A_217 = arith.constant 0 : i32
      %dma_start3A_218 = tpu.memref_slice %arg10[%add3A_17, %dma_start3A_217] : memref<10112x16xf32, #tpu.memory_space<vmem_shared>> -> memref<79x16xf32, #tpu.memory_space<vmem_shared>>
      %dma_start3A_219 = arith.constant 0 : i32
      %dma_start3A_220 = tpu.memref_slice %arg10[%add3A_17, %dma_start3A_219] : memref<10112x16xf32, #tpu.memory_space<vmem_shared>> -> memref<79x16xf32, #tpu.memory_space<vmem_shared>>
      tpu.enqueue_dma source(%arg9 : memref<79x16xf32, #tpu.memory_space<vmem>>) target(%dma_start3A_220 : memref<79x16xf32, #tpu.memory_space<vmem_shared>>) target_semaphore(%run_scoped3A : memref<!tpu.dma_semaphore, #tpu.memory_space<semaphore_mem>>)
      %dma_wait3A_221 = arith.constant 0 : i32
      %dma_wait3A_222 = tpu.memref_slice %arg10[%add3A_17, %dma_wait3A_221] : memref<10112x16xf32, #tpu.memory_space<vmem_shared>> -> memref<79x16xf32, #tpu.memory_space<vmem_shared>>
      %dma_wait3A_223 = arith.constant 0 : i32
      %dma_wait3A_224 = tpu.memref_slice %arg10[%add3A_17, %dma_wait3A_223] : memref<10112x16xf32, #tpu.memory_space<vmem_shared>> -> memref<79x16xf32, #tpu.memory_space<vmem_shared>>
      tpu.wait_dma2 semaphore(%run_scoped3A : memref<!tpu.dma_semaphore, #tpu.memory_space<semaphore_mem>>) src(%arg9 : memref<79x16xf32, #tpu.memory_space<vmem>>) dst(%dma_wait3A_224 : memref<79x16xf32, #tpu.memory_space<vmem_shared>>)
      tpu.yield
    }) : () -> ()
    %mul3A_18 = arith.constant 632 : i32
    %mul3A_19 = arith.muli %arg1, %mul3A_18 : i32
    %add3A_20 = arith.constant 237 : i32
    %add3A_21 = arith.addi %mul3A_19, %add3A_20 : i32
    "tpu.region"() ({
      %run_scoped3A = tpu.sem_alloc : memref<!tpu.dma_semaphore, #tpu.memory_space<semaphore_mem>>
      %dma_start3A_217 = arith.constant 0 : i32
      %dma_start3A_218 = tpu.memref_slice %arg10[%add3A_21, %dma_start3A_217] : memref<10112x16xf32, #tpu.memory_space<vmem_shared>> -> memref<79x16xf32, #tpu.memory_space<vmem_shared>>
      %dma_start3A_219 = arith.constant 0 : i32
      %dma_start3A_220 = tpu.memref_slice %arg10[%add3A_21, %dma_start3A_219] : memref<10112x16xf32, #tpu.memory_space<vmem_shared>> -> memref<79x16xf32, #tpu.memory_space<vmem_shared>>
      tpu.enqueue_dma source(%arg9 : memref<79x16xf32, #tpu.memory_space<vmem>>) target(%dma_start3A_220 : memref<79x16xf32, #tpu.memory_space<vmem_shared>>) target_semaphore(%run_scoped3A : memref<!tpu.dma_semaphore, #tpu.memory_space<semaphore_mem>>)
      %dma_wait3A_221 = arith.constant 0 : i32
      %dma_wait3A_222 = tpu.memref_slice %arg10[%add3A_21, %dma_wait3A_221] : memref<10112x16xf32, #tpu.memory_space<vmem_shared>> -> memref<79x16xf32, #tpu.memory_space<vmem_shared>>
      %dma_wait3A_223 = arith.constant 0 : i32
      %dma_wait3A_224 = tpu.memref_slice %arg10[%add3A_21, %dma_wait3A_223] : memref<10112x16xf32, #tpu.memory_space<vmem_shared>> -> memref<79x16xf32, #tpu.memory_space<vmem_shared>>
      tpu.wait_dma2 semaphore(%run_scoped3A : memref<!tpu.dma_semaphore, #tpu.memory_space<semaphore_mem>>) src(%arg9 : memref<79x16xf32, #tpu.memory_space<vmem>>) dst(%dma_wait3A_224 : memref<79x16xf32, #tpu.memory_space<vmem_shared>>)
      tpu.yield
    }) : () -> ()
    %mul3A_22 = arith.constant 632 : i32
    %mul3A_23 = arith.muli %arg1, %mul3A_22 : i32
    %add3A_24 = arith.constant 316 : i32
    %add3A_25 = arith.addi %mul3A_23, %add3A_24 : i32
    "tpu.region"() ({
      %run_scoped3A = tpu.sem_alloc : memref<!tpu.dma_semaphore, #tpu.memory_space<semaphore_mem>>
      %dma_start3A_217 = arith.constant 0 : i32
      %dma_start3A_218 = tpu.memref_slice %arg10[%add3A_25, %dma_start3A_217] : memref<10112x16xf32, #tpu.memory_space<vmem_shared>> -> memref<79x16xf32, #tpu.memory_space<vmem_shared>>
      %dma_start3A_219 = arith.constant 0 : i32
      %dma_start3A_220 = tpu.memref_slice %arg10[%add3A_25, %dma_start3A_219] : memref<10112x16xf32, #tpu.memory_space<vmem_shared>> -> memref<79x16xf32, #tpu.memory_space<vmem_shared>>
      tpu.enqueue_dma source(%arg9 : memref<79x16xf32, #tpu.memory_space<vmem>>) target(%dma_start3A_220 : memref<79x16xf32, #tpu.memory_space<vmem_shared>>) target_semaphore(%run_scoped3A : memref<!tpu.dma_semaphore, #tpu.memory_space<semaphore_mem>>)
      %dma_wait3A_221 = arith.constant 0 : i32
      %dma_wait3A_222 = tpu.memref_slice %arg10[%add3A_25, %dma_wait3A_221] : memref<10112x16xf32, #tpu.memory_space<vmem_shared>> -> memref<79x16xf32, #tpu.memory_space<vmem_shared>>
      %dma_wait3A_223 = arith.constant 0 : i32
      %dma_wait3A_224 = tpu.memref_slice %arg10[%add3A_25, %dma_wait3A_223] : memref<10112x16xf32, #tpu.memory_space<vmem_shared>> -> memref<79x16xf32, #tpu.memory_space<vmem_shared>>
      tpu.wait_dma2 semaphore(%run_scoped3A : memref<!tpu.dma_semaphore, #tpu.memory_space<semaphore_mem>>) src(%arg9 : memref<79x16xf32, #tpu.memory_space<vmem>>) dst(%dma_wait3A_224 : memref<79x16xf32, #tpu.memory_space<vmem_shared>>)
      tpu.yield
    }) : () -> ()
    %mul3A_26 = arith.constant 632 : i32
    %mul3A_27 = arith.muli %arg1, %mul3A_26 : i32
    %add3A_28 = arith.constant 395 : i32
    %add3A_29 = arith.addi %mul3A_27, %add3A_28 : i32
    "tpu.region"() ({
      %run_scoped3A = tpu.sem_alloc : memref<!tpu.dma_semaphore, #tpu.memory_space<semaphore_mem>>
      %dma_start3A_217 = arith.constant 0 : i32
      %dma_start3A_218 = tpu.memref_slice %arg10[%add3A_29, %dma_start3A_217] : memref<10112x16xf32, #tpu.memory_space<vmem_shared>> -> memref<79x16xf32, #tpu.memory_space<vmem_shared>>
      %dma_start3A_219 = arith.constant 0 : i32
      %dma_start3A_220 = tpu.memref_slice %arg10[%add3A_29, %dma_start3A_219] : memref<10112x16xf32, #tpu.memory_space<vmem_shared>> -> memref<79x16xf32, #tpu.memory_space<vmem_shared>>
      tpu.enqueue_dma source(%arg9 : memref<79x16xf32, #tpu.memory_space<vmem>>) target(%dma_start3A_220 : memref<79x16xf32, #tpu.memory_space<vmem_shared>>) target_semaphore(%run_scoped3A : memref<!tpu.dma_semaphore, #tpu.memory_space<semaphore_mem>>)
      %dma_wait3A_221 = arith.constant 0 : i32
      %dma_wait3A_222 = tpu.memref_slice %arg10[%add3A_29, %dma_wait3A_221] : memref<10112x16xf32, #tpu.memory_space<vmem_shared>> -> memref<79x16xf32, #tpu.memory_space<vmem_shared>>
      %dma_wait3A_223 = arith.constant 0 : i32
      %dma_wait3A_224 = tpu.memref_slice %arg10[%add3A_29, %dma_wait3A_223] : memref<10112x16xf32, #tpu.memory_space<vmem_shared>> -> memref<79x16xf32, #tpu.memory_space<vmem_shared>>
      tpu.wait_dma2 semaphore(%run_scoped3A : memref<!tpu.dma_semaphore, #tpu.memory_space<semaphore_mem>>) src(%arg9 : memref<79x16xf32, #tpu.memory_space<vmem>>) dst(%dma_wait3A_224 : memref<79x16xf32, #tpu.memory_space<vmem_shared>>)
      tpu.yield
    }) : () -> ()
    %mul3A_30 = arith.constant 632 : i32
    %mul3A_31 = arith.muli %arg1, %mul3A_30 : i32
    %add3A_32 = arith.constant 474 : i32
    %add3A_33 = arith.addi %mul3A_31, %add3A_32 : i32
    "tpu.region"() ({
      %run_scoped3A = tpu.sem_alloc : memref<!tpu.dma_semaphore, #tpu.memory_space<semaphore_mem>>
      %dma_start3A_217 = arith.constant 0 : i32
      %dma_start3A_218 = tpu.memref_slice %arg10[%add3A_33, %dma_start3A_217] : memref<10112x16xf32, #tpu.memory_space<vmem_shared>> -> memref<79x16xf32, #tpu.memory_space<vmem_shared>>
      %dma_start3A_219 = arith.constant 0 : i32
      %dma_start3A_220 = tpu.memref_slice %arg10[%add3A_33, %dma_start3A_219] : memref<10112x16xf32, #tpu.memory_space<vmem_shared>> -> memref<79x16xf32, #tpu.memory_space<vmem_shared>>
      tpu.enqueue_dma source(%arg9 : memref<79x16xf32, #tpu.memory_space<vmem>>) target(%dma_start3A_220 : memref<79x16xf32, #tpu.memory_space<vmem_shared>>) target_semaphore(%run_scoped3A : memref<!tpu.dma_semaphore, #tpu.memory_space<semaphore_mem>>)
      %dma_wait3A_221 = arith.constant 0 : i32
      %dma_wait3A_222 = tpu.memref_slice %arg10[%add3A_33, %dma_wait3A_221] : memref<10112x16xf32, #tpu.memory_space<vmem_shared>> -> memref<79x16xf32, #tpu.memory_space<vmem_shared>>
      %dma_wait3A_223 = arith.constant 0 : i32
      %dma_wait3A_224 = tpu.memref_slice %arg10[%add3A_33, %dma_wait3A_223] : memref<10112x16xf32, #tpu.memory_space<vmem_shared>> -> memref<79x16xf32, #tpu.memory_space<vmem_shared>>
      tpu.wait_dma2 semaphore(%run_scoped3A : memref<!tpu.dma_semaphore, #tpu.memory_space<semaphore_mem>>) src(%arg9 : memref<79x16xf32, #tpu.memory_space<vmem>>) dst(%dma_wait3A_224 : memref<79x16xf32, #tpu.memory_space<vmem_shared>>)
      tpu.yield
    }) : () -> ()
    %mul3A_34 = arith.constant 632 : i32
    %mul3A_35 = arith.muli %arg1, %mul3A_34 : i32
    %add3A_36 = arith.constant 553 : i32
    %add3A_37 = arith.addi %mul3A_35, %add3A_36 : i32
    "tpu.region"() ({
      %run_scoped3A = tpu.sem_alloc : memref<!tpu.dma_semaphore, #tpu.memory_space<semaphore_mem>>
      %dma_start3A_217 = arith.constant 0 : i32
      %dma_start3A_218 = tpu.memref_slice %arg10[%add3A_37, %dma_start3A_217] : memref<10112x16xf32, #tpu.memory_space<vmem_shared>> -> memref<79x16xf32, #tpu.memory_space<vmem_shared>>
      %dma_start3A_219 = arith.constant 0 : i32
      %dma_start3A_220 = tpu.memref_slice %arg10[%add3A_37, %dma_start3A_219] : memref<10112x16xf32, #tpu.memory_space<vmem_shared>> -> memref<79x16xf32, #tpu.memory_space<vmem_shared>>
      tpu.enqueue_dma source(%arg9 : memref<79x16xf32, #tpu.memory_space<vmem>>) target(%dma_start3A_220 : memref<79x16xf32, #tpu.memory_space<vmem_shared>>) target_semaphore(%run_scoped3A : memref<!tpu.dma_semaphore, #tpu.memory_space<semaphore_mem>>)
      %dma_wait3A_221 = arith.constant 0 : i32
      %dma_wait3A_222 = tpu.memref_slice %arg10[%add3A_37, %dma_wait3A_221] : memref<10112x16xf32, #tpu.memory_space<vmem_shared>> -> memref<79x16xf32, #tpu.memory_space<vmem_shared>>
      %dma_wait3A_223 = arith.constant 0 : i32
      %dma_wait3A_224 = tpu.memref_slice %arg10[%add3A_37, %dma_wait3A_223] : memref<10112x16xf32, #tpu.memory_space<vmem_shared>> -> memref<79x16xf32, #tpu.memory_space<vmem_shared>>
      tpu.wait_dma2 semaphore(%run_scoped3A : memref<!tpu.dma_semaphore, #tpu.memory_space<semaphore_mem>>) src(%arg9 : memref<79x16xf32, #tpu.memory_space<vmem>>) dst(%dma_wait3A_224 : memref<79x16xf32, #tpu.memory_space<vmem_shared>>)
      tpu.yield
    }) : () -> ()
    %barrier3A = arith.constant 0 : index
    tpu.barrier barrier_id(%barrier3A)
    %dma_start3A = arith.constant 0 : i32
    %dma_start3A_38 = arith.constant 0 : i32
    %dma_start3A_39 = arith.constant 0 : i32
    %dma_start3A_40 = arith.constant 0 : i32
    %dma_start3A_41 = tpu.memref_slice %arg6[%dma_start3A_38, %dma_start3A_39, %dma_start3A_40] : memref<2x1x128xi32, #tpu.memory_space<vmem>> -> memref<1x1x128xi32, #tpu.memory_space<vmem>>
    %dma_start3A_42 = tpu.memref_squeeze %dma_start3A_41 : memref<1x1x128xi32, #tpu.memory_space<vmem>> -> memref<1x128xi32, #tpu.memory_space<vmem>>
    %dma_start3A_43 = arith.constant 0 : i32
    %dma_start3A_44 = arith.constant 0 : i32
    %dma_start3A_45 = tpu.memref_slice %arg3[%add3A, %dma_start3A, %dma_start3A_43, %dma_start3A_44] : memref<32x80x1x128xi32, #tpu.memory_space<hbm>> -> memref<1x1x1x128xi32, #tpu.memory_space<hbm>>
    %dma_start3A_46 = tpu.memref_squeeze %dma_start3A_45 : memref<1x1x1x128xi32, #tpu.memory_space<hbm>> -> memref<1x128xi32, #tpu.memory_space<hbm>>
    %dma_start3A_47 = arith.constant 0 : i32
    %dma_start3A_48 = arith.constant 0 : i32
    %dma_start3A_49 = tpu.memref_slice %arg6[%dma_start3A_38, %dma_start3A_47, %dma_start3A_48] : memref<2x1x128xi32, #tpu.memory_space<vmem>> -> memref<1x1x128xi32, #tpu.memory_space<vmem>>
    %dma_start3A_50 = tpu.memref_squeeze %dma_start3A_49 : memref<1x1x128xi32, #tpu.memory_space<vmem>> -> memref<1x128xi32, #tpu.memory_space<vmem>>
    %dma_start3A_51 = arith.constant 0 : i32
    %dma_start3A_52 = arith.constant 0 : i32
    %dma_start3A_53 = tpu.memref_slice %arg3[%add3A, %dma_start3A, %dma_start3A_51, %dma_start3A_52] : memref<32x80x1x128xi32, #tpu.memory_space<hbm>> -> memref<1x1x1x128xi32, #tpu.memory_space<hbm>>
    %dma_start3A_54 = tpu.memref_squeeze %dma_start3A_53 : memref<1x1x1x128xi32, #tpu.memory_space<hbm>> -> memref<1x128xi32, #tpu.memory_space<hbm>>
    tpu.enqueue_dma source(%dma_start3A_54 : memref<1x128xi32, #tpu.memory_space<hbm>>) target(%dma_start3A_50 : memref<1x128xi32, #tpu.memory_space<vmem>>) target_semaphore(%arg13 : memref<!tpu.dma_semaphore, #tpu.memory_space<semaphore_mem>>)
    %dma_start3A_55 = arith.constant 0 : i32
    %dma_start3A_56 = arith.constant 0 : i32
    %dma_start3A_57 = arith.constant 0 : i32
    %dma_start3A_58 = arith.constant 0 : i32
    %dma_start3A_59 = tpu.memref_slice %arg7[%dma_start3A_56, %dma_start3A_57, %dma_start3A_58] : memref<2x1x128xi32, #tpu.memory_space<vmem>> -> memref<1x1x128xi32, #tpu.memory_space<vmem>>
    %dma_start3A_60 = tpu.memref_squeeze %dma_start3A_59 : memref<1x1x128xi32, #tpu.memory_space<vmem>> -> memref<1x128xi32, #tpu.memory_space<vmem>>
    %dma_start3A_61 = arith.constant 0 : i32
    %dma_start3A_62 = arith.constant 0 : i32
    %dma_start3A_63 = tpu.memref_slice %arg4[%add3A, %dma_start3A_55, %dma_start3A_61, %dma_start3A_62] : memref<32x80x1x128xi32, #tpu.memory_space<hbm>> -> memref<1x1x1x128xi32, #tpu.memory_space<hbm>>
    %dma_start3A_64 = tpu.memref_squeeze %dma_start3A_63 : memref<1x1x1x128xi32, #tpu.memory_space<hbm>> -> memref<1x128xi32, #tpu.memory_space<hbm>>
    %dma_start3A_65 = arith.constant 0 : i32
    %dma_start3A_66 = arith.constant 0 : i32
    %dma_start3A_67 = tpu.memref_slice %arg7[%dma_start3A_56, %dma_start3A_65, %dma_start3A_66] : memref<2x1x128xi32, #tpu.memory_space<vmem>> -> memref<1x1x128xi32, #tpu.memory_space<vmem>>
    %dma_start3A_68 = tpu.memref_squeeze %dma_start3A_67 : memref<1x1x128xi32, #tpu.memory_space<vmem>> -> memref<1x128xi32, #tpu.memory_space<vmem>>
    %dma_start3A_69 = arith.constant 0 : i32
    %dma_start3A_70 = arith.constant 0 : i32
    %dma_start3A_71 = tpu.memref_slice %arg4[%add3A, %dma_start3A_55, %dma_start3A_69, %dma_start3A_70] : memref<32x80x1x128xi32, #tpu.memory_space<hbm>> -> memref<1x1x1x128xi32, #tpu.memory_space<hbm>>
    %dma_start3A_72 = tpu.memref_squeeze %dma_start3A_71 : memref<1x1x1x128xi32, #tpu.memory_space<hbm>> -> memref<1x128xi32, #tpu.memory_space<hbm>>
    tpu.enqueue_dma source(%dma_start3A_72 : memref<1x128xi32, #tpu.memory_space<hbm>>) target(%dma_start3A_68 : memref<1x128xi32, #tpu.memory_space<vmem>>) target_semaphore(%arg13 : memref<!tpu.dma_semaphore, #tpu.memory_space<semaphore_mem>>)
    %dma_wait3A = arith.constant 0 : i32
    %dma_wait3A_73 = arith.constant 0 : i32
    %dma_wait3A_74 = arith.constant 0 : i32
    %dma_wait3A_75 = arith.constant 0 : i32
    %dma_wait3A_76 = tpu.memref_slice %arg6[%dma_wait3A_73, %dma_wait3A_74, %dma_wait3A_75] : memref<2x1x128xi32, #tpu.memory_space<vmem>> -> memref<1x1x128xi32, #tpu.memory_space<vmem>>
    %dma_wait3A_77 = tpu.memref_squeeze %dma_wait3A_76 : memref<1x1x128xi32, #tpu.memory_space<vmem>> -> memref<1x128xi32, #tpu.memory_space<vmem>>
    %dma_wait3A_78 = arith.constant 0 : i32
    %dma_wait3A_79 = arith.constant 0 : i32
    %dma_wait3A_80 = tpu.memref_slice %arg3[%add3A, %dma_wait3A, %dma_wait3A_78, %dma_wait3A_79] : memref<32x80x1x128xi32, #tpu.memory_space<hbm>> -> memref<1x1x1x128xi32, #tpu.memory_space<hbm>>
    %dma_wait3A_81 = tpu.memref_squeeze %dma_wait3A_80 : memref<1x1x1x128xi32, #tpu.memory_space<hbm>> -> memref<1x128xi32, #tpu.memory_space<hbm>>
    %dma_wait3A_82 = arith.constant 0 : i32
    %dma_wait3A_83 = arith.constant 0 : i32
    %dma_wait3A_84 = tpu.memref_slice %arg6[%dma_wait3A_73, %dma_wait3A_82, %dma_wait3A_83] : memref<2x1x128xi32, #tpu.memory_space<vmem>> -> memref<1x1x128xi32, #tpu.memory_space<vmem>>
    %dma_wait3A_85 = tpu.memref_squeeze %dma_wait3A_84 : memref<1x1x128xi32, #tpu.memory_space<vmem>> -> memref<1x128xi32, #tpu.memory_space<vmem>>
    %dma_wait3A_86 = arith.constant 0 : i32
    %dma_wait3A_87 = arith.constant 0 : i32
    %dma_wait3A_88 = tpu.memref_slice %arg3[%add3A, %dma_wait3A, %dma_wait3A_86, %dma_wait3A_87] : memref<32x80x1x128xi32, #tpu.memory_space<hbm>> -> memref<1x1x1x128xi32, #tpu.memory_space<hbm>>
    %dma_wait3A_89 = tpu.memref_squeeze %dma_wait3A_88 : memref<1x1x1x128xi32, #tpu.memory_space<hbm>> -> memref<1x128xi32, #tpu.memory_space<hbm>>
    tpu.wait_dma2 semaphore(%arg13 : memref<!tpu.dma_semaphore, #tpu.memory_space<semaphore_mem>>) src(%dma_wait3A_89 : memref<1x128xi32, #tpu.memory_space<hbm>>) dst(%dma_wait3A_85 : memref<1x128xi32, #tpu.memory_space<vmem>>)
    %dma_wait3A_90 = arith.constant 0 : i32
    %dma_wait3A_91 = arith.constant 0 : i32
    %dma_wait3A_92 = arith.constant 0 : i32
    %dma_wait3A_93 = arith.constant 0 : i32
    %dma_wait3A_94 = tpu.memref_slice %arg7[%dma_wait3A_91, %dma_wait3A_92, %dma_wait3A_93] : memref<2x1x128xi32, #tpu.memory_space<vmem>> -> memref<1x1x128xi32, #tpu.memory_space<vmem>>
    %dma_wait3A_95 = tpu.memref_squeeze %dma_wait3A_94 : memref<1x1x128xi32, #tpu.memory_space<vmem>> -> memref<1x128xi32, #tpu.memory_space<vmem>>
    %dma_wait3A_96 = arith.constant 0 : i32
    %dma_wait3A_97 = arith.constant 0 : i32
    %dma_wait3A_98 = tpu.memref_slice %arg4[%add3A, %dma_wait3A_90, %dma_wait3A_96, %dma_wait3A_97] : memref<32x80x1x128xi32, #tpu.memory_space<hbm>> -> memref<1x1x1x128xi32, #tpu.memory_space<hbm>>
    %dma_wait3A_99 = tpu.memref_squeeze %dma_wait3A_98 : memref<1x1x1x128xi32, #tpu.memory_space<hbm>> -> memref<1x128xi32, #tpu.memory_space<hbm>>
    %dma_wait3A_100 = arith.constant 0 : i32
    %dma_wait3A_101 = arith.constant 0 : i32
    %dma_wait3A_102 = tpu.memref_slice %arg7[%dma_wait3A_91, %dma_wait3A_100, %dma_wait3A_101] : memref<2x1x128xi32, #tpu.memory_space<vmem>> -> memref<1x1x128xi32, #tpu.memory_space<vmem>>
    %dma_wait3A_103 = tpu.memref_squeeze %dma_wait3A_102 : memref<1x1x128xi32, #tpu.memory_space<vmem>> -> memref<1x128xi32, #tpu.memory_space<vmem>>
    %dma_wait3A_104 = arith.constant 0 : i32
    %dma_wait3A_105 = arith.constant 0 : i32
    %dma_wait3A_106 = tpu.memref_slice %arg4[%add3A, %dma_wait3A_90, %dma_wait3A_104, %dma_wait3A_105] : memref<32x80x1x128xi32, #tpu.memory_space<hbm>> -> memref<1x1x1x128xi32, #tpu.memory_space<hbm>>
    %dma_wait3A_107 = tpu.memref_squeeze %dma_wait3A_106 : memref<1x1x1x128xi32, #tpu.memory_space<hbm>> -> memref<1x128xi32, #tpu.memory_space<hbm>>
    tpu.wait_dma2 semaphore(%arg13 : memref<!tpu.dma_semaphore, #tpu.memory_space<semaphore_mem>>) src(%dma_wait3A_107 : memref<1x128xi32, #tpu.memory_space<hbm>>) dst(%dma_wait3A_103 : memref<1x128xi32, #tpu.memory_space<vmem>>)
    %dma_start3A_108 = arith.constant 0 : i32
    %dma_start3A_109 = arith.constant 0 : i32
    %dma_start3A_110 = arith.constant 0 : i32
    %dma_start3A_111 = arith.constant 0 : i32
    %dma_start3A_112 = arith.constant 0 : i32
    %dma_start3A_113 = tpu.memref_slice %arg8[%dma_start3A_110, %dma_start3A_111, %dma_start3A_112] : memref<2x128x16xf32, #tpu.memory_space<vmem>> -> memref<1x128x16xf32, #tpu.memory_space<vmem>>
    %dma_start3A_114 = tpu.memref_squeeze %dma_start3A_113 : memref<1x128x16xf32, #tpu.memory_space<vmem>> -> memref<128x16xf32, #tpu.memory_space<vmem>>
    %dma_start3A_115 = arith.constant 0 : i32
    %dma_start3A_116 = tpu.memref_slice %arg6[%dma_start3A_108, %dma_start3A_109, %dma_start3A_115] : memref<2x1x128xi32, #tpu.memory_space<vmem>> -> memref<1x1x128xi32, #tpu.memory_space<vmem>>
    %dma_start3A_117 = tpu.memref_squeeze %dma_start3A_116 : memref<1x1x128xi32, #tpu.memory_space<vmem>> -> memref<128xi32, #tpu.memory_space<vmem>>
    %dma_start3A_118 = arith.constant 0 : i32
    %dma_start3A_119 = arith.constant 0 : i32
    %dma_start3A_120 = tpu.memref_slice %arg2[%dma_start3A_118, %dma_start3A_119] : memref<10112x16xf32, #tpu.memory_space<hbm>> -> memref<10112x16xf32, #tpu.memory_space<hbm>>
    tpu.enqueue_indirect_dma source(%dma_start3A_120 : memref<10112x16xf32, #tpu.memory_space<hbm>>) target(%dma_start3A_114 : memref<128x16xf32, #tpu.memory_space<vmem>>) offsets(%dma_start3A_117 : memref<128xi32, #tpu.memory_space<vmem>>) semaphore(%arg11 : memref<!tpu.dma_semaphore, #tpu.memory_space<semaphore_mem>>)
    %dma_start3A_121 = arith.constant 1 : i32
    %dma_start3A_122 = arith.constant 1 : i32
    %dma_start3A_123 = arith.constant 0 : i32
    %dma_start3A_124 = arith.constant 0 : i32
    %dma_start3A_125 = tpu.memref_slice %arg6[%dma_start3A_122, %dma_start3A_123, %dma_start3A_124] : memref<2x1x128xi32, #tpu.memory_space<vmem>> -> memref<1x1x128xi32, #tpu.memory_space<vmem>>
    %dma_start3A_126 = tpu.memref_squeeze %dma_start3A_125 : memref<1x1x128xi32, #tpu.memory_space<vmem>> -> memref<1x128xi32, #tpu.memory_space<vmem>>
    %dma_start3A_127 = arith.constant 0 : i32
    %dma_start3A_128 = arith.constant 0 : i32
    %dma_start3A_129 = tpu.memref_slice %arg3[%add3A, %dma_start3A_121, %dma_start3A_127, %dma_start3A_128] : memref<32x80x1x128xi32, #tpu.memory_space<hbm>> -> memref<1x1x1x128xi32, #tpu.memory_space<hbm>>
    %dma_start3A_130 = tpu.memref_squeeze %dma_start3A_129 : memref<1x1x1x128xi32, #tpu.memory_space<hbm>> -> memref<1x128xi32, #tpu.memory_space<hbm>>
    %dma_start3A_131 = arith.constant 0 : i32
    %dma_start3A_132 = arith.constant 0 : i32
    %dma_start3A_133 = tpu.memref_slice %arg6[%dma_start3A_122, %dma_start3A_131, %dma_start3A_132] : memref<2x1x128xi32, #tpu.memory_space<vmem>> -> memref<1x1x128xi32, #tpu.memory_space<vmem>>
    %dma_start3A_134 = tpu.memref_squeeze %dma_start3A_133 : memref<1x1x128xi32, #tpu.memory_space<vmem>> -> memref<1x128xi32, #tpu.memory_space<vmem>>
    %dma_start3A_135 = arith.constant 0 : i32
    %dma_start3A_136 = arith.constant 0 : i32
    %dma_start3A_137 = tpu.memref_slice %arg3[%add3A, %dma_start3A_121, %dma_start3A_135, %dma_start3A_136] : memref<32x80x1x128xi32, #tpu.memory_space<hbm>> -> memref<1x1x1x128xi32, #tpu.memory_space<hbm>>
    %dma_start3A_138 = tpu.memref_squeeze %dma_start3A_137 : memref<1x1x1x128xi32, #tpu.memory_space<hbm>> -> memref<1x128xi32, #tpu.memory_space<hbm>>
    tpu.enqueue_dma source(%dma_start3A_138 : memref<1x128xi32, #tpu.memory_space<hbm>>) target(%dma_start3A_134 : memref<1x128xi32, #tpu.memory_space<vmem>>) target_semaphore(%arg14 : memref<!tpu.dma_semaphore, #tpu.memory_space<semaphore_mem>>)
    %dma_start3A_139 = arith.constant 1 : i32
    %dma_start3A_140 = arith.constant 1 : i32
    %dma_start3A_141 = arith.constant 0 : i32
    %dma_start3A_142 = arith.constant 0 : i32
    %dma_start3A_143 = tpu.memref_slice %arg7[%dma_start3A_140, %dma_start3A_141, %dma_start3A_142] : memref<2x1x128xi32, #tpu.memory_space<vmem>> -> memref<1x1x128xi32, #tpu.memory_space<vmem>>
    %dma_start3A_144 = tpu.memref_squeeze %dma_start3A_143 : memref<1x1x128xi32, #tpu.memory_space<vmem>> -> memref<1x128xi32, #tpu.memory_space<vmem>>
    %dma_start3A_145 = arith.constant 0 : i32
    %dma_start3A_146 = arith.constant 0 : i32
    %dma_start3A_147 = tpu.memref_slice %arg4[%add3A, %dma_start3A_139, %dma_start3A_145, %dma_start3A_146] : memref<32x80x1x128xi32, #tpu.memory_space<hbm>> -> memref<1x1x1x128xi32, #tpu.memory_space<hbm>>
    %dma_start3A_148 = tpu.memref_squeeze %dma_start3A_147 : memref<1x1x1x128xi32, #tpu.memory_space<hbm>> -> memref<1x128xi32, #tpu.memory_space<hbm>>
    %dma_start3A_149 = arith.constant 0 : i32
    %dma_start3A_150 = arith.constant 0 : i32
    %dma_start3A_151 = tpu.memref_slice %arg7[%dma_start3A_140, %dma_start3A_149, %dma_start3A_150] : memref<2x1x128xi32, #tpu.memory_space<vmem>> -> memref<1x1x128xi32, #tpu.memory_space<vmem>>
    %dma_start3A_152 = tpu.memref_squeeze %dma_start3A_151 : memref<1x1x128xi32, #tpu.memory_space<vmem>> -> memref<1x128xi32, #tpu.memory_space<vmem>>
    %dma_start3A_153 = arith.constant 0 : i32
    %dma_start3A_154 = arith.constant 0 : i32
    %dma_start3A_155 = tpu.memref_slice %arg4[%add3A, %dma_start3A_139, %dma_start3A_153, %dma_start3A_154] : memref<32x80x1x128xi32, #tpu.memory_space<hbm>> -> memref<1x1x1x128xi32, #tpu.memory_space<hbm>>
    %dma_start3A_156 = tpu.memref_squeeze %dma_start3A_155 : memref<1x1x1x128xi32, #tpu.memory_space<hbm>> -> memref<1x128xi32, #tpu.memory_space<hbm>>
    tpu.enqueue_dma source(%dma_start3A_156 : memref<1x128xi32, #tpu.memory_space<hbm>>) target(%dma_start3A_152 : memref<1x128xi32, #tpu.memory_space<vmem>>) target_semaphore(%arg14 : memref<!tpu.dma_semaphore, #tpu.memory_space<semaphore_mem>>)
    %scan3A_157 = arith.constant 0 : i32
    %scan3A_158 = arith.constant 0 : i32
    %scan3A_159 = arith.constant 40 : i32
    %scan3A_160 = arith.addi %scan3A_158, %scan3A_159 : i32
    %scan3A_161 = arith.constant 1 : i32
    scf.for %scan3A_217 = %scan3A_158 to %scan3A_160 step %scan3A_161  : i32 {
      %mul3A_218 = arith.constant 2 : i32
      %mul3A_219 = arith.muli %mul3A_218, %scan3A_217 : i32
      %dma_wait3A_220 = arith.constant 0 : i32
      %dma_wait3A_221 = arith.constant 1 : i32
      %dma_wait3A_222 = arith.constant 0 : i32
      %dma_wait3A_223 = arith.constant 0 : i32
      %dma_wait3A_224 = tpu.memref_slice %arg6[%dma_wait3A_221, %dma_wait3A_222, %dma_wait3A_223] : memref<2x1x128xi32, #tpu.memory_space<vmem>> -> memref<1x1x128xi32, #tpu.memory_space<vmem>>
      %dma_wait3A_225 = tpu.memref_squeeze %dma_wait3A_224 : memref<1x1x128xi32, #tpu.memory_space<vmem>> -> memref<1x128xi32, #tpu.memory_space<vmem>>
      %dma_wait3A_226 = arith.constant 0 : i32
      %dma_wait3A_227 = arith.constant 0 : i32
      %dma_wait3A_228 = tpu.memref_slice %arg3[%add3A, %dma_wait3A_220, %dma_wait3A_226, %dma_wait3A_227] : memref<32x80x1x128xi32, #tpu.memory_space<hbm>> -> memref<1x1x1x128xi32, #tpu.memory_space<hbm>>
      %dma_wait3A_229 = tpu.memref_squeeze %dma_wait3A_228 : memref<1x1x1x128xi32, #tpu.memory_space<hbm>> -> memref<1x128xi32, #tpu.memory_space<hbm>>
      %dma_wait3A_230 = arith.constant 0 : i32
      %dma_wait3A_231 = arith.constant 0 : i32
      %dma_wait3A_232 = tpu.memref_slice %arg6[%dma_wait3A_221, %dma_wait3A_230, %dma_wait3A_231] : memref<2x1x128xi32, #tpu.memory_space<vmem>> -> memref<1x1x128xi32, #tpu.memory_space<vmem>>
      %dma_wait3A_233 = tpu.memref_squeeze %dma_wait3A_232 : memref<1x1x128xi32, #tpu.memory_space<vmem>> -> memref<1x128xi32, #tpu.memory_space<vmem>>
      %dma_wait3A_234 = arith.constant 0 : i32
      %dma_wait3A_235 = arith.constant 0 : i32
      %dma_wait3A_236 = tpu.memref_slice %arg3[%add3A, %dma_wait3A_220, %dma_wait3A_234, %dma_wait3A_235] : memref<32x80x1x128xi32, #tpu.memory_space<hbm>> -> memref<1x1x1x128xi32, #tpu.memory_space<hbm>>
      %dma_wait3A_237 = tpu.memref_squeeze %dma_wait3A_236 : memref<1x1x1x128xi32, #tpu.memory_space<hbm>> -> memref<1x128xi32, #tpu.memory_space<hbm>>
      tpu.wait_dma2 semaphore(%arg14 : memref<!tpu.dma_semaphore, #tpu.memory_space<semaphore_mem>>) src(%dma_wait3A_237 : memref<1x128xi32, #tpu.memory_space<hbm>>) dst(%dma_wait3A_233 : memref<1x128xi32, #tpu.memory_space<vmem>>)
      %dma_wait3A_238 = arith.constant 0 : i32
      %dma_wait3A_239 = arith.constant 1 : i32
      %dma_wait3A_240 = arith.constant 0 : i32
      %dma_wait3A_241 = arith.constant 0 : i32
      %dma_wait3A_242 = tpu.memref_slice %arg7[%dma_wait3A_239, %dma_wait3A_240, %dma_wait3A_241] : memref<2x1x128xi32, #tpu.memory_space<vmem>> -> memref<1x1x128xi32, #tpu.memory_space<vmem>>
      %dma_wait3A_243 = tpu.memref_squeeze %dma_wait3A_242 : memref<1x1x128xi32, #tpu.memory_space<vmem>> -> memref<1x128xi32, #tpu.memory_space<vmem>>
      %dma_wait3A_244 = arith.constant 0 : i32
      %dma_wait3A_245 = arith.constant 0 : i32
      %dma_wait3A_246 = tpu.memref_slice %arg4[%add3A, %dma_wait3A_238, %dma_wait3A_244, %dma_wait3A_245] : memref<32x80x1x128xi32, #tpu.memory_space<hbm>> -> memref<1x1x1x128xi32, #tpu.memory_space<hbm>>
      %dma_wait3A_247 = tpu.memref_squeeze %dma_wait3A_246 : memref<1x1x1x128xi32, #tpu.memory_space<hbm>> -> memref<1x128xi32, #tpu.memory_space<hbm>>
      %dma_wait3A_248 = arith.constant 0 : i32
      %dma_wait3A_249 = arith.constant 0 : i32
      %dma_wait3A_250 = tpu.memref_slice %arg7[%dma_wait3A_239, %dma_wait3A_248, %dma_wait3A_249] : memref<2x1x128xi32, #tpu.memory_space<vmem>> -> memref<1x1x128xi32, #tpu.memory_space<vmem>>
      %dma_wait3A_251 = tpu.memref_squeeze %dma_wait3A_250 : memref<1x1x128xi32, #tpu.memory_space<vmem>> -> memref<1x128xi32, #tpu.memory_space<vmem>>
      %dma_wait3A_252 = arith.constant 0 : i32
      %dma_wait3A_253 = arith.constant 0 : i32
      %dma_wait3A_254 = tpu.memref_slice %arg4[%add3A, %dma_wait3A_238, %dma_wait3A_252, %dma_wait3A_253] : memref<32x80x1x128xi32, #tpu.memory_space<hbm>> -> memref<1x1x1x128xi32, #tpu.memory_space<hbm>>
      %dma_wait3A_255 = tpu.memref_squeeze %dma_wait3A_254 : memref<1x1x1x128xi32, #tpu.memory_space<hbm>> -> memref<1x128xi32, #tpu.memory_space<hbm>>
      tpu.wait_dma2 semaphore(%arg14 : memref<!tpu.dma_semaphore, #tpu.memory_space<semaphore_mem>>) src(%dma_wait3A_255 : memref<1x128xi32, #tpu.memory_space<hbm>>) dst(%dma_wait3A_251 : memref<1x128xi32, #tpu.memory_space<vmem>>)
      %dma_start3A_256 = arith.constant 1 : i32
      %dma_start3A_257 = arith.constant 0 : i32
      %dma_start3A_258 = arith.constant 1 : i32
      %dma_start3A_259 = arith.constant 0 : i32
      %dma_start3A_260 = arith.constant 0 : i32
      %dma_start3A_261 = tpu.memref_slice %arg8[%dma_start3A_258, %dma_start3A_259, %dma_start3A_260] : memref<2x128x16xf32, #tpu.memory_space<vmem>> -> memref<1x128x16xf32, #tpu.memory_space<vmem>>
      %dma_start3A_262 = tpu.memref_squeeze %dma_start3A_261 : memref<1x128x16xf32, #tpu.memory_space<vmem>> -> memref<128x16xf32, #tpu.memory_space<vmem>>
      %dma_start3A_263 = arith.constant 0 : i32
      %dma_start3A_264 = tpu.memref_slice %arg6[%dma_start3A_256, %dma_start3A_257, %dma_start3A_263] : memref<2x1x128xi32, #tpu.memory_space<vmem>> -> memref<1x1x128xi32, #tpu.memory_space<vmem>>
      %dma_start3A_265 = tpu.memref_squeeze %dma_start3A_264 : memref<1x1x128xi32, #tpu.memory_space<vmem>> -> memref<128xi32, #tpu.memory_space<vmem>>
      %dma_start3A_266 = arith.constant 0 : i32
      %dma_start3A_267 = arith.constant 0 : i32
      %dma_start3A_268 = tpu.memref_slice %arg2[%dma_start3A_266, %dma_start3A_267] : memref<10112x16xf32, #tpu.memory_space<hbm>> -> memref<10112x16xf32, #tpu.memory_space<hbm>>
      tpu.enqueue_indirect_dma source(%dma_start3A_268 : memref<10112x16xf32, #tpu.memory_space<hbm>>) target(%dma_start3A_262 : memref<128x16xf32, #tpu.memory_space<vmem>>) offsets(%dma_start3A_265 : memref<128xi32, #tpu.memory_space<vmem>>) semaphore(%arg12 : memref<!tpu.dma_semaphore, #tpu.memory_space<semaphore_mem>>)
      %dma_wait3A_269 = arith.constant 0 : i32
      %dma_wait3A_270 = arith.constant 0 : i32
      %dma_wait3A_271 = arith.constant 0 : i32
      %dma_wait3A_272 = arith.constant 0 : i32
      %dma_wait3A_273 = arith.constant 0 : i32
      %dma_wait3A_274 = tpu.memref_slice %arg8[%dma_wait3A_271, %dma_wait3A_272, %dma_wait3A_273] : memref<2x128x16xf32, #tpu.memory_space<vmem>> -> memref<1x128x16xf32, #tpu.memory_space<vmem>>
      %dma_wait3A_275 = tpu.memref_squeeze %dma_wait3A_274 : memref<1x128x16xf32, #tpu.memory_space<vmem>> -> memref<128x16xf32, #tpu.memory_space<vmem>>
      %dma_wait3A_276 = arith.constant 0 : i32
      %dma_wait3A_277 = tpu.memref_slice %arg6[%dma_wait3A_269, %dma_wait3A_270, %dma_wait3A_276] : memref<2x1x128xi32, #tpu.memory_space<vmem>> -> memref<1x1x128xi32, #tpu.memory_space<vmem>>
      %dma_wait3A_278 = tpu.memref_squeeze %dma_wait3A_277 : memref<1x1x128xi32, #tpu.memory_space<vmem>> -> memref<128xi32, #tpu.memory_space<vmem>>
      %dma_wait3A_279 = arith.constant 0 : i32
      %dma_wait3A_280 = arith.constant 0 : i32
      %dma_wait3A_281 = tpu.memref_slice %arg2[%dma_wait3A_279, %dma_wait3A_280] : memref<10112x16xf32, #tpu.memory_space<hbm>> -> memref<10112x16xf32, #tpu.memory_space<hbm>>
      tpu.wait_indirect_dma semaphore(%arg11 : memref<!tpu.dma_semaphore, #tpu.memory_space<semaphore_mem>>) src(%dma_wait3A_281 : memref<10112x16xf32, #tpu.memory_space<hbm>>) dst(%dma_wait3A_275 : memref<128x16xf32, #tpu.memory_space<vmem>>)
      %run_scoped3A = arith.constant 0 : i32
      %run_scoped3A_282 = arith.constant 0 : i32
      %run_scoped3A_283 = arith.constant 0 : i32
      "tpu.region"() ({
        %run_scoped3A_432 = tpu.sem_alloc : memref<!tpu.dma_semaphore, #tpu.memory_space<semaphore_mem>>
        %dma_start3A_433 = arith.constant 0 : i32
        %dma_start3A_434 = arith.constant 0 : i32
        %dma_start3A_435 = tpu.memref_slice %arg8[%run_scoped3A, %dma_start3A_433, %dma_start3A_434] : memref<2x128x16xf32, #tpu.memory_space<vmem>> -> memref<1x128x16xf32, #tpu.memory_space<vmem>>
        %dma_start3A_436 = tpu.memref_squeeze %dma_start3A_435 : memref<1x128x16xf32, #tpu.memory_space<vmem>> -> memref<128x16xf32, #tpu.memory_space<vmem>>
        %dma_start3A_437 = arith.constant 0 : i32
        %dma_start3A_438 = tpu.memref_slice %arg7[%run_scoped3A_282, %run_scoped3A_283, %dma_start3A_437] : memref<2x1x128xi32, #tpu.memory_space<vmem>> -> memref<1x1x128xi32, #tpu.memory_space<vmem>>
        %dma_start3A_439 = tpu.memref_squeeze %dma_start3A_438 : memref<1x1x128xi32, #tpu.memory_space<vmem>> -> memref<128xi32, #tpu.memory_space<vmem>>
        %dma_start3A_440 = arith.constant 0 : i32
        %dma_start3A_441 = arith.constant 0 : i32
        %dma_start3A_442 = tpu.memref_slice %arg10[%dma_start3A_440, %dma_start3A_441] : memref<10112x16xf32, #tpu.memory_space<vmem_shared>> -> memref<10112x16xf32, #tpu.memory_space<vmem_shared>>
        tpu.enqueue_indirect_dma source(%dma_start3A_436 : memref<128x16xf32, #tpu.memory_space<vmem>>) target(%dma_start3A_442 : memref<10112x16xf32, #tpu.memory_space<vmem_shared>>) offsets(%dma_start3A_439 : memref<128xi32, #tpu.memory_space<vmem>>) semaphore(%run_scoped3A_432 : memref<!tpu.dma_semaphore, #tpu.memory_space<semaphore_mem>>) {add = true}
        %dma_wait3A_443 = arith.constant 0 : i32
        %dma_wait3A_444 = arith.constant 0 : i32
        %dma_wait3A_445 = tpu.memref_slice %arg8[%run_scoped3A, %dma_wait3A_443, %dma_wait3A_444] : memref<2x128x16xf32, #tpu.memory_space<vmem>> -> memref<1x128x16xf32, #tpu.memory_space<vmem>>
        %dma_wait3A_446 = tpu.memref_squeeze %dma_wait3A_445 : memref<1x128x16xf32, #tpu.memory_space<vmem>> -> memref<128x16xf32, #tpu.memory_space<vmem>>
        %dma_wait3A_447 = arith.constant 0 : i32
        %dma_wait3A_448 = tpu.memref_slice %arg7[%run_scoped3A_282, %run_scoped3A_283, %dma_wait3A_447] : memref<2x1x128xi32, #tpu.memory_space<vmem>> -> memref<1x1x128xi32, #tpu.memory_space<vmem>>
        %dma_wait3A_449 = tpu.memref_squeeze %dma_wait3A_448 : memref<1x1x128xi32, #tpu.memory_space<vmem>> -> memref<128xi32, #tpu.memory_space<vmem>>
        %dma_wait3A_450 = arith.constant 0 : i32
        %dma_wait3A_451 = arith.constant 0 : i32
        %dma_wait3A_452 = tpu.memref_slice %arg10[%dma_wait3A_450, %dma_wait3A_451] : memref<10112x16xf32, #tpu.memory_space<vmem_shared>> -> memref<10112x16xf32, #tpu.memory_space<vmem_shared>>
        tpu.wait_indirect_dma semaphore(%run_scoped3A_432 : memref<!tpu.dma_semaphore, #tpu.memory_space<semaphore_mem>>) src(%dma_wait3A_446 : memref<128x16xf32, #tpu.memory_space<vmem>>) dst(%dma_wait3A_452 : memref<10112x16xf32, #tpu.memory_space<vmem_shared>>)
        tpu.yield
      }) : () -> ()
      %add3A_284 = arith.constant 2 : i32
      %add3A_285 = arith.addi %mul3A_219, %add3A_284 : i32
      %ge3A = arith.constant 80 : i32
      %ge3A_286 = arith.cmpi sge, %add3A_285, %ge3A : i32
      %sub3A = arith.constant 80 : i32
      %sub3A_287 = arith.subi %add3A_285, %sub3A : i32
      %select_n3A = arith.select %ge3A_286, %sub3A_287, %add3A_285 : i32
      %dma_start3A_288 = arith.constant 0 : i32
      %dma_start3A_289 = arith.constant 0 : i32
      %dma_start3A_290 = arith.constant 0 : i32
      %dma_start3A_291 = tpu.memref_slice %arg6[%dma_start3A_288, %dma_start3A_289, %dma_start3A_290] : memref<2x1x128xi32, #tpu.memory_space<vmem>> -> memref<1x1x128xi32, #tpu.memory_space<vmem>>
      %dma_start3A_292 = tpu.memref_squeeze %dma_start3A_291 : memref<1x1x128xi32, #tpu.memory_space<vmem>> -> memref<1x128xi32, #tpu.memory_space<vmem>>
      %dma_start3A_293 = arith.constant 0 : i32
      %dma_start3A_294 = arith.constant 0 : i32
      %dma_start3A_295 = tpu.memref_slice %arg3[%add3A, %select_n3A, %dma_start3A_293, %dma_start3A_294] : memref<32x80x1x128xi32, #tpu.memory_space<hbm>> -> memref<1x1x1x128xi32, #tpu.memory_space<hbm>>
      %dma_start3A_296 = tpu.memref_squeeze %dma_start3A_295 : memref<1x1x1x128xi32, #tpu.memory_space<hbm>> -> memref<1x128xi32, #tpu.memory_space<hbm>>
      %dma_start3A_297 = arith.constant 0 : i32
      %dma_start3A_298 = arith.constant 0 : i32
      %dma_start3A_299 = tpu.memref_slice %arg6[%dma_start3A_288, %dma_start3A_297, %dma_start3A_298] : memref<2x1x128xi32, #tpu.memory_space<vmem>> -> memref<1x1x128xi32, #tpu.memory_space<vmem>>
      %dma_start3A_300 = tpu.memref_squeeze %dma_start3A_299 : memref<1x1x128xi32, #tpu.memory_space<vmem>> -> memref<1x128xi32, #tpu.memory_space<vmem>>
      %dma_start3A_301 = arith.constant 0 : i32
      %dma_start3A_302 = arith.constant 0 : i32
      %dma_start3A_303 = tpu.memref_slice %arg3[%add3A, %select_n3A, %dma_start3A_301, %dma_start3A_302] : memref<32x80x1x128xi32, #tpu.memory_space<hbm>> -> memref<1x1x1x128xi32, #tpu.memory_space<hbm>>
      %dma_start3A_304 = tpu.memref_squeeze %dma_start3A_303 : memref<1x1x1x128xi32, #tpu.memory_space<hbm>> -> memref<1x128xi32, #tpu.memory_space<hbm>>
      tpu.enqueue_dma source(%dma_start3A_304 : memref<1x128xi32, #tpu.memory_space<hbm>>) target(%dma_start3A_300 : memref<1x128xi32, #tpu.memory_space<vmem>>) target_semaphore(%arg13 : memref<!tpu.dma_semaphore, #tpu.memory_space<semaphore_mem>>)
      %dma_start3A_305 = arith.constant 0 : i32
      %dma_start3A_306 = arith.constant 0 : i32
      %dma_start3A_307 = arith.constant 0 : i32
      %dma_start3A_308 = tpu.memref_slice %arg7[%dma_start3A_305, %dma_start3A_306, %dma_start3A_307] : memref<2x1x128xi32, #tpu.memory_space<vmem>> -> memref<1x1x128xi32, #tpu.memory_space<vmem>>
      %dma_start3A_309 = tpu.memref_squeeze %dma_start3A_308 : memref<1x1x128xi32, #tpu.memory_space<vmem>> -> memref<1x128xi32, #tpu.memory_space<vmem>>
      %dma_start3A_310 = arith.constant 0 : i32
      %dma_start3A_311 = arith.constant 0 : i32
      %dma_start3A_312 = tpu.memref_slice %arg4[%add3A, %select_n3A, %dma_start3A_310, %dma_start3A_311] : memref<32x80x1x128xi32, #tpu.memory_space<hbm>> -> memref<1x1x1x128xi32, #tpu.memory_space<hbm>>
      %dma_start3A_313 = tpu.memref_squeeze %dma_start3A_312 : memref<1x1x1x128xi32, #tpu.memory_space<hbm>> -> memref<1x128xi32, #tpu.memory_space<hbm>>
      %dma_start3A_314 = arith.constant 0 : i32
      %dma_start3A_315 = arith.constant 0 : i32
      %dma_start3A_316 = tpu.memref_slice %arg7[%dma_start3A_305, %dma_start3A_314, %dma_start3A_315] : memref<2x1x128xi32, #tpu.memory_space<vmem>> -> memref<1x1x128xi32, #tpu.memory_space<vmem>>
      %dma_start3A_317 = tpu.memref_squeeze %dma_start3A_316 : memref<1x1x128xi32, #tpu.memory_space<vmem>> -> memref<1x128xi32, #tpu.memory_space<vmem>>
      %dma_start3A_318 = arith.constant 0 : i32
      %dma_start3A_319 = arith.constant 0 : i32
      %dma_start3A_320 = tpu.memref_slice %arg4[%add3A, %select_n3A, %dma_start3A_318, %dma_start3A_319] : memref<32x80x1x128xi32, #tpu.memory_space<hbm>> -> memref<1x1x1x128xi32, #tpu.memory_space<hbm>>
      %dma_start3A_321 = tpu.memref_squeeze %dma_start3A_320 : memref<1x1x1x128xi32, #tpu.memory_space<hbm>> -> memref<1x128xi32, #tpu.memory_space<hbm>>
      tpu.enqueue_dma source(%dma_start3A_321 : memref<1x128xi32, #tpu.memory_space<hbm>>) target(%dma_start3A_317 : memref<1x128xi32, #tpu.memory_space<vmem>>) target_semaphore(%arg13 : memref<!tpu.dma_semaphore, #tpu.memory_space<semaphore_mem>>)
      %mul3A_322 = arith.constant 2 : i32
      %mul3A_323 = arith.muli %mul3A_322, %scan3A_217 : i32
      %add3A_324 = arith.constant 1 : i32
      %add3A_325 = arith.addi %mul3A_323, %add3A_324 : i32
      %dma_wait3A_326 = arith.constant 0 : i32
      %dma_wait3A_327 = arith.constant 0 : i32
      %dma_wait3A_328 = arith.constant 0 : i32
      %dma_wait3A_329 = arith.constant 0 : i32
      %dma_wait3A_330 = tpu.memref_slice %arg6[%dma_wait3A_327, %dma_wait3A_328, %dma_wait3A_329] : memref<2x1x128xi32, #tpu.memory_space<vmem>> -> memref<1x1x128xi32, #tpu.memory_space<vmem>>
      %dma_wait3A_331 = tpu.memref_squeeze %dma_wait3A_330 : memref<1x1x128xi32, #tpu.memory_space<vmem>> -> memref<1x128xi32, #tpu.memory_space<vmem>>
      %dma_wait3A_332 = arith.constant 0 : i32
      %dma_wait3A_333 = arith.constant 0 : i32
      %dma_wait3A_334 = tpu.memref_slice %arg3[%add3A, %dma_wait3A_326, %dma_wait3A_332, %dma_wait3A_333] : memref<32x80x1x128xi32, #tpu.memory_space<hbm>> -> memref<1x1x1x128xi32, #tpu.memory_space<hbm>>
      %dma_wait3A_335 = tpu.memref_squeeze %dma_wait3A_334 : memref<1x1x1x128xi32, #tpu.memory_space<hbm>> -> memref<1x128xi32, #tpu.memory_space<hbm>>
      %dma_wait3A_336 = arith.constant 0 : i32
      %dma_wait3A_337 = arith.constant 0 : i32
      %dma_wait3A_338 = tpu.memref_slice %arg6[%dma_wait3A_327, %dma_wait3A_336, %dma_wait3A_337] : memref<2x1x128xi32, #tpu.memory_space<vmem>> -> memref<1x1x128xi32, #tpu.memory_space<vmem>>
      %dma_wait3A_339 = tpu.memref_squeeze %dma_wait3A_338 : memref<1x1x128xi32, #tpu.memory_space<vmem>> -> memref<1x128xi32, #tpu.memory_space<vmem>>
      %dma_wait3A_340 = arith.constant 0 : i32
      %dma_wait3A_341 = arith.constant 0 : i32
      %dma_wait3A_342 = tpu.memref_slice %arg3[%add3A, %dma_wait3A_326, %dma_wait3A_340, %dma_wait3A_341] : memref<32x80x1x128xi32, #tpu.memory_space<hbm>> -> memref<1x1x1x128xi32, #tpu.memory_space<hbm>>
      %dma_wait3A_343 = tpu.memref_squeeze %dma_wait3A_342 : memref<1x1x1x128xi32, #tpu.memory_space<hbm>> -> memref<1x128xi32, #tpu.memory_space<hbm>>
      tpu.wait_dma2 semaphore(%arg13 : memref<!tpu.dma_semaphore, #tpu.memory_space<semaphore_mem>>) src(%dma_wait3A_343 : memref<1x128xi32, #tpu.memory_space<hbm>>) dst(%dma_wait3A_339 : memref<1x128xi32, #tpu.memory_space<vmem>>)
      %dma_wait3A_344 = arith.constant 0 : i32
      %dma_wait3A_345 = arith.constant 0 : i32
      %dma_wait3A_346 = arith.constant 0 : i32
      %dma_wait3A_347 = arith.constant 0 : i32
      %dma_wait3A_348 = tpu.memref_slice %arg7[%dma_wait3A_345, %dma_wait3A_346, %dma_wait3A_347] : memref<2x1x128xi32, #tpu.memory_space<vmem>> -> memref<1x1x128xi32, #tpu.memory_space<vmem>>
      %dma_wait3A_349 = tpu.memref_squeeze %dma_wait3A_348 : memref<1x1x128xi32, #tpu.memory_space<vmem>> -> memref<1x128xi32, #tpu.memory_space<vmem>>
      %dma_wait3A_350 = arith.constant 0 : i32
      %dma_wait3A_351 = arith.constant 0 : i32
      %dma_wait3A_352 = tpu.memref_slice %arg4[%add3A, %dma_wait3A_344, %dma_wait3A_350, %dma_wait3A_351] : memref<32x80x1x128xi32, #tpu.memory_space<hbm>> -> memref<1x1x1x128xi32, #tpu.memory_space<hbm>>
      %dma_wait3A_353 = tpu.memref_squeeze %dma_wait3A_352 : memref<1x1x1x128xi32, #tpu.memory_space<hbm>> -> memref<1x128xi32, #tpu.memory_space<hbm>>
      %dma_wait3A_354 = arith.constant 0 : i32
      %dma_wait3A_355 = arith.constant 0 : i32
      %dma_wait3A_356 = tpu.memref_slice %arg7[%dma_wait3A_345, %dma_wait3A_354, %dma_wait3A_355] : memref<2x1x128xi32, #tpu.memory_space<vmem>> -> memref<1x1x128xi32, #tpu.memory_space<vmem>>
      %dma_wait3A_357 = tpu.memref_squeeze %dma_wait3A_356 : memref<1x1x128xi32, #tpu.memory_space<vmem>> -> memref<1x128xi32, #tpu.memory_space<vmem>>
      %dma_wait3A_358 = arith.constant 0 : i32
      %dma_wait3A_359 = arith.constant 0 : i32
      %dma_wait3A_360 = tpu.memref_slice %arg4[%add3A, %dma_wait3A_344, %dma_wait3A_358, %dma_wait3A_359] : memref<32x80x1x128xi32, #tpu.memory_space<hbm>> -> memref<1x1x1x128xi32, #tpu.memory_space<hbm>>
      %dma_wait3A_361 = tpu.memref_squeeze %dma_wait3A_360 : memref<1x1x1x128xi32, #tpu.memory_space<hbm>> -> memref<1x128xi32, #tpu.memory_space<hbm>>
      tpu.wait_dma2 semaphore(%arg13 : memref<!tpu.dma_semaphore, #tpu.memory_space<semaphore_mem>>) src(%dma_wait3A_361 : memref<1x128xi32, #tpu.memory_space<hbm>>) dst(%dma_wait3A_357 : memref<1x128xi32, #tpu.memory_space<vmem>>)
      %dma_start3A_362 = arith.constant 0 : i32
      %dma_start3A_363 = arith.constant 0 : i32
      %dma_start3A_364 = arith.constant 0 : i32
      %dma_start3A_365 = arith.constant 0 : i32
      %dma_start3A_366 = arith.constant 0 : i32
      %dma_start3A_367 = tpu.memref_slice %arg8[%dma_start3A_364, %dma_start3A_365, %dma_start3A_366] : memref<2x128x16xf32, #tpu.memory_space<vmem>> -> memref<1x128x16xf32, #tpu.memory_space<vmem>>
      %dma_start3A_368 = tpu.memref_squeeze %dma_start3A_367 : memref<1x128x16xf32, #tpu.memory_space<vmem>> -> memref<128x16xf32, #tpu.memory_space<vmem>>
      %dma_start3A_369 = arith.constant 0 : i32
      %dma_start3A_370 = tpu.memref_slice %arg6[%dma_start3A_362, %dma_start3A_363, %dma_start3A_369] : memref<2x1x128xi32, #tpu.memory_space<vmem>> -> memref<1x1x128xi32, #tpu.memory_space<vmem>>
      %dma_start3A_371 = tpu.memref_squeeze %dma_start3A_370 : memref<1x1x128xi32, #tpu.memory_space<vmem>> -> memref<128xi32, #tpu.memory_space<vmem>>
      %dma_start3A_372 = arith.constant 0 : i32
      %dma_start3A_373 = arith.constant 0 : i32
      %dma_start3A_374 = tpu.memref_slice %arg2[%dma_start3A_372, %dma_start3A_373] : memref<10112x16xf32, #tpu.memory_space<hbm>> -> memref<10112x16xf32, #tpu.memory_space<hbm>>
      tpu.enqueue_indirect_dma source(%dma_start3A_374 : memref<10112x16xf32, #tpu.memory_space<hbm>>) target(%dma_start3A_368 : memref<128x16xf32, #tpu.memory_space<vmem>>) offsets(%dma_start3A_371 : memref<128xi32, #tpu.memory_space<vmem>>) semaphore(%arg11 : memref<!tpu.dma_semaphore, #tpu.memory_space<semaphore_mem>>)
      %dma_wait3A_375 = arith.constant 1 : i32
      %dma_wait3A_376 = arith.constant 0 : i32
      %dma_wait3A_377 = arith.constant 1 : i32
      %dma_wait3A_378 = arith.constant 0 : i32
      %dma_wait3A_379 = arith.constant 0 : i32
      %dma_wait3A_380 = tpu.memref_slice %arg8[%dma_wait3A_377, %dma_wait3A_378, %dma_wait3A_379] : memref<2x128x16xf32, #tpu.memory_space<vmem>> -> memref<1x128x16xf32, #tpu.memory_space<vmem>>
      %dma_wait3A_381 = tpu.memref_squeeze %dma_wait3A_380 : memref<1x128x16xf32, #tpu.memory_space<vmem>> -> memref<128x16xf32, #tpu.memory_space<vmem>>
      %dma_wait3A_382 = arith.constant 0 : i32
      %dma_wait3A_383 = tpu.memref_slice %arg6[%dma_wait3A_375, %dma_wait3A_376, %dma_wait3A_382] : memref<2x1x128xi32, #tpu.memory_space<vmem>> -> memref<1x1x128xi32, #tpu.memory_space<vmem>>
      %dma_wait3A_384 = tpu.memref_squeeze %dma_wait3A_383 : memref<1x1x128xi32, #tpu.memory_space<vmem>> -> memref<128xi32, #tpu.memory_space<vmem>>
      %dma_wait3A_385 = arith.constant 0 : i32
      %dma_wait3A_386 = arith.constant 0 : i32
      %dma_wait3A_387 = tpu.memref_slice %arg2[%dma_wait3A_385, %dma_wait3A_386] : memref<10112x16xf32, #tpu.memory_space<hbm>> -> memref<10112x16xf32, #tpu.memory_space<hbm>>
      tpu.wait_indirect_dma semaphore(%arg12 : memref<!tpu.dma_semaphore, #tpu.memory_space<semaphore_mem>>) src(%dma_wait3A_387 : memref<10112x16xf32, #tpu.memory_space<hbm>>) dst(%dma_wait3A_381 : memref<128x16xf32, #tpu.memory_space<vmem>>)
      %run_scoped3A_388 = arith.constant 1 : i32
      %run_scoped3A_389 = arith.constant 1 : i32
      %run_scoped3A_390 = arith.constant 0 : i32
      "tpu.region"() ({
        %run_scoped3A_432 = tpu.sem_alloc : memref<!tpu.dma_semaphore, #tpu.memory_space<semaphore_mem>>
        %dma_start3A_433 = arith.constant 0 : i32
        %dma_start3A_434 = arith.constant 0 : i32
        %dma_start3A_435 = tpu.memref_slice %arg8[%run_scoped3A_388, %dma_start3A_433, %dma_start3A_434] : memref<2x128x16xf32, #tpu.memory_space<vmem>> -> memref<1x128x16xf32, #tpu.memory_space<vmem>>
        %dma_start3A_436 = tpu.memref_squeeze %dma_start3A_435 : memref<1x128x16xf32, #tpu.memory_space<vmem>> -> memref<128x16xf32, #tpu.memory_space<vmem>>
        %dma_start3A_437 = arith.constant 0 : i32
        %dma_start3A_438 = tpu.memref_slice %arg7[%run_scoped3A_389, %run_scoped3A_390, %dma_start3A_437] : memref<2x1x128xi32, #tpu.memory_space<vmem>> -> memref<1x1x128xi32, #tpu.memory_space<vmem>>
        %dma_start3A_439 = tpu.memref_squeeze %dma_start3A_438 : memref<1x1x128xi32, #tpu.memory_space<vmem>> -> memref<128xi32, #tpu.memory_space<vmem>>
        %dma_start3A_440 = arith.constant 0 : i32
        %dma_start3A_441 = arith.constant 0 : i32
        %dma_start3A_442 = tpu.memref_slice %arg10[%dma_start3A_440, %dma_start3A_441] : memref<10112x16xf32, #tpu.memory_space<vmem_shared>> -> memref<10112x16xf32, #tpu.memory_space<vmem_shared>>
        tpu.enqueue_indirect_dma source(%dma_start3A_436 : memref<128x16xf32, #tpu.memory_space<vmem>>) target(%dma_start3A_442 : memref<10112x16xf32, #tpu.memory_space<vmem_shared>>) offsets(%dma_start3A_439 : memref<128xi32, #tpu.memory_space<vmem>>) semaphore(%run_scoped3A_432 : memref<!tpu.dma_semaphore, #tpu.memory_space<semaphore_mem>>) {add = true}
        %dma_wait3A_443 = arith.constant 0 : i32
        %dma_wait3A_444 = arith.constant 0 : i32
        %dma_wait3A_445 = tpu.memref_slice %arg8[%run_scoped3A_388, %dma_wait3A_443, %dma_wait3A_444] : memref<2x128x16xf32, #tpu.memory_space<vmem>> -> memref<1x128x16xf32, #tpu.memory_space<vmem>>
        %dma_wait3A_446 = tpu.memref_squeeze %dma_wait3A_445 : memref<1x128x16xf32, #tpu.memory_space<vmem>> -> memref<128x16xf32, #tpu.memory_space<vmem>>
        %dma_wait3A_447 = arith.constant 0 : i32
        %dma_wait3A_448 = tpu.memref_slice %arg7[%run_scoped3A_389, %run_scoped3A_390, %dma_wait3A_447] : memref<2x1x128xi32, #tpu.memory_space<vmem>> -> memref<1x1x128xi32, #tpu.memory_space<vmem>>
        %dma_wait3A_449 = tpu.memref_squeeze %dma_wait3A_448 : memref<1x1x128xi32, #tpu.memory_space<vmem>> -> memref<128xi32, #tpu.memory_space<vmem>>
        %dma_wait3A_450 = arith.constant 0 : i32
        %dma_wait3A_451 = arith.constant 0 : i32
        %dma_wait3A_452 = tpu.memref_slice %arg10[%dma_wait3A_450, %dma_wait3A_451] : memref<10112x16xf32, #tpu.memory_space<vmem_shared>> -> memref<10112x16xf32, #tpu.memory_space<vmem_shared>>
        tpu.wait_indirect_dma semaphore(%run_scoped3A_432 : memref<!tpu.dma_semaphore, #tpu.memory_space<semaphore_mem>>) src(%dma_wait3A_446 : memref<128x16xf32, #tpu.memory_space<vmem>>) dst(%dma_wait3A_452 : memref<10112x16xf32, #tpu.memory_space<vmem_shared>>)
        tpu.yield
      }) : () -> ()
      %add3A_391 = arith.constant 2 : i32
      %add3A_392 = arith.addi %add3A_325, %add3A_391 : i32
      %ge3A_393 = arith.constant 80 : i32
      %ge3A_394 = arith.cmpi sge, %add3A_392, %ge3A_393 : i32
      %sub3A_395 = arith.constant 80 : i32
      %sub3A_396 = arith.subi %add3A_392, %sub3A_395 : i32
      %select_n3A_397 = arith.select %ge3A_394, %sub3A_396, %add3A_392 : i32
      %dma_start3A_398 = arith.constant 1 : i32
      %dma_start3A_399 = arith.constant 0 : i32
      %dma_start3A_400 = arith.constant 0 : i32
      %dma_start3A_401 = tpu.memref_slice %arg6[%dma_start3A_398, %dma_start3A_399, %dma_start3A_400] : memref<2x1x128xi32, #tpu.memory_space<vmem>> -> memref<1x1x128xi32, #tpu.memory_space<vmem>>
      %dma_start3A_402 = tpu.memref_squeeze %dma_start3A_401 : memref<1x1x128xi32, #tpu.memory_space<vmem>> -> memref<1x128xi32, #tpu.memory_space<vmem>>
      %dma_start3A_403 = arith.constant 0 : i32
      %dma_start3A_404 = arith.constant 0 : i32
      %dma_start3A_405 = tpu.memref_slice %arg3[%add3A, %select_n3A_397, %dma_start3A_403, %dma_start3A_404] : memref<32x80x1x128xi32, #tpu.memory_space<hbm>> -> memref<1x1x1x128xi32, #tpu.memory_space<hbm>>
      %dma_start3A_406 = tpu.memref_squeeze %dma_start3A_405 : memref<1x1x1x128xi32, #tpu.memory_space<hbm>> -> memref<1x128xi32, #tpu.memory_space<hbm>>
      %dma_start3A_407 = arith.constant 0 : i32
      %dma_start3A_408 = arith.constant 0 : i32
      %dma_start3A_409 = tpu.memref_slice %arg6[%dma_start3A_398, %dma_start3A_407, %dma_start3A_408] : memref<2x1x128xi32, #tpu.memory_space<vmem>> -> memref<1x1x128xi32, #tpu.memory_space<vmem>>
      %dma_start3A_410 = tpu.memref_squeeze %dma_start3A_409 : memref<1x1x128xi32, #tpu.memory_space<vmem>> -> memref<1x128xi32, #tpu.memory_space<vmem>>
      %dma_start3A_411 = arith.constant 0 : i32
      %dma_start3A_412 = arith.constant 0 : i32
      %dma_start3A_413 = tpu.memref_slice %arg3[%add3A, %select_n3A_397, %dma_start3A_411, %dma_start3A_412] : memref<32x80x1x128xi32, #tpu.memory_space<hbm>> -> memref<1x1x1x128xi32, #tpu.memory_space<hbm>>
      %dma_start3A_414 = tpu.memref_squeeze %dma_start3A_413 : memref<1x1x1x128xi32, #tpu.memory_space<hbm>> -> memref<1x128xi32, #tpu.memory_space<hbm>>
      tpu.enqueue_dma source(%dma_start3A_414 : memref<1x128xi32, #tpu.memory_space<hbm>>) target(%dma_start3A_410 : memref<1x128xi32, #tpu.memory_space<vmem>>) target_semaphore(%arg14 : memref<!tpu.dma_semaphore, #tpu.memory_space<semaphore_mem>>)
      %dma_start3A_415 = arith.constant 1 : i32
      %dma_start3A_416 = arith.constant 0 : i32
      %dma_start3A_417 = arith.constant 0 : i32
      %dma_start3A_418 = tpu.memref_slice %arg7[%dma_start3A_415, %dma_start3A_416, %dma_start3A_417] : memref<2x1x128xi32, #tpu.memory_space<vmem>> -> memref<1x1x128xi32, #tpu.memory_space<vmem>>
      %dma_start3A_419 = tpu.memref_squeeze %dma_start3A_418 : memref<1x1x128xi32, #tpu.memory_space<vmem>> -> memref<1x128xi32, #tpu.memory_space<vmem>>
      %dma_start3A_420 = arith.constant 0 : i32
      %dma_start3A_421 = arith.constant 0 : i32
      %dma_start3A_422 = tpu.memref_slice %arg4[%add3A, %select_n3A_397, %dma_start3A_420, %dma_start3A_421] : memref<32x80x1x128xi32, #tpu.memory_space<hbm>> -> memref<1x1x1x128xi32, #tpu.memory_space<hbm>>
      %dma_start3A_423 = tpu.memref_squeeze %dma_start3A_422 : memref<1x1x1x128xi32, #tpu.memory_space<hbm>> -> memref<1x128xi32, #tpu.memory_space<hbm>>
      %dma_start3A_424 = arith.constant 0 : i32
      %dma_start3A_425 = arith.constant 0 : i32
      %dma_start3A_426 = tpu.memref_slice %arg7[%dma_start3A_415, %dma_start3A_424, %dma_start3A_425] : memref<2x1x128xi32, #tpu.memory_space<vmem>> -> memref<1x1x128xi32, #tpu.memory_space<vmem>>
      %dma_start3A_427 = tpu.memref_squeeze %dma_start3A_426 : memref<1x1x128xi32, #tpu.memory_space<vmem>> -> memref<1x128xi32, #tpu.memory_space<vmem>>
      %dma_start3A_428 = arith.constant 0 : i32
      %dma_start3A_429 = arith.constant 0 : i32
      %dma_start3A_430 = tpu.memref_slice %arg4[%add3A, %select_n3A_397, %dma_start3A_428, %dma_start3A_429] : memref<32x80x1x128xi32, #tpu.memory_space<hbm>> -> memref<1x1x1x128xi32, #tpu.memory_space<hbm>>
      %dma_start3A_431 = tpu.memref_squeeze %dma_start3A_430 : memref<1x1x1x128xi32, #tpu.memory_space<hbm>> -> memref<1x128xi32, #tpu.memory_space<hbm>>
      tpu.enqueue_dma source(%dma_start3A_431 : memref<1x128xi32, #tpu.memory_space<hbm>>) target(%dma_start3A_427 : memref<1x128xi32, #tpu.memory_space<vmem>>) target_semaphore(%arg14 : memref<!tpu.dma_semaphore, #tpu.memory_space<semaphore_mem>>)
    }
    %scan3A_162 = arith.constant 40 : i32
    %dma_wait3A_163 = arith.constant 0 : i32
    %dma_wait3A_164 = arith.constant 0 : i32
    %dma_wait3A_165 = arith.constant 0 : i32
    %dma_wait3A_166 = arith.constant 0 : i32
    %dma_wait3A_167 = arith.constant 0 : i32
    %dma_wait3A_168 = tpu.memref_slice %arg8[%dma_wait3A_165, %dma_wait3A_166, %dma_wait3A_167] : memref<2x128x16xf32, #tpu.memory_space<vmem>> -> memref<1x128x16xf32, #tpu.memory_space<vmem>>
    %dma_wait3A_169 = tpu.memref_squeeze %dma_wait3A_168 : memref<1x128x16xf32, #tpu.memory_space<vmem>> -> memref<128x16xf32, #tpu.memory_space<vmem>>
    %dma_wait3A_170 = arith.constant 0 : i32
    %dma_wait3A_171 = tpu.memref_slice %arg6[%dma_wait3A_163, %dma_wait3A_164, %dma_wait3A_170] : memref<2x1x128xi32, #tpu.memory_space<vmem>> -> memref<1x1x128xi32, #tpu.memory_space<vmem>>
    %dma_wait3A_172 = tpu.memref_squeeze %dma_wait3A_171 : memref<1x1x128xi32, #tpu.memory_space<vmem>> -> memref<128xi32, #tpu.memory_space<vmem>>
    %dma_wait3A_173 = arith.constant 0 : i32
    %dma_wait3A_174 = arith.constant 0 : i32
    %dma_wait3A_175 = tpu.memref_slice %arg2[%dma_wait3A_173, %dma_wait3A_174] : memref<10112x16xf32, #tpu.memory_space<hbm>> -> memref<10112x16xf32, #tpu.memory_space<hbm>>
    tpu.wait_indirect_dma semaphore(%arg11 : memref<!tpu.dma_semaphore, #tpu.memory_space<semaphore_mem>>) src(%dma_wait3A_175 : memref<10112x16xf32, #tpu.memory_space<hbm>>) dst(%dma_wait3A_169 : memref<128x16xf32, #tpu.memory_space<vmem>>)
    %dma_wait3A_176 = arith.constant 0 : i32
    %dma_wait3A_177 = arith.constant 1 : i32
    %dma_wait3A_178 = arith.constant 0 : i32
    %dma_wait3A_179 = arith.constant 0 : i32
    %dma_wait3A_180 = tpu.memref_slice %arg6[%dma_wait3A_177, %dma_wait3A_178, %dma_wait3A_179] : memref<2x1x128xi32, #tpu.memory_space<vmem>> -> memref<1x1x128xi32, #tpu.memory_space<vmem>>
    %dma_wait3A_181 = tpu.memref_squeeze %dma_wait3A_180 : memref<1x1x128xi32, #tpu.memory_space<vmem>> -> memref<1x128xi32, #tpu.memory_space<vmem>>
    %dma_wait3A_182 = arith.constant 0 : i32
    %dma_wait3A_183 = arith.constant 0 : i32
    %dma_wait3A_184 = tpu.memref_slice %arg3[%add3A, %dma_wait3A_176, %dma_wait3A_182, %dma_wait3A_183] : memref<32x80x1x128xi32, #tpu.memory_space<hbm>> -> memref<1x1x1x128xi32, #tpu.memory_space<hbm>>
    %dma_wait3A_185 = tpu.memref_squeeze %dma_wait3A_184 : memref<1x1x1x128xi32, #tpu.memory_space<hbm>> -> memref<1x128xi32, #tpu.memory_space<hbm>>
    %dma_wait3A_186 = arith.constant 0 : i32
    %dma_wait3A_187 = arith.constant 0 : i32
    %dma_wait3A_188 = tpu.memref_slice %arg6[%dma_wait3A_177, %dma_wait3A_186, %dma_wait3A_187] : memref<2x1x128xi32, #tpu.memory_space<vmem>> -> memref<1x1x128xi32, #tpu.memory_space<vmem>>
    %dma_wait3A_189 = tpu.memref_squeeze %dma_wait3A_188 : memref<1x1x128xi32, #tpu.memory_space<vmem>> -> memref<1x128xi32, #tpu.memory_space<vmem>>
    %dma_wait3A_190 = arith.constant 0 : i32
    %dma_wait3A_191 = arith.constant 0 : i32
    %dma_wait3A_192 = tpu.memref_slice %arg3[%add3A, %dma_wait3A_176, %dma_wait3A_190, %dma_wait3A_191] : memref<32x80x1x128xi32, #tpu.memory_space<hbm>> -> memref<1x1x1x128xi32, #tpu.memory_space<hbm>>
    %dma_wait3A_193 = tpu.memref_squeeze %dma_wait3A_192 : memref<1x1x1x128xi32, #tpu.memory_space<hbm>> -> memref<1x128xi32, #tpu.memory_space<hbm>>
    tpu.wait_dma2 semaphore(%arg14 : memref<!tpu.dma_semaphore, #tpu.memory_space<semaphore_mem>>) src(%dma_wait3A_193 : memref<1x128xi32, #tpu.memory_space<hbm>>) dst(%dma_wait3A_189 : memref<1x128xi32, #tpu.memory_space<vmem>>)
    %dma_wait3A_194 = arith.constant 0 : i32
    %dma_wait3A_195 = arith.constant 1 : i32
    %dma_wait3A_196 = arith.constant 0 : i32
    %dma_wait3A_197 = arith.constant 0 : i32
    %dma_wait3A_198 = tpu.memref_slice %arg7[%dma_wait3A_195, %dma_wait3A_196, %dma_wait3A_197] : memref<2x1x128xi32, #tpu.memory_space<vmem>> -> memref<1x1x128xi32, #tpu.memory_space<vmem>>
    %dma_wait3A_199 = tpu.memref_squeeze %dma_wait3A_198 : memref<1x1x128xi32, #tpu.memory_space<vmem>> -> memref<1x128xi32, #tpu.memory_space<vmem>>
    %dma_wait3A_200 = arith.constant 0 : i32
    %dma_wait3A_201 = arith.constant 0 : i32
    %dma_wait3A_202 = tpu.memref_slice %arg4[%add3A, %dma_wait3A_194, %dma_wait3A_200, %dma_wait3A_201] : memref<32x80x1x128xi32, #tpu.memory_space<hbm>> -> memref<1x1x1x128xi32, #tpu.memory_space<hbm>>
    %dma_wait3A_203 = tpu.memref_squeeze %dma_wait3A_202 : memref<1x1x1x128xi32, #tpu.memory_space<hbm>> -> memref<1x128xi32, #tpu.memory_space<hbm>>
    %dma_wait3A_204 = arith.constant 0 : i32
    %dma_wait3A_205 = arith.constant 0 : i32
    %dma_wait3A_206 = tpu.memref_slice %arg7[%dma_wait3A_195, %dma_wait3A_204, %dma_wait3A_205] : memref<2x1x128xi32, #tpu.memory_space<vmem>> -> memref<1x1x128xi32, #tpu.memory_space<vmem>>
    %dma_wait3A_207 = tpu.memref_squeeze %dma_wait3A_206 : memref<1x1x128xi32, #tpu.memory_space<vmem>> -> memref<1x128xi32, #tpu.memory_space<vmem>>
    %dma_wait3A_208 = arith.constant 0 : i32
    %dma_wait3A_209 = arith.constant 0 : i32
    %dma_wait3A_210 = tpu.memref_slice %arg4[%add3A, %dma_wait3A_194, %dma_wait3A_208, %dma_wait3A_209] : memref<32x80x1x128xi32, #tpu.memory_space<hbm>> -> memref<1x1x1x128xi32, #tpu.memory_space<hbm>>
    %dma_wait3A_211 = tpu.memref_squeeze %dma_wait3A_210 : memref<1x1x1x128xi32, #tpu.memory_space<hbm>> -> memref<1x128xi32, #tpu.memory_space<hbm>>
    tpu.wait_dma2 semaphore(%arg14 : memref<!tpu.dma_semaphore, #tpu.memory_space<semaphore_mem>>) src(%dma_wait3A_211 : memref<1x128xi32, #tpu.memory_space<hbm>>) dst(%dma_wait3A_207 : memref<1x128xi32, #tpu.memory_space<vmem>>)
    %barrier3A_212 = arith.constant 0 : index
    tpu.barrier barrier_id(%barrier3A_212)
    %mul3A_213 = arith.constant 632 : i32
    %mul3A_214 = arith.muli %arg1, %mul3A_213 : i32
    %mul3A_215 = arith.constant 632 : i32
    %mul3A_216 = arith.muli %arg1, %mul3A_215 : i32
    "tpu.region"() ({
      %run_scoped3A = tpu.sem_alloc : memref<!tpu.dma_semaphore, #tpu.memory_space<semaphore_mem>>
      %dma_start3A_217 = arith.constant 0 : i32
      %dma_start3A_218 = tpu.memref_slice %arg5[%arg0, %mul3A_216, %dma_start3A_217] : memref<2x10112x16xf32, #tpu.memory_space<hbm>> -> memref<1x632x16xf32, #tpu.memory_space<hbm>>
      %dma_start3A_219 = tpu.memref_squeeze %dma_start3A_218 : memref<1x632x16xf32, #tpu.memory_space<hbm>> -> memref<632x16xf32, #tpu.memory_space<hbm>>
      %dma_start3A_220 = arith.constant 0 : i32
      %dma_start3A_221 = tpu.memref_slice %arg10[%mul3A_214, %dma_start3A_220] : memref<10112x16xf32, #tpu.memory_space<vmem_shared>> -> memref<632x16xf32, #tpu.memory_space<vmem_shared>>
      tpu.enqueue_dma source(%dma_start3A_221 : memref<632x16xf32, #tpu.memory_space<vmem_shared>>) target(%dma_start3A_219 : memref<632x16xf32, #tpu.memory_space<hbm>>) target_semaphore(%run_scoped3A : memref<!tpu.dma_semaphore, #tpu.memory_space<semaphore_mem>>)
      %dma_wait3A_222 = arith.constant 0 : i32
      %dma_wait3A_223 = tpu.memref_slice %arg5[%arg0, %mul3A_216, %dma_wait3A_222] : memref<2x10112x16xf32, #tpu.memory_space<hbm>> -> memref<1x632x16xf32, #tpu.memory_space<hbm>>
      %dma_wait3A_224 = tpu.memref_squeeze %dma_wait3A_223 : memref<1x632x16xf32, #tpu.memory_space<hbm>> -> memref<632x16xf32, #tpu.memory_space<hbm>>
      %dma_wait3A_225 = arith.constant 0 : i32
      %dma_wait3A_226 = tpu.memref_slice %arg10[%mul3A_214, %dma_wait3A_225] : memref<10112x16xf32, #tpu.memory_space<vmem_shared>> -> memref<632x16xf32, #tpu.memory_space<vmem_shared>>
      tpu.wait_dma2 semaphore(%run_scoped3A : memref<!tpu.dma_semaphore, #tpu.memory_space<semaphore_mem>>) src(%dma_wait3A_226 : memref<632x16xf32, #tpu.memory_space<vmem_shared>>) dst(%dma_wait3A_224 : memref<632x16xf32, #tpu.memory_space<hbm>>)
      tpu.yield
    }) : () -> ()
    return
  }
}

#map = affine_map<(d0, d1) -> (0, 0)>
#map1 = affine_map<(d0, d1) -> (0, 0, 0, 0)>
#map2 = affine_map<(d0, d1) -> (0, 0, 0)>
module attributes {stable_mosaic.version = 14 : i64} {
  func.func @_agg(%arg0: i32, %arg1: i32, %arg2: memref<10112x16xf32, #tpu.memory_space<hbm>>, %arg3: memref<32x80x1x128xi32, #tpu.memory_space<hbm>>, %arg4: memref<32x80x1x128xi32, #tpu.memory_space<hbm>>, %arg5: memref<2x10112x16xf32, #tpu.memory_space<hbm>>, %arg6: memref<2x1x128xi32, #tpu.memory_space<vmem>>, %arg7: memref<2x1x128xi32, #tpu.memory_space<vmem>>, %arg8: memref<2x128x16xf32, #tpu.memory_space<vmem>>, %arg9: memref<79x16xf32, #tpu.memory_space<vmem>>, %arg10: memref<10112x16xf32, #tpu.memory_space<vmem_shared>>, %arg11: memref<!tpu.dma_semaphore, #tpu.memory_space<semaphore_mem>>, %arg12: memref<!tpu.dma_semaphore, #tpu.memory_space<semaphore_mem>>, %arg13: memref<!tpu.dma_semaphore, #tpu.memory_space<semaphore_mem>>, %arg14: memref<!tpu.dma_semaphore, #tpu.memory_space<semaphore_mem>>) attributes {dimension_semantics = [#tpu.dimension_semantics<core_parallel>, #tpu.dimension_semantics<subcore_parallel>], iteration_bounds = array<i64: 2, 16>, scalar_prefetch = 0 : i64, scratch_operands = 9 : i64, tpu.core_type = #tpu.core_type<sc_vector_subcore>, window_params = [{transform_indices = #map}, {transform_indices = #map1}, {transform_indices = #map1}, {transform_indices = #map2}]} {
    %mul3A = arith.constant 16 : i32
    %mul3A_0 = arith.muli %arg0, %mul3A : i32
    %add3A = arith.addi %mul3A_0, %arg1 : i32
    %scan3A = arith.constant 0 : i32
    %scan3A_1 = arith.constant 0 : i32
    %scan3A_2 = arith.constant 79 : i32
    %scan3A_3 = arith.addi %scan3A_1, %scan3A_2 : i32
    %scan3A_4 = arith.constant 1 : i32
    scf.for %scan3A_217 = %scan3A_1 to %scan3A_3 step %scan3A_4  : i32 {
      %broadcast_in_dim3A = arith.constant 0.000000e+00 : f32
      %broadcast_in_dim3A_218 = vector.broadcast %broadcast_in_dim3A : f32 to vector<16xf32>
      %swap3A = arith.index_cast %scan3A_217 : i32 to index
      %swap3A_219 = arith.constant 0 : index
      %swap3A_220 = tpu.vector_load %arg9[%swap3A, %swap3A_219] {strides = array<i32>} : memref<79x16xf32, #tpu.memory_space<vmem>>, vector<1x16xf32>,
      %swap3A_221 = vector.shape_cast %swap3A_220 : vector<1x16xf32> to vector<16xf32>
      %swap3A_222 = vector.shape_cast %broadcast_in_dim3A_218 : vector<16xf32> to vector<1x16xf32>
      tpu.vector_store %arg9[%swap3A, %swap3A_219], %swap3A_222 {strides = array<i32>} : memref<79x16xf32, #tpu.memory_space<vmem>>, vector<1x16xf32>,
    }
    %scan3A_5 = arith.constant 79 : i32
    %mul3A_6 = arith.constant 632 : i32
    %mul3A_7 = arith.muli %arg1, %mul3A_6 : i32
    %add3A_8 = arith.constant 0 : i32
    %add3A_9 = arith.addi %mul3A_7, %add3A_8 : i32
    "tpu.region"() ({
      %run_scoped3A = tpu.sem_alloc : memref<!tpu.dma_semaphore, #tpu.memory_space<semaphore_mem>>
      %dma_start3A_217 = arith.constant 0 : i32
      %dma_start3A_218 = tpu.memref_slice %arg10[%add3A_9, %dma_start3A_217] : memref<10112x16xf32, #tpu.memory_space<vmem_shared>> -> memref<79x16xf32, #tpu.memory_space<vmem_shared>>
      %dma_start3A_219 = arith.constant 0 : i32
      %dma_start3A_220 = tpu.memref_slice %arg10[%add3A_9, %dma_start3A_219] : memref<10112x16xf32, #tpu.memory_space<vmem_shared>> -> memref<79x16xf32, #tpu.memory_space<vmem_shared>>
      tpu.enqueue_dma source(%arg9 : memref<79x16xf32, #tpu.memory_space<vmem>>) target(%dma_start3A_220 : memref<79x16xf32, #tpu.memory_space<vmem_shared>>) target_semaphore(%run_scoped3A : memref<!tpu.dma_semaphore, #tpu.memory_space<semaphore_mem>>)
      %dma_wait3A_221 = arith.constant 0 : i32
      %dma_wait3A_222 = tpu.memref_slice %arg10[%add3A_9, %dma_wait3A_221] : memref<10112x16xf32, #tpu.memory_space<vmem_shared>> -> memref<79x16xf32, #tpu.memory_space<vmem_shared>>
      %dma_wait3A_223 = arith.constant 0 : i32
      %dma_wait3A_224 = tpu.memref_slice %arg10[%add3A_9, %dma_wait3A_223] : memref<10112x16xf32, #tpu.memory_space<vmem_shared>> -> memref<79x16xf32, #tpu.memory_space<vmem_shared>>
      tpu.wait_dma2 semaphore(%run_scoped3A : memref<!tpu.dma_semaphore, #tpu.memory_space<semaphore_mem>>) src(%arg9 : memref<79x16xf32, #tpu.memory_space<vmem>>) dst(%dma_wait3A_224 : memref<79x16xf32, #tpu.memory_space<vmem_shared>>)
      tpu.yield
    }) : () -> ()
    %mul3A_10 = arith.constant 632 : i32
    %mul3A_11 = arith.muli %arg1, %mul3A_10 : i32
    %add3A_12 = arith.constant 79 : i32
    %add3A_13 = arith.addi %mul3A_11, %add3A_12 : i32
    "tpu.region"() ({
      %run_scoped3A = tpu.sem_alloc : memref<!tpu.dma_semaphore, #tpu.memory_space<semaphore_mem>>
      %dma_start3A_217 = arith.constant 0 : i32
      %dma_start3A_218 = tpu.memref_slice %arg10[%add3A_13, %dma_start3A_217] : memref<10112x16xf32, #tpu.memory_space<vmem_shared>> -> memref<79x16xf32, #tpu.memory_space<vmem_shared>>
      %dma_start3A_219 = arith.constant 0 : i32
      %dma_start3A_220 = tpu.memref_slice %arg10[%add3A_13, %dma_start3A_219] : memref<10112x16xf32, #tpu.memory_space<vmem_shared>> -> memref<79x16xf32, #tpu.memory_space<vmem_shared>>
      tpu.enqueue_dma source(%arg9 : memref<79x16xf32, #tpu.memory_space<vmem>>) target(%dma_start3A_220 : memref<79x16xf32, #tpu.memory_space<vmem_shared>>) target_semaphore(%run_scoped3A : memref<!tpu.dma_semaphore, #tpu.memory_space<semaphore_mem>>)
      %dma_wait3A_221 = arith.constant 0 : i32
      %dma_wait3A_222 = tpu.memref_slice %arg10[%add3A_13, %dma_wait3A_221] : memref<10112x16xf32, #tpu.memory_space<vmem_shared>> -> memref<79x16xf32, #tpu.memory_space<vmem_shared>>
      %dma_wait3A_223 = arith.constant 0 : i32
      %dma_wait3A_224 = tpu.memref_slice %arg10[%add3A_13, %dma_wait3A_223] : memref<10112x16xf32, #tpu.memory_space<vmem_shared>> -> memref<79x16xf32, #tpu.memory_space<vmem_shared>>
      tpu.wait_dma2 semaphore(%run_scoped3A : memref<!tpu.dma_semaphore, #tpu.memory_space<semaphore_mem>>) src(%arg9 : memref<79x16xf32, #tpu.memory_space<vmem>>) dst(%dma_wait3A_224 : memref<79x16xf32, #tpu.memory_space<vmem_shared>>)
      tpu.yield
    }) : () -> ()
    %mul3A_14 = arith.constant 632 : i32
    %mul3A_15 = arith.muli %arg1, %mul3A_14 : i32
    %add3A_16 = arith.constant 158 : i32
    %add3A_17 = arith.addi %mul3A_15, %add3A_16 : i32
    "tpu.region"() ({
      %run_scoped3A = tpu.sem_alloc : memref<!tpu.dma_semaphore, #tpu.memory_space<semaphore_mem>>
      %dma_start3A_217 = arith.constant 0 : i32
      %dma_start3A_218 = tpu.memref_slice %arg10[%add3A_17, %dma_start3A_217] : memref<10112x16xf32, #tpu.memory_space<vmem_shared>> -> memref<79x16xf32, #tpu.memory_space<vmem_shared>>
      %dma_start3A_219 = arith.constant 0 : i32
      %dma_start3A_220 = tpu.memref_slice %arg10[%add3A_17, %dma_start3A_219] : memref<10112x16xf32, #tpu.memory_space<vmem_shared>> -> memref<79x16xf32, #tpu.memory_space<vmem_shared>>
      tpu.enqueue_dma source(%arg9 : memref<79x16xf32, #tpu.memory_space<vmem>>) target(%dma_start3A_220 : memref<79x16xf32, #tpu.memory_space<vmem_shared>>) target_semaphore(%run_scoped3A : memref<!tpu.dma_semaphore, #tpu.memory_space<semaphore_mem>>)
      %dma_wait3A_221 = arith.constant 0 : i32
      %dma_wait3A_222 = tpu.memref_slice %arg10[%add3A_17, %dma_wait3A_221] : memref<10112x16xf32, #tpu.memory_space<vmem_shared>> -> memref<79x16xf32, #tpu.memory_space<vmem_shared>>
      %dma_wait3A_223 = arith.constant 0 : i32
      %dma_wait3A_224 = tpu.memref_slice %arg10[%add3A_17, %dma_wait3A_223] : memref<10112x16xf32, #tpu.memory_space<vmem_shared>> -> memref<79x16xf32, #tpu.memory_space<vmem_shared>>
      tpu.wait_dma2 semaphore(%run_scoped3A : memref<!tpu.dma_semaphore, #tpu.memory_space<semaphore_mem>>) src(%arg9 : memref<79x16xf32, #tpu.memory_space<vmem>>) dst(%dma_wait3A_224 : memref<79x16xf32, #tpu.memory_space<vmem_shared>>)
      tpu.yield
    }) : () -> ()
    %mul3A_18 = arith.constant 632 : i32
    %mul3A_19 = arith.muli %arg1, %mul3A_18 : i32
    %add3A_20 = arith.constant 237 : i32
    %add3A_21 = arith.addi %mul3A_19, %add3A_20 : i32
    "tpu.region"() ({
      %run_scoped3A = tpu.sem_alloc : memref<!tpu.dma_semaphore, #tpu.memory_space<semaphore_mem>>
      %dma_start3A_217 = arith.constant 0 : i32
      %dma_start3A_218 = tpu.memref_slice %arg10[%add3A_21, %dma_start3A_217] : memref<10112x16xf32, #tpu.memory_space<vmem_shared>> -> memref<79x16xf32, #tpu.memory_space<vmem_shared>>
      %dma_start3A_219 = arith.constant 0 : i32
      %dma_start3A_220 = tpu.memref_slice %arg10[%add3A_21, %dma_start3A_219] : memref<10112x16xf32, #tpu.memory_space<vmem_shared>> -> memref<79x16xf32, #tpu.memory_space<vmem_shared>>
      tpu.enqueue_dma source(%arg9 : memref<79x16xf32, #tpu.memory_space<vmem>>) target(%dma_start3A_220 : memref<79x16xf32, #tpu.memory_space<vmem_shared>>) target_semaphore(%run_scoped3A : memref<!tpu.dma_semaphore, #tpu.memory_space<semaphore_mem>>)
      %dma_wait3A_221 = arith.constant 0 : i32
      %dma_wait3A_222 = tpu.memref_slice %arg10[%add3A_21, %dma_wait3A_221] : memref<10112x16xf32, #tpu.memory_space<vmem_shared>> -> memref<79x16xf32, #tpu.memory_space<vmem_shared>>
      %dma_wait3A_223 = arith.constant 0 : i32
      %dma_wait3A_224 = tpu.memref_slice %arg10[%add3A_21, %dma_wait3A_223] : memref<10112x16xf32, #tpu.memory_space<vmem_shared>> -> memref<79x16xf32, #tpu.memory_space<vmem_shared>>
      tpu.wait_dma2 semaphore(%run_scoped3A : memref<!tpu.dma_semaphore, #tpu.memory_space<semaphore_mem>>) src(%arg9 : memref<79x16xf32, #tpu.memory_space<vmem>>) dst(%dma_wait3A_224 : memref<79x16xf32, #tpu.memory_space<vmem_shared>>)
      tpu.yield
    }) : () -> ()
    %mul3A_22 = arith.constant 632 : i32
    %mul3A_23 = arith.muli %arg1, %mul3A_22 : i32
    %add3A_24 = arith.constant 316 : i32
    %add3A_25 = arith.addi %mul3A_23, %add3A_24 : i32
    "tpu.region"() ({
      %run_scoped3A = tpu.sem_alloc : memref<!tpu.dma_semaphore, #tpu.memory_space<semaphore_mem>>
      %dma_start3A_217 = arith.constant 0 : i32
      %dma_start3A_218 = tpu.memref_slice %arg10[%add3A_25, %dma_start3A_217] : memref<10112x16xf32, #tpu.memory_space<vmem_shared>> -> memref<79x16xf32, #tpu.memory_space<vmem_shared>>
      %dma_start3A_219 = arith.constant 0 : i32
      %dma_start3A_220 = tpu.memref_slice %arg10[%add3A_25, %dma_start3A_219] : memref<10112x16xf32, #tpu.memory_space<vmem_shared>> -> memref<79x16xf32, #tpu.memory_space<vmem_shared>>
      tpu.enqueue_dma source(%arg9 : memref<79x16xf32, #tpu.memory_space<vmem>>) target(%dma_start3A_220 : memref<79x16xf32, #tpu.memory_space<vmem_shared>>) target_semaphore(%run_scoped3A : memref<!tpu.dma_semaphore, #tpu.memory_space<semaphore_mem>>)
      %dma_wait3A_221 = arith.constant 0 : i32
      %dma_wait3A_222 = tpu.memref_slice %arg10[%add3A_25, %dma_wait3A_221] : memref<10112x16xf32, #tpu.memory_space<vmem_shared>> -> memref<79x16xf32, #tpu.memory_space<vmem_shared>>
      %dma_wait3A_223 = arith.constant 0 : i32
      %dma_wait3A_224 = tpu.memref_slice %arg10[%add3A_25, %dma_wait3A_223] : memref<10112x16xf32, #tpu.memory_space<vmem_shared>> -> memref<79x16xf32, #tpu.memory_space<vmem_shared>>
      tpu.wait_dma2 semaphore(%run_scoped3A : memref<!tpu.dma_semaphore, #tpu.memory_space<semaphore_mem>>) src(%arg9 : memref<79x16xf32, #tpu.memory_space<vmem>>) dst(%dma_wait3A_224 : memref<79x16xf32, #tpu.memory_space<vmem_shared>>)
      tpu.yield
    }) : () -> ()
    %mul3A_26 = arith.constant 632 : i32
    %mul3A_27 = arith.muli %arg1, %mul3A_26 : i32
    %add3A_28 = arith.constant 395 : i32
    %add3A_29 = arith.addi %mul3A_27, %add3A_28 : i32
    "tpu.region"() ({
      %run_scoped3A = tpu.sem_alloc : memref<!tpu.dma_semaphore, #tpu.memory_space<semaphore_mem>>
      %dma_start3A_217 = arith.constant 0 : i32
      %dma_start3A_218 = tpu.memref_slice %arg10[%add3A_29, %dma_start3A_217] : memref<10112x16xf32, #tpu.memory_space<vmem_shared>> -> memref<79x16xf32, #tpu.memory_space<vmem_shared>>
      %dma_start3A_219 = arith.constant 0 : i32
      %dma_start3A_220 = tpu.memref_slice %arg10[%add3A_29, %dma_start3A_219] : memref<10112x16xf32, #tpu.memory_space<vmem_shared>> -> memref<79x16xf32, #tpu.memory_space<vmem_shared>>
      tpu.enqueue_dma source(%arg9 : memref<79x16xf32, #tpu.memory_space<vmem>>) target(%dma_start3A_220 : memref<79x16xf32, #tpu.memory_space<vmem_shared>>) target_semaphore(%run_scoped3A : memref<!tpu.dma_semaphore, #tpu.memory_space<semaphore_mem>>)
      %dma_wait3A_221 = arith.constant 0 : i32
      %dma_wait3A_222 = tpu.memref_slice %arg10[%add3A_29, %dma_wait3A_221] : memref<10112x16xf32, #tpu.memory_space<vmem_shared>> -> memref<79x16xf32, #tpu.memory_space<vmem_shared>>
      %dma_wait3A_223 = arith.constant 0 : i32
      %dma_wait3A_224 = tpu.memref_slice %arg10[%add3A_29, %dma_wait3A_223] : memref<10112x16xf32, #tpu.memory_space<vmem_shared>> -> memref<79x16xf32, #tpu.memory_space<vmem_shared>>
      tpu.wait_dma2 semaphore(%run_scoped3A : memref<!tpu.dma_semaphore, #tpu.memory_space<semaphore_mem>>) src(%arg9 : memref<79x16xf32, #tpu.memory_space<vmem>>) dst(%dma_wait3A_224 : memref<79x16xf32, #tpu.memory_space<vmem_shared>>)
      tpu.yield
    }) : () -> ()
    %mul3A_30 = arith.constant 632 : i32
    %mul3A_31 = arith.muli %arg1, %mul3A_30 : i32
    %add3A_32 = arith.constant 474 : i32
    %add3A_33 = arith.addi %mul3A_31, %add3A_32 : i32
    "tpu.region"() ({
      %run_scoped3A = tpu.sem_alloc : memref<!tpu.dma_semaphore, #tpu.memory_space<semaphore_mem>>
      %dma_start3A_217 = arith.constant 0 : i32
      %dma_start3A_218 = tpu.memref_slice %arg10[%add3A_33, %dma_start3A_217] : memref<10112x16xf32, #tpu.memory_space<vmem_shared>> -> memref<79x16xf32, #tpu.memory_space<vmem_shared>>
      %dma_start3A_219 = arith.constant 0 : i32
      %dma_start3A_220 = tpu.memref_slice %arg10[%add3A_33, %dma_start3A_219] : memref<10112x16xf32, #tpu.memory_space<vmem_shared>> -> memref<79x16xf32, #tpu.memory_space<vmem_shared>>
      tpu.enqueue_dma source(%arg9 : memref<79x16xf32, #tpu.memory_space<vmem>>) target(%dma_start3A_220 : memref<79x16xf32, #tpu.memory_space<vmem_shared>>) target_semaphore(%run_scoped3A : memref<!tpu.dma_semaphore, #tpu.memory_space<semaphore_mem>>)
      %dma_wait3A_221 = arith.constant 0 : i32
      %dma_wait3A_222 = tpu.memref_slice %arg10[%add3A_33, %dma_wait3A_221] : memref<10112x16xf32, #tpu.memory_space<vmem_shared>> -> memref<79x16xf32, #tpu.memory_space<vmem_shared>>
      %dma_wait3A_223 = arith.constant 0 : i32
      %dma_wait3A_224 = tpu.memref_slice %arg10[%add3A_33, %dma_wait3A_223] : memref<10112x16xf32, #tpu.memory_space<vmem_shared>> -> memref<79x16xf32, #tpu.memory_space<vmem_shared>>
      tpu.wait_dma2 semaphore(%run_scoped3A : memref<!tpu.dma_semaphore, #tpu.memory_space<semaphore_mem>>) src(%arg9 : memref<79x16xf32, #tpu.memory_space<vmem>>) dst(%dma_wait3A_224 : memref<79x16xf32, #tpu.memory_space<vmem_shared>>)
      tpu.yield
    }) : () -> ()
    %mul3A_34 = arith.constant 632 : i32
    %mul3A_35 = arith.muli %arg1, %mul3A_34 : i32
    %add3A_36 = arith.constant 553 : i32
    %add3A_37 = arith.addi %mul3A_35, %add3A_36 : i32
    "tpu.region"() ({
      %run_scoped3A = tpu.sem_alloc : memref<!tpu.dma_semaphore, #tpu.memory_space<semaphore_mem>>
      %dma_start3A_217 = arith.constant 0 : i32
      %dma_start3A_218 = tpu.memref_slice %arg10[%add3A_37, %dma_start3A_217] : memref<10112x16xf32, #tpu.memory_space<vmem_shared>> -> memref<79x16xf32, #tpu.memory_space<vmem_shared>>
      %dma_start3A_219 = arith.constant 0 : i32
      %dma_start3A_220 = tpu.memref_slice %arg10[%add3A_37, %dma_start3A_219] : memref<10112x16xf32, #tpu.memory_space<vmem_shared>> -> memref<79x16xf32, #tpu.memory_space<vmem_shared>>
      tpu.enqueue_dma source(%arg9 : memref<79x16xf32, #tpu.memory_space<vmem>>) target(%dma_start3A_220 : memref<79x16xf32, #tpu.memory_space<vmem_shared>>) target_semaphore(%run_scoped3A : memref<!tpu.dma_semaphore, #tpu.memory_space<semaphore_mem>>)
      %dma_wait3A_221 = arith.constant 0 : i32
      %dma_wait3A_222 = tpu.memref_slice %arg10[%add3A_37, %dma_wait3A_221] : memref<10112x16xf32, #tpu.memory_space<vmem_shared>> -> memref<79x16xf32, #tpu.memory_space<vmem_shared>>
      %dma_wait3A_223 = arith.constant 0 : i32
      %dma_wait3A_224 = tpu.memref_slice %arg10[%add3A_37, %dma_wait3A_223] : memref<10112x16xf32, #tpu.memory_space<vmem_shared>> -> memref<79x16xf32, #tpu.memory_space<vmem_shared>>
      tpu.wait_dma2 semaphore(%run_scoped3A : memref<!tpu.dma_semaphore, #tpu.memory_space<semaphore_mem>>) src(%arg9 : memref<79x16xf32, #tpu.memory_space<vmem>>) dst(%dma_wait3A_224 : memref<79x16xf32, #tpu.memory_space<vmem_shared>>)
      tpu.yield
    }) : () -> ()
    %barrier3A = arith.constant 0 : index
    tpu.barrier barrier_id(%barrier3A)
    %dma_start3A = arith.constant 0 : i32
    %dma_start3A_38 = arith.constant 0 : i32
    %dma_start3A_39 = arith.constant 0 : i32
    %dma_start3A_40 = arith.constant 0 : i32
    %dma_start3A_41 = tpu.memref_slice %arg6[%dma_start3A_38, %dma_start3A_39, %dma_start3A_40] : memref<2x1x128xi32, #tpu.memory_space<vmem>> -> memref<1x1x128xi32, #tpu.memory_space<vmem>>
    %dma_start3A_42 = tpu.memref_squeeze %dma_start3A_41 : memref<1x1x128xi32, #tpu.memory_space<vmem>> -> memref<1x128xi32, #tpu.memory_space<vmem>>
    %dma_start3A_43 = arith.constant 0 : i32
    %dma_start3A_44 = arith.constant 0 : i32
    %dma_start3A_45 = tpu.memref_slice %arg3[%add3A, %dma_start3A, %dma_start3A_43, %dma_start3A_44] : memref<32x80x1x128xi32, #tpu.memory_space<hbm>> -> memref<1x1x1x128xi32, #tpu.memory_space<hbm>>
    %dma_start3A_46 = tpu.memref_squeeze %dma_start3A_45 : memref<1x1x1x128xi32, #tpu.memory_space<hbm>> -> memref<1x128xi32, #tpu.memory_space<hbm>>
    %dma_start3A_47 = arith.constant 0 : i32
    %dma_start3A_48 = arith.constant 0 : i32
    %dma_start3A_49 = tpu.memref_slice %arg6[%dma_start3A_38, %dma_start3A_47, %dma_start3A_48] : memref<2x1x128xi32, #tpu.memory_space<vmem>> -> memref<1x1x128xi32, #tpu.memory_space<vmem>>
    %dma_start3A_50 = tpu.memref_squeeze %dma_start3A_49 : memref<1x1x128xi32, #tpu.memory_space<vmem>> -> memref<1x128xi32, #tpu.memory_space<vmem>>
    %dma_start3A_51 = arith.constant 0 : i32
    %dma_start3A_52 = arith.constant 0 : i32
    %dma_start3A_53 = tpu.memref_slice %arg3[%add3A, %dma_start3A, %dma_start3A_51, %dma_start3A_52] : memref<32x80x1x128xi32, #tpu.memory_space<hbm>> -> memref<1x1x1x128xi32, #tpu.memory_space<hbm>>
    %dma_start3A_54 = tpu.memref_squeeze %dma_start3A_53 : memref<1x1x1x128xi32, #tpu.memory_space<hbm>> -> memref<1x128xi32, #tpu.memory_space<hbm>>
    tpu.enqueue_dma source(%dma_start3A_54 : memref<1x128xi32, #tpu.memory_space<hbm>>) target(%dma_start3A_50 : memref<1x128xi32, #tpu.memory_space<vmem>>) target_semaphore(%arg13 : memref<!tpu.dma_semaphore, #tpu.memory_space<semaphore_mem>>)
    %dma_start3A_55 = arith.constant 0 : i32
    %dma_start3A_56 = arith.constant 0 : i32
    %dma_start3A_57 = arith.constant 0 : i32
    %dma_start3A_58 = arith.constant 0 : i32
    %dma_start3A_59 = tpu.memref_slice %arg7[%dma_start3A_56, %dma_start3A_57, %dma_start3A_58] : memref<2x1x128xi32, #tpu.memory_space<vmem>> -> memref<1x1x128xi32, #tpu.memory_space<vmem>>
    %dma_start3A_60 = tpu.memref_squeeze %dma_start3A_59 : memref<1x1x128xi32, #tpu.memory_space<vmem>> -> memref<1x128xi32, #tpu.memory_space<vmem>>
    %dma_start3A_61 = arith.constant 0 : i32
    %dma_start3A_62 = arith.constant 0 : i32
    %dma_start3A_63 = tpu.memref_slice %arg4[%add3A, %dma_start3A_55, %dma_start3A_61, %dma_start3A_62] : memref<32x80x1x128xi32, #tpu.memory_space<hbm>> -> memref<1x1x1x128xi32, #tpu.memory_space<hbm>>
    %dma_start3A_64 = tpu.memref_squeeze %dma_start3A_63 : memref<1x1x1x128xi32, #tpu.memory_space<hbm>> -> memref<1x128xi32, #tpu.memory_space<hbm>>
    %dma_start3A_65 = arith.constant 0 : i32
    %dma_start3A_66 = arith.constant 0 : i32
    %dma_start3A_67 = tpu.memref_slice %arg7[%dma_start3A_56, %dma_start3A_65, %dma_start3A_66] : memref<2x1x128xi32, #tpu.memory_space<vmem>> -> memref<1x1x128xi32, #tpu.memory_space<vmem>>
    %dma_start3A_68 = tpu.memref_squeeze %dma_start3A_67 : memref<1x1x128xi32, #tpu.memory_space<vmem>> -> memref<1x128xi32, #tpu.memory_space<vmem>>
    %dma_start3A_69 = arith.constant 0 : i32
    %dma_start3A_70 = arith.constant 0 : i32
    %dma_start3A_71 = tpu.memref_slice %arg4[%add3A, %dma_start3A_55, %dma_start3A_69, %dma_start3A_70] : memref<32x80x1x128xi32, #tpu.memory_space<hbm>> -> memref<1x1x1x128xi32, #tpu.memory_space<hbm>>
    %dma_start3A_72 = tpu.memref_squeeze %dma_start3A_71 : memref<1x1x1x128xi32, #tpu.memory_space<hbm>> -> memref<1x128xi32, #tpu.memory_space<hbm>>
    tpu.enqueue_dma source(%dma_start3A_72 : memref<1x128xi32, #tpu.memory_space<hbm>>) target(%dma_start3A_68 : memref<1x128xi32, #tpu.memory_space<vmem>>) target_semaphore(%arg13 : memref<!tpu.dma_semaphore, #tpu.memory_space<semaphore_mem>>)
    %dma_wait3A = arith.constant 0 : i32
    %dma_wait3A_73 = arith.constant 0 : i32
    %dma_wait3A_74 = arith.constant 0 : i32
    %dma_wait3A_75 = arith.constant 0 : i32
    %dma_wait3A_76 = tpu.memref_slice %arg6[%dma_wait3A_73, %dma_wait3A_74, %dma_wait3A_75] : memref<2x1x128xi32, #tpu.memory_space<vmem>> -> memref<1x1x128xi32, #tpu.memory_space<vmem>>
    %dma_wait3A_77 = tpu.memref_squeeze %dma_wait3A_76 : memref<1x1x128xi32, #tpu.memory_space<vmem>> -> memref<1x128xi32, #tpu.memory_space<vmem>>
    %dma_wait3A_78 = arith.constant 0 : i32
    %dma_wait3A_79 = arith.constant 0 : i32
    %dma_wait3A_80 = tpu.memref_slice %arg3[%add3A, %dma_wait3A, %dma_wait3A_78, %dma_wait3A_79] : memref<32x80x1x128xi32, #tpu.memory_space<hbm>> -> memref<1x1x1x128xi32, #tpu.memory_space<hbm>>
    %dma_wait3A_81 = tpu.memref_squeeze %dma_wait3A_80 : memref<1x1x1x128xi32, #tpu.memory_space<hbm>> -> memref<1x128xi32, #tpu.memory_space<hbm>>
    %dma_wait3A_82 = arith.constant 0 : i32
    %dma_wait3A_83 = arith.constant 0 : i32
    %dma_wait3A_84 = tpu.memref_slice %arg6[%dma_wait3A_73, %dma_wait3A_82, %dma_wait3A_83] : memref<2x1x128xi32, #tpu.memory_space<vmem>> -> memref<1x1x128xi32, #tpu.memory_space<vmem>>
    %dma_wait3A_85 = tpu.memref_squeeze %dma_wait3A_84 : memref<1x1x128xi32, #tpu.memory_space<vmem>> -> memref<1x128xi32, #tpu.memory_space<vmem>>
    %dma_wait3A_86 = arith.constant 0 : i32
    %dma_wait3A_87 = arith.constant 0 : i32
    %dma_wait3A_88 = tpu.memref_slice %arg3[%add3A, %dma_wait3A, %dma_wait3A_86, %dma_wait3A_87] : memref<32x80x1x128xi32, #tpu.memory_space<hbm>> -> memref<1x1x1x128xi32, #tpu.memory_space<hbm>>
    %dma_wait3A_89 = tpu.memref_squeeze %dma_wait3A_88 : memref<1x1x1x128xi32, #tpu.memory_space<hbm>> -> memref<1x128xi32, #tpu.memory_space<hbm>>
    tpu.wait_dma2 semaphore(%arg13 : memref<!tpu.dma_semaphore, #tpu.memory_space<semaphore_mem>>) src(%dma_wait3A_89 : memref<1x128xi32, #tpu.memory_space<hbm>>) dst(%dma_wait3A_85 : memref<1x128xi32, #tpu.memory_space<vmem>>)
    %dma_wait3A_90 = arith.constant 0 : i32
    %dma_wait3A_91 = arith.constant 0 : i32
    %dma_wait3A_92 = arith.constant 0 : i32
    %dma_wait3A_93 = arith.constant 0 : i32
    %dma_wait3A_94 = tpu.memref_slice %arg7[%dma_wait3A_91, %dma_wait3A_92, %dma_wait3A_93] : memref<2x1x128xi32, #tpu.memory_space<vmem>> -> memref<1x1x128xi32, #tpu.memory_space<vmem>>
    %dma_wait3A_95 = tpu.memref_squeeze %dma_wait3A_94 : memref<1x1x128xi32, #tpu.memory_space<vmem>> -> memref<1x128xi32, #tpu.memory_space<vmem>>
    %dma_wait3A_96 = arith.constant 0 : i32
    %dma_wait3A_97 = arith.constant 0 : i32
    %dma_wait3A_98 = tpu.memref_slice %arg4[%add3A, %dma_wait3A_90, %dma_wait3A_96, %dma_wait3A_97] : memref<32x80x1x128xi32, #tpu.memory_space<hbm>> -> memref<1x1x1x128xi32, #tpu.memory_space<hbm>>
    %dma_wait3A_99 = tpu.memref_squeeze %dma_wait3A_98 : memref<1x1x1x128xi32, #tpu.memory_space<hbm>> -> memref<1x128xi32, #tpu.memory_space<hbm>>
    %dma_wait3A_100 = arith.constant 0 : i32
    %dma_wait3A_101 = arith.constant 0 : i32
    %dma_wait3A_102 = tpu.memref_slice %arg7[%dma_wait3A_91, %dma_wait3A_100, %dma_wait3A_101] : memref<2x1x128xi32, #tpu.memory_space<vmem>> -> memref<1x1x128xi32, #tpu.memory_space<vmem>>
    %dma_wait3A_103 = tpu.memref_squeeze %dma_wait3A_102 : memref<1x1x128xi32, #tpu.memory_space<vmem>> -> memref<1x128xi32, #tpu.memory_space<vmem>>
    %dma_wait3A_104 = arith.constant 0 : i32
    %dma_wait3A_105 = arith.constant 0 : i32
    %dma_wait3A_106 = tpu.memref_slice %arg4[%add3A, %dma_wait3A_90, %dma_wait3A_104, %dma_wait3A_105] : memref<32x80x1x128xi32, #tpu.memory_space<hbm>> -> memref<1x1x1x128xi32, #tpu.memory_space<hbm>>
    %dma_wait3A_107 = tpu.memref_squeeze %dma_wait3A_106 : memref<1x1x1x128xi32, #tpu.memory_space<hbm>> -> memref<1x128xi32, #tpu.memory_space<hbm>>
    tpu.wait_dma2 semaphore(%arg13 : memref<!tpu.dma_semaphore, #tpu.memory_space<semaphore_mem>>) src(%dma_wait3A_107 : memref<1x128xi32, #tpu.memory_space<hbm>>) dst(%dma_wait3A_103 : memref<1x128xi32, #tpu.memory_space<vmem>>)
    %dma_start3A_108 = arith.constant 0 : i32
    %dma_start3A_109 = arith.constant 0 : i32
    %dma_start3A_110 = arith.constant 0 : i32
    %dma_start3A_111 = arith.constant 0 : i32
    %dma_start3A_112 = arith.constant 0 : i32
    %dma_start3A_113 = tpu.memref_slice %arg8[%dma_start3A_110, %dma_start3A_111, %dma_start3A_112] : memref<2x128x16xf32, #tpu.memory_space<vmem>> -> memref<1x128x16xf32, #tpu.memory_space<vmem>>
    %dma_start3A_114 = tpu.memref_squeeze %dma_start3A_113 : memref<1x128x16xf32, #tpu.memory_space<vmem>> -> memref<128x16xf32, #tpu.memory_space<vmem>>
    %dma_start3A_115 = arith.constant 0 : i32
    %dma_start3A_116 = tpu.memref_slice %arg6[%dma_start3A_108, %dma_start3A_109, %dma_start3A_115] : memref<2x1x128xi32, #tpu.memory_space<vmem>> -> memref<1x1x128xi32, #tpu.memory_space<vmem>>
    %dma_start3A_117 = tpu.memref_squeeze %dma_start3A_116 : memref<1x1x128xi32, #tpu.memory_space<vmem>> -> memref<128xi32, #tpu.memory_space<vmem>>
    %dma_start3A_118 = arith.constant 0 : i32
    %dma_start3A_119 = arith.constant 0 : i32
    %dma_start3A_120 = tpu.memref_slice %arg2[%dma_start3A_118, %dma_start3A_119] : memref<10112x16xf32, #tpu.memory_space<hbm>> -> memref<10112x16xf32, #tpu.memory_space<hbm>>
    tpu.enqueue_indirect_dma source(%dma_start3A_120 : memref<10112x16xf32, #tpu.memory_space<hbm>>) target(%dma_start3A_114 : memref<128x16xf32, #tpu.memory_space<vmem>>) offsets(%dma_start3A_117 : memref<128xi32, #tpu.memory_space<vmem>>) semaphore(%arg11 : memref<!tpu.dma_semaphore, #tpu.memory_space<semaphore_mem>>)
    %dma_start3A_121 = arith.constant 1 : i32
    %dma_start3A_122 = arith.constant 1 : i32
    %dma_start3A_123 = arith.constant 0 : i32
    %dma_start3A_124 = arith.constant 0 : i32
    %dma_start3A_125 = tpu.memref_slice %arg6[%dma_start3A_122, %dma_start3A_123, %dma_start3A_124] : memref<2x1x128xi32, #tpu.memory_space<vmem>> -> memref<1x1x128xi32, #tpu.memory_space<vmem>>
    %dma_start3A_126 = tpu.memref_squeeze %dma_start3A_125 : memref<1x1x128xi32, #tpu.memory_space<vmem>> -> memref<1x128xi32, #tpu.memory_space<vmem>>
    %dma_start3A_127 = arith.constant 0 : i32
    %dma_start3A_128 = arith.constant 0 : i32
    %dma_start3A_129 = tpu.memref_slice %arg3[%add3A, %dma_start3A_121, %dma_start3A_127, %dma_start3A_128] : memref<32x80x1x128xi32, #tpu.memory_space<hbm>> -> memref<1x1x1x128xi32, #tpu.memory_space<hbm>>
    %dma_start3A_130 = tpu.memref_squeeze %dma_start3A_129 : memref<1x1x1x128xi32, #tpu.memory_space<hbm>> -> memref<1x128xi32, #tpu.memory_space<hbm>>
    %dma_start3A_131 = arith.constant 0 : i32
    %dma_start3A_132 = arith.constant 0 : i32
    %dma_start3A_133 = tpu.memref_slice %arg6[%dma_start3A_122, %dma_start3A_131, %dma_start3A_132] : memref<2x1x128xi32, #tpu.memory_space<vmem>> -> memref<1x1x128xi32, #tpu.memory_space<vmem>>
    %dma_start3A_134 = tpu.memref_squeeze %dma_start3A_133 : memref<1x1x128xi32, #tpu.memory_space<vmem>> -> memref<1x128xi32, #tpu.memory_space<vmem>>
    %dma_start3A_135 = arith.constant 0 : i32
    %dma_start3A_136 = arith.constant 0 : i32
    %dma_start3A_137 = tpu.memref_slice %arg3[%add3A, %dma_start3A_121, %dma_start3A_135, %dma_start3A_136] : memref<32x80x1x128xi32, #tpu.memory_space<hbm>> -> memref<1x1x1x128xi32, #tpu.memory_space<hbm>>
    %dma_start3A_138 = tpu.memref_squeeze %dma_start3A_137 : memref<1x1x1x128xi32, #tpu.memory_space<hbm>> -> memref<1x128xi32, #tpu.memory_space<hbm>>
    tpu.enqueue_dma source(%dma_start3A_138 : memref<1x128xi32, #tpu.memory_space<hbm>>) target(%dma_start3A_134 : memref<1x128xi32, #tpu.memory_space<vmem>>) target_semaphore(%arg14 : memref<!tpu.dma_semaphore, #tpu.memory_space<semaphore_mem>>)
    %dma_start3A_139 = arith.constant 1 : i32
    %dma_start3A_140 = arith.constant 1 : i32
    %dma_start3A_141 = arith.constant 0 : i32
    %dma_start3A_142 = arith.constant 0 : i32
    %dma_start3A_143 = tpu.memref_slice %arg7[%dma_start3A_140, %dma_start3A_141, %dma_start3A_142] : memref<2x1x128xi32, #tpu.memory_space<vmem>> -> memref<1x1x128xi32, #tpu.memory_space<vmem>>
    %dma_start3A_144 = tpu.memref_squeeze %dma_start3A_143 : memref<1x1x128xi32, #tpu.memory_space<vmem>> -> memref<1x128xi32, #tpu.memory_space<vmem>>
    %dma_start3A_145 = arith.constant 0 : i32
    %dma_start3A_146 = arith.constant 0 : i32
    %dma_start3A_147 = tpu.memref_slice %arg4[%add3A, %dma_start3A_139, %dma_start3A_145, %dma_start3A_146] : memref<32x80x1x128xi32, #tpu.memory_space<hbm>> -> memref<1x1x1x128xi32, #tpu.memory_space<hbm>>
    %dma_start3A_148 = tpu.memref_squeeze %dma_start3A_147 : memref<1x1x1x128xi32, #tpu.memory_space<hbm>> -> memref<1x128xi32, #tpu.memory_space<hbm>>
    %dma_start3A_149 = arith.constant 0 : i32
    %dma_start3A_150 = arith.constant 0 : i32
    %dma_start3A_151 = tpu.memref_slice %arg7[%dma_start3A_140, %dma_start3A_149, %dma_start3A_150] : memref<2x1x128xi32, #tpu.memory_space<vmem>> -> memref<1x1x128xi32, #tpu.memory_space<vmem>>
    %dma_start3A_152 = tpu.memref_squeeze %dma_start3A_151 : memref<1x1x128xi32, #tpu.memory_space<vmem>> -> memref<1x128xi32, #tpu.memory_space<vmem>>
    %dma_start3A_153 = arith.constant 0 : i32
    %dma_start3A_154 = arith.constant 0 : i32
    %dma_start3A_155 = tpu.memref_slice %arg4[%add3A, %dma_start3A_139, %dma_start3A_153, %dma_start3A_154] : memref<32x80x1x128xi32, #tpu.memory_space<hbm>> -> memref<1x1x1x128xi32, #tpu.memory_space<hbm>>
    %dma_start3A_156 = tpu.memref_squeeze %dma_start3A_155 : memref<1x1x1x128xi32, #tpu.memory_space<hbm>> -> memref<1x128xi32, #tpu.memory_space<hbm>>
    tpu.enqueue_dma source(%dma_start3A_156 : memref<1x128xi32, #tpu.memory_space<hbm>>) target(%dma_start3A_152 : memref<1x128xi32, #tpu.memory_space<vmem>>) target_semaphore(%arg14 : memref<!tpu.dma_semaphore, #tpu.memory_space<semaphore_mem>>)
    %scan3A_157 = arith.constant 0 : i32
    %scan3A_158 = arith.constant 0 : i32
    %scan3A_159 = arith.constant 40 : i32
    %scan3A_160 = arith.addi %scan3A_158, %scan3A_159 : i32
    %scan3A_161 = arith.constant 1 : i32
    scf.for %scan3A_217 = %scan3A_158 to %scan3A_160 step %scan3A_161  : i32 {
      %mul3A_218 = arith.constant 2 : i32
      %mul3A_219 = arith.muli %mul3A_218, %scan3A_217 : i32
      %dma_wait3A_220 = arith.constant 0 : i32
      %dma_wait3A_221 = arith.constant 1 : i32
      %dma_wait3A_222 = arith.constant 0 : i32
      %dma_wait3A_223 = arith.constant 0 : i32
      %dma_wait3A_224 = tpu.memref_slice %arg6[%dma_wait3A_221, %dma_wait3A_222, %dma_wait3A_223] : memref<2x1x128xi32, #tpu.memory_space<vmem>> -> memref<1x1x128xi32, #tpu.memory_space<vmem>>
      %dma_wait3A_225 = tpu.memref_squeeze %dma_wait3A_224 : memref<1x1x128xi32, #tpu.memory_space<vmem>> -> memref<1x128xi32, #tpu.memory_space<vmem>>
      %dma_wait3A_226 = arith.constant 0 : i32
      %dma_wait3A_227 = arith.constant 0 : i32
      %dma_wait3A_228 = tpu.memref_slice %arg3[%add3A, %dma_wait3A_220, %dma_wait3A_226, %dma_wait3A_227] : memref<32x80x1x128xi32, #tpu.memory_space<hbm>> -> memref<1x1x1x128xi32, #tpu.memory_space<hbm>>
      %dma_wait3A_229 = tpu.memref_squeeze %dma_wait3A_228 : memref<1x1x1x128xi32, #tpu.memory_space<hbm>> -> memref<1x128xi32, #tpu.memory_space<hbm>>
      %dma_wait3A_230 = arith.constant 0 : i32
      %dma_wait3A_231 = arith.constant 0 : i32
      %dma_wait3A_232 = tpu.memref_slice %arg6[%dma_wait3A_221, %dma_wait3A_230, %dma_wait3A_231] : memref<2x1x128xi32, #tpu.memory_space<vmem>> -> memref<1x1x128xi32, #tpu.memory_space<vmem>>
      %dma_wait3A_233 = tpu.memref_squeeze %dma_wait3A_232 : memref<1x1x128xi32, #tpu.memory_space<vmem>> -> memref<1x128xi32, #tpu.memory_space<vmem>>
      %dma_wait3A_234 = arith.constant 0 : i32
      %dma_wait3A_235 = arith.constant 0 : i32
      %dma_wait3A_236 = tpu.memref_slice %arg3[%add3A, %dma_wait3A_220, %dma_wait3A_234, %dma_wait3A_235] : memref<32x80x1x128xi32, #tpu.memory_space<hbm>> -> memref<1x1x1x128xi32, #tpu.memory_space<hbm>>
      %dma_wait3A_237 = tpu.memref_squeeze %dma_wait3A_236 : memref<1x1x1x128xi32, #tpu.memory_space<hbm>> -> memref<1x128xi32, #tpu.memory_space<hbm>>
      tpu.wait_dma2 semaphore(%arg14 : memref<!tpu.dma_semaphore, #tpu.memory_space<semaphore_mem>>) src(%dma_wait3A_237 : memref<1x128xi32, #tpu.memory_space<hbm>>) dst(%dma_wait3A_233 : memref<1x128xi32, #tpu.memory_space<vmem>>)
      %dma_wait3A_238 = arith.constant 0 : i32
      %dma_wait3A_239 = arith.constant 1 : i32
      %dma_wait3A_240 = arith.constant 0 : i32
      %dma_wait3A_241 = arith.constant 0 : i32
      %dma_wait3A_242 = tpu.memref_slice %arg7[%dma_wait3A_239, %dma_wait3A_240, %dma_wait3A_241] : memref<2x1x128xi32, #tpu.memory_space<vmem>> -> memref<1x1x128xi32, #tpu.memory_space<vmem>>
      %dma_wait3A_243 = tpu.memref_squeeze %dma_wait3A_242 : memref<1x1x128xi32, #tpu.memory_space<vmem>> -> memref<1x128xi32, #tpu.memory_space<vmem>>
      %dma_wait3A_244 = arith.constant 0 : i32
      %dma_wait3A_245 = arith.constant 0 : i32
      %dma_wait3A_246 = tpu.memref_slice %arg4[%add3A, %dma_wait3A_238, %dma_wait3A_244, %dma_wait3A_245] : memref<32x80x1x128xi32, #tpu.memory_space<hbm>> -> memref<1x1x1x128xi32, #tpu.memory_space<hbm>>
      %dma_wait3A_247 = tpu.memref_squeeze %dma_wait3A_246 : memref<1x1x1x128xi32, #tpu.memory_space<hbm>> -> memref<1x128xi32, #tpu.memory_space<hbm>>
      %dma_wait3A_248 = arith.constant 0 : i32
      %dma_wait3A_249 = arith.constant 0 : i32
      %dma_wait3A_250 = tpu.memref_slice %arg7[%dma_wait3A_239, %dma_wait3A_248, %dma_wait3A_249] : memref<2x1x128xi32, #tpu.memory_space<vmem>> -> memref<1x1x128xi32, #tpu.memory_space<vmem>>
      %dma_wait3A_251 = tpu.memref_squeeze %dma_wait3A_250 : memref<1x1x128xi32, #tpu.memory_space<vmem>> -> memref<1x128xi32, #tpu.memory_space<vmem>>
      %dma_wait3A_252 = arith.constant 0 : i32
      %dma_wait3A_253 = arith.constant 0 : i32
      %dma_wait3A_254 = tpu.memref_slice %arg4[%add3A, %dma_wait3A_238, %dma_wait3A_252, %dma_wait3A_253] : memref<32x80x1x128xi32, #tpu.memory_space<hbm>> -> memref<1x1x1x128xi32, #tpu.memory_space<hbm>>
      %dma_wait3A_255 = tpu.memref_squeeze %dma_wait3A_254 : memref<1x1x1x128xi32, #tpu.memory_space<hbm>> -> memref<1x128xi32, #tpu.memory_space<hbm>>
      tpu.wait_dma2 semaphore(%arg14 : memref<!tpu.dma_semaphore, #tpu.memory_space<semaphore_mem>>) src(%dma_wait3A_255 : memref<1x128xi32, #tpu.memory_space<hbm>>) dst(%dma_wait3A_251 : memref<1x128xi32, #tpu.memory_space<vmem>>)
      %dma_start3A_256 = arith.constant 1 : i32
      %dma_start3A_257 = arith.constant 0 : i32
      %dma_start3A_258 = arith.constant 1 : i32
      %dma_start3A_259 = arith.constant 0 : i32
      %dma_start3A_260 = arith.constant 0 : i32
      %dma_start3A_261 = tpu.memref_slice %arg8[%dma_start3A_258, %dma_start3A_259, %dma_start3A_260] : memref<2x128x16xf32, #tpu.memory_space<vmem>> -> memref<1x128x16xf32, #tpu.memory_space<vmem>>
      %dma_start3A_262 = tpu.memref_squeeze %dma_start3A_261 : memref<1x128x16xf32, #tpu.memory_space<vmem>> -> memref<128x16xf32, #tpu.memory_space<vmem>>
      %dma_start3A_263 = arith.constant 0 : i32
      %dma_start3A_264 = tpu.memref_slice %arg6[%dma_start3A_256, %dma_start3A_257, %dma_start3A_263] : memref<2x1x128xi32, #tpu.memory_space<vmem>> -> memref<1x1x128xi32, #tpu.memory_space<vmem>>
      %dma_start3A_265 = tpu.memref_squeeze %dma_start3A_264 : memref<1x1x128xi32, #tpu.memory_space<vmem>> -> memref<128xi32, #tpu.memory_space<vmem>>
      %dma_start3A_266 = arith.constant 0 : i32
      %dma_start3A_267 = arith.constant 0 : i32
      %dma_start3A_268 = tpu.memref_slice %arg2[%dma_start3A_266, %dma_start3A_267] : memref<10112x16xf32, #tpu.memory_space<hbm>> -> memref<10112x16xf32, #tpu.memory_space<hbm>>
      tpu.enqueue_indirect_dma source(%dma_start3A_268 : memref<10112x16xf32, #tpu.memory_space<hbm>>) target(%dma_start3A_262 : memref<128x16xf32, #tpu.memory_space<vmem>>) offsets(%dma_start3A_265 : memref<128xi32, #tpu.memory_space<vmem>>) semaphore(%arg12 : memref<!tpu.dma_semaphore, #tpu.memory_space<semaphore_mem>>)
      %dma_wait3A_269 = arith.constant 0 : i32
      %dma_wait3A_270 = arith.constant 0 : i32
      %dma_wait3A_271 = arith.constant 0 : i32
      %dma_wait3A_272 = arith.constant 0 : i32
      %dma_wait3A_273 = arith.constant 0 : i32
      %dma_wait3A_274 = tpu.memref_slice %arg8[%dma_wait3A_271, %dma_wait3A_272, %dma_wait3A_273] : memref<2x128x16xf32, #tpu.memory_space<vmem>> -> memref<1x128x16xf32, #tpu.memory_space<vmem>>
      %dma_wait3A_275 = tpu.memref_squeeze %dma_wait3A_274 : memref<1x128x16xf32, #tpu.memory_space<vmem>> -> memref<128x16xf32, #tpu.memory_space<vmem>>
      %dma_wait3A_276 = arith.constant 0 : i32
      %dma_wait3A_277 = tpu.memref_slice %arg6[%dma_wait3A_269, %dma_wait3A_270, %dma_wait3A_276] : memref<2x1x128xi32, #tpu.memory_space<vmem>> -> memref<1x1x128xi32, #tpu.memory_space<vmem>>
      %dma_wait3A_278 = tpu.memref_squeeze %dma_wait3A_277 : memref<1x1x128xi32, #tpu.memory_space<vmem>> -> memref<128xi32, #tpu.memory_space<vmem>>
      %dma_wait3A_279 = arith.constant 0 : i32
      %dma_wait3A_280 = arith.constant 0 : i32
      %dma_wait3A_281 = tpu.memref_slice %arg2[%dma_wait3A_279, %dma_wait3A_280] : memref<10112x16xf32, #tpu.memory_space<hbm>> -> memref<10112x16xf32, #tpu.memory_space<hbm>>
      tpu.wait_indirect_dma semaphore(%arg11 : memref<!tpu.dma_semaphore, #tpu.memory_space<semaphore_mem>>) src(%dma_wait3A_281 : memref<10112x16xf32, #tpu.memory_space<hbm>>) dst(%dma_wait3A_275 : memref<128x16xf32, #tpu.memory_space<vmem>>)
      %run_scoped3A = arith.constant 0 : i32
      %run_scoped3A_282 = arith.constant 0 : i32
      %run_scoped3A_283 = arith.constant 0 : i32
      "tpu.region"() ({
        %run_scoped3A_432 = tpu.sem_alloc : memref<!tpu.dma_semaphore, #tpu.memory_space<semaphore_mem>>
        %dma_start3A_433 = arith.constant 0 : i32
        %dma_start3A_434 = arith.constant 0 : i32
        %dma_start3A_435 = tpu.memref_slice %arg8[%run_scoped3A, %dma_start3A_433, %dma_start3A_434] : memref<2x128x16xf32, #tpu.memory_space<vmem>> -> memref<1x128x16xf32, #tpu.memory_space<vmem>>
        %dma_start3A_436 = tpu.memref_squeeze %dma_start3A_435 : memref<1x128x16xf32, #tpu.memory_space<vmem>> -> memref<128x16xf32, #tpu.memory_space<vmem>>
        %dma_start3A_437 = arith.constant 0 : i32
        %dma_start3A_438 = tpu.memref_slice %arg7[%run_scoped3A_282, %run_scoped3A_283, %dma_start3A_437] : memref<2x1x128xi32, #tpu.memory_space<vmem>> -> memref<1x1x128xi32, #tpu.memory_space<vmem>>
        %dma_start3A_439 = tpu.memref_squeeze %dma_start3A_438 : memref<1x1x128xi32, #tpu.memory_space<vmem>> -> memref<128xi32, #tpu.memory_space<vmem>>
        %dma_start3A_440 = arith.constant 0 : i32
        %dma_start3A_441 = arith.constant 0 : i32
        %dma_start3A_442 = tpu.memref_slice %arg10[%dma_start3A_440, %dma_start3A_441] : memref<10112x16xf32, #tpu.memory_space<vmem_shared>> -> memref<10112x16xf32, #tpu.memory_space<vmem_shared>>
        tpu.enqueue_indirect_dma source(%dma_start3A_436 : memref<128x16xf32, #tpu.memory_space<vmem>>) target(%dma_start3A_442 : memref<10112x16xf32, #tpu.memory_space<vmem_shared>>) offsets(%dma_start3A_439 : memref<128xi32, #tpu.memory_space<vmem>>) semaphore(%run_scoped3A_432 : memref<!tpu.dma_semaphore, #tpu.memory_space<semaphore_mem>>) {add = true}
        %dma_wait3A_443 = arith.constant 0 : i32
        %dma_wait3A_444 = arith.constant 0 : i32
        %dma_wait3A_445 = tpu.memref_slice %arg8[%run_scoped3A, %dma_wait3A_443, %dma_wait3A_444] : memref<2x128x16xf32, #tpu.memory_space<vmem>> -> memref<1x128x16xf32, #tpu.memory_space<vmem>>
        %dma_wait3A_446 = tpu.memref_squeeze %dma_wait3A_445 : memref<1x128x16xf32, #tpu.memory_space<vmem>> -> memref<128x16xf32, #tpu.memory_space<vmem>>
        %dma_wait3A_447 = arith.constant 0 : i32
        %dma_wait3A_448 = tpu.memref_slice %arg7[%run_scoped3A_282, %run_scoped3A_283, %dma_wait3A_447] : memref<2x1x128xi32, #tpu.memory_space<vmem>> -> memref<1x1x128xi32, #tpu.memory_space<vmem>>
        %dma_wait3A_449 = tpu.memref_squeeze %dma_wait3A_448 : memref<1x1x128xi32, #tpu.memory_space<vmem>> -> memref<128xi32, #tpu.memory_space<vmem>>
        %dma_wait3A_450 = arith.constant 0 : i32
        %dma_wait3A_451 = arith.constant 0 : i32
        %dma_wait3A_452 = tpu.memref_slice %arg10[%dma_wait3A_450, %dma_wait3A_451] : memref<10112x16xf32, #tpu.memory_space<vmem_shared>> -> memref<10112x16xf32, #tpu.memory_space<vmem_shared>>
        tpu.wait_indirect_dma semaphore(%run_scoped3A_432 : memref<!tpu.dma_semaphore, #tpu.memory_space<semaphore_mem>>) src(%dma_wait3A_446 : memref<128x16xf32, #tpu.memory_space<vmem>>) dst(%dma_wait3A_452 : memref<10112x16xf32, #tpu.memory_space<vmem_shared>>)
        tpu.yield
      }) : () -> ()
      %add3A_284 = arith.constant 2 : i32
      %add3A_285 = arith.addi %mul3A_219, %add3A_284 : i32
      %ge3A = arith.constant 80 : i32
      %ge3A_286 = arith.cmpi sge, %add3A_285, %ge3A : i32
      %sub3A = arith.constant 80 : i32
      %sub3A_287 = arith.subi %add3A_285, %sub3A : i32
      %select_n3A = arith.select %ge3A_286, %sub3A_287, %add3A_285 : i32
      %dma_start3A_288 = arith.constant 0 : i32
      %dma_start3A_289 = arith.constant 0 : i32
      %dma_start3A_290 = arith.constant 0 : i32
      %dma_start3A_291 = tpu.memref_slice %arg6[%dma_start3A_288, %dma_start3A_289, %dma_start3A_290] : memref<2x1x128xi32, #tpu.memory_space<vmem>> -> memref<1x1x128xi32, #tpu.memory_space<vmem>>
      %dma_start3A_292 = tpu.memref_squeeze %dma_start3A_291 : memref<1x1x128xi32, #tpu.memory_space<vmem>> -> memref<1x128xi32, #tpu.memory_space<vmem>>
      %dma_start3A_293 = arith.constant 0 : i32
      %dma_start3A_294 = arith.constant 0 : i32
      %dma_start3A_295 = tpu.memref_slice %arg3[%add3A, %select_n3A, %dma_start3A_293, %dma_start3A_294] : memref<32x80x1x128xi32, #tpu.memory_space<hbm>> -> memref<1x1x1x128xi32, #tpu.memory_space<hbm>>
      %dma_start3A_296 = tpu.memref_squeeze %dma_start3A_295 : memref<1x1x1x128xi32, #tpu.memory_space<hbm>> -> memref<1x128xi32, #tpu.memory_space<hbm>>
      %dma_start3A_297 = arith.constant 0 : i32
      %dma_start3A_298 = arith.constant 0 : i32
      %dma_start3A_299 = tpu.memref_slice %arg6[%dma_start3A_288, %dma_start3A_297, %dma_start3A_298] : memref<2x1x128xi32, #tpu.memory_space<vmem>> -> memref<1x1x128xi32, #tpu.memory_space<vmem>>
      %dma_start3A_300 = tpu.memref_squeeze %dma_start3A_299 : memref<1x1x128xi32, #tpu.memory_space<vmem>> -> memref<1x128xi32, #tpu.memory_space<vmem>>
      %dma_start3A_301 = arith.constant 0 : i32
      %dma_start3A_302 = arith.constant 0 : i32
      %dma_start3A_303 = tpu.memref_slice %arg3[%add3A, %select_n3A, %dma_start3A_301, %dma_start3A_302] : memref<32x80x1x128xi32, #tpu.memory_space<hbm>> -> memref<1x1x1x128xi32, #tpu.memory_space<hbm>>
      %dma_start3A_304 = tpu.memref_squeeze %dma_start3A_303 : memref<1x1x1x128xi32, #tpu.memory_space<hbm>> -> memref<1x128xi32, #tpu.memory_space<hbm>>
      tpu.enqueue_dma source(%dma_start3A_304 : memref<1x128xi32, #tpu.memory_space<hbm>>) target(%dma_start3A_300 : memref<1x128xi32, #tpu.memory_space<vmem>>) target_semaphore(%arg13 : memref<!tpu.dma_semaphore, #tpu.memory_space<semaphore_mem>>)
      %dma_start3A_305 = arith.constant 0 : i32
      %dma_start3A_306 = arith.constant 0 : i32
      %dma_start3A_307 = arith.constant 0 : i32
      %dma_start3A_308 = tpu.memref_slice %arg7[%dma_start3A_305, %dma_start3A_306, %dma_start3A_307] : memref<2x1x128xi32, #tpu.memory_space<vmem>> -> memref<1x1x128xi32, #tpu.memory_space<vmem>>
      %dma_start3A_309 = tpu.memref_squeeze %dma_start3A_308 : memref<1x1x128xi32, #tpu.memory_space<vmem>> -> memref<1x128xi32, #tpu.memory_space<vmem>>
      %dma_start3A_310 = arith.constant 0 : i32
      %dma_start3A_311 = arith.constant 0 : i32
      %dma_start3A_312 = tpu.memref_slice %arg4[%add3A, %select_n3A, %dma_start3A_310, %dma_start3A_311] : memref<32x80x1x128xi32, #tpu.memory_space<hbm>> -> memref<1x1x1x128xi32, #tpu.memory_space<hbm>>
      %dma_start3A_313 = tpu.memref_squeeze %dma_start3A_312 : memref<1x1x1x128xi32, #tpu.memory_space<hbm>> -> memref<1x128xi32, #tpu.memory_space<hbm>>
      %dma_start3A_314 = arith.constant 0 : i32
      %dma_start3A_315 = arith.constant 0 : i32
      %dma_start3A_316 = tpu.memref_slice %arg7[%dma_start3A_305, %dma_start3A_314, %dma_start3A_315] : memref<2x1x128xi32, #tpu.memory_space<vmem>> -> memref<1x1x128xi32, #tpu.memory_space<vmem>>
      %dma_start3A_317 = tpu.memref_squeeze %dma_start3A_316 : memref<1x1x128xi32, #tpu.memory_space<vmem>> -> memref<1x128xi32, #tpu.memory_space<vmem>>
      %dma_start3A_318 = arith.constant 0 : i32
      %dma_start3A_319 = arith.constant 0 : i32
      %dma_start3A_320 = tpu.memref_slice %arg4[%add3A, %select_n3A, %dma_start3A_318, %dma_start3A_319] : memref<32x80x1x128xi32, #tpu.memory_space<hbm>> -> memref<1x1x1x128xi32, #tpu.memory_space<hbm>>
      %dma_start3A_321 = tpu.memref_squeeze %dma_start3A_320 : memref<1x1x1x128xi32, #tpu.memory_space<hbm>> -> memref<1x128xi32, #tpu.memory_space<hbm>>
      tpu.enqueue_dma source(%dma_start3A_321 : memref<1x128xi32, #tpu.memory_space<hbm>>) target(%dma_start3A_317 : memref<1x128xi32, #tpu.memory_space<vmem>>) target_semaphore(%arg13 : memref<!tpu.dma_semaphore, #tpu.memory_space<semaphore_mem>>)
      %mul3A_322 = arith.constant 2 : i32
      %mul3A_323 = arith.muli %mul3A_322, %scan3A_217 : i32
      %add3A_324 = arith.constant 1 : i32
      %add3A_325 = arith.addi %mul3A_323, %add3A_324 : i32
      %dma_wait3A_326 = arith.constant 0 : i32
      %dma_wait3A_327 = arith.constant 0 : i32
      %dma_wait3A_328 = arith.constant 0 : i32
      %dma_wait3A_329 = arith.constant 0 : i32
      %dma_wait3A_330 = tpu.memref_slice %arg6[%dma_wait3A_327, %dma_wait3A_328, %dma_wait3A_329] : memref<2x1x128xi32, #tpu.memory_space<vmem>> -> memref<1x1x128xi32, #tpu.memory_space<vmem>>
      %dma_wait3A_331 = tpu.memref_squeeze %dma_wait3A_330 : memref<1x1x128xi32, #tpu.memory_space<vmem>> -> memref<1x128xi32, #tpu.memory_space<vmem>>
      %dma_wait3A_332 = arith.constant 0 : i32
      %dma_wait3A_333 = arith.constant 0 : i32
      %dma_wait3A_334 = tpu.memref_slice %arg3[%add3A, %dma_wait3A_326, %dma_wait3A_332, %dma_wait3A_333] : memref<32x80x1x128xi32, #tpu.memory_space<hbm>> -> memref<1x1x1x128xi32, #tpu.memory_space<hbm>>
      %dma_wait3A_335 = tpu.memref_squeeze %dma_wait3A_334 : memref<1x1x1x128xi32, #tpu.memory_space<hbm>> -> memref<1x128xi32, #tpu.memory_space<hbm>>
      %dma_wait3A_336 = arith.constant 0 : i32
      %dma_wait3A_337 = arith.constant 0 : i32
      %dma_wait3A_338 = tpu.memref_slice %arg6[%dma_wait3A_327, %dma_wait3A_336, %dma_wait3A_337] : memref<2x1x128xi32, #tpu.memory_space<vmem>> -> memref<1x1x128xi32, #tpu.memory_space<vmem>>
      %dma_wait3A_339 = tpu.memref_squeeze %dma_wait3A_338 : memref<1x1x128xi32, #tpu.memory_space<vmem>> -> memref<1x128xi32, #tpu.memory_space<vmem>>
      %dma_wait3A_340 = arith.constant 0 : i32
      %dma_wait3A_341 = arith.constant 0 : i32
      %dma_wait3A_342 = tpu.memref_slice %arg3[%add3A, %dma_wait3A_326, %dma_wait3A_340, %dma_wait3A_341] : memref<32x80x1x128xi32, #tpu.memory_space<hbm>> -> memref<1x1x1x128xi32, #tpu.memory_space<hbm>>
      %dma_wait3A_343 = tpu.memref_squeeze %dma_wait3A_342 : memref<1x1x1x128xi32, #tpu.memory_space<hbm>> -> memref<1x128xi32, #tpu.memory_space<hbm>>
      tpu.wait_dma2 semaphore(%arg13 : memref<!tpu.dma_semaphore, #tpu.memory_space<semaphore_mem>>) src(%dma_wait3A_343 : memref<1x128xi32, #tpu.memory_space<hbm>>) dst(%dma_wait3A_339 : memref<1x128xi32, #tpu.memory_space<vmem>>)
      %dma_wait3A_344 = arith.constant 0 : i32
      %dma_wait3A_345 = arith.constant 0 : i32
      %dma_wait3A_346 = arith.constant 0 : i32
      %dma_wait3A_347 = arith.constant 0 : i32
      %dma_wait3A_348 = tpu.memref_slice %arg7[%dma_wait3A_345, %dma_wait3A_346, %dma_wait3A_347] : memref<2x1x128xi32, #tpu.memory_space<vmem>> -> memref<1x1x128xi32, #tpu.memory_space<vmem>>
      %dma_wait3A_349 = tpu.memref_squeeze %dma_wait3A_348 : memref<1x1x128xi32, #tpu.memory_space<vmem>> -> memref<1x128xi32, #tpu.memory_space<vmem>>
      %dma_wait3A_350 = arith.constant 0 : i32
      %dma_wait3A_351 = arith.constant 0 : i32
      %dma_wait3A_352 = tpu.memref_slice %arg4[%add3A, %dma_wait3A_344, %dma_wait3A_350, %dma_wait3A_351] : memref<32x80x1x128xi32, #tpu.memory_space<hbm>> -> memref<1x1x1x128xi32, #tpu.memory_space<hbm>>
      %dma_wait3A_353 = tpu.memref_squeeze %dma_wait3A_352 : memref<1x1x1x128xi32, #tpu.memory_space<hbm>> -> memref<1x128xi32, #tpu.memory_space<hbm>>
      %dma_wait3A_354 = arith.constant 0 : i32
      %dma_wait3A_355 = arith.constant 0 : i32
      %dma_wait3A_356 = tpu.memref_slice %arg7[%dma_wait3A_345, %dma_wait3A_354, %dma_wait3A_355] : memref<2x1x128xi32, #tpu.memory_space<vmem>> -> memref<1x1x128xi32, #tpu.memory_space<vmem>>
      %dma_wait3A_357 = tpu.memref_squeeze %dma_wait3A_356 : memref<1x1x128xi32, #tpu.memory_space<vmem>> -> memref<1x128xi32, #tpu.memory_space<vmem>>
      %dma_wait3A_358 = arith.constant 0 : i32
      %dma_wait3A_359 = arith.constant 0 : i32
      %dma_wait3A_360 = tpu.memref_slice %arg4[%add3A, %dma_wait3A_344, %dma_wait3A_358, %dma_wait3A_359] : memref<32x80x1x128xi32, #tpu.memory_space<hbm>> -> memref<1x1x1x128xi32, #tpu.memory_space<hbm>>
      %dma_wait3A_361 = tpu.memref_squeeze %dma_wait3A_360 : memref<1x1x1x128xi32, #tpu.memory_space<hbm>> -> memref<1x128xi32, #tpu.memory_space<hbm>>
      tpu.wait_dma2 semaphore(%arg13 : memref<!tpu.dma_semaphore, #tpu.memory_space<semaphore_mem>>) src(%dma_wait3A_361 : memref<1x128xi32, #tpu.memory_space<hbm>>) dst(%dma_wait3A_357 : memref<1x128xi32, #tpu.memory_space<vmem>>)
      %dma_start3A_362 = arith.constant 0 : i32
      %dma_start3A_363 = arith.constant 0 : i32
      %dma_start3A_364 = arith.constant 0 : i32
      %dma_start3A_365 = arith.constant 0 : i32
      %dma_start3A_366 = arith.constant 0 : i32
      %dma_start3A_367 = tpu.memref_slice %arg8[%dma_start3A_364, %dma_start3A_365, %dma_start3A_366] : memref<2x128x16xf32, #tpu.memory_space<vmem>> -> memref<1x128x16xf32, #tpu.memory_space<vmem>>
      %dma_start3A_368 = tpu.memref_squeeze %dma_start3A_367 : memref<1x128x16xf32, #tpu.memory_space<vmem>> -> memref<128x16xf32, #tpu.memory_space<vmem>>
      %dma_start3A_369 = arith.constant 0 : i32
      %dma_start3A_370 = tpu.memref_slice %arg6[%dma_start3A_362, %dma_start3A_363, %dma_start3A_369] : memref<2x1x128xi32, #tpu.memory_space<vmem>> -> memref<1x1x128xi32, #tpu.memory_space<vmem>>
      %dma_start3A_371 = tpu.memref_squeeze %dma_start3A_370 : memref<1x1x128xi32, #tpu.memory_space<vmem>> -> memref<128xi32, #tpu.memory_space<vmem>>
      %dma_start3A_372 = arith.constant 0 : i32
      %dma_start3A_373 = arith.constant 0 : i32
      %dma_start3A_374 = tpu.memref_slice %arg2[%dma_start3A_372, %dma_start3A_373] : memref<10112x16xf32, #tpu.memory_space<hbm>> -> memref<10112x16xf32, #tpu.memory_space<hbm>>
      tpu.enqueue_indirect_dma source(%dma_start3A_374 : memref<10112x16xf32, #tpu.memory_space<hbm>>) target(%dma_start3A_368 : memref<128x16xf32, #tpu.memory_space<vmem>>) offsets(%dma_start3A_371 : memref<128xi32, #tpu.memory_space<vmem>>) semaphore(%arg11 : memref<!tpu.dma_semaphore, #tpu.memory_space<semaphore_mem>>)
      %dma_wait3A_375 = arith.constant 1 : i32
      %dma_wait3A_376 = arith.constant 0 : i32
      %dma_wait3A_377 = arith.constant 1 : i32
      %dma_wait3A_378 = arith.constant 0 : i32
      %dma_wait3A_379 = arith.constant 0 : i32
      %dma_wait3A_380 = tpu.memref_slice %arg8[%dma_wait3A_377, %dma_wait3A_378, %dma_wait3A_379] : memref<2x128x16xf32, #tpu.memory_space<vmem>> -> memref<1x128x16xf32, #tpu.memory_space<vmem>>
      %dma_wait3A_381 = tpu.memref_squeeze %dma_wait3A_380 : memref<1x128x16xf32, #tpu.memory_space<vmem>> -> memref<128x16xf32, #tpu.memory_space<vmem>>
      %dma_wait3A_382 = arith.constant 0 : i32
      %dma_wait3A_383 = tpu.memref_slice %arg6[%dma_wait3A_375, %dma_wait3A_376, %dma_wait3A_382] : memref<2x1x128xi32, #tpu.memory_space<vmem>> -> memref<1x1x128xi32, #tpu.memory_space<vmem>>
      %dma_wait3A_384 = tpu.memref_squeeze %dma_wait3A_383 : memref<1x1x128xi32, #tpu.memory_space<vmem>> -> memref<128xi32, #tpu.memory_space<vmem>>
      %dma_wait3A_385 = arith.constant 0 : i32
      %dma_wait3A_386 = arith.constant 0 : i32
      %dma_wait3A_387 = tpu.memref_slice %arg2[%dma_wait3A_385, %dma_wait3A_386] : memref<10112x16xf32, #tpu.memory_space<hbm>> -> memref<10112x16xf32, #tpu.memory_space<hbm>>
      tpu.wait_indirect_dma semaphore(%arg12 : memref<!tpu.dma_semaphore, #tpu.memory_space<semaphore_mem>>) src(%dma_wait3A_387 : memref<10112x16xf32, #tpu.memory_space<hbm>>) dst(%dma_wait3A_381 : memref<128x16xf32, #tpu.memory_space<vmem>>)
      %run_scoped3A_388 = arith.constant 1 : i32
      %run_scoped3A_389 = arith.constant 1 : i32
      %run_scoped3A_390 = arith.constant 0 : i32
      "tpu.region"() ({
        %run_scoped3A_432 = tpu.sem_alloc : memref<!tpu.dma_semaphore, #tpu.memory_space<semaphore_mem>>
        %dma_start3A_433 = arith.constant 0 : i32
        %dma_start3A_434 = arith.constant 0 : i32
        %dma_start3A_435 = tpu.memref_slice %arg8[%run_scoped3A_388, %dma_start3A_433, %dma_start3A_434] : memref<2x128x16xf32, #tpu.memory_space<vmem>> -> memref<1x128x16xf32, #tpu.memory_space<vmem>>
        %dma_start3A_436 = tpu.memref_squeeze %dma_start3A_435 : memref<1x128x16xf32, #tpu.memory_space<vmem>> -> memref<128x16xf32, #tpu.memory_space<vmem>>
        %dma_start3A_437 = arith.constant 0 : i32
        %dma_start3A_438 = tpu.memref_slice %arg7[%run_scoped3A_389, %run_scoped3A_390, %dma_start3A_437] : memref<2x1x128xi32, #tpu.memory_space<vmem>> -> memref<1x1x128xi32, #tpu.memory_space<vmem>>
        %dma_start3A_439 = tpu.memref_squeeze %dma_start3A_438 : memref<1x1x128xi32, #tpu.memory_space<vmem>> -> memref<128xi32, #tpu.memory_space<vmem>>
        %dma_start3A_440 = arith.constant 0 : i32
        %dma_start3A_441 = arith.constant 0 : i32
        %dma_start3A_442 = tpu.memref_slice %arg10[%dma_start3A_440, %dma_start3A_441] : memref<10112x16xf32, #tpu.memory_space<vmem_shared>> -> memref<10112x16xf32, #tpu.memory_space<vmem_shared>>
        tpu.enqueue_indirect_dma source(%dma_start3A_436 : memref<128x16xf32, #tpu.memory_space<vmem>>) target(%dma_start3A_442 : memref<10112x16xf32, #tpu.memory_space<vmem_shared>>) offsets(%dma_start3A_439 : memref<128xi32, #tpu.memory_space<vmem>>) semaphore(%run_scoped3A_432 : memref<!tpu.dma_semaphore, #tpu.memory_space<semaphore_mem>>) {add = true}
        %dma_wait3A_443 = arith.constant 0 : i32
        %dma_wait3A_444 = arith.constant 0 : i32
        %dma_wait3A_445 = tpu.memref_slice %arg8[%run_scoped3A_388, %dma_wait3A_443, %dma_wait3A_444] : memref<2x128x16xf32, #tpu.memory_space<vmem>> -> memref<1x128x16xf32, #tpu.memory_space<vmem>>
        %dma_wait3A_446 = tpu.memref_squeeze %dma_wait3A_445 : memref<1x128x16xf32, #tpu.memory_space<vmem>> -> memref<128x16xf32, #tpu.memory_space<vmem>>
        %dma_wait3A_447 = arith.constant 0 : i32
        %dma_wait3A_448 = tpu.memref_slice %arg7[%run_scoped3A_389, %run_scoped3A_390, %dma_wait3A_447] : memref<2x1x128xi32, #tpu.memory_space<vmem>> -> memref<1x1x128xi32, #tpu.memory_space<vmem>>
        %dma_wait3A_449 = tpu.memref_squeeze %dma_wait3A_448 : memref<1x1x128xi32, #tpu.memory_space<vmem>> -> memref<128xi32, #tpu.memory_space<vmem>>
        %dma_wait3A_450 = arith.constant 0 : i32
        %dma_wait3A_451 = arith.constant 0 : i32
        %dma_wait3A_452 = tpu.memref_slice %arg10[%dma_wait3A_450, %dma_wait3A_451] : memref<10112x16xf32, #tpu.memory_space<vmem_shared>> -> memref<10112x16xf32, #tpu.memory_space<vmem_shared>>
        tpu.wait_indirect_dma semaphore(%run_scoped3A_432 : memref<!tpu.dma_semaphore, #tpu.memory_space<semaphore_mem>>) src(%dma_wait3A_446 : memref<128x16xf32, #tpu.memory_space<vmem>>) dst(%dma_wait3A_452 : memref<10112x16xf32, #tpu.memory_space<vmem_shared>>)
        tpu.yield
      }) : () -> ()
      %add3A_391 = arith.constant 2 : i32
      %add3A_392 = arith.addi %add3A_325, %add3A_391 : i32
      %ge3A_393 = arith.constant 80 : i32
      %ge3A_394 = arith.cmpi sge, %add3A_392, %ge3A_393 : i32
      %sub3A_395 = arith.constant 80 : i32
      %sub3A_396 = arith.subi %add3A_392, %sub3A_395 : i32
      %select_n3A_397 = arith.select %ge3A_394, %sub3A_396, %add3A_392 : i32
      %dma_start3A_398 = arith.constant 1 : i32
      %dma_start3A_399 = arith.constant 0 : i32
      %dma_start3A_400 = arith.constant 0 : i32
      %dma_start3A_401 = tpu.memref_slice %arg6[%dma_start3A_398, %dma_start3A_399, %dma_start3A_400] : memref<2x1x128xi32, #tpu.memory_space<vmem>> -> memref<1x1x128xi32, #tpu.memory_space<vmem>>
      %dma_start3A_402 = tpu.memref_squeeze %dma_start3A_401 : memref<1x1x128xi32, #tpu.memory_space<vmem>> -> memref<1x128xi32, #tpu.memory_space<vmem>>
      %dma_start3A_403 = arith.constant 0 : i32
      %dma_start3A_404 = arith.constant 0 : i32
      %dma_start3A_405 = tpu.memref_slice %arg3[%add3A, %select_n3A_397, %dma_start3A_403, %dma_start3A_404] : memref<32x80x1x128xi32, #tpu.memory_space<hbm>> -> memref<1x1x1x128xi32, #tpu.memory_space<hbm>>
      %dma_start3A_406 = tpu.memref_squeeze %dma_start3A_405 : memref<1x1x1x128xi32, #tpu.memory_space<hbm>> -> memref<1x128xi32, #tpu.memory_space<hbm>>
      %dma_start3A_407 = arith.constant 0 : i32
      %dma_start3A_408 = arith.constant 0 : i32
      %dma_start3A_409 = tpu.memref_slice %arg6[%dma_start3A_398, %dma_start3A_407, %dma_start3A_408] : memref<2x1x128xi32, #tpu.memory_space<vmem>> -> memref<1x1x128xi32, #tpu.memory_space<vmem>>
      %dma_start3A_410 = tpu.memref_squeeze %dma_start3A_409 : memref<1x1x128xi32, #tpu.memory_space<vmem>> -> memref<1x128xi32, #tpu.memory_space<vmem>>
      %dma_start3A_411 = arith.constant 0 : i32
      %dma_start3A_412 = arith.constant 0 : i32
      %dma_start3A_413 = tpu.memref_slice %arg3[%add3A, %select_n3A_397, %dma_start3A_411, %dma_start3A_412] : memref<32x80x1x128xi32, #tpu.memory_space<hbm>> -> memref<1x1x1x128xi32, #tpu.memory_space<hbm>>
      %dma_start3A_414 = tpu.memref_squeeze %dma_start3A_413 : memref<1x1x1x128xi32, #tpu.memory_space<hbm>> -> memref<1x128xi32, #tpu.memory_space<hbm>>
      tpu.enqueue_dma source(%dma_start3A_414 : memref<1x128xi32, #tpu.memory_space<hbm>>) target(%dma_start3A_410 : memref<1x128xi32, #tpu.memory_space<vmem>>) target_semaphore(%arg14 : memref<!tpu.dma_semaphore, #tpu.memory_space<semaphore_mem>>)
      %dma_start3A_415 = arith.constant 1 : i32
      %dma_start3A_416 = arith.constant 0 : i32
      %dma_start3A_417 = arith.constant 0 : i32
      %dma_start3A_418 = tpu.memref_slice %arg7[%dma_start3A_415, %dma_start3A_416, %dma_start3A_417] : memref<2x1x128xi32, #tpu.memory_space<vmem>> -> memref<1x1x128xi32, #tpu.memory_space<vmem>>
      %dma_start3A_419 = tpu.memref_squeeze %dma_start3A_418 : memref<1x1x128xi32, #tpu.memory_space<vmem>> -> memref<1x128xi32, #tpu.memory_space<vmem>>
      %dma_start3A_420 = arith.constant 0 : i32
      %dma_start3A_421 = arith.constant 0 : i32
      %dma_start3A_422 = tpu.memref_slice %arg4[%add3A, %select_n3A_397, %dma_start3A_420, %dma_start3A_421] : memref<32x80x1x128xi32, #tpu.memory_space<hbm>> -> memref<1x1x1x128xi32, #tpu.memory_space<hbm>>
      %dma_start3A_423 = tpu.memref_squeeze %dma_start3A_422 : memref<1x1x1x128xi32, #tpu.memory_space<hbm>> -> memref<1x128xi32, #tpu.memory_space<hbm>>
      %dma_start3A_424 = arith.constant 0 : i32
      %dma_start3A_425 = arith.constant 0 : i32
      %dma_start3A_426 = tpu.memref_slice %arg7[%dma_start3A_415, %dma_start3A_424, %dma_start3A_425] : memref<2x1x128xi32, #tpu.memory_space<vmem>> -> memref<1x1x128xi32, #tpu.memory_space<vmem>>
      %dma_start3A_427 = tpu.memref_squeeze %dma_start3A_426 : memref<1x1x128xi32, #tpu.memory_space<vmem>> -> memref<1x128xi32, #tpu.memory_space<vmem>>
      %dma_start3A_428 = arith.constant 0 : i32
      %dma_start3A_429 = arith.constant 0 : i32
      %dma_start3A_430 = tpu.memref_slice %arg4[%add3A, %select_n3A_397, %dma_start3A_428, %dma_start3A_429] : memref<32x80x1x128xi32, #tpu.memory_space<hbm>> -> memref<1x1x1x128xi32, #tpu.memory_space<hbm>>
      %dma_start3A_431 = tpu.memref_squeeze %dma_start3A_430 : memref<1x1x1x128xi32, #tpu.memory_space<hbm>> -> memref<1x128xi32, #tpu.memory_space<hbm>>
      tpu.enqueue_dma source(%dma_start3A_431 : memref<1x128xi32, #tpu.memory_space<hbm>>) target(%dma_start3A_427 : memref<1x128xi32, #tpu.memory_space<vmem>>) target_semaphore(%arg14 : memref<!tpu.dma_semaphore, #tpu.memory_space<semaphore_mem>>)
    }
    %scan3A_162 = arith.constant 40 : i32
    %dma_wait3A_163 = arith.constant 0 : i32
    %dma_wait3A_164 = arith.constant 0 : i32
    %dma_wait3A_165 = arith.constant 0 : i32
    %dma_wait3A_166 = arith.constant 0 : i32
    %dma_wait3A_167 = arith.constant 0 : i32
    %dma_wait3A_168 = tpu.memref_slice %arg8[%dma_wait3A_165, %dma_wait3A_166, %dma_wait3A_167] : memref<2x128x16xf32, #tpu.memory_space<vmem>> -> memref<1x128x16xf32, #tpu.memory_space<vmem>>
    %dma_wait3A_169 = tpu.memref_squeeze %dma_wait3A_168 : memref<1x128x16xf32, #tpu.memory_space<vmem>> -> memref<128x16xf32, #tpu.memory_space<vmem>>
    %dma_wait3A_170 = arith.constant 0 : i32
    %dma_wait3A_171 = tpu.memref_slice %arg6[%dma_wait3A_163, %dma_wait3A_164, %dma_wait3A_170] : memref<2x1x128xi32, #tpu.memory_space<vmem>> -> memref<1x1x128xi32, #tpu.memory_space<vmem>>
    %dma_wait3A_172 = tpu.memref_squeeze %dma_wait3A_171 : memref<1x1x128xi32, #tpu.memory_space<vmem>> -> memref<128xi32, #tpu.memory_space<vmem>>
    %dma_wait3A_173 = arith.constant 0 : i32
    %dma_wait3A_174 = arith.constant 0 : i32
    %dma_wait3A_175 = tpu.memref_slice %arg2[%dma_wait3A_173, %dma_wait3A_174] : memref<10112x16xf32, #tpu.memory_space<hbm>> -> memref<10112x16xf32, #tpu.memory_space<hbm>>
    tpu.wait_indirect_dma semaphore(%arg11 : memref<!tpu.dma_semaphore, #tpu.memory_space<semaphore_mem>>) src(%dma_wait3A_175 : memref<10112x16xf32, #tpu.memory_space<hbm>>) dst(%dma_wait3A_169 : memref<128x16xf32, #tpu.memory_space<vmem>>)
    %dma_wait3A_176 = arith.constant 0 : i32
    %dma_wait3A_177 = arith.constant 1 : i32
    %dma_wait3A_178 = arith.constant 0 : i32
    %dma_wait3A_179 = arith.constant 0 : i32
    %dma_wait3A_180 = tpu.memref_slice %arg6[%dma_wait3A_177, %dma_wait3A_178, %dma_wait3A_179] : memref<2x1x128xi32, #tpu.memory_space<vmem>> -> memref<1x1x128xi32, #tpu.memory_space<vmem>>
    %dma_wait3A_181 = tpu.memref_squeeze %dma_wait3A_180 : memref<1x1x128xi32, #tpu.memory_space<vmem>> -> memref<1x128xi32, #tpu.memory_space<vmem>>
    %dma_wait3A_182 = arith.constant 0 : i32
    %dma_wait3A_183 = arith.constant 0 : i32
    %dma_wait3A_184 = tpu.memref_slice %arg3[%add3A, %dma_wait3A_176, %dma_wait3A_182, %dma_wait3A_183] : memref<32x80x1x128xi32, #tpu.memory_space<hbm>> -> memref<1x1x1x128xi32, #tpu.memory_space<hbm>>
    %dma_wait3A_185 = tpu.memref_squeeze %dma_wait3A_184 : memref<1x1x1x128xi32, #tpu.memory_space<hbm>> -> memref<1x128xi32, #tpu.memory_space<hbm>>
    %dma_wait3A_186 = arith.constant 0 : i32
    %dma_wait3A_187 = arith.constant 0 : i32
    %dma_wait3A_188 = tpu.memref_slice %arg6[%dma_wait3A_177, %dma_wait3A_186, %dma_wait3A_187] : memref<2x1x128xi32, #tpu.memory_space<vmem>> -> memref<1x1x128xi32, #tpu.memory_space<vmem>>
    %dma_wait3A_189 = tpu.memref_squeeze %dma_wait3A_188 : memref<1x1x128xi32, #tpu.memory_space<vmem>> -> memref<1x128xi32, #tpu.memory_space<vmem>>
    %dma_wait3A_190 = arith.constant 0 : i32
    %dma_wait3A_191 = arith.constant 0 : i32
    %dma_wait3A_192 = tpu.memref_slice %arg3[%add3A, %dma_wait3A_176, %dma_wait3A_190, %dma_wait3A_191] : memref<32x80x1x128xi32, #tpu.memory_space<hbm>> -> memref<1x1x1x128xi32, #tpu.memory_space<hbm>>
    %dma_wait3A_193 = tpu.memref_squeeze %dma_wait3A_192 : memref<1x1x1x128xi32, #tpu.memory_space<hbm>> -> memref<1x128xi32, #tpu.memory_space<hbm>>
    tpu.wait_dma2 semaphore(%arg14 : memref<!tpu.dma_semaphore, #tpu.memory_space<semaphore_mem>>) src(%dma_wait3A_193 : memref<1x128xi32, #tpu.memory_space<hbm>>) dst(%dma_wait3A_189 : memref<1x128xi32, #tpu.memory_space<vmem>>)
    %dma_wait3A_194 = arith.constant 0 : i32
    %dma_wait3A_195 = arith.constant 1 : i32
    %dma_wait3A_196 = arith.constant 0 : i32
    %dma_wait3A_197 = arith.constant 0 : i32
    %dma_wait3A_198 = tpu.memref_slice %arg7[%dma_wait3A_195, %dma_wait3A_196, %dma_wait3A_197] : memref<2x1x128xi32, #tpu.memory_space<vmem>> -> memref<1x1x128xi32, #tpu.memory_space<vmem>>
    %dma_wait3A_199 = tpu.memref_squeeze %dma_wait3A_198 : memref<1x1x128xi32, #tpu.memory_space<vmem>> -> memref<1x128xi32, #tpu.memory_space<vmem>>
    %dma_wait3A_200 = arith.constant 0 : i32
    %dma_wait3A_201 = arith.constant 0 : i32
    %dma_wait3A_202 = tpu.memref_slice %arg4[%add3A, %dma_wait3A_194, %dma_wait3A_200, %dma_wait3A_201] : memref<32x80x1x128xi32, #tpu.memory_space<hbm>> -> memref<1x1x1x128xi32, #tpu.memory_space<hbm>>
    %dma_wait3A_203 = tpu.memref_squeeze %dma_wait3A_202 : memref<1x1x1x128xi32, #tpu.memory_space<hbm>> -> memref<1x128xi32, #tpu.memory_space<hbm>>
    %dma_wait3A_204 = arith.constant 0 : i32
    %dma_wait3A_205 = arith.constant 0 : i32
    %dma_wait3A_206 = tpu.memref_slice %arg7[%dma_wait3A_195, %dma_wait3A_204, %dma_wait3A_205] : memref<2x1x128xi32, #tpu.memory_space<vmem>> -> memref<1x1x128xi32, #tpu.memory_space<vmem>>
    %dma_wait3A_207 = tpu.memref_squeeze %dma_wait3A_206 : memref<1x1x128xi32, #tpu.memory_space<vmem>> -> memref<1x128xi32, #tpu.memory_space<vmem>>
    %dma_wait3A_208 = arith.constant 0 : i32
    %dma_wait3A_209 = arith.constant 0 : i32
    %dma_wait3A_210 = tpu.memref_slice %arg4[%add3A, %dma_wait3A_194, %dma_wait3A_208, %dma_wait3A_209] : memref<32x80x1x128xi32, #tpu.memory_space<hbm>> -> memref<1x1x1x128xi32, #tpu.memory_space<hbm>>
    %dma_wait3A_211 = tpu.memref_squeeze %dma_wait3A_210 : memref<1x1x1x128xi32, #tpu.memory_space<hbm>> -> memref<1x128xi32, #tpu.memory_space<hbm>>
    tpu.wait_dma2 semaphore(%arg14 : memref<!tpu.dma_semaphore, #tpu.memory_space<semaphore_mem>>) src(%dma_wait3A_211 : memref<1x128xi32, #tpu.memory_space<hbm>>) dst(%dma_wait3A_207 : memref<1x128xi32, #tpu.memory_space<vmem>>)
    %barrier3A_212 = arith.constant 0 : index
    tpu.barrier barrier_id(%barrier3A_212)
    %mul3A_213 = arith.constant 632 : i32
    %mul3A_214 = arith.muli %arg1, %mul3A_213 : i32
    %mul3A_215 = arith.constant 632 : i32
    %mul3A_216 = arith.muli %arg1, %mul3A_215 : i32
    "tpu.region"() ({
      %run_scoped3A = tpu.sem_alloc : memref<!tpu.dma_semaphore, #tpu.memory_space<semaphore_mem>>
      %dma_start3A_217 = arith.constant 0 : i32
      %dma_start3A_218 = tpu.memref_slice %arg5[%arg0, %mul3A_216, %dma_start3A_217] : memref<2x10112x16xf32, #tpu.memory_space<hbm>> -> memref<1x632x16xf32, #tpu.memory_space<hbm>>
      %dma_start3A_219 = tpu.memref_squeeze %dma_start3A_218 : memref<1x632x16xf32, #tpu.memory_space<hbm>> -> memref<632x16xf32, #tpu.memory_space<hbm>>
      %dma_start3A_220 = arith.constant 0 : i32
      %dma_start3A_221 = tpu.memref_slice %arg10[%mul3A_214, %dma_start3A_220] : memref<10112x16xf32, #tpu.memory_space<vmem_shared>> -> memref<632x16xf32, #tpu.memory_space<vmem_shared>>
      tpu.enqueue_dma source(%dma_start3A_221 : memref<632x16xf32, #tpu.memory_space<vmem_shared>>) target(%dma_start3A_219 : memref<632x16xf32, #tpu.memory_space<hbm>>) target_semaphore(%run_scoped3A : memref<!tpu.dma_semaphore, #tpu.memory_space<semaphore_mem>>)
      %dma_wait3A_222 = arith.constant 0 : i32
      %dma_wait3A_223 = tpu.memref_slice %arg5[%arg0, %mul3A_216, %dma_wait3A_222] : memref<2x10112x16xf32, #tpu.memory_space<hbm>> -> memref<1x632x16xf32, #tpu.memory_space<hbm>>
      %dma_wait3A_224 = tpu.memref_squeeze %dma_wait3A_223 : memref<1x632x16xf32, #tpu.memory_space<hbm>> -> memref<632x16xf32, #tpu.memory_space<hbm>>
      %dma_wait3A_225 = arith.constant 0 : i32
      %dma_wait3A_226 = tpu.memref_slice %arg10[%mul3A_214, %dma_wait3A_225] : memref<10112x16xf32, #tpu.memory_space<vmem_shared>> -> memref<632x16xf32, #tpu.memory_space<vmem_shared>>
      tpu.wait_dma2 semaphore(%run_scoped3A : memref<!tpu.dma_semaphore, #tpu.memory_space<semaphore_mem>>) src(%dma_wait3A_226 : memref<632x16xf32, #tpu.memory_space<vmem_shared>>) dst(%dma_wait3A_224 : memref<632x16xf32, #tpu.memory_space<hbm>>)
      tpu.yield
    }) : () -> ()
    return
  }
}

#map = affine_map<(d0, d1) -> (0, 0)>
#map1 = affine_map<(d0, d1) -> (0, 0, 0, 0)>
#map2 = affine_map<(d0, d1) -> (0, 0, 0)>
module attributes {stable_mosaic.version = 14 : i64} {
  func.func @_agg(%arg0: i32, %arg1: i32, %arg2: memref<10112x16xf32, #tpu.memory_space<hbm>>, %arg3: memref<32x80x1x128xi32, #tpu.memory_space<hbm>>, %arg4: memref<32x80x1x128xi32, #tpu.memory_space<hbm>>, %arg5: memref<2x10112x16xf32, #tpu.memory_space<hbm>>, %arg6: memref<2x1x128xi32, #tpu.memory_space<vmem>>, %arg7: memref<2x1x128xi32, #tpu.memory_space<vmem>>, %arg8: memref<2x128x16xf32, #tpu.memory_space<vmem>>, %arg9: memref<79x16xf32, #tpu.memory_space<vmem>>, %arg10: memref<10112x16xf32, #tpu.memory_space<vmem_shared>>, %arg11: memref<!tpu.dma_semaphore, #tpu.memory_space<semaphore_mem>>, %arg12: memref<!tpu.dma_semaphore, #tpu.memory_space<semaphore_mem>>, %arg13: memref<!tpu.dma_semaphore, #tpu.memory_space<semaphore_mem>>, %arg14: memref<!tpu.dma_semaphore, #tpu.memory_space<semaphore_mem>>) attributes {dimension_semantics = [#tpu.dimension_semantics<core_parallel>, #tpu.dimension_semantics<subcore_parallel>], iteration_bounds = array<i64: 2, 16>, scalar_prefetch = 0 : i64, scratch_operands = 9 : i64, tpu.core_type = #tpu.core_type<sc_vector_subcore>, window_params = [{transform_indices = #map}, {transform_indices = #map1}, {transform_indices = #map1}, {transform_indices = #map2}]} {
    %mul3A = arith.constant 16 : i32
    %mul3A_0 = arith.muli %arg0, %mul3A : i32
    %add3A = arith.addi %mul3A_0, %arg1 : i32
    %scan3A = arith.constant 0 : i32
    %scan3A_1 = arith.constant 0 : i32
    %scan3A_2 = arith.constant 79 : i32
    %scan3A_3 = arith.addi %scan3A_1, %scan3A_2 : i32
    %scan3A_4 = arith.constant 1 : i32
    scf.for %scan3A_217 = %scan3A_1 to %scan3A_3 step %scan3A_4  : i32 {
      %broadcast_in_dim3A = arith.constant 0.000000e+00 : f32
      %broadcast_in_dim3A_218 = vector.broadcast %broadcast_in_dim3A : f32 to vector<16xf32>
      %swap3A = arith.index_cast %scan3A_217 : i32 to index
      %swap3A_219 = arith.constant 0 : index
      %swap3A_220 = tpu.vector_load %arg9[%swap3A, %swap3A_219] {strides = array<i32>} : memref<79x16xf32, #tpu.memory_space<vmem>>, vector<1x16xf32>,
      %swap3A_221 = vector.shape_cast %swap3A_220 : vector<1x16xf32> to vector<16xf32>
      %swap3A_222 = vector.shape_cast %broadcast_in_dim3A_218 : vector<16xf32> to vector<1x16xf32>
      tpu.vector_store %arg9[%swap3A, %swap3A_219], %swap3A_222 {strides = array<i32>} : memref<79x16xf32, #tpu.memory_space<vmem>>, vector<1x16xf32>,
    }
    %scan3A_5 = arith.constant 79 : i32
    %mul3A_6 = arith.constant 632 : i32
    %mul3A_7 = arith.muli %arg1, %mul3A_6 : i32
    %add3A_8 = arith.constant 0 : i32
    %add3A_9 = arith.addi %mul3A_7, %add3A_8 : i32
    "tpu.region"() ({
      %run_scoped3A = tpu.sem_alloc : memref<!tpu.dma_semaphore, #tpu.memory_space<semaphore_mem>>
      %dma_start3A_217 = arith.constant 0 : i32
      %dma_start3A_218 = tpu.memref_slice %arg10[%add3A_9, %dma_start3A_217] : memref<10112x16xf32, #tpu.memory_space<vmem_shared>> -> memref<79x16xf32, #tpu.memory_space<vmem_shared>>
      %dma_start3A_219 = arith.constant 0 : i32
      %dma_start3A_220 = tpu.memref_slice %arg10[%add3A_9, %dma_start3A_219] : memref<10112x16xf32, #tpu.memory_space<vmem_shared>> -> memref<79x16xf32, #tpu.memory_space<vmem_shared>>
      tpu.enqueue_dma source(%arg9 : memref<79x16xf32, #tpu.memory_space<vmem>>) target(%dma_start3A_220 : memref<79x16xf32, #tpu.memory_space<vmem_shared>>) target_semaphore(%run_scoped3A : memref<!tpu.dma_semaphore, #tpu.memory_space<semaphore_mem>>)
      %dma_wait3A_221 = arith.constant 0 : i32
      %dma_wait3A_222 = tpu.memref_slice %arg10[%add3A_9, %dma_wait3A_221] : memref<10112x16xf32, #tpu.memory_space<vmem_shared>> -> memref<79x16xf32, #tpu.memory_space<vmem_shared>>
      %dma_wait3A_223 = arith.constant 0 : i32
      %dma_wait3A_224 = tpu.memref_slice %arg10[%add3A_9, %dma_wait3A_223] : memref<10112x16xf32, #tpu.memory_space<vmem_shared>> -> memref<79x16xf32, #tpu.memory_space<vmem_shared>>
      tpu.wait_dma2 semaphore(%run_scoped3A : memref<!tpu.dma_semaphore, #tpu.memory_space<semaphore_mem>>) src(%arg9 : memref<79x16xf32, #tpu.memory_space<vmem>>) dst(%dma_wait3A_224 : memref<79x16xf32, #tpu.memory_space<vmem_shared>>)
      tpu.yield
    }) : () -> ()
    %mul3A_10 = arith.constant 632 : i32
    %mul3A_11 = arith.muli %arg1, %mul3A_10 : i32
    %add3A_12 = arith.constant 79 : i32
    %add3A_13 = arith.addi %mul3A_11, %add3A_12 : i32
    "tpu.region"() ({
      %run_scoped3A = tpu.sem_alloc : memref<!tpu.dma_semaphore, #tpu.memory_space<semaphore_mem>>
      %dma_start3A_217 = arith.constant 0 : i32
      %dma_start3A_218 = tpu.memref_slice %arg10[%add3A_13, %dma_start3A_217] : memref<10112x16xf32, #tpu.memory_space<vmem_shared>> -> memref<79x16xf32, #tpu.memory_space<vmem_shared>>
      %dma_start3A_219 = arith.constant 0 : i32
      %dma_start3A_220 = tpu.memref_slice %arg10[%add3A_13, %dma_start3A_219] : memref<10112x16xf32, #tpu.memory_space<vmem_shared>> -> memref<79x16xf32, #tpu.memory_space<vmem_shared>>
      tpu.enqueue_dma source(%arg9 : memref<79x16xf32, #tpu.memory_space<vmem>>) target(%dma_start3A_220 : memref<79x16xf32, #tpu.memory_space<vmem_shared>>) target_semaphore(%run_scoped3A : memref<!tpu.dma_semaphore, #tpu.memory_space<semaphore_mem>>)
      %dma_wait3A_221 = arith.constant 0 : i32
      %dma_wait3A_222 = tpu.memref_slice %arg10[%add3A_13, %dma_wait3A_221] : memref<10112x16xf32, #tpu.memory_space<vmem_shared>> -> memref<79x16xf32, #tpu.memory_space<vmem_shared>>
      %dma_wait3A_223 = arith.constant 0 : i32
      %dma_wait3A_224 = tpu.memref_slice %arg10[%add3A_13, %dma_wait3A_223] : memref<10112x16xf32, #tpu.memory_space<vmem_shared>> -> memref<79x16xf32, #tpu.memory_space<vmem_shared>>
      tpu.wait_dma2 semaphore(%run_scoped3A : memref<!tpu.dma_semaphore, #tpu.memory_space<semaphore_mem>>) src(%arg9 : memref<79x16xf32, #tpu.memory_space<vmem>>) dst(%dma_wait3A_224 : memref<79x16xf32, #tpu.memory_space<vmem_shared>>)
      tpu.yield
    }) : () -> ()
    %mul3A_14 = arith.constant 632 : i32
    %mul3A_15 = arith.muli %arg1, %mul3A_14 : i32
    %add3A_16 = arith.constant 158 : i32
    %add3A_17 = arith.addi %mul3A_15, %add3A_16 : i32
    "tpu.region"() ({
      %run_scoped3A = tpu.sem_alloc : memref<!tpu.dma_semaphore, #tpu.memory_space<semaphore_mem>>
      %dma_start3A_217 = arith.constant 0 : i32
      %dma_start3A_218 = tpu.memref_slice %arg10[%add3A_17, %dma_start3A_217] : memref<10112x16xf32, #tpu.memory_space<vmem_shared>> -> memref<79x16xf32, #tpu.memory_space<vmem_shared>>
      %dma_start3A_219 = arith.constant 0 : i32
      %dma_start3A_220 = tpu.memref_slice %arg10[%add3A_17, %dma_start3A_219] : memref<10112x16xf32, #tpu.memory_space<vmem_shared>> -> memref<79x16xf32, #tpu.memory_space<vmem_shared>>
      tpu.enqueue_dma source(%arg9 : memref<79x16xf32, #tpu.memory_space<vmem>>) target(%dma_start3A_220 : memref<79x16xf32, #tpu.memory_space<vmem_shared>>) target_semaphore(%run_scoped3A : memref<!tpu.dma_semaphore, #tpu.memory_space<semaphore_mem>>)
      %dma_wait3A_221 = arith.constant 0 : i32
      %dma_wait3A_222 = tpu.memref_slice %arg10[%add3A_17, %dma_wait3A_221] : memref<10112x16xf32, #tpu.memory_space<vmem_shared>> -> memref<79x16xf32, #tpu.memory_space<vmem_shared>>
      %dma_wait3A_223 = arith.constant 0 : i32
      %dma_wait3A_224 = tpu.memref_slice %arg10[%add3A_17, %dma_wait3A_223] : memref<10112x16xf32, #tpu.memory_space<vmem_shared>> -> memref<79x16xf32, #tpu.memory_space<vmem_shared>>
      tpu.wait_dma2 semaphore(%run_scoped3A : memref<!tpu.dma_semaphore, #tpu.memory_space<semaphore_mem>>) src(%arg9 : memref<79x16xf32, #tpu.memory_space<vmem>>) dst(%dma_wait3A_224 : memref<79x16xf32, #tpu.memory_space<vmem_shared>>)
      tpu.yield
    }) : () -> ()
    %mul3A_18 = arith.constant 632 : i32
    %mul3A_19 = arith.muli %arg1, %mul3A_18 : i32
    %add3A_20 = arith.constant 237 : i32
    %add3A_21 = arith.addi %mul3A_19, %add3A_20 : i32
    "tpu.region"() ({
      %run_scoped3A = tpu.sem_alloc : memref<!tpu.dma_semaphore, #tpu.memory_space<semaphore_mem>>
      %dma_start3A_217 = arith.constant 0 : i32
      %dma_start3A_218 = tpu.memref_slice %arg10[%add3A_21, %dma_start3A_217] : memref<10112x16xf32, #tpu.memory_space<vmem_shared>> -> memref<79x16xf32, #tpu.memory_space<vmem_shared>>
      %dma_start3A_219 = arith.constant 0 : i32
      %dma_start3A_220 = tpu.memref_slice %arg10[%add3A_21, %dma_start3A_219] : memref<10112x16xf32, #tpu.memory_space<vmem_shared>> -> memref<79x16xf32, #tpu.memory_space<vmem_shared>>
      tpu.enqueue_dma source(%arg9 : memref<79x16xf32, #tpu.memory_space<vmem>>) target(%dma_start3A_220 : memref<79x16xf32, #tpu.memory_space<vmem_shared>>) target_semaphore(%run_scoped3A : memref<!tpu.dma_semaphore, #tpu.memory_space<semaphore_mem>>)
      %dma_wait3A_221 = arith.constant 0 : i32
      %dma_wait3A_222 = tpu.memref_slice %arg10[%add3A_21, %dma_wait3A_221] : memref<10112x16xf32, #tpu.memory_space<vmem_shared>> -> memref<79x16xf32, #tpu.memory_space<vmem_shared>>
      %dma_wait3A_223 = arith.constant 0 : i32
      %dma_wait3A_224 = tpu.memref_slice %arg10[%add3A_21, %dma_wait3A_223] : memref<10112x16xf32, #tpu.memory_space<vmem_shared>> -> memref<79x16xf32, #tpu.memory_space<vmem_shared>>
      tpu.wait_dma2 semaphore(%run_scoped3A : memref<!tpu.dma_semaphore, #tpu.memory_space<semaphore_mem>>) src(%arg9 : memref<79x16xf32, #tpu.memory_space<vmem>>) dst(%dma_wait3A_224 : memref<79x16xf32, #tpu.memory_space<vmem_shared>>)
      tpu.yield
    }) : () -> ()
    %mul3A_22 = arith.constant 632 : i32
    %mul3A_23 = arith.muli %arg1, %mul3A_22 : i32
    %add3A_24 = arith.constant 316 : i32
    %add3A_25 = arith.addi %mul3A_23, %add3A_24 : i32
    "tpu.region"() ({
      %run_scoped3A = tpu.sem_alloc : memref<!tpu.dma_semaphore, #tpu.memory_space<semaphore_mem>>
      %dma_start3A_217 = arith.constant 0 : i32
      %dma_start3A_218 = tpu.memref_slice %arg10[%add3A_25, %dma_start3A_217] : memref<10112x16xf32, #tpu.memory_space<vmem_shared>> -> memref<79x16xf32, #tpu.memory_space<vmem_shared>>
      %dma_start3A_219 = arith.constant 0 : i32
      %dma_start3A_220 = tpu.memref_slice %arg10[%add3A_25, %dma_start3A_219] : memref<10112x16xf32, #tpu.memory_space<vmem_shared>> -> memref<79x16xf32, #tpu.memory_space<vmem_shared>>
      tpu.enqueue_dma source(%arg9 : memref<79x16xf32, #tpu.memory_space<vmem>>) target(%dma_start3A_220 : memref<79x16xf32, #tpu.memory_space<vmem_shared>>) target_semaphore(%run_scoped3A : memref<!tpu.dma_semaphore, #tpu.memory_space<semaphore_mem>>)
      %dma_wait3A_221 = arith.constant 0 : i32
      %dma_wait3A_222 = tpu.memref_slice %arg10[%add3A_25, %dma_wait3A_221] : memref<10112x16xf32, #tpu.memory_space<vmem_shared>> -> memref<79x16xf32, #tpu.memory_space<vmem_shared>>
      %dma_wait3A_223 = arith.constant 0 : i32
      %dma_wait3A_224 = tpu.memref_slice %arg10[%add3A_25, %dma_wait3A_223] : memref<10112x16xf32, #tpu.memory_space<vmem_shared>> -> memref<79x16xf32, #tpu.memory_space<vmem_shared>>
      tpu.wait_dma2 semaphore(%run_scoped3A : memref<!tpu.dma_semaphore, #tpu.memory_space<semaphore_mem>>) src(%arg9 : memref<79x16xf32, #tpu.memory_space<vmem>>) dst(%dma_wait3A_224 : memref<79x16xf32, #tpu.memory_space<vmem_shared>>)
      tpu.yield
    }) : () -> ()
    %mul3A_26 = arith.constant 632 : i32
    %mul3A_27 = arith.muli %arg1, %mul3A_26 : i32
    %add3A_28 = arith.constant 395 : i32
    %add3A_29 = arith.addi %mul3A_27, %add3A_28 : i32
    "tpu.region"() ({
      %run_scoped3A = tpu.sem_alloc : memref<!tpu.dma_semaphore, #tpu.memory_space<semaphore_mem>>
      %dma_start3A_217 = arith.constant 0 : i32
      %dma_start3A_218 = tpu.memref_slice %arg10[%add3A_29, %dma_start3A_217] : memref<10112x16xf32, #tpu.memory_space<vmem_shared>> -> memref<79x16xf32, #tpu.memory_space<vmem_shared>>
      %dma_start3A_219 = arith.constant 0 : i32
      %dma_start3A_220 = tpu.memref_slice %arg10[%add3A_29, %dma_start3A_219] : memref<10112x16xf32, #tpu.memory_space<vmem_shared>> -> memref<79x16xf32, #tpu.memory_space<vmem_shared>>
      tpu.enqueue_dma source(%arg9 : memref<79x16xf32, #tpu.memory_space<vmem>>) target(%dma_start3A_220 : memref<79x16xf32, #tpu.memory_space<vmem_shared>>) target_semaphore(%run_scoped3A : memref<!tpu.dma_semaphore, #tpu.memory_space<semaphore_mem>>)
      %dma_wait3A_221 = arith.constant 0 : i32
      %dma_wait3A_222 = tpu.memref_slice %arg10[%add3A_29, %dma_wait3A_221] : memref<10112x16xf32, #tpu.memory_space<vmem_shared>> -> memref<79x16xf32, #tpu.memory_space<vmem_shared>>
      %dma_wait3A_223 = arith.constant 0 : i32
      %dma_wait3A_224 = tpu.memref_slice %arg10[%add3A_29, %dma_wait3A_223] : memref<10112x16xf32, #tpu.memory_space<vmem_shared>> -> memref<79x16xf32, #tpu.memory_space<vmem_shared>>
      tpu.wait_dma2 semaphore(%run_scoped3A : memref<!tpu.dma_semaphore, #tpu.memory_space<semaphore_mem>>) src(%arg9 : memref<79x16xf32, #tpu.memory_space<vmem>>) dst(%dma_wait3A_224 : memref<79x16xf32, #tpu.memory_space<vmem_shared>>)
      tpu.yield
    }) : () -> ()
    %mul3A_30 = arith.constant 632 : i32
    %mul3A_31 = arith.muli %arg1, %mul3A_30 : i32
    %add3A_32 = arith.constant 474 : i32
    %add3A_33 = arith.addi %mul3A_31, %add3A_32 : i32
    "tpu.region"() ({
      %run_scoped3A = tpu.sem_alloc : memref<!tpu.dma_semaphore, #tpu.memory_space<semaphore_mem>>
      %dma_start3A_217 = arith.constant 0 : i32
      %dma_start3A_218 = tpu.memref_slice %arg10[%add3A_33, %dma_start3A_217] : memref<10112x16xf32, #tpu.memory_space<vmem_shared>> -> memref<79x16xf32, #tpu.memory_space<vmem_shared>>
      %dma_start3A_219 = arith.constant 0 : i32
      %dma_start3A_220 = tpu.memref_slice %arg10[%add3A_33, %dma_start3A_219] : memref<10112x16xf32, #tpu.memory_space<vmem_shared>> -> memref<79x16xf32, #tpu.memory_space<vmem_shared>>
      tpu.enqueue_dma source(%arg9 : memref<79x16xf32, #tpu.memory_space<vmem>>) target(%dma_start3A_220 : memref<79x16xf32, #tpu.memory_space<vmem_shared>>) target_semaphore(%run_scoped3A : memref<!tpu.dma_semaphore, #tpu.memory_space<semaphore_mem>>)
      %dma_wait3A_221 = arith.constant 0 : i32
      %dma_wait3A_222 = tpu.memref_slice %arg10[%add3A_33, %dma_wait3A_221] : memref<10112x16xf32, #tpu.memory_space<vmem_shared>> -> memref<79x16xf32, #tpu.memory_space<vmem_shared>>
      %dma_wait3A_223 = arith.constant 0 : i32
      %dma_wait3A_224 = tpu.memref_slice %arg10[%add3A_33, %dma_wait3A_223] : memref<10112x16xf32, #tpu.memory_space<vmem_shared>> -> memref<79x16xf32, #tpu.memory_space<vmem_shared>>
      tpu.wait_dma2 semaphore(%run_scoped3A : memref<!tpu.dma_semaphore, #tpu.memory_space<semaphore_mem>>) src(%arg9 : memref<79x16xf32, #tpu.memory_space<vmem>>) dst(%dma_wait3A_224 : memref<79x16xf32, #tpu.memory_space<vmem_shared>>)
      tpu.yield
    }) : () -> ()
    %mul3A_34 = arith.constant 632 : i32
    %mul3A_35 = arith.muli %arg1, %mul3A_34 : i32
    %add3A_36 = arith.constant 553 : i32
    %add3A_37 = arith.addi %mul3A_35, %add3A_36 : i32
    "tpu.region"() ({
      %run_scoped3A = tpu.sem_alloc : memref<!tpu.dma_semaphore, #tpu.memory_space<semaphore_mem>>
      %dma_start3A_217 = arith.constant 0 : i32
      %dma_start3A_218 = tpu.memref_slice %arg10[%add3A_37, %dma_start3A_217] : memref<10112x16xf32, #tpu.memory_space<vmem_shared>> -> memref<79x16xf32, #tpu.memory_space<vmem_shared>>
      %dma_start3A_219 = arith.constant 0 : i32
      %dma_start3A_220 = tpu.memref_slice %arg10[%add3A_37, %dma_start3A_219] : memref<10112x16xf32, #tpu.memory_space<vmem_shared>> -> memref<79x16xf32, #tpu.memory_space<vmem_shared>>
      tpu.enqueue_dma source(%arg9 : memref<79x16xf32, #tpu.memory_space<vmem>>) target(%dma_start3A_220 : memref<79x16xf32, #tpu.memory_space<vmem_shared>>) target_semaphore(%run_scoped3A : memref<!tpu.dma_semaphore, #tpu.memory_space<semaphore_mem>>)
      %dma_wait3A_221 = arith.constant 0 : i32
      %dma_wait3A_222 = tpu.memref_slice %arg10[%add3A_37, %dma_wait3A_221] : memref<10112x16xf32, #tpu.memory_space<vmem_shared>> -> memref<79x16xf32, #tpu.memory_space<vmem_shared>>
      %dma_wait3A_223 = arith.constant 0 : i32
      %dma_wait3A_224 = tpu.memref_slice %arg10[%add3A_37, %dma_wait3A_223] : memref<10112x16xf32, #tpu.memory_space<vmem_shared>> -> memref<79x16xf32, #tpu.memory_space<vmem_shared>>
      tpu.wait_dma2 semaphore(%run_scoped3A : memref<!tpu.dma_semaphore, #tpu.memory_space<semaphore_mem>>) src(%arg9 : memref<79x16xf32, #tpu.memory_space<vmem>>) dst(%dma_wait3A_224 : memref<79x16xf32, #tpu.memory_space<vmem_shared>>)
      tpu.yield
    }) : () -> ()
    %barrier3A = arith.constant 0 : index
    tpu.barrier barrier_id(%barrier3A)
    %dma_start3A = arith.constant 0 : i32
    %dma_start3A_38 = arith.constant 0 : i32
    %dma_start3A_39 = arith.constant 0 : i32
    %dma_start3A_40 = arith.constant 0 : i32
    %dma_start3A_41 = tpu.memref_slice %arg6[%dma_start3A_38, %dma_start3A_39, %dma_start3A_40] : memref<2x1x128xi32, #tpu.memory_space<vmem>> -> memref<1x1x128xi32, #tpu.memory_space<vmem>>
    %dma_start3A_42 = tpu.memref_squeeze %dma_start3A_41 : memref<1x1x128xi32, #tpu.memory_space<vmem>> -> memref<1x128xi32, #tpu.memory_space<vmem>>
    %dma_start3A_43 = arith.constant 0 : i32
    %dma_start3A_44 = arith.constant 0 : i32
    %dma_start3A_45 = tpu.memref_slice %arg3[%add3A, %dma_start3A, %dma_start3A_43, %dma_start3A_44] : memref<32x80x1x128xi32, #tpu.memory_space<hbm>> -> memref<1x1x1x128xi32, #tpu.memory_space<hbm>>
    %dma_start3A_46 = tpu.memref_squeeze %dma_start3A_45 : memref<1x1x1x128xi32, #tpu.memory_space<hbm>> -> memref<1x128xi32, #tpu.memory_space<hbm>>
    %dma_start3A_47 = arith.constant 0 : i32
    %dma_start3A_48 = arith.constant 0 : i32
    %dma_start3A_49 = tpu.memref_slice %arg6[%dma_start3A_38, %dma_start3A_47, %dma_start3A_48] : memref<2x1x128xi32, #tpu.memory_space<vmem>> -> memref<1x1x128xi32, #tpu.memory_space<vmem>>
    %dma_start3A_50 = tpu.memref_squeeze %dma_start3A_49 : memref<1x1x128xi32, #tpu.memory_space<vmem>> -> memref<1x128xi32, #tpu.memory_space<vmem>>
    %dma_start3A_51 = arith.constant 0 : i32
    %dma_start3A_52 = arith.constant 0 : i32
    %dma_start3A_53 = tpu.memref_slice %arg3[%add3A, %dma_start3A, %dma_start3A_51, %dma_start3A_52] : memref<32x80x1x128xi32, #tpu.memory_space<hbm>> -> memref<1x1x1x128xi32, #tpu.memory_space<hbm>>
    %dma_start3A_54 = tpu.memref_squeeze %dma_start3A_53 : memref<1x1x1x128xi32, #tpu.memory_space<hbm>> -> memref<1x128xi32, #tpu.memory_space<hbm>>
    tpu.enqueue_dma source(%dma_start3A_54 : memref<1x128xi32, #tpu.memory_space<hbm>>) target(%dma_start3A_50 : memref<1x128xi32, #tpu.memory_space<vmem>>) target_semaphore(%arg13 : memref<!tpu.dma_semaphore, #tpu.memory_space<semaphore_mem>>)
    %dma_start3A_55 = arith.constant 0 : i32
    %dma_start3A_56 = arith.constant 0 : i32
    %dma_start3A_57 = arith.constant 0 : i32
    %dma_start3A_58 = arith.constant 0 : i32
    %dma_start3A_59 = tpu.memref_slice %arg7[%dma_start3A_56, %dma_start3A_57, %dma_start3A_58] : memref<2x1x128xi32, #tpu.memory_space<vmem>> -> memref<1x1x128xi32, #tpu.memory_space<vmem>>
    %dma_start3A_60 = tpu.memref_squeeze %dma_start3A_59 : memref<1x1x128xi32, #tpu.memory_space<vmem>> -> memref<1x128xi32, #tpu.memory_space<vmem>>
    %dma_start3A_61 = arith.constant 0 : i32
    %dma_start3A_62 = arith.constant 0 : i32
    %dma_start3A_63 = tpu.memref_slice %arg4[%add3A, %dma_start3A_55, %dma_start3A_61, %dma_start3A_62] : memref<32x80x1x128xi32, #tpu.memory_space<hbm>> -> memref<1x1x1x128xi32, #tpu.memory_space<hbm>>
    %dma_start3A_64 = tpu.memref_squeeze %dma_start3A_63 : memref<1x1x1x128xi32, #tpu.memory_space<hbm>> -> memref<1x128xi32, #tpu.memory_space<hbm>>
    %dma_start3A_65 = arith.constant 0 : i32
    %dma_start3A_66 = arith.constant 0 : i32
    %dma_start3A_67 = tpu.memref_slice %arg7[%dma_start3A_56, %dma_start3A_65, %dma_start3A_66] : memref<2x1x128xi32, #tpu.memory_space<vmem>> -> memref<1x1x128xi32, #tpu.memory_space<vmem>>
    %dma_start3A_68 = tpu.memref_squeeze %dma_start3A_67 : memref<1x1x128xi32, #tpu.memory_space<vmem>> -> memref<1x128xi32, #tpu.memory_space<vmem>>
    %dma_start3A_69 = arith.constant 0 : i32
    %dma_start3A_70 = arith.constant 0 : i32
    %dma_start3A_71 = tpu.memref_slice %arg4[%add3A, %dma_start3A_55, %dma_start3A_69, %dma_start3A_70] : memref<32x80x1x128xi32, #tpu.memory_space<hbm>> -> memref<1x1x1x128xi32, #tpu.memory_space<hbm>>
    %dma_start3A_72 = tpu.memref_squeeze %dma_start3A_71 : memref<1x1x1x128xi32, #tpu.memory_space<hbm>> -> memref<1x128xi32, #tpu.memory_space<hbm>>
    tpu.enqueue_dma source(%dma_start3A_72 : memref<1x128xi32, #tpu.memory_space<hbm>>) target(%dma_start3A_68 : memref<1x128xi32, #tpu.memory_space<vmem>>) target_semaphore(%arg13 : memref<!tpu.dma_semaphore, #tpu.memory_space<semaphore_mem>>)
    %dma_wait3A = arith.constant 0 : i32
    %dma_wait3A_73 = arith.constant 0 : i32
    %dma_wait3A_74 = arith.constant 0 : i32
    %dma_wait3A_75 = arith.constant 0 : i32
    %dma_wait3A_76 = tpu.memref_slice %arg6[%dma_wait3A_73, %dma_wait3A_74, %dma_wait3A_75] : memref<2x1x128xi32, #tpu.memory_space<vmem>> -> memref<1x1x128xi32, #tpu.memory_space<vmem>>
    %dma_wait3A_77 = tpu.memref_squeeze %dma_wait3A_76 : memref<1x1x128xi32, #tpu.memory_space<vmem>> -> memref<1x128xi32, #tpu.memory_space<vmem>>
    %dma_wait3A_78 = arith.constant 0 : i32
    %dma_wait3A_79 = arith.constant 0 : i32
    %dma_wait3A_80 = tpu.memref_slice %arg3[%add3A, %dma_wait3A, %dma_wait3A_78, %dma_wait3A_79] : memref<32x80x1x128xi32, #tpu.memory_space<hbm>> -> memref<1x1x1x128xi32, #tpu.memory_space<hbm>>
    %dma_wait3A_81 = tpu.memref_squeeze %dma_wait3A_80 : memref<1x1x1x128xi32, #tpu.memory_space<hbm>> -> memref<1x128xi32, #tpu.memory_space<hbm>>
    %dma_wait3A_82 = arith.constant 0 : i32
    %dma_wait3A_83 = arith.constant 0 : i32
    %dma_wait3A_84 = tpu.memref_slice %arg6[%dma_wait3A_73, %dma_wait3A_82, %dma_wait3A_83] : memref<2x1x128xi32, #tpu.memory_space<vmem>> -> memref<1x1x128xi32, #tpu.memory_space<vmem>>
    %dma_wait3A_85 = tpu.memref_squeeze %dma_wait3A_84 : memref<1x1x128xi32, #tpu.memory_space<vmem>> -> memref<1x128xi32, #tpu.memory_space<vmem>>
    %dma_wait3A_86 = arith.constant 0 : i32
    %dma_wait3A_87 = arith.constant 0 : i32
    %dma_wait3A_88 = tpu.memref_slice %arg3[%add3A, %dma_wait3A, %dma_wait3A_86, %dma_wait3A_87] : memref<32x80x1x128xi32, #tpu.memory_space<hbm>> -> memref<1x1x1x128xi32, #tpu.memory_space<hbm>>
    %dma_wait3A_89 = tpu.memref_squeeze %dma_wait3A_88 : memref<1x1x1x128xi32, #tpu.memory_space<hbm>> -> memref<1x128xi32, #tpu.memory_space<hbm>>
    tpu.wait_dma2 semaphore(%arg13 : memref<!tpu.dma_semaphore, #tpu.memory_space<semaphore_mem>>) src(%dma_wait3A_89 : memref<1x128xi32, #tpu.memory_space<hbm>>) dst(%dma_wait3A_85 : memref<1x128xi32, #tpu.memory_space<vmem>>)
    %dma_wait3A_90 = arith.constant 0 : i32
    %dma_wait3A_91 = arith.constant 0 : i32
    %dma_wait3A_92 = arith.constant 0 : i32
    %dma_wait3A_93 = arith.constant 0 : i32
    %dma_wait3A_94 = tpu.memref_slice %arg7[%dma_wait3A_91, %dma_wait3A_92, %dma_wait3A_93] : memref<2x1x128xi32, #tpu.memory_space<vmem>> -> memref<1x1x128xi32, #tpu.memory_space<vmem>>
    %dma_wait3A_95 = tpu.memref_squeeze %dma_wait3A_94 : memref<1x1x128xi32, #tpu.memory_space<vmem>> -> memref<1x128xi32, #tpu.memory_space<vmem>>
    %dma_wait3A_96 = arith.constant 0 : i32
    %dma_wait3A_97 = arith.constant 0 : i32
    %dma_wait3A_98 = tpu.memref_slice %arg4[%add3A, %dma_wait3A_90, %dma_wait3A_96, %dma_wait3A_97] : memref<32x80x1x128xi32, #tpu.memory_space<hbm>> -> memref<1x1x1x128xi32, #tpu.memory_space<hbm>>
    %dma_wait3A_99 = tpu.memref_squeeze %dma_wait3A_98 : memref<1x1x1x128xi32, #tpu.memory_space<hbm>> -> memref<1x128xi32, #tpu.memory_space<hbm>>
    %dma_wait3A_100 = arith.constant 0 : i32
    %dma_wait3A_101 = arith.constant 0 : i32
    %dma_wait3A_102 = tpu.memref_slice %arg7[%dma_wait3A_91, %dma_wait3A_100, %dma_wait3A_101] : memref<2x1x128xi32, #tpu.memory_space<vmem>> -> memref<1x1x128xi32, #tpu.memory_space<vmem>>
    %dma_wait3A_103 = tpu.memref_squeeze %dma_wait3A_102 : memref<1x1x128xi32, #tpu.memory_space<vmem>> -> memref<1x128xi32, #tpu.memory_space<vmem>>
    %dma_wait3A_104 = arith.constant 0 : i32
    %dma_wait3A_105 = arith.constant 0 : i32
    %dma_wait3A_106 = tpu.memref_slice %arg4[%add3A, %dma_wait3A_90, %dma_wait3A_104, %dma_wait3A_105] : memref<32x80x1x128xi32, #tpu.memory_space<hbm>> -> memref<1x1x1x128xi32, #tpu.memory_space<hbm>>
    %dma_wait3A_107 = tpu.memref_squeeze %dma_wait3A_106 : memref<1x1x1x128xi32, #tpu.memory_space<hbm>> -> memref<1x128xi32, #tpu.memory_space<hbm>>
    tpu.wait_dma2 semaphore(%arg13 : memref<!tpu.dma_semaphore, #tpu.memory_space<semaphore_mem>>) src(%dma_wait3A_107 : memref<1x128xi32, #tpu.memory_space<hbm>>) dst(%dma_wait3A_103 : memref<1x128xi32, #tpu.memory_space<vmem>>)
    %dma_start3A_108 = arith.constant 0 : i32
    %dma_start3A_109 = arith.constant 0 : i32
    %dma_start3A_110 = arith.constant 0 : i32
    %dma_start3A_111 = arith.constant 0 : i32
    %dma_start3A_112 = arith.constant 0 : i32
    %dma_start3A_113 = tpu.memref_slice %arg8[%dma_start3A_110, %dma_start3A_111, %dma_start3A_112] : memref<2x128x16xf32, #tpu.memory_space<vmem>> -> memref<1x128x16xf32, #tpu.memory_space<vmem>>
    %dma_start3A_114 = tpu.memref_squeeze %dma_start3A_113 : memref<1x128x16xf32, #tpu.memory_space<vmem>> -> memref<128x16xf32, #tpu.memory_space<vmem>>
    %dma_start3A_115 = arith.constant 0 : i32
    %dma_start3A_116 = tpu.memref_slice %arg6[%dma_start3A_108, %dma_start3A_109, %dma_start3A_115] : memref<2x1x128xi32, #tpu.memory_space<vmem>> -> memref<1x1x128xi32, #tpu.memory_space<vmem>>
    %dma_start3A_117 = tpu.memref_squeeze %dma_start3A_116 : memref<1x1x128xi32, #tpu.memory_space<vmem>> -> memref<128xi32, #tpu.memory_space<vmem>>
    %dma_start3A_118 = arith.constant 0 : i32
    %dma_start3A_119 = arith.constant 0 : i32
    %dma_start3A_120 = tpu.memref_slice %arg2[%dma_start3A_118, %dma_start3A_119] : memref<10112x16xf32, #tpu.memory_space<hbm>> -> memref<10112x16xf32, #tpu.memory_space<hbm>>
    tpu.enqueue_indirect_dma source(%dma_start3A_120 : memref<10112x16xf32, #tpu.memory_space<hbm>>) target(%dma_start3A_114 : memref<128x16xf32, #tpu.memory_space<vmem>>) offsets(%dma_start3A_117 : memref<128xi32, #tpu.memory_space<vmem>>) semaphore(%arg11 : memref<!tpu.dma_semaphore, #tpu.memory_space<semaphore_mem>>)
    %dma_start3A_121 = arith.constant 1 : i32
    %dma_start3A_122 = arith.constant 1 : i32
    %dma_start3A_123 = arith.constant 0 : i32
    %dma_start3A_124 = arith.constant 0 : i32
    %dma_start3A_125 = tpu.memref_slice %arg6[%dma_start3A_122, %dma_start3A_123, %dma_start3A_124] : memref<2x1x128xi32, #tpu.memory_space<vmem>> -> memref<1x1x128xi32, #tpu.memory_space<vmem>>
    %dma_start3A_126 = tpu.memref_squeeze %dma_start3A_125 : memref<1x1x128xi32, #tpu.memory_space<vmem>> -> memref<1x128xi32, #tpu.memory_space<vmem>>
    %dma_start3A_127 = arith.constant 0 : i32
    %dma_start3A_128 = arith.constant 0 : i32
    %dma_start3A_129 = tpu.memref_slice %arg3[%add3A, %dma_start3A_121, %dma_start3A_127, %dma_start3A_128] : memref<32x80x1x128xi32, #tpu.memory_space<hbm>> -> memref<1x1x1x128xi32, #tpu.memory_space<hbm>>
    %dma_start3A_130 = tpu.memref_squeeze %dma_start3A_129 : memref<1x1x1x128xi32, #tpu.memory_space<hbm>> -> memref<1x128xi32, #tpu.memory_space<hbm>>
    %dma_start3A_131 = arith.constant 0 : i32
    %dma_start3A_132 = arith.constant 0 : i32
    %dma_start3A_133 = tpu.memref_slice %arg6[%dma_start3A_122, %dma_start3A_131, %dma_start3A_132] : memref<2x1x128xi32, #tpu.memory_space<vmem>> -> memref<1x1x128xi32, #tpu.memory_space<vmem>>
    %dma_start3A_134 = tpu.memref_squeeze %dma_start3A_133 : memref<1x1x128xi32, #tpu.memory_space<vmem>> -> memref<1x128xi32, #tpu.memory_space<vmem>>
    %dma_start3A_135 = arith.constant 0 : i32
    %dma_start3A_136 = arith.constant 0 : i32
    %dma_start3A_137 = tpu.memref_slice %arg3[%add3A, %dma_start3A_121, %dma_start3A_135, %dma_start3A_136] : memref<32x80x1x128xi32, #tpu.memory_space<hbm>> -> memref<1x1x1x128xi32, #tpu.memory_space<hbm>>
    %dma_start3A_138 = tpu.memref_squeeze %dma_start3A_137 : memref<1x1x1x128xi32, #tpu.memory_space<hbm>> -> memref<1x128xi32, #tpu.memory_space<hbm>>
    tpu.enqueue_dma source(%dma_start3A_138 : memref<1x128xi32, #tpu.memory_space<hbm>>) target(%dma_start3A_134 : memref<1x128xi32, #tpu.memory_space<vmem>>) target_semaphore(%arg14 : memref<!tpu.dma_semaphore, #tpu.memory_space<semaphore_mem>>)
    %dma_start3A_139 = arith.constant 1 : i32
    %dma_start3A_140 = arith.constant 1 : i32
    %dma_start3A_141 = arith.constant 0 : i32
    %dma_start3A_142 = arith.constant 0 : i32
    %dma_start3A_143 = tpu.memref_slice %arg7[%dma_start3A_140, %dma_start3A_141, %dma_start3A_142] : memref<2x1x128xi32, #tpu.memory_space<vmem>> -> memref<1x1x128xi32, #tpu.memory_space<vmem>>
    %dma_start3A_144 = tpu.memref_squeeze %dma_start3A_143 : memref<1x1x128xi32, #tpu.memory_space<vmem>> -> memref<1x128xi32, #tpu.memory_space<vmem>>
    %dma_start3A_145 = arith.constant 0 : i32
    %dma_start3A_146 = arith.constant 0 : i32
    %dma_start3A_147 = tpu.memref_slice %arg4[%add3A, %dma_start3A_139, %dma_start3A_145, %dma_start3A_146] : memref<32x80x1x128xi32, #tpu.memory_space<hbm>> -> memref<1x1x1x128xi32, #tpu.memory_space<hbm>>
    %dma_start3A_148 = tpu.memref_squeeze %dma_start3A_147 : memref<1x1x1x128xi32, #tpu.memory_space<hbm>> -> memref<1x128xi32, #tpu.memory_space<hbm>>
    %dma_start3A_149 = arith.constant 0 : i32
    %dma_start3A_150 = arith.constant 0 : i32
    %dma_start3A_151 = tpu.memref_slice %arg7[%dma_start3A_140, %dma_start3A_149, %dma_start3A_150] : memref<2x1x128xi32, #tpu.memory_space<vmem>> -> memref<1x1x128xi32, #tpu.memory_space<vmem>>
    %dma_start3A_152 = tpu.memref_squeeze %dma_start3A_151 : memref<1x1x128xi32, #tpu.memory_space<vmem>> -> memref<1x128xi32, #tpu.memory_space<vmem>>
    %dma_start3A_153 = arith.constant 0 : i32
    %dma_start3A_154 = arith.constant 0 : i32
    %dma_start3A_155 = tpu.memref_slice %arg4[%add3A, %dma_start3A_139, %dma_start3A_153, %dma_start3A_154] : memref<32x80x1x128xi32, #tpu.memory_space<hbm>> -> memref<1x1x1x128xi32, #tpu.memory_space<hbm>>
    %dma_start3A_156 = tpu.memref_squeeze %dma_start3A_155 : memref<1x1x1x128xi32, #tpu.memory_space<hbm>> -> memref<1x128xi32, #tpu.memory_space<hbm>>
    tpu.enqueue_dma source(%dma_start3A_156 : memref<1x128xi32, #tpu.memory_space<hbm>>) target(%dma_start3A_152 : memref<1x128xi32, #tpu.memory_space<vmem>>) target_semaphore(%arg14 : memref<!tpu.dma_semaphore, #tpu.memory_space<semaphore_mem>>)
    %scan3A_157 = arith.constant 0 : i32
    %scan3A_158 = arith.constant 0 : i32
    %scan3A_159 = arith.constant 40 : i32
    %scan3A_160 = arith.addi %scan3A_158, %scan3A_159 : i32
    %scan3A_161 = arith.constant 1 : i32
    scf.for %scan3A_217 = %scan3A_158 to %scan3A_160 step %scan3A_161  : i32 {
      %mul3A_218 = arith.constant 2 : i32
      %mul3A_219 = arith.muli %mul3A_218, %scan3A_217 : i32
      %dma_wait3A_220 = arith.constant 0 : i32
      %dma_wait3A_221 = arith.constant 1 : i32
      %dma_wait3A_222 = arith.constant 0 : i32
      %dma_wait3A_223 = arith.constant 0 : i32
      %dma_wait3A_224 = tpu.memref_slice %arg6[%dma_wait3A_221, %dma_wait3A_222, %dma_wait3A_223] : memref<2x1x128xi32, #tpu.memory_space<vmem>> -> memref<1x1x128xi32, #tpu.memory_space<vmem>>
      %dma_wait3A_225 = tpu.memref_squeeze %dma_wait3A_224 : memref<1x1x128xi32, #tpu.memory_space<vmem>> -> memref<1x128xi32, #tpu.memory_space<vmem>>
      %dma_wait3A_226 = arith.constant 0 : i32
      %dma_wait3A_227 = arith.constant 0 : i32
      %dma_wait3A_228 = tpu.memref_slice %arg3[%add3A, %dma_wait3A_220, %dma_wait3A_226, %dma_wait3A_227] : memref<32x80x1x128xi32, #tpu.memory_space<hbm>> -> memref<1x1x1x128xi32, #tpu.memory_space<hbm>>
      %dma_wait3A_229 = tpu.memref_squeeze %dma_wait3A_228 : memref<1x1x1x128xi32, #tpu.memory_space<hbm>> -> memref<1x128xi32, #tpu.memory_space<hbm>>
      %dma_wait3A_230 = arith.constant 0 : i32
      %dma_wait3A_231 = arith.constant 0 : i32
      %dma_wait3A_232 = tpu.memref_slice %arg6[%dma_wait3A_221, %dma_wait3A_230, %dma_wait3A_231] : memref<2x1x128xi32, #tpu.memory_space<vmem>> -> memref<1x1x128xi32, #tpu.memory_space<vmem>>
      %dma_wait3A_233 = tpu.memref_squeeze %dma_wait3A_232 : memref<1x1x128xi32, #tpu.memory_space<vmem>> -> memref<1x128xi32, #tpu.memory_space<vmem>>
      %dma_wait3A_234 = arith.constant 0 : i32
      %dma_wait3A_235 = arith.constant 0 : i32
      %dma_wait3A_236 = tpu.memref_slice %arg3[%add3A, %dma_wait3A_220, %dma_wait3A_234, %dma_wait3A_235] : memref<32x80x1x128xi32, #tpu.memory_space<hbm>> -> memref<1x1x1x128xi32, #tpu.memory_space<hbm>>
      %dma_wait3A_237 = tpu.memref_squeeze %dma_wait3A_236 : memref<1x1x1x128xi32, #tpu.memory_space<hbm>> -> memref<1x128xi32, #tpu.memory_space<hbm>>
      tpu.wait_dma2 semaphore(%arg14 : memref<!tpu.dma_semaphore, #tpu.memory_space<semaphore_mem>>) src(%dma_wait3A_237 : memref<1x128xi32, #tpu.memory_space<hbm>>) dst(%dma_wait3A_233 : memref<1x128xi32, #tpu.memory_space<vmem>>)
      %dma_wait3A_238 = arith.constant 0 : i32
      %dma_wait3A_239 = arith.constant 1 : i32
      %dma_wait3A_240 = arith.constant 0 : i32
      %dma_wait3A_241 = arith.constant 0 : i32
      %dma_wait3A_242 = tpu.memref_slice %arg7[%dma_wait3A_239, %dma_wait3A_240, %dma_wait3A_241] : memref<2x1x128xi32, #tpu.memory_space<vmem>> -> memref<1x1x128xi32, #tpu.memory_space<vmem>>
      %dma_wait3A_243 = tpu.memref_squeeze %dma_wait3A_242 : memref<1x1x128xi32, #tpu.memory_space<vmem>> -> memref<1x128xi32, #tpu.memory_space<vmem>>
      %dma_wait3A_244 = arith.constant 0 : i32
      %dma_wait3A_245 = arith.constant 0 : i32
      %dma_wait3A_246 = tpu.memref_slice %arg4[%add3A, %dma_wait3A_238, %dma_wait3A_244, %dma_wait3A_245] : memref<32x80x1x128xi32, #tpu.memory_space<hbm>> -> memref<1x1x1x128xi32, #tpu.memory_space<hbm>>
      %dma_wait3A_247 = tpu.memref_squeeze %dma_wait3A_246 : memref<1x1x1x128xi32, #tpu.memory_space<hbm>> -> memref<1x128xi32, #tpu.memory_space<hbm>>
      %dma_wait3A_248 = arith.constant 0 : i32
      %dma_wait3A_249 = arith.constant 0 : i32
      %dma_wait3A_250 = tpu.memref_slice %arg7[%dma_wait3A_239, %dma_wait3A_248, %dma_wait3A_249] : memref<2x1x128xi32, #tpu.memory_space<vmem>> -> memref<1x1x128xi32, #tpu.memory_space<vmem>>
      %dma_wait3A_251 = tpu.memref_squeeze %dma_wait3A_250 : memref<1x1x128xi32, #tpu.memory_space<vmem>> -> memref<1x128xi32, #tpu.memory_space<vmem>>
      %dma_wait3A_252 = arith.constant 0 : i32
      %dma_wait3A_253 = arith.constant 0 : i32
      %dma_wait3A_254 = tpu.memref_slice %arg4[%add3A, %dma_wait3A_238, %dma_wait3A_252, %dma_wait3A_253] : memref<32x80x1x128xi32, #tpu.memory_space<hbm>> -> memref<1x1x1x128xi32, #tpu.memory_space<hbm>>
      %dma_wait3A_255 = tpu.memref_squeeze %dma_wait3A_254 : memref<1x1x1x128xi32, #tpu.memory_space<hbm>> -> memref<1x128xi32, #tpu.memory_space<hbm>>
      tpu.wait_dma2 semaphore(%arg14 : memref<!tpu.dma_semaphore, #tpu.memory_space<semaphore_mem>>) src(%dma_wait3A_255 : memref<1x128xi32, #tpu.memory_space<hbm>>) dst(%dma_wait3A_251 : memref<1x128xi32, #tpu.memory_space<vmem>>)
      %dma_start3A_256 = arith.constant 1 : i32
      %dma_start3A_257 = arith.constant 0 : i32
      %dma_start3A_258 = arith.constant 1 : i32
      %dma_start3A_259 = arith.constant 0 : i32
      %dma_start3A_260 = arith.constant 0 : i32
      %dma_start3A_261 = tpu.memref_slice %arg8[%dma_start3A_258, %dma_start3A_259, %dma_start3A_260] : memref<2x128x16xf32, #tpu.memory_space<vmem>> -> memref<1x128x16xf32, #tpu.memory_space<vmem>>
      %dma_start3A_262 = tpu.memref_squeeze %dma_start3A_261 : memref<1x128x16xf32, #tpu.memory_space<vmem>> -> memref<128x16xf32, #tpu.memory_space<vmem>>
      %dma_start3A_263 = arith.constant 0 : i32
      %dma_start3A_264 = tpu.memref_slice %arg6[%dma_start3A_256, %dma_start3A_257, %dma_start3A_263] : memref<2x1x128xi32, #tpu.memory_space<vmem>> -> memref<1x1x128xi32, #tpu.memory_space<vmem>>
      %dma_start3A_265 = tpu.memref_squeeze %dma_start3A_264 : memref<1x1x128xi32, #tpu.memory_space<vmem>> -> memref<128xi32, #tpu.memory_space<vmem>>
      %dma_start3A_266 = arith.constant 0 : i32
      %dma_start3A_267 = arith.constant 0 : i32
      %dma_start3A_268 = tpu.memref_slice %arg2[%dma_start3A_266, %dma_start3A_267] : memref<10112x16xf32, #tpu.memory_space<hbm>> -> memref<10112x16xf32, #tpu.memory_space<hbm>>
      tpu.enqueue_indirect_dma source(%dma_start3A_268 : memref<10112x16xf32, #tpu.memory_space<hbm>>) target(%dma_start3A_262 : memref<128x16xf32, #tpu.memory_space<vmem>>) offsets(%dma_start3A_265 : memref<128xi32, #tpu.memory_space<vmem>>) semaphore(%arg12 : memref<!tpu.dma_semaphore, #tpu.memory_space<semaphore_mem>>)
      %dma_wait3A_269 = arith.constant 0 : i32
      %dma_wait3A_270 = arith.constant 0 : i32
      %dma_wait3A_271 = arith.constant 0 : i32
      %dma_wait3A_272 = arith.constant 0 : i32
      %dma_wait3A_273 = arith.constant 0 : i32
      %dma_wait3A_274 = tpu.memref_slice %arg8[%dma_wait3A_271, %dma_wait3A_272, %dma_wait3A_273] : memref<2x128x16xf32, #tpu.memory_space<vmem>> -> memref<1x128x16xf32, #tpu.memory_space<vmem>>
      %dma_wait3A_275 = tpu.memref_squeeze %dma_wait3A_274 : memref<1x128x16xf32, #tpu.memory_space<vmem>> -> memref<128x16xf32, #tpu.memory_space<vmem>>
      %dma_wait3A_276 = arith.constant 0 : i32
      %dma_wait3A_277 = tpu.memref_slice %arg6[%dma_wait3A_269, %dma_wait3A_270, %dma_wait3A_276] : memref<2x1x128xi32, #tpu.memory_space<vmem>> -> memref<1x1x128xi32, #tpu.memory_space<vmem>>
      %dma_wait3A_278 = tpu.memref_squeeze %dma_wait3A_277 : memref<1x1x128xi32, #tpu.memory_space<vmem>> -> memref<128xi32, #tpu.memory_space<vmem>>
      %dma_wait3A_279 = arith.constant 0 : i32
      %dma_wait3A_280 = arith.constant 0 : i32
      %dma_wait3A_281 = tpu.memref_slice %arg2[%dma_wait3A_279, %dma_wait3A_280] : memref<10112x16xf32, #tpu.memory_space<hbm>> -> memref<10112x16xf32, #tpu.memory_space<hbm>>
      tpu.wait_indirect_dma semaphore(%arg11 : memref<!tpu.dma_semaphore, #tpu.memory_space<semaphore_mem>>) src(%dma_wait3A_281 : memref<10112x16xf32, #tpu.memory_space<hbm>>) dst(%dma_wait3A_275 : memref<128x16xf32, #tpu.memory_space<vmem>>)
      %run_scoped3A = arith.constant 0 : i32
      %run_scoped3A_282 = arith.constant 0 : i32
      %run_scoped3A_283 = arith.constant 0 : i32
      "tpu.region"() ({
        %run_scoped3A_432 = tpu.sem_alloc : memref<!tpu.dma_semaphore, #tpu.memory_space<semaphore_mem>>
        %dma_start3A_433 = arith.constant 0 : i32
        %dma_start3A_434 = arith.constant 0 : i32
        %dma_start3A_435 = tpu.memref_slice %arg8[%run_scoped3A, %dma_start3A_433, %dma_start3A_434] : memref<2x128x16xf32, #tpu.memory_space<vmem>> -> memref<1x128x16xf32, #tpu.memory_space<vmem>>
        %dma_start3A_436 = tpu.memref_squeeze %dma_start3A_435 : memref<1x128x16xf32, #tpu.memory_space<vmem>> -> memref<128x16xf32, #tpu.memory_space<vmem>>
        %dma_start3A_437 = arith.constant 0 : i32
        %dma_start3A_438 = tpu.memref_slice %arg7[%run_scoped3A_282, %run_scoped3A_283, %dma_start3A_437] : memref<2x1x128xi32, #tpu.memory_space<vmem>> -> memref<1x1x128xi32, #tpu.memory_space<vmem>>
        %dma_start3A_439 = tpu.memref_squeeze %dma_start3A_438 : memref<1x1x128xi32, #tpu.memory_space<vmem>> -> memref<128xi32, #tpu.memory_space<vmem>>
        %dma_start3A_440 = arith.constant 0 : i32
        %dma_start3A_441 = arith.constant 0 : i32
        %dma_start3A_442 = tpu.memref_slice %arg10[%dma_start3A_440, %dma_start3A_441] : memref<10112x16xf32, #tpu.memory_space<vmem_shared>> -> memref<10112x16xf32, #tpu.memory_space<vmem_shared>>
        tpu.enqueue_indirect_dma source(%dma_start3A_436 : memref<128x16xf32, #tpu.memory_space<vmem>>) target(%dma_start3A_442 : memref<10112x16xf32, #tpu.memory_space<vmem_shared>>) offsets(%dma_start3A_439 : memref<128xi32, #tpu.memory_space<vmem>>) semaphore(%run_scoped3A_432 : memref<!tpu.dma_semaphore, #tpu.memory_space<semaphore_mem>>) {add = true}
        %dma_wait3A_443 = arith.constant 0 : i32
        %dma_wait3A_444 = arith.constant 0 : i32
        %dma_wait3A_445 = tpu.memref_slice %arg8[%run_scoped3A, %dma_wait3A_443, %dma_wait3A_444] : memref<2x128x16xf32, #tpu.memory_space<vmem>> -> memref<1x128x16xf32, #tpu.memory_space<vmem>>
        %dma_wait3A_446 = tpu.memref_squeeze %dma_wait3A_445 : memref<1x128x16xf32, #tpu.memory_space<vmem>> -> memref<128x16xf32, #tpu.memory_space<vmem>>
        %dma_wait3A_447 = arith.constant 0 : i32
        %dma_wait3A_448 = tpu.memref_slice %arg7[%run_scoped3A_282, %run_scoped3A_283, %dma_wait3A_447] : memref<2x1x128xi32, #tpu.memory_space<vmem>> -> memref<1x1x128xi32, #tpu.memory_space<vmem>>
        %dma_wait3A_449 = tpu.memref_squeeze %dma_wait3A_448 : memref<1x1x128xi32, #tpu.memory_space<vmem>> -> memref<128xi32, #tpu.memory_space<vmem>>
        %dma_wait3A_450 = arith.constant 0 : i32
        %dma_wait3A_451 = arith.constant 0 : i32
        %dma_wait3A_452 = tpu.memref_slice %arg10[%dma_wait3A_450, %dma_wait3A_451] : memref<10112x16xf32, #tpu.memory_space<vmem_shared>> -> memref<10112x16xf32, #tpu.memory_space<vmem_shared>>
        tpu.wait_indirect_dma semaphore(%run_scoped3A_432 : memref<!tpu.dma_semaphore, #tpu.memory_space<semaphore_mem>>) src(%dma_wait3A_446 : memref<128x16xf32, #tpu.memory_space<vmem>>) dst(%dma_wait3A_452 : memref<10112x16xf32, #tpu.memory_space<vmem_shared>>)
        tpu.yield
      }) : () -> ()
      %add3A_284 = arith.constant 2 : i32
      %add3A_285 = arith.addi %mul3A_219, %add3A_284 : i32
      %ge3A = arith.constant 80 : i32
      %ge3A_286 = arith.cmpi sge, %add3A_285, %ge3A : i32
      %sub3A = arith.constant 80 : i32
      %sub3A_287 = arith.subi %add3A_285, %sub3A : i32
      %select_n3A = arith.select %ge3A_286, %sub3A_287, %add3A_285 : i32
      %dma_start3A_288 = arith.constant 0 : i32
      %dma_start3A_289 = arith.constant 0 : i32
      %dma_start3A_290 = arith.constant 0 : i32
      %dma_start3A_291 = tpu.memref_slice %arg6[%dma_start3A_288, %dma_start3A_289, %dma_start3A_290] : memref<2x1x128xi32, #tpu.memory_space<vmem>> -> memref<1x1x128xi32, #tpu.memory_space<vmem>>
      %dma_start3A_292 = tpu.memref_squeeze %dma_start3A_291 : memref<1x1x128xi32, #tpu.memory_space<vmem>> -> memref<1x128xi32, #tpu.memory_space<vmem>>
      %dma_start3A_293 = arith.constant 0 : i32
      %dma_start3A_294 = arith.constant 0 : i32
      %dma_start3A_295 = tpu.memref_slice %arg3[%add3A, %select_n3A, %dma_start3A_293, %dma_start3A_294] : memref<32x80x1x128xi32, #tpu.memory_space<hbm>> -> memref<1x1x1x128xi32, #tpu.memory_space<hbm>>
      %dma_start3A_296 = tpu.memref_squeeze %dma_start3A_295 : memref<1x1x1x128xi32, #tpu.memory_space<hbm>> -> memref<1x128xi32, #tpu.memory_space<hbm>>
      %dma_start3A_297 = arith.constant 0 : i32
      %dma_start3A_298 = arith.constant 0 : i32
      %dma_start3A_299 = tpu.memref_slice %arg6[%dma_start3A_288, %dma_start3A_297, %dma_start3A_298] : memref<2x1x128xi32, #tpu.memory_space<vmem>> -> memref<1x1x128xi32, #tpu.memory_space<vmem>>
      %dma_start3A_300 = tpu.memref_squeeze %dma_start3A_299 : memref<1x1x128xi32, #tpu.memory_space<vmem>> -> memref<1x128xi32, #tpu.memory_space<vmem>>
      %dma_start3A_301 = arith.constant 0 : i32
      %dma_start3A_302 = arith.constant 0 : i32
      %dma_start3A_303 = tpu.memref_slice %arg3[%add3A, %select_n3A, %dma_start3A_301, %dma_start3A_302] : memref<32x80x1x128xi32, #tpu.memory_space<hbm>> -> memref<1x1x1x128xi32, #tpu.memory_space<hbm>>
      %dma_start3A_304 = tpu.memref_squeeze %dma_start3A_303 : memref<1x1x1x128xi32, #tpu.memory_space<hbm>> -> memref<1x128xi32, #tpu.memory_space<hbm>>
      tpu.enqueue_dma source(%dma_start3A_304 : memref<1x128xi32, #tpu.memory_space<hbm>>) target(%dma_start3A_300 : memref<1x128xi32, #tpu.memory_space<vmem>>) target_semaphore(%arg13 : memref<!tpu.dma_semaphore, #tpu.memory_space<semaphore_mem>>)
      %dma_start3A_305 = arith.constant 0 : i32
      %dma_start3A_306 = arith.constant 0 : i32
      %dma_start3A_307 = arith.constant 0 : i32
      %dma_start3A_308 = tpu.memref_slice %arg7[%dma_start3A_305, %dma_start3A_306, %dma_start3A_307] : memref<2x1x128xi32, #tpu.memory_space<vmem>> -> memref<1x1x128xi32, #tpu.memory_space<vmem>>
      %dma_start3A_309 = tpu.memref_squeeze %dma_start3A_308 : memref<1x1x128xi32, #tpu.memory_space<vmem>> -> memref<1x128xi32, #tpu.memory_space<vmem>>
      %dma_start3A_310 = arith.constant 0 : i32
      %dma_start3A_311 = arith.constant 0 : i32
      %dma_start3A_312 = tpu.memref_slice %arg4[%add3A, %select_n3A, %dma_start3A_310, %dma_start3A_311] : memref<32x80x1x128xi32, #tpu.memory_space<hbm>> -> memref<1x1x1x128xi32, #tpu.memory_space<hbm>>
      %dma_start3A_313 = tpu.memref_squeeze %dma_start3A_312 : memref<1x1x1x128xi32, #tpu.memory_space<hbm>> -> memref<1x128xi32, #tpu.memory_space<hbm>>
      %dma_start3A_314 = arith.constant 0 : i32
      %dma_start3A_315 = arith.constant 0 : i32
      %dma_start3A_316 = tpu.memref_slice %arg7[%dma_start3A_305, %dma_start3A_314, %dma_start3A_315] : memref<2x1x128xi32, #tpu.memory_space<vmem>> -> memref<1x1x128xi32, #tpu.memory_space<vmem>>
      %dma_start3A_317 = tpu.memref_squeeze %dma_start3A_316 : memref<1x1x128xi32, #tpu.memory_space<vmem>> -> memref<1x128xi32, #tpu.memory_space<vmem>>
      %dma_start3A_318 = arith.constant 0 : i32
      %dma_start3A_319 = arith.constant 0 : i32
      %dma_start3A_320 = tpu.memref_slice %arg4[%add3A, %select_n3A, %dma_start3A_318, %dma_start3A_319] : memref<32x80x1x128xi32, #tpu.memory_space<hbm>> -> memref<1x1x1x128xi32, #tpu.memory_space<hbm>>
      %dma_start3A_321 = tpu.memref_squeeze %dma_start3A_320 : memref<1x1x1x128xi32, #tpu.memory_space<hbm>> -> memref<1x128xi32, #tpu.memory_space<hbm>>
      tpu.enqueue_dma source(%dma_start3A_321 : memref<1x128xi32, #tpu.memory_space<hbm>>) target(%dma_start3A_317 : memref<1x128xi32, #tpu.memory_space<vmem>>) target_semaphore(%arg13 : memref<!tpu.dma_semaphore, #tpu.memory_space<semaphore_mem>>)
      %mul3A_322 = arith.constant 2 : i32
      %mul3A_323 = arith.muli %mul3A_322, %scan3A_217 : i32
      %add3A_324 = arith.constant 1 : i32
      %add3A_325 = arith.addi %mul3A_323, %add3A_324 : i32
      %dma_wait3A_326 = arith.constant 0 : i32
      %dma_wait3A_327 = arith.constant 0 : i32
      %dma_wait3A_328 = arith.constant 0 : i32
      %dma_wait3A_329 = arith.constant 0 : i32
      %dma_wait3A_330 = tpu.memref_slice %arg6[%dma_wait3A_327, %dma_wait3A_328, %dma_wait3A_329] : memref<2x1x128xi32, #tpu.memory_space<vmem>> -> memref<1x1x128xi32, #tpu.memory_space<vmem>>
      %dma_wait3A_331 = tpu.memref_squeeze %dma_wait3A_330 : memref<1x1x128xi32, #tpu.memory_space<vmem>> -> memref<1x128xi32, #tpu.memory_space<vmem>>
      %dma_wait3A_332 = arith.constant 0 : i32
      %dma_wait3A_333 = arith.constant 0 : i32
      %dma_wait3A_334 = tpu.memref_slice %arg3[%add3A, %dma_wait3A_326, %dma_wait3A_332, %dma_wait3A_333] : memref<32x80x1x128xi32, #tpu.memory_space<hbm>> -> memref<1x1x1x128xi32, #tpu.memory_space<hbm>>
      %dma_wait3A_335 = tpu.memref_squeeze %dma_wait3A_334 : memref<1x1x1x128xi32, #tpu.memory_space<hbm>> -> memref<1x128xi32, #tpu.memory_space<hbm>>
      %dma_wait3A_336 = arith.constant 0 : i32
      %dma_wait3A_337 = arith.constant 0 : i32
      %dma_wait3A_338 = tpu.memref_slice %arg6[%dma_wait3A_327, %dma_wait3A_336, %dma_wait3A_337] : memref<2x1x128xi32, #tpu.memory_space<vmem>> -> memref<1x1x128xi32, #tpu.memory_space<vmem>>
      %dma_wait3A_339 = tpu.memref_squeeze %dma_wait3A_338 : memref<1x1x128xi32, #tpu.memory_space<vmem>> -> memref<1x128xi32, #tpu.memory_space<vmem>>
      %dma_wait3A_340 = arith.constant 0 : i32
      %dma_wait3A_341 = arith.constant 0 : i32
      %dma_wait3A_342 = tpu.memref_slice %arg3[%add3A, %dma_wait3A_326, %dma_wait3A_340, %dma_wait3A_341] : memref<32x80x1x128xi32, #tpu.memory_space<hbm>> -> memref<1x1x1x128xi32, #tpu.memory_space<hbm>>
      %dma_wait3A_343 = tpu.memref_squeeze %dma_wait3A_342 : memref<1x1x1x128xi32, #tpu.memory_space<hbm>> -> memref<1x128xi32, #tpu.memory_space<hbm>>
      tpu.wait_dma2 semaphore(%arg13 : memref<!tpu.dma_semaphore, #tpu.memory_space<semaphore_mem>>) src(%dma_wait3A_343 : memref<1x128xi32, #tpu.memory_space<hbm>>) dst(%dma_wait3A_339 : memref<1x128xi32, #tpu.memory_space<vmem>>)
      %dma_wait3A_344 = arith.constant 0 : i32
      %dma_wait3A_345 = arith.constant 0 : i32
      %dma_wait3A_346 = arith.constant 0 : i32
      %dma_wait3A_347 = arith.constant 0 : i32
      %dma_wait3A_348 = tpu.memref_slice %arg7[%dma_wait3A_345, %dma_wait3A_346, %dma_wait3A_347] : memref<2x1x128xi32, #tpu.memory_space<vmem>> -> memref<1x1x128xi32, #tpu.memory_space<vmem>>
      %dma_wait3A_349 = tpu.memref_squeeze %dma_wait3A_348 : memref<1x1x128xi32, #tpu.memory_space<vmem>> -> memref<1x128xi32, #tpu.memory_space<vmem>>
      %dma_wait3A_350 = arith.constant 0 : i32
      %dma_wait3A_351 = arith.constant 0 : i32
      %dma_wait3A_352 = tpu.memref_slice %arg4[%add3A, %dma_wait3A_344, %dma_wait3A_350, %dma_wait3A_351] : memref<32x80x1x128xi32, #tpu.memory_space<hbm>> -> memref<1x1x1x128xi32, #tpu.memory_space<hbm>>
      %dma_wait3A_353 = tpu.memref_squeeze %dma_wait3A_352 : memref<1x1x1x128xi32, #tpu.memory_space<hbm>> -> memref<1x128xi32, #tpu.memory_space<hbm>>
      %dma_wait3A_354 = arith.constant 0 : i32
      %dma_wait3A_355 = arith.constant 0 : i32
      %dma_wait3A_356 = tpu.memref_slice %arg7[%dma_wait3A_345, %dma_wait3A_354, %dma_wait3A_355] : memref<2x1x128xi32, #tpu.memory_space<vmem>> -> memref<1x1x128xi32, #tpu.memory_space<vmem>>
      %dma_wait3A_357 = tpu.memref_squeeze %dma_wait3A_356 : memref<1x1x128xi32, #tpu.memory_space<vmem>> -> memref<1x128xi32, #tpu.memory_space<vmem>>
      %dma_wait3A_358 = arith.constant 0 : i32
      %dma_wait3A_359 = arith.constant 0 : i32
      %dma_wait3A_360 = tpu.memref_slice %arg4[%add3A, %dma_wait3A_344, %dma_wait3A_358, %dma_wait3A_359] : memref<32x80x1x128xi32, #tpu.memory_space<hbm>> -> memref<1x1x1x128xi32, #tpu.memory_space<hbm>>
      %dma_wait3A_361 = tpu.memref_squeeze %dma_wait3A_360 : memref<1x1x1x128xi32, #tpu.memory_space<hbm>> -> memref<1x128xi32, #tpu.memory_space<hbm>>
      tpu.wait_dma2 semaphore(%arg13 : memref<!tpu.dma_semaphore, #tpu.memory_space<semaphore_mem>>) src(%dma_wait3A_361 : memref<1x128xi32, #tpu.memory_space<hbm>>) dst(%dma_wait3A_357 : memref<1x128xi32, #tpu.memory_space<vmem>>)
      %dma_start3A_362 = arith.constant 0 : i32
      %dma_start3A_363 = arith.constant 0 : i32
      %dma_start3A_364 = arith.constant 0 : i32
      %dma_start3A_365 = arith.constant 0 : i32
      %dma_start3A_366 = arith.constant 0 : i32
      %dma_start3A_367 = tpu.memref_slice %arg8[%dma_start3A_364, %dma_start3A_365, %dma_start3A_366] : memref<2x128x16xf32, #tpu.memory_space<vmem>> -> memref<1x128x16xf32, #tpu.memory_space<vmem>>
      %dma_start3A_368 = tpu.memref_squeeze %dma_start3A_367 : memref<1x128x16xf32, #tpu.memory_space<vmem>> -> memref<128x16xf32, #tpu.memory_space<vmem>>
      %dma_start3A_369 = arith.constant 0 : i32
      %dma_start3A_370 = tpu.memref_slice %arg6[%dma_start3A_362, %dma_start3A_363, %dma_start3A_369] : memref<2x1x128xi32, #tpu.memory_space<vmem>> -> memref<1x1x128xi32, #tpu.memory_space<vmem>>
      %dma_start3A_371 = tpu.memref_squeeze %dma_start3A_370 : memref<1x1x128xi32, #tpu.memory_space<vmem>> -> memref<128xi32, #tpu.memory_space<vmem>>
      %dma_start3A_372 = arith.constant 0 : i32
      %dma_start3A_373 = arith.constant 0 : i32
      %dma_start3A_374 = tpu.memref_slice %arg2[%dma_start3A_372, %dma_start3A_373] : memref<10112x16xf32, #tpu.memory_space<hbm>> -> memref<10112x16xf32, #tpu.memory_space<hbm>>
      tpu.enqueue_indirect_dma source(%dma_start3A_374 : memref<10112x16xf32, #tpu.memory_space<hbm>>) target(%dma_start3A_368 : memref<128x16xf32, #tpu.memory_space<vmem>>) offsets(%dma_start3A_371 : memref<128xi32, #tpu.memory_space<vmem>>) semaphore(%arg11 : memref<!tpu.dma_semaphore, #tpu.memory_space<semaphore_mem>>)
      %dma_wait3A_375 = arith.constant 1 : i32
      %dma_wait3A_376 = arith.constant 0 : i32
      %dma_wait3A_377 = arith.constant 1 : i32
      %dma_wait3A_378 = arith.constant 0 : i32
      %dma_wait3A_379 = arith.constant 0 : i32
      %dma_wait3A_380 = tpu.memref_slice %arg8[%dma_wait3A_377, %dma_wait3A_378, %dma_wait3A_379] : memref<2x128x16xf32, #tpu.memory_space<vmem>> -> memref<1x128x16xf32, #tpu.memory_space<vmem>>
      %dma_wait3A_381 = tpu.memref_squeeze %dma_wait3A_380 : memref<1x128x16xf32, #tpu.memory_space<vmem>> -> memref<128x16xf32, #tpu.memory_space<vmem>>
      %dma_wait3A_382 = arith.constant 0 : i32
      %dma_wait3A_383 = tpu.memref_slice %arg6[%dma_wait3A_375, %dma_wait3A_376, %dma_wait3A_382] : memref<2x1x128xi32, #tpu.memory_space<vmem>> -> memref<1x1x128xi32, #tpu.memory_space<vmem>>
      %dma_wait3A_384 = tpu.memref_squeeze %dma_wait3A_383 : memref<1x1x128xi32, #tpu.memory_space<vmem>> -> memref<128xi32, #tpu.memory_space<vmem>>
      %dma_wait3A_385 = arith.constant 0 : i32
      %dma_wait3A_386 = arith.constant 0 : i32
      %dma_wait3A_387 = tpu.memref_slice %arg2[%dma_wait3A_385, %dma_wait3A_386] : memref<10112x16xf32, #tpu.memory_space<hbm>> -> memref<10112x16xf32, #tpu.memory_space<hbm>>
      tpu.wait_indirect_dma semaphore(%arg12 : memref<!tpu.dma_semaphore, #tpu.memory_space<semaphore_mem>>) src(%dma_wait3A_387 : memref<10112x16xf32, #tpu.memory_space<hbm>>) dst(%dma_wait3A_381 : memref<128x16xf32, #tpu.memory_space<vmem>>)
      %run_scoped3A_388 = arith.constant 1 : i32
      %run_scoped3A_389 = arith.constant 1 : i32
      %run_scoped3A_390 = arith.constant 0 : i32
      "tpu.region"() ({
        %run_scoped3A_432 = tpu.sem_alloc : memref<!tpu.dma_semaphore, #tpu.memory_space<semaphore_mem>>
        %dma_start3A_433 = arith.constant 0 : i32
        %dma_start3A_434 = arith.constant 0 : i32
        %dma_start3A_435 = tpu.memref_slice %arg8[%run_scoped3A_388, %dma_start3A_433, %dma_start3A_434] : memref<2x128x16xf32, #tpu.memory_space<vmem>> -> memref<1x128x16xf32, #tpu.memory_space<vmem>>
        %dma_start3A_436 = tpu.memref_squeeze %dma_start3A_435 : memref<1x128x16xf32, #tpu.memory_space<vmem>> -> memref<128x16xf32, #tpu.memory_space<vmem>>
        %dma_start3A_437 = arith.constant 0 : i32
        %dma_start3A_438 = tpu.memref_slice %arg7[%run_scoped3A_389, %run_scoped3A_390, %dma_start3A_437] : memref<2x1x128xi32, #tpu.memory_space<vmem>> -> memref<1x1x128xi32, #tpu.memory_space<vmem>>
        %dma_start3A_439 = tpu.memref_squeeze %dma_start3A_438 : memref<1x1x128xi32, #tpu.memory_space<vmem>> -> memref<128xi32, #tpu.memory_space<vmem>>
        %dma_start3A_440 = arith.constant 0 : i32
        %dma_start3A_441 = arith.constant 0 : i32
        %dma_start3A_442 = tpu.memref_slice %arg10[%dma_start3A_440, %dma_start3A_441] : memref<10112x16xf32, #tpu.memory_space<vmem_shared>> -> memref<10112x16xf32, #tpu.memory_space<vmem_shared>>
        tpu.enqueue_indirect_dma source(%dma_start3A_436 : memref<128x16xf32, #tpu.memory_space<vmem>>) target(%dma_start3A_442 : memref<10112x16xf32, #tpu.memory_space<vmem_shared>>) offsets(%dma_start3A_439 : memref<128xi32, #tpu.memory_space<vmem>>) semaphore(%run_scoped3A_432 : memref<!tpu.dma_semaphore, #tpu.memory_space<semaphore_mem>>) {add = true}
        %dma_wait3A_443 = arith.constant 0 : i32
        %dma_wait3A_444 = arith.constant 0 : i32
        %dma_wait3A_445 = tpu.memref_slice %arg8[%run_scoped3A_388, %dma_wait3A_443, %dma_wait3A_444] : memref<2x128x16xf32, #tpu.memory_space<vmem>> -> memref<1x128x16xf32, #tpu.memory_space<vmem>>
        %dma_wait3A_446 = tpu.memref_squeeze %dma_wait3A_445 : memref<1x128x16xf32, #tpu.memory_space<vmem>> -> memref<128x16xf32, #tpu.memory_space<vmem>>
        %dma_wait3A_447 = arith.constant 0 : i32
        %dma_wait3A_448 = tpu.memref_slice %arg7[%run_scoped3A_389, %run_scoped3A_390, %dma_wait3A_447] : memref<2x1x128xi32, #tpu.memory_space<vmem>> -> memref<1x1x128xi32, #tpu.memory_space<vmem>>
        %dma_wait3A_449 = tpu.memref_squeeze %dma_wait3A_448 : memref<1x1x128xi32, #tpu.memory_space<vmem>> -> memref<128xi32, #tpu.memory_space<vmem>>
        %dma_wait3A_450 = arith.constant 0 : i32
        %dma_wait3A_451 = arith.constant 0 : i32
        %dma_wait3A_452 = tpu.memref_slice %arg10[%dma_wait3A_450, %dma_wait3A_451] : memref<10112x16xf32, #tpu.memory_space<vmem_shared>> -> memref<10112x16xf32, #tpu.memory_space<vmem_shared>>
        tpu.wait_indirect_dma semaphore(%run_scoped3A_432 : memref<!tpu.dma_semaphore, #tpu.memory_space<semaphore_mem>>) src(%dma_wait3A_446 : memref<128x16xf32, #tpu.memory_space<vmem>>) dst(%dma_wait3A_452 : memref<10112x16xf32, #tpu.memory_space<vmem_shared>>)
        tpu.yield
      }) : () -> ()
      %add3A_391 = arith.constant 2 : i32
      %add3A_392 = arith.addi %add3A_325, %add3A_391 : i32
      %ge3A_393 = arith.constant 80 : i32
      %ge3A_394 = arith.cmpi sge, %add3A_392, %ge3A_393 : i32
      %sub3A_395 = arith.constant 80 : i32
      %sub3A_396 = arith.subi %add3A_392, %sub3A_395 : i32
      %select_n3A_397 = arith.select %ge3A_394, %sub3A_396, %add3A_392 : i32
      %dma_start3A_398 = arith.constant 1 : i32
      %dma_start3A_399 = arith.constant 0 : i32
      %dma_start3A_400 = arith.constant 0 : i32
      %dma_start3A_401 = tpu.memref_slice %arg6[%dma_start3A_398, %dma_start3A_399, %dma_start3A_400] : memref<2x1x128xi32, #tpu.memory_space<vmem>> -> memref<1x1x128xi32, #tpu.memory_space<vmem>>
      %dma_start3A_402 = tpu.memref_squeeze %dma_start3A_401 : memref<1x1x128xi32, #tpu.memory_space<vmem>> -> memref<1x128xi32, #tpu.memory_space<vmem>>
      %dma_start3A_403 = arith.constant 0 : i32
      %dma_start3A_404 = arith.constant 0 : i32
      %dma_start3A_405 = tpu.memref_slice %arg3[%add3A, %select_n3A_397, %dma_start3A_403, %dma_start3A_404] : memref<32x80x1x128xi32, #tpu.memory_space<hbm>> -> memref<1x1x1x128xi32, #tpu.memory_space<hbm>>
      %dma_start3A_406 = tpu.memref_squeeze %dma_start3A_405 : memref<1x1x1x128xi32, #tpu.memory_space<hbm>> -> memref<1x128xi32, #tpu.memory_space<hbm>>
      %dma_start3A_407 = arith.constant 0 : i32
      %dma_start3A_408 = arith.constant 0 : i32
      %dma_start3A_409 = tpu.memref_slice %arg6[%dma_start3A_398, %dma_start3A_407, %dma_start3A_408] : memref<2x1x128xi32, #tpu.memory_space<vmem>> -> memref<1x1x128xi32, #tpu.memory_space<vmem>>
      %dma_start3A_410 = tpu.memref_squeeze %dma_start3A_409 : memref<1x1x128xi32, #tpu.memory_space<vmem>> -> memref<1x128xi32, #tpu.memory_space<vmem>>
      %dma_start3A_411 = arith.constant 0 : i32
      %dma_start3A_412 = arith.constant 0 : i32
      %dma_start3A_413 = tpu.memref_slice %arg3[%add3A, %select_n3A_397, %dma_start3A_411, %dma_start3A_412] : memref<32x80x1x128xi32, #tpu.memory_space<hbm>> -> memref<1x1x1x128xi32, #tpu.memory_space<hbm>>
      %dma_start3A_414 = tpu.memref_squeeze %dma_start3A_413 : memref<1x1x1x128xi32, #tpu.memory_space<hbm>> -> memref<1x128xi32, #tpu.memory_space<hbm>>
      tpu.enqueue_dma source(%dma_start3A_414 : memref<1x128xi32, #tpu.memory_space<hbm>>) target(%dma_start3A_410 : memref<1x128xi32, #tpu.memory_space<vmem>>) target_semaphore(%arg14 : memref<!tpu.dma_semaphore, #tpu.memory_space<semaphore_mem>>)
      %dma_start3A_415 = arith.constant 1 : i32
      %dma_start3A_416 = arith.constant 0 : i32
      %dma_start3A_417 = arith.constant 0 : i32
      %dma_start3A_418 = tpu.memref_slice %arg7[%dma_start3A_415, %dma_start3A_416, %dma_start3A_417] : memref<2x1x128xi32, #tpu.memory_space<vmem>> -> memref<1x1x128xi32, #tpu.memory_space<vmem>>
      %dma_start3A_419 = tpu.memref_squeeze %dma_start3A_418 : memref<1x1x128xi32, #tpu.memory_space<vmem>> -> memref<1x128xi32, #tpu.memory_space<vmem>>
      %dma_start3A_420 = arith.constant 0 : i32
      %dma_start3A_421 = arith.constant 0 : i32
      %dma_start3A_422 = tpu.memref_slice %arg4[%add3A, %select_n3A_397, %dma_start3A_420, %dma_start3A_421] : memref<32x80x1x128xi32, #tpu.memory_space<hbm>> -> memref<1x1x1x128xi32, #tpu.memory_space<hbm>>
      %dma_start3A_423 = tpu.memref_squeeze %dma_start3A_422 : memref<1x1x1x128xi32, #tpu.memory_space<hbm>> -> memref<1x128xi32, #tpu.memory_space<hbm>>
      %dma_start3A_424 = arith.constant 0 : i32
      %dma_start3A_425 = arith.constant 0 : i32
      %dma_start3A_426 = tpu.memref_slice %arg7[%dma_start3A_415, %dma_start3A_424, %dma_start3A_425] : memref<2x1x128xi32, #tpu.memory_space<vmem>> -> memref<1x1x128xi32, #tpu.memory_space<vmem>>
      %dma_start3A_427 = tpu.memref_squeeze %dma_start3A_426 : memref<1x1x128xi32, #tpu.memory_space<vmem>> -> memref<1x128xi32, #tpu.memory_space<vmem>>
      %dma_start3A_428 = arith.constant 0 : i32
      %dma_start3A_429 = arith.constant 0 : i32
      %dma_start3A_430 = tpu.memref_slice %arg4[%add3A, %select_n3A_397, %dma_start3A_428, %dma_start3A_429] : memref<32x80x1x128xi32, #tpu.memory_space<hbm>> -> memref<1x1x1x128xi32, #tpu.memory_space<hbm>>
      %dma_start3A_431 = tpu.memref_squeeze %dma_start3A_430 : memref<1x1x1x128xi32, #tpu.memory_space<hbm>> -> memref<1x128xi32, #tpu.memory_space<hbm>>
      tpu.enqueue_dma source(%dma_start3A_431 : memref<1x128xi32, #tpu.memory_space<hbm>>) target(%dma_start3A_427 : memref<1x128xi32, #tpu.memory_space<vmem>>) target_semaphore(%arg14 : memref<!tpu.dma_semaphore, #tpu.memory_space<semaphore_mem>>)
    }
    %scan3A_162 = arith.constant 40 : i32
    %dma_wait3A_163 = arith.constant 0 : i32
    %dma_wait3A_164 = arith.constant 0 : i32
    %dma_wait3A_165 = arith.constant 0 : i32
    %dma_wait3A_166 = arith.constant 0 : i32
    %dma_wait3A_167 = arith.constant 0 : i32
    %dma_wait3A_168 = tpu.memref_slice %arg8[%dma_wait3A_165, %dma_wait3A_166, %dma_wait3A_167] : memref<2x128x16xf32, #tpu.memory_space<vmem>> -> memref<1x128x16xf32, #tpu.memory_space<vmem>>
    %dma_wait3A_169 = tpu.memref_squeeze %dma_wait3A_168 : memref<1x128x16xf32, #tpu.memory_space<vmem>> -> memref<128x16xf32, #tpu.memory_space<vmem>>
    %dma_wait3A_170 = arith.constant 0 : i32
    %dma_wait3A_171 = tpu.memref_slice %arg6[%dma_wait3A_163, %dma_wait3A_164, %dma_wait3A_170] : memref<2x1x128xi32, #tpu.memory_space<vmem>> -> memref<1x1x128xi32, #tpu.memory_space<vmem>>
    %dma_wait3A_172 = tpu.memref_squeeze %dma_wait3A_171 : memref<1x1x128xi32, #tpu.memory_space<vmem>> -> memref<128xi32, #tpu.memory_space<vmem>>
    %dma_wait3A_173 = arith.constant 0 : i32
    %dma_wait3A_174 = arith.constant 0 : i32
    %dma_wait3A_175 = tpu.memref_slice %arg2[%dma_wait3A_173, %dma_wait3A_174] : memref<10112x16xf32, #tpu.memory_space<hbm>> -> memref<10112x16xf32, #tpu.memory_space<hbm>>
    tpu.wait_indirect_dma semaphore(%arg11 : memref<!tpu.dma_semaphore, #tpu.memory_space<semaphore_mem>>) src(%dma_wait3A_175 : memref<10112x16xf32, #tpu.memory_space<hbm>>) dst(%dma_wait3A_169 : memref<128x16xf32, #tpu.memory_space<vmem>>)
    %dma_wait3A_176 = arith.constant 0 : i32
    %dma_wait3A_177 = arith.constant 1 : i32
    %dma_wait3A_178 = arith.constant 0 : i32
    %dma_wait3A_179 = arith.constant 0 : i32
    %dma_wait3A_180 = tpu.memref_slice %arg6[%dma_wait3A_177, %dma_wait3A_178, %dma_wait3A_179] : memref<2x1x128xi32, #tpu.memory_space<vmem>> -> memref<1x1x128xi32, #tpu.memory_space<vmem>>
    %dma_wait3A_181 = tpu.memref_squeeze %dma_wait3A_180 : memref<1x1x128xi32, #tpu.memory_space<vmem>> -> memref<1x128xi32, #tpu.memory_space<vmem>>
    %dma_wait3A_182 = arith.constant 0 : i32
    %dma_wait3A_183 = arith.constant 0 : i32
    %dma_wait3A_184 = tpu.memref_slice %arg3[%add3A, %dma_wait3A_176, %dma_wait3A_182, %dma_wait3A_183] : memref<32x80x1x128xi32, #tpu.memory_space<hbm>> -> memref<1x1x1x128xi32, #tpu.memory_space<hbm>>
    %dma_wait3A_185 = tpu.memref_squeeze %dma_wait3A_184 : memref<1x1x1x128xi32, #tpu.memory_space<hbm>> -> memref<1x128xi32, #tpu.memory_space<hbm>>
    %dma_wait3A_186 = arith.constant 0 : i32
    %dma_wait3A_187 = arith.constant 0 : i32
    %dma_wait3A_188 = tpu.memref_slice %arg6[%dma_wait3A_177, %dma_wait3A_186, %dma_wait3A_187] : memref<2x1x128xi32, #tpu.memory_space<vmem>> -> memref<1x1x128xi32, #tpu.memory_space<vmem>>
    %dma_wait3A_189 = tpu.memref_squeeze %dma_wait3A_188 : memref<1x1x128xi32, #tpu.memory_space<vmem>> -> memref<1x128xi32, #tpu.memory_space<vmem>>
    %dma_wait3A_190 = arith.constant 0 : i32
    %dma_wait3A_191 = arith.constant 0 : i32
    %dma_wait3A_192 = tpu.memref_slice %arg3[%add3A, %dma_wait3A_176, %dma_wait3A_190, %dma_wait3A_191] : memref<32x80x1x128xi32, #tpu.memory_space<hbm>> -> memref<1x1x1x128xi32, #tpu.memory_space<hbm>>
    %dma_wait3A_193 = tpu.memref_squeeze %dma_wait3A_192 : memref<1x1x1x128xi32, #tpu.memory_space<hbm>> -> memref<1x128xi32, #tpu.memory_space<hbm>>
    tpu.wait_dma2 semaphore(%arg14 : memref<!tpu.dma_semaphore, #tpu.memory_space<semaphore_mem>>) src(%dma_wait3A_193 : memref<1x128xi32, #tpu.memory_space<hbm>>) dst(%dma_wait3A_189 : memref<1x128xi32, #tpu.memory_space<vmem>>)
    %dma_wait3A_194 = arith.constant 0 : i32
    %dma_wait3A_195 = arith.constant 1 : i32
    %dma_wait3A_196 = arith.constant 0 : i32
    %dma_wait3A_197 = arith.constant 0 : i32
    %dma_wait3A_198 = tpu.memref_slice %arg7[%dma_wait3A_195, %dma_wait3A_196, %dma_wait3A_197] : memref<2x1x128xi32, #tpu.memory_space<vmem>> -> memref<1x1x128xi32, #tpu.memory_space<vmem>>
    %dma_wait3A_199 = tpu.memref_squeeze %dma_wait3A_198 : memref<1x1x128xi32, #tpu.memory_space<vmem>> -> memref<1x128xi32, #tpu.memory_space<vmem>>
    %dma_wait3A_200 = arith.constant 0 : i32
    %dma_wait3A_201 = arith.constant 0 : i32
    %dma_wait3A_202 = tpu.memref_slice %arg4[%add3A, %dma_wait3A_194, %dma_wait3A_200, %dma_wait3A_201] : memref<32x80x1x128xi32, #tpu.memory_space<hbm>> -> memref<1x1x1x128xi32, #tpu.memory_space<hbm>>
    %dma_wait3A_203 = tpu.memref_squeeze %dma_wait3A_202 : memref<1x1x1x128xi32, #tpu.memory_space<hbm>> -> memref<1x128xi32, #tpu.memory_space<hbm>>
    %dma_wait3A_204 = arith.constant 0 : i32
    %dma_wait3A_205 = arith.constant 0 : i32
    %dma_wait3A_206 = tpu.memref_slice %arg7[%dma_wait3A_195, %dma_wait3A_204, %dma_wait3A_205] : memref<2x1x128xi32, #tpu.memory_space<vmem>> -> memref<1x1x128xi32, #tpu.memory_space<vmem>>
    %dma_wait3A_207 = tpu.memref_squeeze %dma_wait3A_206 : memref<1x1x128xi32, #tpu.memory_space<vmem>> -> memref<1x128xi32, #tpu.memory_space<vmem>>
    %dma_wait3A_208 = arith.constant 0 : i32
    %dma_wait3A_209 = arith.constant 0 : i32
    %dma_wait3A_210 = tpu.memref_slice %arg4[%add3A, %dma_wait3A_194, %dma_wait3A_208, %dma_wait3A_209] : memref<32x80x1x128xi32, #tpu.memory_space<hbm>> -> memref<1x1x1x128xi32, #tpu.memory_space<hbm>>
    %dma_wait3A_211 = tpu.memref_squeeze %dma_wait3A_210 : memref<1x1x1x128xi32, #tpu.memory_space<hbm>> -> memref<1x128xi32, #tpu.memory_space<hbm>>
    tpu.wait_dma2 semaphore(%arg14 : memref<!tpu.dma_semaphore, #tpu.memory_space<semaphore_mem>>) src(%dma_wait3A_211 : memref<1x128xi32, #tpu.memory_space<hbm>>) dst(%dma_wait3A_207 : memref<1x128xi32, #tpu.memory_space<vmem>>)
    %barrier3A_212 = arith.constant 0 : index
    tpu.barrier barrier_id(%barrier3A_212)
    %mul3A_213 = arith.constant 632 : i32
    %mul3A_214 = arith.muli %arg1, %mul3A_213 : i32
    %mul3A_215 = arith.constant 632 : i32
    %mul3A_216 = arith.muli %arg1, %mul3A_215 : i32
    "tpu.region"() ({
      %run_scoped3A = tpu.sem_alloc : memref<!tpu.dma_semaphore, #tpu.memory_space<semaphore_mem>>
      %dma_start3A_217 = arith.constant 0 : i32
      %dma_start3A_218 = tpu.memref_slice %arg5[%arg0, %mul3A_216, %dma_start3A_217] : memref<2x10112x16xf32, #tpu.memory_space<hbm>> -> memref<1x632x16xf32, #tpu.memory_space<hbm>>
      %dma_start3A_219 = tpu.memref_squeeze %dma_start3A_218 : memref<1x632x16xf32, #tpu.memory_space<hbm>> -> memref<632x16xf32, #tpu.memory_space<hbm>>
      %dma_start3A_220 = arith.constant 0 : i32
      %dma_start3A_221 = tpu.memref_slice %arg10[%mul3A_214, %dma_start3A_220] : memref<10112x16xf32, #tpu.memory_space<vmem_shared>> -> memref<632x16xf32, #tpu.memory_space<vmem_shared>>
      tpu.enqueue_dma source(%dma_start3A_221 : memref<632x16xf32, #tpu.memory_space<vmem_shared>>) target(%dma_start3A_219 : memref<632x16xf32, #tpu.memory_space<hbm>>) target_semaphore(%run_scoped3A : memref<!tpu.dma_semaphore, #tpu.memory_space<semaphore_mem>>)
      %dma_wait3A_222 = arith.constant 0 : i32
      %dma_wait3A_223 = tpu.memref_slice %arg5[%arg0, %mul3A_216, %dma_wait3A_222] : memref<2x10112x16xf32, #tpu.memory_space<hbm>> -> memref<1x632x16xf32, #tpu.memory_space<hbm>>
      %dma_wait3A_224 = tpu.memref_squeeze %dma_wait3A_223 : memref<1x632x16xf32, #tpu.memory_space<hbm>> -> memref<632x16xf32, #tpu.memory_space<hbm>>
      %dma_wait3A_225 = arith.constant 0 : i32
      %dma_wait3A_226 = tpu.memref_slice %arg10[%mul3A_214, %dma_wait3A_225] : memref<10112x16xf32, #tpu.memory_space<vmem_shared>> -> memref<632x16xf32, #tpu.memory_space<vmem_shared>>
      tpu.wait_dma2 semaphore(%run_scoped3A : memref<!tpu.dma_semaphore, #tpu.memory_space<semaphore_mem>>) src(%dma_wait3A_226 : memref<632x16xf32, #tpu.memory_space<vmem_shared>>) dst(%dma_wait3A_224 : memref<632x16xf32, #tpu.memory_space<hbm>>)
      tpu.yield
    }) : () -> ()
    return
  }
}

#map = affine_map<(d0, d1) -> (0, 0)>
#map1 = affine_map<(d0, d1) -> (0, 0, 0)>
module attributes {stable_mosaic.version = 14 : i64} {
  func.func @_pool(%arg0: i32, %arg1: i32, %arg2: memref<10240x16xf32, #tpu.memory_space<hbm>>, %arg3: memref<10240x16xf32, #tpu.memory_space<hbm>>, %arg4: memref<10240x16xf32, #tpu.memory_space<hbm>>, %arg5: memref<32x20x16xi32, #tpu.memory_space<hbm>>, %arg6: memref<32x136x16xf32, #tpu.memory_space<hbm>>, %arg7: memref<32x136x16xf32, #tpu.memory_space<hbm>>, %arg8: memref<32x136x16xf32, #tpu.memory_space<hbm>>, %arg9: memref<32x136x16xf32, #tpu.memory_space<hbm>>, %arg10: memref<32x136x16xf32, #tpu.memory_space<hbm>>, %arg11: memref<32x136x16xf32, #tpu.memory_space<hbm>>, %arg12: memref<320x16xf32, #tpu.memory_space<vmem>>, %arg13: memref<320x16xf32, #tpu.memory_space<vmem>>, %arg14: memref<320x16xf32, #tpu.memory_space<vmem>>, %arg15: memref<20x16xi32, #tpu.memory_space<vmem>>, %arg16: memref<136x16xf32, #tpu.memory_space<vmem>>, %arg17: memref<136x16xf32, #tpu.memory_space<vmem>>, %arg18: memref<136x16xf32, #tpu.memory_space<vmem>>, %arg19: memref<136x16xf32, #tpu.memory_space<vmem>>, %arg20: memref<136x16xf32, #tpu.memory_space<vmem>>, %arg21: memref<136x16xf32, #tpu.memory_space<vmem>>) attributes {dimension_semantics = [#tpu.dimension_semantics<core_parallel>, #tpu.dimension_semantics<subcore_parallel>], iteration_bounds = array<i64: 2, 16>, scalar_prefetch = 0 : i64, scratch_operands = 10 : i64, tpu.core_type = #tpu.core_type<sc_vector_subcore>, window_params = [{transform_indices = #map}, {transform_indices = #map}, {transform_indices = #map}, {transform_indices = #map1}, {transform_indices = #map1}, {transform_indices = #map1}, {transform_indices = #map1}, {transform_indices = #map1}, {transform_indices = #map1}, {transform_indices = #map1}]} {
    %mul3A = arith.constant 16 : i32
    %mul3A_0 = arith.muli %arg0, %mul3A : i32
    %add3A = arith.addi %mul3A_0, %arg1 : i32
    %mul3A_1 = arith.constant 320 : i32
    %mul3A_2 = arith.muli %add3A, %mul3A_1 : i32
    "tpu.region"() ({
      %run_scoped3A = tpu.sem_alloc : memref<!tpu.dma_semaphore, #tpu.memory_space<semaphore_mem>>
      %dma_start3A = arith.constant 0 : i32
      %dma_start3A_22 = tpu.memref_slice %arg2[%mul3A_2, %dma_start3A] : memref<10240x16xf32, #tpu.memory_space<hbm>> -> memref<320x16xf32, #tpu.memory_space<hbm>>
      %dma_start3A_23 = arith.constant 0 : i32
      %dma_start3A_24 = tpu.memref_slice %arg2[%mul3A_2, %dma_start3A_23] : memref<10240x16xf32, #tpu.memory_space<hbm>> -> memref<320x16xf32, #tpu.memory_space<hbm>>
      tpu.enqueue_dma source(%dma_start3A_24 : memref<320x16xf32, #tpu.memory_space<hbm>>) target(%arg12 : memref<320x16xf32, #tpu.memory_space<vmem>>) target_semaphore(%run_scoped3A : memref<!tpu.dma_semaphore, #tpu.memory_space<semaphore_mem>>)
      %dma_wait3A = arith.constant 0 : i32
      %dma_wait3A_25 = tpu.memref_slice %arg2[%mul3A_2, %dma_wait3A] : memref<10240x16xf32, #tpu.memory_space<hbm>> -> memref<320x16xf32, #tpu.memory_space<hbm>>
      %dma_wait3A_26 = arith.constant 0 : i32
      %dma_wait3A_27 = tpu.memref_slice %arg2[%mul3A_2, %dma_wait3A_26] : memref<10240x16xf32, #tpu.memory_space<hbm>> -> memref<320x16xf32, #tpu.memory_space<hbm>>
      tpu.wait_dma2 semaphore(%run_scoped3A : memref<!tpu.dma_semaphore, #tpu.memory_space<semaphore_mem>>) src(%dma_wait3A_27 : memref<320x16xf32, #tpu.memory_space<hbm>>) dst(%arg12 : memref<320x16xf32, #tpu.memory_space<vmem>>)
      tpu.yield
    }) : () -> ()
    %mul3A_3 = arith.constant 320 : i32
    %mul3A_4 = arith.muli %add3A, %mul3A_3 : i32
    "tpu.region"() ({
      %run_scoped3A = tpu.sem_alloc : memref<!tpu.dma_semaphore, #tpu.memory_space<semaphore_mem>>
      %dma_start3A = arith.constant 0 : i32
      %dma_start3A_22 = tpu.memref_slice %arg3[%mul3A_4, %dma_start3A] : memref<10240x16xf32, #tpu.memory_space<hbm>> -> memref<320x16xf32, #tpu.memory_space<hbm>>
      %dma_start3A_23 = arith.constant 0 : i32
      %dma_start3A_24 = tpu.memref_slice %arg3[%mul3A_4, %dma_start3A_23] : memref<10240x16xf32, #tpu.memory_space<hbm>> -> memref<320x16xf32, #tpu.memory_space<hbm>>
      tpu.enqueue_dma source(%dma_start3A_24 : memref<320x16xf32, #tpu.memory_space<hbm>>) target(%arg13 : memref<320x16xf32, #tpu.memory_space<vmem>>) target_semaphore(%run_scoped3A : memref<!tpu.dma_semaphore, #tpu.memory_space<semaphore_mem>>)
      %dma_wait3A = arith.constant 0 : i32
      %dma_wait3A_25 = tpu.memref_slice %arg3[%mul3A_4, %dma_wait3A] : memref<10240x16xf32, #tpu.memory_space<hbm>> -> memref<320x16xf32, #tpu.memory_space<hbm>>
      %dma_wait3A_26 = arith.constant 0 : i32
      %dma_wait3A_27 = tpu.memref_slice %arg3[%mul3A_4, %dma_wait3A_26] : memref<10240x16xf32, #tpu.memory_space<hbm>> -> memref<320x16xf32, #tpu.memory_space<hbm>>
      tpu.wait_dma2 semaphore(%run_scoped3A : memref<!tpu.dma_semaphore, #tpu.memory_space<semaphore_mem>>) src(%dma_wait3A_27 : memref<320x16xf32, #tpu.memory_space<hbm>>) dst(%arg13 : memref<320x16xf32, #tpu.memory_space<vmem>>)
      tpu.yield
    }) : () -> ()
    %mul3A_5 = arith.constant 320 : i32
    %mul3A_6 = arith.muli %add3A, %mul3A_5 : i32
    "tpu.region"() ({
      %run_scoped3A = tpu.sem_alloc : memref<!tpu.dma_semaphore, #tpu.memory_space<semaphore_mem>>
      %dma_start3A = arith.constant 0 : i32
      %dma_start3A_22 = tpu.memref_slice %arg4[%mul3A_6, %dma_start3A] : memref<10240x16xf32, #tpu.memory_space<hbm>> -> memref<320x16xf32, #tpu.memory_space<hbm>>
      %dma_start3A_23 = arith.constant 0 : i32
      %dma_start3A_24 = tpu.memref_slice %arg4[%mul3A_6, %dma_start3A_23] : memref<10240x16xf32, #tpu.memory_space<hbm>> -> memref<320x16xf32, #tpu.memory_space<hbm>>
      tpu.enqueue_dma source(%dma_start3A_24 : memref<320x16xf32, #tpu.memory_space<hbm>>) target(%arg14 : memref<320x16xf32, #tpu.memory_space<vmem>>) target_semaphore(%run_scoped3A : memref<!tpu.dma_semaphore, #tpu.memory_space<semaphore_mem>>)
      %dma_wait3A = arith.constant 0 : i32
      %dma_wait3A_25 = tpu.memref_slice %arg4[%mul3A_6, %dma_wait3A] : memref<10240x16xf32, #tpu.memory_space<hbm>> -> memref<320x16xf32, #tpu.memory_space<hbm>>
      %dma_wait3A_26 = arith.constant 0 : i32
      %dma_wait3A_27 = tpu.memref_slice %arg4[%mul3A_6, %dma_wait3A_26] : memref<10240x16xf32, #tpu.memory_space<hbm>> -> memref<320x16xf32, #tpu.memory_space<hbm>>
      tpu.wait_dma2 semaphore(%run_scoped3A : memref<!tpu.dma_semaphore, #tpu.memory_space<semaphore_mem>>) src(%dma_wait3A_27 : memref<320x16xf32, #tpu.memory_space<hbm>>) dst(%arg14 : memref<320x16xf32, #tpu.memory_space<vmem>>)
      tpu.yield
    }) : () -> ()
    "tpu.region"() ({
      %run_scoped3A = tpu.sem_alloc : memref<!tpu.dma_semaphore, #tpu.memory_space<semaphore_mem>>
      %dma_start3A = arith.constant 0 : i32
      %dma_start3A_22 = arith.constant 0 : i32
      %dma_start3A_23 = tpu.memref_slice %arg5[%add3A, %dma_start3A, %dma_start3A_22] : memref<32x20x16xi32, #tpu.memory_space<hbm>> -> memref<1x20x16xi32, #tpu.memory_space<hbm>>
      %dma_start3A_24 = tpu.memref_squeeze %dma_start3A_23 : memref<1x20x16xi32, #tpu.memory_space<hbm>> -> memref<20x16xi32, #tpu.memory_space<hbm>>
      %dma_start3A_25 = arith.constant 0 : i32
      %dma_start3A_26 = arith.constant 0 : i32
      %dma_start3A_27 = tpu.memref_slice %arg5[%add3A, %dma_start3A_25, %dma_start3A_26] : memref<32x20x16xi32, #tpu.memory_space<hbm>> -> memref<1x20x16xi32, #tpu.memory_space<hbm>>
      %dma_start3A_28 = tpu.memref_squeeze %dma_start3A_27 : memref<1x20x16xi32, #tpu.memory_space<hbm>> -> memref<20x16xi32, #tpu.memory_space<hbm>>
      tpu.enqueue_dma source(%dma_start3A_28 : memref<20x16xi32, #tpu.memory_space<hbm>>) target(%arg15 : memref<20x16xi32, #tpu.memory_space<vmem>>) target_semaphore(%run_scoped3A : memref<!tpu.dma_semaphore, #tpu.memory_space<semaphore_mem>>)
      %dma_wait3A = arith.constant 0 : i32
      %dma_wait3A_29 = arith.constant 0 : i32
      %dma_wait3A_30 = tpu.memref_slice %arg5[%add3A, %dma_wait3A, %dma_wait3A_29] : memref<32x20x16xi32, #tpu.memory_space<hbm>> -> memref<1x20x16xi32, #tpu.memory_space<hbm>>
      %dma_wait3A_31 = tpu.memref_squeeze %dma_wait3A_30 : memref<1x20x16xi32, #tpu.memory_space<hbm>> -> memref<20x16xi32, #tpu.memory_space<hbm>>
      %dma_wait3A_32 = arith.constant 0 : i32
      %dma_wait3A_33 = arith.constant 0 : i32
      %dma_wait3A_34 = tpu.memref_slice %arg5[%add3A, %dma_wait3A_32, %dma_wait3A_33] : memref<32x20x16xi32, #tpu.memory_space<hbm>> -> memref<1x20x16xi32, #tpu.memory_space<hbm>>
      %dma_wait3A_35 = tpu.memref_squeeze %dma_wait3A_34 : memref<1x20x16xi32, #tpu.memory_space<hbm>> -> memref<20x16xi32, #tpu.memory_space<hbm>>
      tpu.wait_dma2 semaphore(%run_scoped3A : memref<!tpu.dma_semaphore, #tpu.memory_space<semaphore_mem>>) src(%dma_wait3A_35 : memref<20x16xi32, #tpu.memory_space<hbm>>) dst(%arg15 : memref<20x16xi32, #tpu.memory_space<vmem>>)
      tpu.yield
    }) : () -> ()
    %scan3A = arith.constant 0 : i32
    %scan3A_7 = arith.constant 0 : i32
    %scan3A_8 = arith.constant 136 : i32
    %scan3A_9 = arith.addi %scan3A_7, %scan3A_8 : i32
    %scan3A_10 = arith.constant 1 : i32
    scf.for %scan3A_22 = %scan3A_7 to %scan3A_9 step %scan3A_10  : i32 {
      %broadcast_in_dim3A_23 = arith.constant 0.000000e+00 : f32
      %broadcast_in_dim3A_24 = vector.broadcast %broadcast_in_dim3A_23 : f32 to vector<16xf32>
      %broadcast_in_dim3A_25 = arith.constant 0xFF800000 : f32
      %broadcast_in_dim3A_26 = vector.broadcast %broadcast_in_dim3A_25 : f32 to vector<16xf32>
      %swap3A = arith.index_cast %scan3A_22 : i32 to index
      %swap3A_27 = arith.constant 0 : index
      %swap3A_28 = tpu.vector_load %arg16[%swap3A, %swap3A_27] {strides = array<i32>} : memref<136x16xf32, #tpu.memory_space<vmem>>, vector<16xf32>,
      tpu.vector_store %arg16[%swap3A, %swap3A_27], %broadcast_in_dim3A_24 {strides = array<i32>} : memref<136x16xf32, #tpu.memory_space<vmem>>, vector<16xf32>,
      %swap3A_29 = arith.index_cast %scan3A_22 : i32 to index
      %swap3A_30 = arith.constant 0 : index
      %swap3A_31 = tpu.vector_load %arg17[%swap3A_29, %swap3A_30] {strides = array<i32>} : memref<136x16xf32, #tpu.memory_space<vmem>>, vector<16xf32>,
      tpu.vector_store %arg17[%swap3A_29, %swap3A_30], %broadcast_in_dim3A_24 {strides = array<i32>} : memref<136x16xf32, #tpu.memory_space<vmem>>, vector<16xf32>,
      %swap3A_32 = arith.index_cast %scan3A_22 : i32 to index
      %swap3A_33 = arith.constant 0 : index
      %swap3A_34 = tpu.vector_load %arg18[%swap3A_32, %swap3A_33] {strides = array<i32>} : memref<136x16xf32, #tpu.memory_space<vmem>>, vector<16xf32>,
      tpu.vector_store %arg18[%swap3A_32, %swap3A_33], %broadcast_in_dim3A_24 {strides = array<i32>} : memref<136x16xf32, #tpu.memory_space<vmem>>, vector<16xf32>,
      %swap3A_35 = arith.index_cast %scan3A_22 : i32 to index
      %swap3A_36 = arith.constant 0 : index
      %swap3A_37 = tpu.vector_load %arg19[%swap3A_35, %swap3A_36] {strides = array<i32>} : memref<136x16xf32, #tpu.memory_space<vmem>>, vector<16xf32>,
      tpu.vector_store %arg19[%swap3A_35, %swap3A_36], %broadcast_in_dim3A_26 {strides = array<i32>} : memref<136x16xf32, #tpu.memory_space<vmem>>, vector<16xf32>,
      %swap3A_38 = arith.index_cast %scan3A_22 : i32 to index
      %swap3A_39 = arith.constant 0 : index
      %swap3A_40 = tpu.vector_load %arg20[%swap3A_38, %swap3A_39] {strides = array<i32>} : memref<136x16xf32, #tpu.memory_space<vmem>>, vector<16xf32>,
      tpu.vector_store %arg20[%swap3A_38, %swap3A_39], %broadcast_in_dim3A_26 {strides = array<i32>} : memref<136x16xf32, #tpu.memory_space<vmem>>, vector<16xf32>,
      %swap3A_41 = arith.index_cast %scan3A_22 : i32 to index
      %swap3A_42 = arith.constant 0 : index
      %swap3A_43 = tpu.vector_load %arg21[%swap3A_41, %swap3A_42] {strides = array<i32>} : memref<136x16xf32, #tpu.memory_space<vmem>>, vector<16xf32>,
      tpu.vector_store %arg21[%swap3A_41, %swap3A_42], %broadcast_in_dim3A_26 {strides = array<i32>} : memref<136x16xf32, #tpu.memory_space<vmem>>, vector<16xf32>,
    }
    %scan3A_11 = arith.constant 136 : i32
    %iota3A = tpu.iota {dimensions = array<i32: 0>} : vector<16xi32>
    %broadcast_in_dim3A = arith.constant 0.000000e+00 : f32
    %broadcast_in_dim3A_12 = vector.broadcast %broadcast_in_dim3A : f32 to vector<16xf32>
    %broadcast_in_dim3A_13 = arith.constant 0xFF800000 : f32
    %broadcast_in_dim3A_14 = vector.broadcast %broadcast_in_dim3A_13 : f32 to vector<16xf32>
    %scan3A_15 = arith.constant -1 : i32
    %scan3A_16 = arith.constant 0 : i32
    %scan3A_17 = arith.constant 320 : i32
    %scan3A_18 = arith.addi %scan3A_16, %scan3A_17 : i32
    %scan3A_19 = arith.constant 1 : i32
    %scan3A_20:7 = scf.for %scan3A_22 = %scan3A_16 to %scan3A_18 step %scan3A_19 iter_args(%scan3A_23 = %scan3A_15, %scan3A_24 = %broadcast_in_dim3A_12, %scan3A_25 = %broadcast_in_dim3A_12, %scan3A_26 = %broadcast_in_dim3A_12, %scan3A_27 = %broadcast_in_dim3A_14, %scan3A_28 = %broadcast_in_dim3A_14, %scan3A_29 = %broadcast_in_dim3A_14) -> (i32, vector<16xf32>, vector<16xf32>, vector<16xf32>, vector<16xf32>, vector<16xf32>, vector<16xf32>)  : i32 {
      %jit3A = arith.constant 16 : i32
      %div3A = arith.divsi %scan3A_22, %jit3A : i32
      %sign3A = arith.constant 0 : i32
      %sign3A_30 = arith.cmpi sgt, %scan3A_22, %sign3A : i32
      %sign3A_31 = arith.extui %sign3A_30 : i1 to i32
      %sign3A_32 = arith.constant 0 : i32
      %sign3A_33 = arith.cmpi slt, %scan3A_22, %sign3A_32 : i32
      %sign3A_34 = arith.extui %sign3A_33 : i1 to i32
      %sign3A_35 = arith.subi %sign3A_31, %sign3A_34 : i32
      %sign3A_36 = arith.constant 0 : i32
      %sign3A_37 = arith.cmpi sgt, %jit3A, %sign3A_36 : i32
      %sign3A_38 = arith.extui %sign3A_37 : i1 to i32
      %sign3A_39 = arith.constant 0 : i32
      %sign3A_40 = arith.cmpi slt, %jit3A, %sign3A_39 : i32
      %sign3A_41 = arith.extui %sign3A_40 : i1 to i32
      %sign3A_42 = arith.subi %sign3A_38, %sign3A_41 : i32
      %ne3A = arith.cmpi ne, %sign3A_35, %sign3A_42 : i32
      %rem3A = arith.remsi %scan3A_22, %jit3A : i32
      %ne3A_43 = arith.constant 0 : i32
      %ne3A_44 = arith.cmpi ne, %rem3A, %ne3A_43 : i32
      %and3A = arith.andi %ne3A, %ne3A_44 : i1
      %sub3A = arith.constant 1 : i32
      %sub3A_45 = arith.subi %div3A, %sub3A : i32
      %select_n3A = arith.select %and3A, %sub3A_45, %div3A : i32
      %mul3A_46 = arith.constant 16 : i32
      %mul3A_47 = arith.muli %select_n3A, %mul3A_46 : i32
      %sub3A_48 = arith.subi %scan3A_22, %mul3A_47 : i32
      %get3A = arith.index_cast %select_n3A : i32 to index
      %get3A_49 = arith.constant 0 : index
      %get3A_50 = tpu.vector_load %arg15[%get3A, %get3A_49] {strides = array<i32>} : memref<20x16xi32, #tpu.memory_space<vmem>>, vector<16xi32>,
      %eq3A = vector.broadcast %sub3A_48 : i32 to vector<16xi32>
      %eq3A_51 = arith.cmpi eq, %iota3A, %eq3A : vector<16xi32>
      %jit3A_52 = arith.constant 0 : i32
      %broadcast_in_dim3A_53 = vector.broadcast %jit3A_52 : i32 to vector<16xi32>
      %select_n3A_54 = arith.select %eq3A_51, %get3A_50, %broadcast_in_dim3A_53 : vector<16xi1>, vector<16xi32>
      %reduce_sum3A = arith.constant true
      %reduce_sum3A_55 = vector.broadcast %reduce_sum3A : i1 to vector<16xi1>
      %reduce_sum3A_56 = tpu.scan <sum>, %select_n3A_54 masked %reduce_sum3A_55 : vector<16xi32>, vector<16xi1> -> vector<16xi32>
      %reduce_sum3A_57 = vector.extract %reduce_sum3A_56[15] : i32 from vector<16xi32>
      %get3A_58 = arith.index_cast %scan3A_22 : i32 to index
      %get3A_59 = arith.constant 0 : index
      %get3A_60 = tpu.vector_load %arg12[%get3A_58, %get3A_59] {strides = array<i32>} : memref<320x16xf32, #tpu.memory_space<vmem>>, vector<16xf32>,
      %get3A_61 = arith.index_cast %scan3A_22 : i32 to index
      %get3A_62 = arith.constant 0 : index
      %get3A_63 = tpu.vector_load %arg13[%get3A_61, %get3A_62] {strides = array<i32>} : memref<320x16xf32, #tpu.memory_space<vmem>>, vector<16xf32>,
      %get3A_64 = arith.index_cast %scan3A_22 : i32 to index
      %get3A_65 = arith.constant 0 : index
      %get3A_66 = tpu.vector_load %arg14[%get3A_64, %get3A_65] {strides = array<i32>} : memref<320x16xf32, #tpu.memory_space<vmem>>, vector<16xf32>,
      %ne3A_67 = arith.cmpi ne, %reduce_sum3A_57, %scan3A_23 : i32
      %add3A_68 = arith.addf %scan3A_24, %get3A_60 : vector<16xf32>
      %select_n3A_69 = arith.select %ne3A_67, %get3A_60, %add3A_68 : vector<16xf32>
      %add3A_70 = arith.addf %scan3A_25, %get3A_63 : vector<16xf32>
      %select_n3A_71 = arith.select %ne3A_67, %get3A_63, %add3A_70 : vector<16xf32>
      %add3A_72 = arith.addf %scan3A_26, %get3A_66 : vector<16xf32>
      %select_n3A_73 = arith.select %ne3A_67, %get3A_66, %add3A_72 : vector<16xf32>
      %max3A = arith.maximumf %scan3A_27, %get3A_60 : vector<16xf32>
      %select_n3A_74 = arith.select %ne3A_67, %get3A_60, %max3A : vector<16xf32>
      %max3A_75 = arith.maximumf %scan3A_28, %get3A_63 : vector<16xf32>
      %select_n3A_76 = arith.select %ne3A_67, %get3A_63, %max3A_75 : vector<16xf32>
      %max3A_77 = arith.maximumf %scan3A_29, %get3A_66 : vector<16xf32>
      %select_n3A_78 = arith.select %ne3A_67, %get3A_66, %max3A_77 : vector<16xf32>
      %swap3A = arith.index_cast %reduce_sum3A_57 : i32 to index
      %swap3A_79 = arith.constant 0 : index
      %swap3A_80 = tpu.vector_load %arg16[%swap3A, %swap3A_79] {strides = array<i32>} : memref<136x16xf32, #tpu.memory_space<vmem>>, vector<16xf32>,
      tpu.vector_store %arg16[%swap3A, %swap3A_79], %select_n3A_69 {strides = array<i32>} : memref<136x16xf32, #tpu.memory_space<vmem>>, vector<16xf32>,
      %swap3A_81 = arith.index_cast %reduce_sum3A_57 : i32 to index
      %swap3A_82 = arith.constant 0 : index
      %swap3A_83 = tpu.vector_load %arg17[%swap3A_81, %swap3A_82] {strides = array<i32>} : memref<136x16xf32, #tpu.memory_space<vmem>>, vector<16xf32>,
      tpu.vector_store %arg17[%swap3A_81, %swap3A_82], %select_n3A_71 {strides = array<i32>} : memref<136x16xf32, #tpu.memory_space<vmem>>, vector<16xf32>,
      %swap3A_84 = arith.index_cast %reduce_sum3A_57 : i32 to index
      %swap3A_85 = arith.constant 0 : index
      %swap3A_86 = tpu.vector_load %arg18[%swap3A_84, %swap3A_85] {strides = array<i32>} : memref<136x16xf32, #tpu.memory_space<vmem>>, vector<16xf32>,
      tpu.vector_store %arg18[%swap3A_84, %swap3A_85], %select_n3A_73 {strides = array<i32>} : memref<136x16xf32, #tpu.memory_space<vmem>>, vector<16xf32>,
      %swap3A_87 = arith.index_cast %reduce_sum3A_57 : i32 to index
      %swap3A_88 = arith.constant 0 : index
      %swap3A_89 = tpu.vector_load %arg19[%swap3A_87, %swap3A_88] {strides = array<i32>} : memref<136x16xf32, #tpu.memory_space<vmem>>, vector<16xf32>,
      tpu.vector_store %arg19[%swap3A_87, %swap3A_88], %select_n3A_74 {strides = array<i32>} : memref<136x16xf32, #tpu.memory_space<vmem>>, vector<16xf32>,
      %swap3A_90 = arith.index_cast %reduce_sum3A_57 : i32 to index
      %swap3A_91 = arith.constant 0 : index
      %swap3A_92 = tpu.vector_load %arg20[%swap3A_90, %swap3A_91] {strides = array<i32>} : memref<136x16xf32, #tpu.memory_space<vmem>>, vector<16xf32>,
      tpu.vector_store %arg20[%swap3A_90, %swap3A_91], %select_n3A_76 {strides = array<i32>} : memref<136x16xf32, #tpu.memory_space<vmem>>, vector<16xf32>,
      %swap3A_93 = arith.index_cast %reduce_sum3A_57 : i32 to index
      %swap3A_94 = arith.constant 0 : index
      %swap3A_95 = tpu.vector_load %arg21[%swap3A_93, %swap3A_94] {strides = array<i32>} : memref<136x16xf32, #tpu.memory_space<vmem>>, vector<16xf32>,
      tpu.vector_store %arg21[%swap3A_93, %swap3A_94], %select_n3A_78 {strides = array<i32>} : memref<136x16xf32, #tpu.memory_space<vmem>>, vector<16xf32>,
      scf.yield %reduce_sum3A_57, %select_n3A_69, %select_n3A_71, %select_n3A_73, %select_n3A_74, %select_n3A_76, %select_n3A_78 : i32, vector<16xf32>, vector<16xf32>, vector<16xf32>, vector<16xf32>, vector<16xf32>, vector<16xf32>
    }
    %scan3A_21 = arith.constant 320 : i32
    "tpu.region"() ({
      %run_scoped3A = tpu.sem_alloc : memref<!tpu.dma_semaphore, #tpu.memory_space<semaphore_mem>>
      %dma_start3A = arith.constant 0 : i32
      %dma_start3A_22 = arith.constant 0 : i32
      %dma_start3A_23 = tpu.memref_slice %arg6[%add3A, %dma_start3A, %dma_start3A_22] : memref<32x136x16xf32, #tpu.memory_space<hbm>> -> memref<1x136x16xf32, #tpu.memory_space<hbm>>
      %dma_start3A_24 = tpu.memref_squeeze %dma_start3A_23 : memref<1x136x16xf32, #tpu.memory_space<hbm>> -> memref<136x16xf32, #tpu.memory_space<hbm>>
      %dma_start3A_25 = arith.constant 0 : i32
      %dma_start3A_26 = arith.constant 0 : i32
      %dma_start3A_27 = tpu.memref_slice %arg6[%add3A, %dma_start3A_25, %dma_start3A_26] : memref<32x136x16xf32, #tpu.memory_space<hbm>> -> memref<1x136x16xf32, #tpu.memory_space<hbm>>
      %dma_start3A_28 = tpu.memref_squeeze %dma_start3A_27 : memref<1x136x16xf32, #tpu.memory_space<hbm>> -> memref<136x16xf32, #tpu.memory_space<hbm>>
      tpu.enqueue_dma source(%arg16 : memref<136x16xf32, #tpu.memory_space<vmem>>) target(%dma_start3A_28 : memref<136x16xf32, #tpu.memory_space<hbm>>) target_semaphore(%run_scoped3A : memref<!tpu.dma_semaphore, #tpu.memory_space<semaphore_mem>>)
      %dma_wait3A = arith.constant 0 : i32
      %dma_wait3A_29 = arith.constant 0 : i32
      %dma_wait3A_30 = tpu.memref_slice %arg6[%add3A, %dma_wait3A, %dma_wait3A_29] : memref<32x136x16xf32, #tpu.memory_space<hbm>> -> memref<1x136x16xf32, #tpu.memory_space<hbm>>
      %dma_wait3A_31 = tpu.memref_squeeze %dma_wait3A_30 : memref<1x136x16xf32, #tpu.memory_space<hbm>> -> memref<136x16xf32, #tpu.memory_space<hbm>>
      %dma_wait3A_32 = arith.constant 0 : i32
      %dma_wait3A_33 = arith.constant 0 : i32
      %dma_wait3A_34 = tpu.memref_slice %arg6[%add3A, %dma_wait3A_32, %dma_wait3A_33] : memref<32x136x16xf32, #tpu.memory_space<hbm>> -> memref<1x136x16xf32, #tpu.memory_space<hbm>>
      %dma_wait3A_35 = tpu.memref_squeeze %dma_wait3A_34 : memref<1x136x16xf32, #tpu.memory_space<hbm>> -> memref<136x16xf32, #tpu.memory_space<hbm>>
      tpu.wait_dma2 semaphore(%run_scoped3A : memref<!tpu.dma_semaphore, #tpu.memory_space<semaphore_mem>>) src(%arg16 : memref<136x16xf32, #tpu.memory_space<vmem>>) dst(%dma_wait3A_35 : memref<136x16xf32, #tpu.memory_space<hbm>>)
      tpu.yield
    }) : () -> ()
    "tpu.region"() ({
      %run_scoped3A = tpu.sem_alloc : memref<!tpu.dma_semaphore, #tpu.memory_space<semaphore_mem>>
      %dma_start3A = arith.constant 0 : i32
      %dma_start3A_22 = arith.constant 0 : i32
      %dma_start3A_23 = tpu.memref_slice %arg7[%add3A, %dma_start3A, %dma_start3A_22] : memref<32x136x16xf32, #tpu.memory_space<hbm>> -> memref<1x136x16xf32, #tpu.memory_space<hbm>>
      %dma_start3A_24 = tpu.memref_squeeze %dma_start3A_23 : memref<1x136x16xf32, #tpu.memory_space<hbm>> -> memref<136x16xf32, #tpu.memory_space<hbm>>
      %dma_start3A_25 = arith.constant 0 : i32
      %dma_start3A_26 = arith.constant 0 : i32
      %dma_start3A_27 = tpu.memref_slice %arg7[%add3A, %dma_start3A_25, %dma_start3A_26] : memref<32x136x16xf32, #tpu.memory_space<hbm>> -> memref<1x136x16xf32, #tpu.memory_space<hbm>>
      %dma_start3A_28 = tpu.memref_squeeze %dma_start3A_27 : memref<1x136x16xf32, #tpu.memory_space<hbm>> -> memref<136x16xf32, #tpu.memory_space<hbm>>
      tpu.enqueue_dma source(%arg17 : memref<136x16xf32, #tpu.memory_space<vmem>>) target(%dma_start3A_28 : memref<136x16xf32, #tpu.memory_space<hbm>>) target_semaphore(%run_scoped3A : memref<!tpu.dma_semaphore, #tpu.memory_space<semaphore_mem>>)
      %dma_wait3A = arith.constant 0 : i32
      %dma_wait3A_29 = arith.constant 0 : i32
      %dma_wait3A_30 = tpu.memref_slice %arg7[%add3A, %dma_wait3A, %dma_wait3A_29] : memref<32x136x16xf32, #tpu.memory_space<hbm>> -> memref<1x136x16xf32, #tpu.memory_space<hbm>>
      %dma_wait3A_31 = tpu.memref_squeeze %dma_wait3A_30 : memref<1x136x16xf32, #tpu.memory_space<hbm>> -> memref<136x16xf32, #tpu.memory_space<hbm>>
      %dma_wait3A_32 = arith.constant 0 : i32
      %dma_wait3A_33 = arith.constant 0 : i32
      %dma_wait3A_34 = tpu.memref_slice %arg7[%add3A, %dma_wait3A_32, %dma_wait3A_33] : memref<32x136x16xf32, #tpu.memory_space<hbm>> -> memref<1x136x16xf32, #tpu.memory_space<hbm>>
      %dma_wait3A_35 = tpu.memref_squeeze %dma_wait3A_34 : memref<1x136x16xf32, #tpu.memory_space<hbm>> -> memref<136x16xf32, #tpu.memory_space<hbm>>
      tpu.wait_dma2 semaphore(%run_scoped3A : memref<!tpu.dma_semaphore, #tpu.memory_space<semaphore_mem>>) src(%arg17 : memref<136x16xf32, #tpu.memory_space<vmem>>) dst(%dma_wait3A_35 : memref<136x16xf32, #tpu.memory_space<hbm>>)
      tpu.yield
    }) : () -> ()
    "tpu.region"() ({
      %run_scoped3A = tpu.sem_alloc : memref<!tpu.dma_semaphore, #tpu.memory_space<semaphore_mem>>
      %dma_start3A = arith.constant 0 : i32
      %dma_start3A_22 = arith.constant 0 : i32
      %dma_start3A_23 = tpu.memref_slice %arg8[%add3A, %dma_start3A, %dma_start3A_22] : memref<32x136x16xf32, #tpu.memory_space<hbm>> -> memref<1x136x16xf32, #tpu.memory_space<hbm>>
      %dma_start3A_24 = tpu.memref_squeeze %dma_start3A_23 : memref<1x136x16xf32, #tpu.memory_space<hbm>> -> memref<136x16xf32, #tpu.memory_space<hbm>>
      %dma_start3A_25 = arith.constant 0 : i32
      %dma_start3A_26 = arith.constant 0 : i32
      %dma_start3A_27 = tpu.memref_slice %arg8[%add3A, %dma_start3A_25, %dma_start3A_26] : memref<32x136x16xf32, #tpu.memory_space<hbm>> -> memref<1x136x16xf32, #tpu.memory_space<hbm>>
      %dma_start3A_28 = tpu.memref_squeeze %dma_start3A_27 : memref<1x136x16xf32, #tpu.memory_space<hbm>> -> memref<136x16xf32, #tpu.memory_space<hbm>>
      tpu.enqueue_dma source(%arg18 : memref<136x16xf32, #tpu.memory_space<vmem>>) target(%dma_start3A_28 : memref<136x16xf32, #tpu.memory_space<hbm>>) target_semaphore(%run_scoped3A : memref<!tpu.dma_semaphore, #tpu.memory_space<semaphore_mem>>)
      %dma_wait3A = arith.constant 0 : i32
      %dma_wait3A_29 = arith.constant 0 : i32
      %dma_wait3A_30 = tpu.memref_slice %arg8[%add3A, %dma_wait3A, %dma_wait3A_29] : memref<32x136x16xf32, #tpu.memory_space<hbm>> -> memref<1x136x16xf32, #tpu.memory_space<hbm>>
      %dma_wait3A_31 = tpu.memref_squeeze %dma_wait3A_30 : memref<1x136x16xf32, #tpu.memory_space<hbm>> -> memref<136x16xf32, #tpu.memory_space<hbm>>
      %dma_wait3A_32 = arith.constant 0 : i32
      %dma_wait3A_33 = arith.constant 0 : i32
      %dma_wait3A_34 = tpu.memref_slice %arg8[%add3A, %dma_wait3A_32, %dma_wait3A_33] : memref<32x136x16xf32, #tpu.memory_space<hbm>> -> memref<1x136x16xf32, #tpu.memory_space<hbm>>
      %dma_wait3A_35 = tpu.memref_squeeze %dma_wait3A_34 : memref<1x136x16xf32, #tpu.memory_space<hbm>> -> memref<136x16xf32, #tpu.memory_space<hbm>>
      tpu.wait_dma2 semaphore(%run_scoped3A : memref<!tpu.dma_semaphore, #tpu.memory_space<semaphore_mem>>) src(%arg18 : memref<136x16xf32, #tpu.memory_space<vmem>>) dst(%dma_wait3A_35 : memref<136x16xf32, #tpu.memory_space<hbm>>)
      tpu.yield
    }) : () -> ()
    "tpu.region"() ({
      %run_scoped3A = tpu.sem_alloc : memref<!tpu.dma_semaphore, #tpu.memory_space<semaphore_mem>>
      %dma_start3A = arith.constant 0 : i32
      %dma_start3A_22 = arith.constant 0 : i32
      %dma_start3A_23 = tpu.memref_slice %arg9[%add3A, %dma_start3A, %dma_start3A_22] : memref<32x136x16xf32, #tpu.memory_space<hbm>> -> memref<1x136x16xf32, #tpu.memory_space<hbm>>
      %dma_start3A_24 = tpu.memref_squeeze %dma_start3A_23 : memref<1x136x16xf32, #tpu.memory_space<hbm>> -> memref<136x16xf32, #tpu.memory_space<hbm>>
      %dma_start3A_25 = arith.constant 0 : i32
      %dma_start3A_26 = arith.constant 0 : i32
      %dma_start3A_27 = tpu.memref_slice %arg9[%add3A, %dma_start3A_25, %dma_start3A_26] : memref<32x136x16xf32, #tpu.memory_space<hbm>> -> memref<1x136x16xf32, #tpu.memory_space<hbm>>
      %dma_start3A_28 = tpu.memref_squeeze %dma_start3A_27 : memref<1x136x16xf32, #tpu.memory_space<hbm>> -> memref<136x16xf32, #tpu.memory_space<hbm>>
      tpu.enqueue_dma source(%arg19 : memref<136x16xf32, #tpu.memory_space<vmem>>) target(%dma_start3A_28 : memref<136x16xf32, #tpu.memory_space<hbm>>) target_semaphore(%run_scoped3A : memref<!tpu.dma_semaphore, #tpu.memory_space<semaphore_mem>>)
      %dma_wait3A = arith.constant 0 : i32
      %dma_wait3A_29 = arith.constant 0 : i32
      %dma_wait3A_30 = tpu.memref_slice %arg9[%add3A, %dma_wait3A, %dma_wait3A_29] : memref<32x136x16xf32, #tpu.memory_space<hbm>> -> memref<1x136x16xf32, #tpu.memory_space<hbm>>
      %dma_wait3A_31 = tpu.memref_squeeze %dma_wait3A_30 : memref<1x136x16xf32, #tpu.memory_space<hbm>> -> memref<136x16xf32, #tpu.memory_space<hbm>>
      %dma_wait3A_32 = arith.constant 0 : i32
      %dma_wait3A_33 = arith.constant 0 : i32
      %dma_wait3A_34 = tpu.memref_slice %arg9[%add3A, %dma_wait3A_32, %dma_wait3A_33] : memref<32x136x16xf32, #tpu.memory_space<hbm>> -> memref<1x136x16xf32, #tpu.memory_space<hbm>>
      %dma_wait3A_35 = tpu.memref_squeeze %dma_wait3A_34 : memref<1x136x16xf32, #tpu.memory_space<hbm>> -> memref<136x16xf32, #tpu.memory_space<hbm>>
      tpu.wait_dma2 semaphore(%run_scoped3A : memref<!tpu.dma_semaphore, #tpu.memory_space<semaphore_mem>>) src(%arg19 : memref<136x16xf32, #tpu.memory_space<vmem>>) dst(%dma_wait3A_35 : memref<136x16xf32, #tpu.memory_space<hbm>>)
      tpu.yield
    }) : () -> ()
    "tpu.region"() ({
      %run_scoped3A = tpu.sem_alloc : memref<!tpu.dma_semaphore, #tpu.memory_space<semaphore_mem>>
      %dma_start3A = arith.constant 0 : i32
      %dma_start3A_22 = arith.constant 0 : i32
      %dma_start3A_23 = tpu.memref_slice %arg10[%add3A, %dma_start3A, %dma_start3A_22] : memref<32x136x16xf32, #tpu.memory_space<hbm>> -> memref<1x136x16xf32, #tpu.memory_space<hbm>>
      %dma_start3A_24 = tpu.memref_squeeze %dma_start3A_23 : memref<1x136x16xf32, #tpu.memory_space<hbm>> -> memref<136x16xf32, #tpu.memory_space<hbm>>
      %dma_start3A_25 = arith.constant 0 : i32
      %dma_start3A_26 = arith.constant 0 : i32
      %dma_start3A_27 = tpu.memref_slice %arg10[%add3A, %dma_start3A_25, %dma_start3A_26] : memref<32x136x16xf32, #tpu.memory_space<hbm>> -> memref<1x136x16xf32, #tpu.memory_space<hbm>>
      %dma_start3A_28 = tpu.memref_squeeze %dma_start3A_27 : memref<1x136x16xf32, #tpu.memory_space<hbm>> -> memref<136x16xf32, #tpu.memory_space<hbm>>
      tpu.enqueue_dma source(%arg20 : memref<136x16xf32, #tpu.memory_space<vmem>>) target(%dma_start3A_28 : memref<136x16xf32, #tpu.memory_space<hbm>>) target_semaphore(%run_scoped3A : memref<!tpu.dma_semaphore, #tpu.memory_space<semaphore_mem>>)
      %dma_wait3A = arith.constant 0 : i32
      %dma_wait3A_29 = arith.constant 0 : i32
      %dma_wait3A_30 = tpu.memref_slice %arg10[%add3A, %dma_wait3A, %dma_wait3A_29] : memref<32x136x16xf32, #tpu.memory_space<hbm>> -> memref<1x136x16xf32, #tpu.memory_space<hbm>>
      %dma_wait3A_31 = tpu.memref_squeeze %dma_wait3A_30 : memref<1x136x16xf32, #tpu.memory_space<hbm>> -> memref<136x16xf32, #tpu.memory_space<hbm>>
      %dma_wait3A_32 = arith.constant 0 : i32
      %dma_wait3A_33 = arith.constant 0 : i32
      %dma_wait3A_34 = tpu.memref_slice %arg10[%add3A, %dma_wait3A_32, %dma_wait3A_33] : memref<32x136x16xf32, #tpu.memory_space<hbm>> -> memref<1x136x16xf32, #tpu.memory_space<hbm>>
      %dma_wait3A_35 = tpu.memref_squeeze %dma_wait3A_34 : memref<1x136x16xf32, #tpu.memory_space<hbm>> -> memref<136x16xf32, #tpu.memory_space<hbm>>
      tpu.wait_dma2 semaphore(%run_scoped3A : memref<!tpu.dma_semaphore, #tpu.memory_space<semaphore_mem>>) src(%arg20 : memref<136x16xf32, #tpu.memory_space<vmem>>) dst(%dma_wait3A_35 : memref<136x16xf32, #tpu.memory_space<hbm>>)
      tpu.yield
    }) : () -> ()
    "tpu.region"() ({
      %run_scoped3A = tpu.sem_alloc : memref<!tpu.dma_semaphore, #tpu.memory_space<semaphore_mem>>
      %dma_start3A = arith.constant 0 : i32
      %dma_start3A_22 = arith.constant 0 : i32
      %dma_start3A_23 = tpu.memref_slice %arg11[%add3A, %dma_start3A, %dma_start3A_22] : memref<32x136x16xf32, #tpu.memory_space<hbm>> -> memref<1x136x16xf32, #tpu.memory_space<hbm>>
      %dma_start3A_24 = tpu.memref_squeeze %dma_start3A_23 : memref<1x136x16xf32, #tpu.memory_space<hbm>> -> memref<136x16xf32, #tpu.memory_space<hbm>>
      %dma_start3A_25 = arith.constant 0 : i32
      %dma_start3A_26 = arith.constant 0 : i32
      %dma_start3A_27 = tpu.memref_slice %arg11[%add3A, %dma_start3A_25, %dma_start3A_26] : memref<32x136x16xf32, #tpu.memory_space<hbm>> -> memref<1x136x16xf32, #tpu.memory_space<hbm>>
      %dma_start3A_28 = tpu.memref_squeeze %dma_start3A_27 : memref<1x136x16xf32, #tpu.memory_space<hbm>> -> memref<136x16xf32, #tpu.memory_space<hbm>>
      tpu.enqueue_dma source(%arg21 : memref<136x16xf32, #tpu.memory_space<vmem>>) target(%dma_start3A_28 : memref<136x16xf32, #tpu.memory_space<hbm>>) target_semaphore(%run_scoped3A : memref<!tpu.dma_semaphore, #tpu.memory_space<semaphore_mem>>)
      %dma_wait3A = arith.constant 0 : i32
      %dma_wait3A_29 = arith.constant 0 : i32
      %dma_wait3A_30 = tpu.memref_slice %arg11[%add3A, %dma_wait3A, %dma_wait3A_29] : memref<32x136x16xf32, #tpu.memory_space<hbm>> -> memref<1x136x16xf32, #tpu.memory_space<hbm>>
      %dma_wait3A_31 = tpu.memref_squeeze %dma_wait3A_30 : memref<1x136x16xf32, #tpu.memory_space<hbm>> -> memref<136x16xf32, #tpu.memory_space<hbm>>
      %dma_wait3A_32 = arith.constant 0 : i32
      %dma_wait3A_33 = arith.constant 0 : i32
      %dma_wait3A_34 = tpu.memref_slice %arg11[%add3A, %dma_wait3A_32, %dma_wait3A_33] : memref<32x136x16xf32, #tpu.memory_space<hbm>> -> memref<1x136x16xf32, #tpu.memory_space<hbm>>
      %dma_wait3A_35 = tpu.memref_squeeze %dma_wait3A_34 : memref<1x136x16xf32, #tpu.memory_space<hbm>> -> memref<136x16xf32, #tpu.memory_space<hbm>>
      tpu.wait_dma2 semaphore(%run_scoped3A : memref<!tpu.dma_semaphore, #tpu.memory_space<semaphore_mem>>) src(%arg21 : memref<136x16xf32, #tpu.memory_space<vmem>>) dst(%dma_wait3A_35 : memref<136x16xf32, #tpu.memory_space<hbm>>)
      tpu.yield
    }) : () -> ()
    return
  }
}

module attributes {stable_mosaic.version = 14 : i64} {
  func.func @_d0_body(%arg0: i32, %arg1: memref<1000x128xf32, #tpu.memory_space<vmem>>, %arg2: memref<128x64xf32, #tpu.memory_space<vmem>>, %arg3: memref<8x16xf32, #tpu.memory_space<vmem>>, %arg4: memref<1000x32xf32, #tpu.memory_space<vmem>>, %arg5: memref<1000x16xf32, #tpu.memory_space<vmem>>) attributes {dimension_semantics = [#tpu.dimension_semantics<arbitrary>], iteration_bounds = array<i64: 10>, scalar_prefetch = 0 : i64, scratch_operands = 0 : i64, tpu.core_type = #tpu.core_type<tc>, window_params = [{transform_indices = @transform_0, window_bounds = array<i64: 1000, 128>}, {pipeline_mode = #tpu.pipeline_mode<synchronous>, transform_indices = @transform_1, window_bounds = array<i64: 128, 64>}, {pipeline_mode = #tpu.pipeline_mode<synchronous>, transform_indices = @transform_2, window_bounds = array<i64: 8, 16>}, {transform_indices = @transform_3, window_bounds = array<i64: 1000, 32>}, {transform_indices = @transform_4, window_bounds = array<i64: 1000, 16>}]} {
    %get3A = arith.constant 0 : index
    %get3A_0 = arith.constant 0 : index
    %get3A_1 = vector.load %arg1[%get3A, %get3A_0] : memref<1000x128xf32, #tpu.memory_space<vmem>>, vector<1000x128xf32>
    %get3A_2 = arith.constant 0 : index
    %get3A_3 = arith.constant 0 : index
    %get3A_4 = vector.load %arg2[%get3A_2, %get3A_3] : memref<128x64xf32, #tpu.memory_space<vmem>>, vector<128x64xf32>
    %dot_general3A = arith.constant dense<0.000000e+00> : vector<1000x64xf32>
    %dot_general3A_5 = tpu.matmul %get3A_1, %get3A_4, %dot_general3A {dimension_numbers = #tpu.dot_dimension_numbers<[1], [0], [0], [1], [0, 0, 1, 1], [], []>, transpose_lhs_hint = false} : vector<1000x128xf32>, vector<128x64xf32>, vector<1000x64xf32> -> vector<1000x64xf32>
    %get3A_6 = arith.constant 0 : index
    %get3A_7 = arith.constant 0 : index
    %get3A_8 = vector.load %arg3[%get3A_6, %get3A_7] : memref<8x16xf32, #tpu.memory_space<vmem>>, vector<8x16xf32>
    %slice3A = vector.extract_strided_slice %dot_general3A_5 {offsets = [0, 0], sizes = [1000, 16], strides = [1, 1]} : vector<1000x64xf32> to vector<1000x16xf32>
    %slice3A_9 = vector.extract_strided_slice %dot_general3A_5 {offsets = [0, 16], sizes = [1000, 16], strides = [1, 1]} : vector<1000x64xf32> to vector<1000x16xf32>
    %slice3A_10 = vector.extract_strided_slice %dot_general3A_5 {offsets = [0, 32], sizes = [1000, 16], strides = [1, 1]} : vector<1000x64xf32> to vector<1000x16xf32>
    %slice3A_11 = vector.extract_strided_slice %get3A_8 {offsets = [3, 0], sizes = [1, 16], strides = [1, 1]} : vector<8x16xf32> to vector<1x16xf32>
    %slice3A_12 = vector.extract_strided_slice %get3A_8 {offsets = [0, 0], sizes = [1, 16], strides = [1, 1]} : vector<8x16xf32> to vector<1x16xf32>
    %add3A = vector.broadcast %slice3A_12 : vector<1x16xf32> to vector<1000x16xf32>
    %add3A_13 = arith.addf %slice3A, %add3A : vector<1000x16xf32>
    %max3A = arith.constant 0.000000e+00 : f32
    %max3A_14 = vector.broadcast %max3A : f32 to vector<1000x16xf32>
    %max3A_15 = arith.maximumf %add3A_13, %max3A_14 : vector<1000x16xf32>
    %mul3A = vector.broadcast %slice3A_11 : vector<1x16xf32> to vector<1000x16xf32>
    %mul3A_16 = arith.mulf %mul3A, %max3A_15 : vector<1000x16xf32>
    %slice3A_17 = vector.extract_strided_slice %get3A_8 {offsets = [4, 0], sizes = [1, 16], strides = [1, 1]} : vector<8x16xf32> to vector<1x16xf32>
    %add3A_18 = vector.broadcast %slice3A_17 : vector<1x16xf32> to vector<1000x16xf32>
    %add3A_19 = arith.addf %mul3A_16, %add3A_18 : vector<1000x16xf32>
    %slice3A_20 = vector.extract_strided_slice %get3A_8 {offsets = [5, 0], sizes = [1, 16], strides = [1, 1]} : vector<8x16xf32> to vector<1x16xf32>
    %slice3A_21 = vector.extract_strided_slice %get3A_8 {offsets = [1, 0], sizes = [1, 16], strides = [1, 1]} : vector<8x16xf32> to vector<1x16xf32>
    %add3A_22 = vector.broadcast %slice3A_21 : vector<1x16xf32> to vector<1000x16xf32>
    %add3A_23 = arith.addf %slice3A_9, %add3A_22 : vector<1000x16xf32>
    %max3A_24 = arith.constant 0.000000e+00 : f32
    %max3A_25 = vector.broadcast %max3A_24 : f32 to vector<1000x16xf32>
    %max3A_26 = arith.maximumf %add3A_23, %max3A_25 : vector<1000x16xf32>
    %slice3A_27 = vector.extract_strided_slice %get3A_8 {offsets = [2, 0], sizes = [1, 16], strides = [1, 1]} : vector<8x16xf32> to vector<1x16xf32>
    %add3A_28 = vector.broadcast %slice3A_27 : vector<1x16xf32> to vector<1000x16xf32>
    %add3A_29 = arith.addf %slice3A_10, %add3A_28 : vector<1000x16xf32>
    %max3A_30 = arith.constant 0.000000e+00 : f32
    %max3A_31 = vector.broadcast %max3A_30 : f32 to vector<1000x16xf32>
    %max3A_32 = arith.maximumf %add3A_29, %max3A_31 : vector<1000x16xf32>
    %mul3A_33 = arith.mulf %max3A_26, %max3A_32 : vector<1000x16xf32>
    %mul3A_34 = vector.broadcast %slice3A_20 : vector<1x16xf32> to vector<1000x16xf32>
    %mul3A_35 = arith.mulf %mul3A_34, %mul3A_33 : vector<1000x16xf32>
    %slice3A_36 = vector.extract_strided_slice %get3A_8 {offsets = [6, 0], sizes = [1, 16], strides = [1, 1]} : vector<8x16xf32> to vector<1x16xf32>
    %add3A_37 = vector.broadcast %slice3A_36 : vector<1x16xf32> to vector<1000x16xf32>
    %add3A_38 = arith.addf %mul3A_35, %add3A_37 : vector<1000x16xf32>
    %concatenate3A = tpu.concatenate %add3A_19, %add3A_38 in 1 : vector<1000x16xf32>, vector<1000x16xf32> -> vector<1000x32xf32>
    %swap3A = arith.constant 0 : index
    %swap3A_39 = arith.constant 0 : index
    %swap3A_40 = vector.load %arg4[%swap3A, %swap3A_39] : memref<1000x32xf32, #tpu.memory_space<vmem>>, vector<1000x32xf32>
    tpu.vector_store %arg4[%swap3A, %swap3A_39], %concatenate3A {strides = array<i32>} : memref<1000x32xf32, #tpu.memory_space<vmem>>, vector<1000x32xf32>,
    %slice3A_41 = vector.extract_strided_slice %dot_general3A_5 {offsets = [0, 48], sizes = [1000, 16], strides = [1, 1]} : vector<1000x64xf32> to vector<1000x16xf32>
    %swap3A_42 = arith.constant 0 : index
    %swap3A_43 = arith.constant 0 : index
    %swap3A_44 = vector.load %arg5[%swap3A_42, %swap3A_43] : memref<1000x16xf32, #tpu.memory_space<vmem>>, vector<1000x16xf32>
    tpu.vector_store %arg5[%swap3A_42, %swap3A_43], %slice3A_41 {strides = array<i32>} : memref<1000x16xf32, #tpu.memory_space<vmem>>, vector<1000x16xf32>,
    return
  }
  func.func @transform_0(%arg0: i32) -> (i32, i32) {
    %c0_i32 = arith.constant 0 : i32
    %c0_i32_0 = arith.constant 0 : i32
    return %arg0, %c0_i32 : i32, i32
  }
  func.func @transform_1(%arg0: i32) -> (i32, i32) {
    %c0_i32 = arith.constant 0 : i32
    %c0_i32_0 = arith.constant 0 : i32
    %c0_i32_1 = arith.constant 0 : i32
    return %c0_i32, %c0_i32_0 : i32, i32
  }
  func.func @transform_2(%arg0: i32) -> (i32, i32) {
    %c0_i32 = arith.constant 0 : i32
    %c0_i32_0 = arith.constant 0 : i32
    %c0_i32_1 = arith.constant 0 : i32
    return %c0_i32, %c0_i32_0 : i32, i32
  }
  func.func @transform_3(%arg0: i32) -> (i32, i32) {
    %c0_i32 = arith.constant 0 : i32
    %c0_i32_0 = arith.constant 0 : i32
    return %arg0, %c0_i32 : i32, i32
  }
  func.func @transform_4(%arg0: i32) -> (i32, i32) {
    %c0_i32 = arith.constant 0 : i32
    %c0_i32_0 = arith.constant 0 : i32
    return %arg0, %c0_i32 : i32, i32
  }
}

module attributes {stable_mosaic.version = 14 : i64} {
  func.func @_dmid_body(%arg0: i32, %arg1: memref<1000x32xf32, #tpu.memory_space<vmem>>, %arg2: memref<2x1000x16xf32, #tpu.memory_space<vmem>>, %arg3: memref<8x16xf32, #tpu.memory_space<vmem>>, %arg4: memref<48x64xf32, #tpu.memory_space<vmem>>, %arg5: memref<8x16xf32, #tpu.memory_space<vmem>>, %arg6: memref<1000x32xf32, #tpu.memory_space<vmem>>, %arg7: memref<1000x16xf32, #tpu.memory_space<vmem>>) attributes {dimension_semantics = [#tpu.dimension_semantics<arbitrary>], iteration_bounds = array<i64: 10>, scalar_prefetch = 0 : i64, scratch_operands = 0 : i64, tpu.core_type = #tpu.core_type<tc>, window_params = [{transform_indices = @transform_0, window_bounds = array<i64: 1000, 32>}, {transform_indices = @transform_1, window_bounds = array<i64: 2, 1000, 16>}, {pipeline_mode = #tpu.pipeline_mode<synchronous>, transform_indices = @transform_2, window_bounds = array<i64: 8, 16>}, {pipeline_mode = #tpu.pipeline_mode<synchronous>, transform_indices = @transform_3, window_bounds = array<i64: 48, 64>}, {pipeline_mode = #tpu.pipeline_mode<synchronous>, transform_indices = @transform_4, window_bounds = array<i64: 8, 16>}, {transform_indices = @transform_5, window_bounds = array<i64: 1000, 32>}, {transform_indices = @transform_6, window_bounds = array<i64: 1000, 16>}]} {
    %get3A = arith.constant 0 : index
    %get3A_0 = arith.constant 0 : index
    %get3A_1 = vector.load %arg1[%get3A, %get3A_0] : memref<1000x32xf32, #tpu.memory_space<vmem>>, vector<1000x32xf32>
    %get3A_2 = arith.constant 0 : index
    %get3A_3 = arith.constant 0 : index
    %get3A_4 = arith.constant 0 : index
    %get3A_5 = vector.load %arg2[%get3A_2, %get3A_3, %get3A_4] : memref<2x1000x16xf32, #tpu.memory_space<vmem>>, vector<2x1000x16xf32>
    %get3A_6 = arith.constant 0 : index
    %get3A_7 = arith.constant 0 : index
    %get3A_8 = vector.load %arg3[%get3A_6, %get3A_7] : memref<8x16xf32, #tpu.memory_space<vmem>>, vector<8x16xf32>
    %slice3A = vector.extract_strided_slice %get3A_8 {offsets = [1, 0], sizes = [1, 16], strides = [1, 1]} : vector<8x16xf32> to vector<1x16xf32>
    %slice3A_9 = vector.extract_strided_slice %get3A_5 {offsets = [0, 0, 0], sizes = [1, 1000, 16], strides = [1, 1, 1]} : vector<2x1000x16xf32> to vector<1x1000x16xf32>
    %squeeze3A = vector.shape_cast %slice3A_9 : vector<1x1000x16xf32> to vector<1000x16xf32>
    %slice3A_10 = vector.extract_strided_slice %get3A_5 {offsets = [1, 0, 0], sizes = [1, 1000, 16], strides = [1, 1, 1]} : vector<2x1000x16xf32> to vector<1x1000x16xf32>
    %squeeze3A_11 = vector.shape_cast %slice3A_10 : vector<1x1000x16xf32> to vector<1000x16xf32>
    %add3A = arith.addf %squeeze3A, %squeeze3A_11 : vector<1000x16xf32>
    %slice3A_12 = vector.extract_strided_slice %get3A_8 {offsets = [0, 0], sizes = [1, 16], strides = [1, 1]} : vector<8x16xf32> to vector<1x16xf32>
    %add3A_13 = vector.broadcast %slice3A_12 : vector<1x16xf32> to vector<1000x16xf32>
    %add3A_14 = arith.addf %add3A, %add3A_13 : vector<1000x16xf32>
    %max3A = arith.constant 0.000000e+00 : f32
    %max3A_15 = vector.broadcast %max3A : f32 to vector<1000x16xf32>
    %max3A_16 = arith.maximumf %add3A_14, %max3A_15 : vector<1000x16xf32>
    %mul3A = vector.broadcast %slice3A : vector<1x16xf32> to vector<1000x16xf32>
    %mul3A_17 = arith.mulf %mul3A, %max3A_16 : vector<1000x16xf32>
    %slice3A_18 = vector.extract_strided_slice %get3A_8 {offsets = [2, 0], sizes = [1, 16], strides = [1, 1]} : vector<8x16xf32> to vector<1x16xf32>
    %add3A_19 = vector.broadcast %slice3A_18 : vector<1x16xf32> to vector<1000x16xf32>
    %add3A_20 = arith.addf %mul3A_17, %add3A_19 : vector<1000x16xf32>
    %slice3A_21 = vector.extract_strided_slice %get3A_1 {offsets = [0, 0], sizes = [1000, 16], strides = [1, 1]} : vector<1000x32xf32> to vector<1000x16xf32>
    %slice3A_22 = vector.extract_strided_slice %get3A_1 {offsets = [0, 16], sizes = [1000, 16], strides = [1, 1]} : vector<1000x32xf32> to vector<1000x16xf32>
    %concatenate3A = tpu.concatenate %slice3A_21, %add3A_20, %slice3A_22 in 1 : vector<1000x16xf32>, vector<1000x16xf32>, vector<1000x16xf32> -> vector<1000x48xf32>
    %get3A_23 = arith.constant 0 : index
    %get3A_24 = arith.constant 0 : index
    %get3A_25 = vector.load %arg4[%get3A_23, %get3A_24] : memref<48x64xf32, #tpu.memory_space<vmem>>, vector<48x64xf32>
    %dot_general3A = arith.constant dense<0.000000e+00> : vector<1000x64xf32>
    %dot_general3A_26 = tpu.matmul %concatenate3A, %get3A_25, %dot_general3A {dimension_numbers = #tpu.dot_dimension_numbers<[1], [0], [0], [1], [0, 0, 1, 1], [], []>, transpose_lhs_hint = false} : vector<1000x48xf32>, vector<48x64xf32>, vector<1000x64xf32> -> vector<1000x64xf32>
    %get3A_27 = arith.constant 0 : index
    %get3A_28 = arith.constant 0 : index
    %get3A_29 = vector.load %arg5[%get3A_27, %get3A_28] : memref<8x16xf32, #tpu.memory_space<vmem>>, vector<8x16xf32>
    %slice3A_30 = vector.extract_strided_slice %dot_general3A_26 {offsets = [0, 0], sizes = [1000, 16], strides = [1, 1]} : vector<1000x64xf32> to vector<1000x16xf32>
    %slice3A_31 = vector.extract_strided_slice %dot_general3A_26 {offsets = [0, 16], sizes = [1000, 16], strides = [1, 1]} : vector<1000x64xf32> to vector<1000x16xf32>
    %slice3A_32 = vector.extract_strided_slice %dot_general3A_26 {offsets = [0, 32], sizes = [1000, 16], strides = [1, 1]} : vector<1000x64xf32> to vector<1000x16xf32>
    %slice3A_33 = vector.extract_strided_slice %get3A_29 {offsets = [3, 0], sizes = [1, 16], strides = [1, 1]} : vector<8x16xf32> to vector<1x16xf32>
    %slice3A_34 = vector.extract_strided_slice %get3A_29 {offsets = [0, 0], sizes = [1, 16], strides = [1, 1]} : vector<8x16xf32> to vector<1x16xf32>
    %add3A_35 = vector.broadcast %slice3A_34 : vector<1x16xf32> to vector<1000x16xf32>
    %add3A_36 = arith.addf %slice3A_30, %add3A_35 : vector<1000x16xf32>
    %max3A_37 = arith.constant 0.000000e+00 : f32
    %max3A_38 = vector.broadcast %max3A_37 : f32 to vector<1000x16xf32>
    %max3A_39 = arith.maximumf %add3A_36, %max3A_38 : vector<1000x16xf32>
    %mul3A_40 = vector.broadcast %slice3A_33 : vector<1x16xf32> to vector<1000x16xf32>
    %mul3A_41 = arith.mulf %mul3A_40, %max3A_39 : vector<1000x16xf32>
    %slice3A_42 = vector.extract_strided_slice %get3A_29 {offsets = [4, 0], sizes = [1, 16], strides = [1, 1]} : vector<8x16xf32> to vector<1x16xf32>
    %add3A_43 = vector.broadcast %slice3A_42 : vector<1x16xf32> to vector<1000x16xf32>
    %add3A_44 = arith.addf %mul3A_41, %add3A_43 : vector<1000x16xf32>
    %slice3A_45 = vector.extract_strided_slice %get3A_29 {offsets = [5, 0], sizes = [1, 16], strides = [1, 1]} : vector<8x16xf32> to vector<1x16xf32>
    %slice3A_46 = vector.extract_strided_slice %get3A_29 {offsets = [1, 0], sizes = [1, 16], strides = [1, 1]} : vector<8x16xf32> to vector<1x16xf32>
    %add3A_47 = vector.broadcast %slice3A_46 : vector<1x16xf32> to vector<1000x16xf32>
    %add3A_48 = arith.addf %slice3A_31, %add3A_47 : vector<1000x16xf32>
    %max3A_49 = arith.constant 0.000000e+00 : f32
    %max3A_50 = vector.broadcast %max3A_49 : f32 to vector<1000x16xf32>
    %max3A_51 = arith.maximumf %add3A_48, %max3A_50 : vector<1000x16xf32>
    %slice3A_52 = vector.extract_strided_slice %get3A_29 {offsets = [2, 0], sizes = [1, 16], strides = [1, 1]} : vector<8x16xf32> to vector<1x16xf32>
    %add3A_53 = vector.broadcast %slice3A_52 : vector<1x16xf32> to vector<1000x16xf32>
    %add3A_54 = arith.addf %slice3A_32, %add3A_53 : vector<1000x16xf32>
    %max3A_55 = arith.constant 0.000000e+00 : f32
    %max3A_56 = vector.broadcast %max3A_55 : f32 to vector<1000x16xf32>
    %max3A_57 = arith.maximumf %add3A_54, %max3A_56 : vector<1000x16xf32>
    %mul3A_58 = arith.mulf %max3A_51, %max3A_57 : vector<1000x16xf32>
    %mul3A_59 = vector.broadcast %slice3A_45 : vector<1x16xf32> to vector<1000x16xf32>
    %mul3A_60 = arith.mulf %mul3A_59, %mul3A_58 : vector<1000x16xf32>
    %slice3A_61 = vector.extract_strided_slice %get3A_29 {offsets = [6, 0], sizes = [1, 16], strides = [1, 1]} : vector<8x16xf32> to vector<1x16xf32>
    %add3A_62 = vector.broadcast %slice3A_61 : vector<1x16xf32> to vector<1000x16xf32>
    %add3A_63 = arith.addf %mul3A_60, %add3A_62 : vector<1000x16xf32>
    %concatenate3A_64 = tpu.concatenate %add3A_44, %add3A_63 in 1 : vector<1000x16xf32>, vector<1000x16xf32> -> vector<1000x32xf32>
    %swap3A = arith.constant 0 : index
    %swap3A_65 = arith.constant 0 : index
    %swap3A_66 = vector.load %arg6[%swap3A, %swap3A_65] : memref<1000x32xf32, #tpu.memory_space<vmem>>, vector<1000x32xf32>
    tpu.vector_store %arg6[%swap3A, %swap3A_65], %concatenate3A_64 {strides = array<i32>} : memref<1000x32xf32, #tpu.memory_space<vmem>>, vector<1000x32xf32>,
    %slice3A_67 = vector.extract_strided_slice %dot_general3A_26 {offsets = [0, 48], sizes = [1000, 16], strides = [1, 1]} : vector<1000x64xf32> to vector<1000x16xf32>
    %swap3A_68 = arith.constant 0 : index
    %swap3A_69 = arith.constant 0 : index
    %swap3A_70 = vector.load %arg7[%swap3A_68, %swap3A_69] : memref<1000x16xf32, #tpu.memory_space<vmem>>, vector<1000x16xf32>
    tpu.vector_store %arg7[%swap3A_68, %swap3A_69], %slice3A_67 {strides = array<i32>} : memref<1000x16xf32, #tpu.memory_space<vmem>>, vector<1000x16xf32>,
    return
  }
  func.func @transform_0(%arg0: i32) -> (i32, i32) {
    %c0_i32 = arith.constant 0 : i32
    %c0_i32_0 = arith.constant 0 : i32
    return %arg0, %c0_i32 : i32, i32
  }
  func.func @transform_1(%arg0: i32) -> (i32, i32, i32) {
    %c0_i32 = arith.constant 0 : i32
    %c0_i32_0 = arith.constant 0 : i32
    %c0_i32_1 = arith.constant 0 : i32
    return %c0_i32, %arg0, %c0_i32_0 : i32, i32, i32
  }
  func.func @transform_2(%arg0: i32) -> (i32, i32) {
    %c0_i32 = arith.constant 0 : i32
    %c0_i32_0 = arith.constant 0 : i32
    %c0_i32_1 = arith.constant 0 : i32
    return %c0_i32, %c0_i32_0 : i32, i32
  }
  func.func @transform_3(%arg0: i32) -> (i32, i32) {
    %c0_i32 = arith.constant 0 : i32
    %c0_i32_0 = arith.constant 0 : i32
    %c0_i32_1 = arith.constant 0 : i32
    return %c0_i32, %c0_i32_0 : i32, i32
  }
  func.func @transform_4(%arg0: i32) -> (i32, i32) {
    %c0_i32 = arith.constant 0 : i32
    %c0_i32_0 = arith.constant 0 : i32
    %c0_i32_1 = arith.constant 0 : i32
    return %c0_i32, %c0_i32_0 : i32, i32
  }
  func.func @transform_5(%arg0: i32) -> (i32, i32) {
    %c0_i32 = arith.constant 0 : i32
    %c0_i32_0 = arith.constant 0 : i32
    return %arg0, %c0_i32 : i32, i32
  }
  func.func @transform_6(%arg0: i32) -> (i32, i32) {
    %c0_i32 = arith.constant 0 : i32
    %c0_i32_0 = arith.constant 0 : i32
    return %arg0, %c0_i32 : i32, i32
  }
}

module attributes {stable_mosaic.version = 14 : i64} {
  func.func @_d4_body(%arg0: i32, %arg1: memref<1000x32xf32, #tpu.memory_space<vmem>>, %arg2: memref<2x1000x16xf32, #tpu.memory_space<vmem>>, %arg3: memref<8x16xf32, #tpu.memory_space<vmem>>, %arg4: memref<1000x16xf32, #tpu.memory_space<vmem>>, %arg5: memref<1000x16xf32, #tpu.memory_space<vmem>>, %arg6: memref<1000x16xf32, #tpu.memory_space<vmem>>) attributes {dimension_semantics = [#tpu.dimension_semantics<arbitrary>], iteration_bounds = array<i64: 10>, scalar_prefetch = 0 : i64, scratch_operands = 0 : i64, tpu.core_type = #tpu.core_type<tc>, window_params = [{transform_indices = @transform_0, window_bounds = array<i64: 1000, 32>}, {transform_indices = @transform_1, window_bounds = array<i64: 2, 1000, 16>}, {pipeline_mode = #tpu.pipeline_mode<synchronous>, transform_indices = @transform_2, window_bounds = array<i64: 8, 16>}, {transform_indices = @transform_3, window_bounds = array<i64: 1000, 16>}, {transform_indices = @transform_4, window_bounds = array<i64: 1000, 16>}, {transform_indices = @transform_5, window_bounds = array<i64: 1000, 16>}]} {
    %get3A = arith.constant 0 : index
    %get3A_0 = arith.constant 0 : index
    %get3A_1 = vector.load %arg1[%get3A, %get3A_0] : memref<1000x32xf32, #tpu.memory_space<vmem>>, vector<1000x32xf32>
    %slice3A = vector.extract_strided_slice %get3A_1 {offsets = [0, 0], sizes = [1000, 16], strides = [1, 1]} : vector<1000x32xf32> to vector<1000x16xf32>
    %swap3A = arith.constant 0 : index
    %swap3A_2 = arith.constant 0 : index
    %swap3A_3 = vector.load %arg4[%swap3A, %swap3A_2] : memref<1000x16xf32, #tpu.memory_space<vmem>>, vector<1000x16xf32>
    tpu.vector_store %arg4[%swap3A, %swap3A_2], %slice3A {strides = array<i32>} : memref<1000x16xf32, #tpu.memory_space<vmem>>, vector<1000x16xf32>,
    %get3A_4 = arith.constant 0 : index
    %get3A_5 = arith.constant 0 : index
    %get3A_6 = arith.constant 0 : index
    %get3A_7 = vector.load %arg2[%get3A_4, %get3A_5, %get3A_6] : memref<2x1000x16xf32, #tpu.memory_space<vmem>>, vector<2x1000x16xf32>
    %get3A_8 = arith.constant 0 : index
    %get3A_9 = arith.constant 0 : index
    %get3A_10 = vector.load %arg3[%get3A_8, %get3A_9] : memref<8x16xf32, #tpu.memory_space<vmem>>, vector<8x16xf32>
    %slice3A_11 = vector.extract_strided_slice %get3A_10 {offsets = [1, 0], sizes = [1, 16], strides = [1, 1]} : vector<8x16xf32> to vector<1x16xf32>
    %slice3A_12 = vector.extract_strided_slice %get3A_7 {offsets = [0, 0, 0], sizes = [1, 1000, 16], strides = [1, 1, 1]} : vector<2x1000x16xf32> to vector<1x1000x16xf32>
    %squeeze3A = vector.shape_cast %slice3A_12 : vector<1x1000x16xf32> to vector<1000x16xf32>
    %slice3A_13 = vector.extract_strided_slice %get3A_7 {offsets = [1, 0, 0], sizes = [1, 1000, 16], strides = [1, 1, 1]} : vector<2x1000x16xf32> to vector<1x1000x16xf32>
    %squeeze3A_14 = vector.shape_cast %slice3A_13 : vector<1x1000x16xf32> to vector<1000x16xf32>
    %add3A = arith.addf %squeeze3A, %squeeze3A_14 : vector<1000x16xf32>
    %slice3A_15 = vector.extract_strided_slice %get3A_10 {offsets = [0, 0], sizes = [1, 16], strides = [1, 1]} : vector<8x16xf32> to vector<1x16xf32>
    %add3A_16 = vector.broadcast %slice3A_15 : vector<1x16xf32> to vector<1000x16xf32>
    %add3A_17 = arith.addf %add3A, %add3A_16 : vector<1000x16xf32>
    %max3A = arith.constant 0.000000e+00 : f32
    %max3A_18 = vector.broadcast %max3A : f32 to vector<1000x16xf32>
    %max3A_19 = arith.maximumf %add3A_17, %max3A_18 : vector<1000x16xf32>
    %mul3A = vector.broadcast %slice3A_11 : vector<1x16xf32> to vector<1000x16xf32>
    %mul3A_20 = arith.mulf %mul3A, %max3A_19 : vector<1000x16xf32>
    %slice3A_21 = vector.extract_strided_slice %get3A_10 {offsets = [2, 0], sizes = [1, 16], strides = [1, 1]} : vector<8x16xf32> to vector<1x16xf32>
    %add3A_22 = vector.broadcast %slice3A_21 : vector<1x16xf32> to vector<1000x16xf32>
    %add3A_23 = arith.addf %mul3A_20, %add3A_22 : vector<1000x16xf32>
    %swap3A_24 = arith.constant 0 : index
    %swap3A_25 = arith.constant 0 : index
    %swap3A_26 = vector.load %arg5[%swap3A_24, %swap3A_25] : memref<1000x16xf32, #tpu.memory_space<vmem>>, vector<1000x16xf32>
    tpu.vector_store %arg5[%swap3A_24, %swap3A_25], %add3A_23 {strides = array<i32>} : memref<1000x16xf32, #tpu.memory_space<vmem>>, vector<1000x16xf32>,
    %slice3A_27 = vector.extract_strided_slice %get3A_1 {offsets = [0, 16], sizes = [1000, 16], strides = [1, 1]} : vector<1000x32xf32> to vector<1000x16xf32>
    %swap3A_28 = arith.constant 0 : index
    %swap3A_29 = arith.constant 0 : index
    %swap3A_30 = vector.load %arg6[%swap3A_28, %swap3A_29] : memref<1000x16xf32, #tpu.memory_space<vmem>>, vector<1000x16xf32>
    tpu.vector_store %arg6[%swap3A_28, %swap3A_29], %slice3A_27 {strides = array<i32>} : memref<1000x16xf32, #tpu.memory_space<vmem>>, vector<1000x16xf32>,
    return
  }
  func.func @transform_0(%arg0: i32) -> (i32, i32) {
    %c0_i32 = arith.constant 0 : i32
    %c0_i32_0 = arith.constant 0 : i32
    return %arg0, %c0_i32 : i32, i32
  }
  func.func @transform_1(%arg0: i32) -> (i32, i32, i32) {
    %c0_i32 = arith.constant 0 : i32
    %c0_i32_0 = arith.constant 0 : i32
    %c0_i32_1 = arith.constant 0 : i32
    return %c0_i32, %arg0, %c0_i32_0 : i32, i32, i32
  }
  func.func @transform_2(%arg0: i32) -> (i32, i32) {
    %c0_i32 = arith.constant 0 : i32
    %c0_i32_0 = arith.constant 0 : i32
    %c0_i32_1 = arith.constant 0 : i32
    return %c0_i32, %c0_i32_0 : i32, i32
  }
  func.func @transform_3(%arg0: i32) -> (i32, i32) {
    %c0_i32 = arith.constant 0 : i32
    %c0_i32_0 = arith.constant 0 : i32
    return %arg0, %c0_i32 : i32, i32
  }
  func.func @transform_4(%arg0: i32) -> (i32, i32) {
    %c0_i32 = arith.constant 0 : i32
    %c0_i32_0 = arith.constant 0 : i32
    return %arg0, %c0_i32 : i32, i32
  }
  func.func @transform_5(%arg0: i32) -> (i32, i32) {
    %c0_i32 = arith.constant 0 : i32
    %c0_i32_0 = arith.constant 0 : i32
    return %arg0, %c0_i32 : i32, i32
  }
}

module attributes {stable_mosaic.version = 14 : i64} {
  func.func @_d5_body(%arg0: i32, %arg1: memref<10x1x1000xi32, #tpu.memory_space<vmem>>, %arg2: memref<32x136x16xf32, #tpu.memory_space<vmem>>, %arg3: memref<32x136x16xf32, #tpu.memory_space<vmem>>, %arg4: memref<32x136x16xf32, #tpu.memory_space<vmem>>, %arg5: memref<32x136x16xf32, #tpu.memory_space<vmem>>, %arg6: memref<32x136x16xf32, #tpu.memory_space<vmem>>, %arg7: memref<32x136x16xf32, #tpu.memory_space<vmem>>, %arg8: memref<104x6xf32, #tpu.memory_space<vmem>>, %arg9: memref<128x6xf32, #tpu.memory_space<vmem>>) attributes {dimension_semantics = [#tpu.dimension_semantics<arbitrary>], iteration_bounds = array<i64: 1>, scalar_prefetch = 0 : i64, scratch_operands = 0 : i64, tpu.core_type = #tpu.core_type<tc>, window_params = [{pipeline_mode = #tpu.pipeline_mode<synchronous>, transform_indices = @transform_0, window_bounds = array<i64: 10, 1, 1000>}, {pipeline_mode = #tpu.pipeline_mode<synchronous>, transform_indices = @transform_1, window_bounds = array<i64: 32, 136, 16>}, {pipeline_mode = #tpu.pipeline_mode<synchronous>, transform_indices = @transform_2, window_bounds = array<i64: 32, 136, 16>}, {pipeline_mode = #tpu.pipeline_mode<synchronous>, transform_indices = @transform_3, window_bounds = array<i64: 32, 136, 16>}, {pipeline_mode = #tpu.pipeline_mode<synchronous>, transform_indices = @transform_4, window_bounds = array<i64: 32, 136, 16>}, {pipeline_mode = #tpu.pipeline_mode<synchronous>, transform_indices = @transform_5, window_bounds = array<i64: 32, 136, 16>}, {pipeline_mode = #tpu.pipeline_mode<synchronous>, transform_indices = @transform_6, window_bounds = array<i64: 32, 136, 16>}, {pipeline_mode = #tpu.pipeline_mode<synchronous>, transform_indices = @transform_7, window_bounds = array<i64: 104, 6>}, {pipeline_mode = #tpu.pipeline_mode<synchronous>, transform_indices = @transform_8, window_bounds = array<i64: 128, 6>}]} {
    %get3A = arith.constant 0 : index
    %get3A_0 = arith.constant 0 : index
    %get3A_1 = arith.constant 0 : index
    %get3A_2 = vector.load %arg1[%get3A, %get3A_0, %get3A_1] : memref<10x1x1000xi32, #tpu.memory_space<vmem>>, vector<10x1x1000xi32>
    %iota3A = tpu.iota {dimensions = array<i32: 1>} : vector<10x128x1000xi32>
    %eq3A = vector.broadcast %get3A_2 : vector<10x1x1000xi32> to vector<10x128x1000xi32>
    %eq3A_3 = arith.cmpi eq, %eq3A, %iota3A : vector<10x128x1000xi32>
    %convert_element_type3A = arith.extui %eq3A_3 : vector<10x128x1000xi1> to vector<10x128x1000xi32>
    %convert_element_type3A_4 = arith.sitofp %convert_element_type3A : vector<10x128x1000xi32> to vector<10x128x1000xf32>
    %reduce_sum3A = arith.constant dense<0.000000e+00> : vector<128x1000xf32>
    %reduce_sum3A_5 = vector.multi_reduction <add>, %convert_element_type3A_4, %reduce_sum3A [0] : vector<10x128x1000xf32> to vector<128x1000xf32>
    %broadcast_in_dim3A = arith.constant 1.000000e+00 : f32
    %broadcast_in_dim3A_6 = vector.broadcast %broadcast_in_dim3A : f32 to vector<1000x1xf32>
    %dot_general3A = arith.constant dense<0.000000e+00> : vector<128x1xf32>
    %dot_general3A_7 = tpu.matmul %reduce_sum3A_5, %broadcast_in_dim3A_6, %dot_general3A {dimension_numbers = #tpu.dot_dimension_numbers<[1], [0], [0], [1], [0, 0, 1, 1], [], []>, transpose_lhs_hint = false} : vector<128x1000xf32>, vector<1000x1xf32>, vector<128x1xf32> -> vector<128x1xf32>
    %get3A_8 = arith.constant 0 : index
    %get3A_9 = arith.constant 0 : index
    %get3A_10 = arith.constant 0 : index
    %get3A_11 = vector.load %arg2[%get3A_8, %get3A_9, %get3A_10] : memref<32x136x16xf32, #tpu.memory_space<vmem>>, vector<32x136x16xf32>
    %slice3A = vector.extract_strided_slice %get3A_11 {offsets = [0, 0, 0], sizes = [32, 128, 16], strides = [1, 1, 1]} : vector<32x136x16xf32> to vector<32x128x16xf32>
    %reduce_sum3A_12 = arith.constant dense<0.000000e+00> : vector<128x16xf32>
    %reduce_sum3A_13 = vector.multi_reduction <add>, %slice3A, %reduce_sum3A_12 [0] : vector<32x128x16xf32> to vector<128x16xf32>
    %get3A_14 = arith.constant 0 : index
    %get3A_15 = arith.constant 0 : index
    %get3A_16 = arith.constant 0 : index
    %get3A_17 = vector.load %arg3[%get3A_14, %get3A_15, %get3A_16] : memref<32x136x16xf32, #tpu.memory_space<vmem>>, vector<32x136x16xf32>
    %slice3A_18 = vector.extract_strided_slice %get3A_17 {offsets = [0, 0, 0], sizes = [32, 128, 16], strides = [1, 1, 1]} : vector<32x136x16xf32> to vector<32x128x16xf32>
    %reduce_sum3A_19 = arith.constant dense<0.000000e+00> : vector<128x16xf32>
    %reduce_sum3A_20 = vector.multi_reduction <add>, %slice3A_18, %reduce_sum3A_19 [0] : vector<32x128x16xf32> to vector<128x16xf32>
    %get3A_21 = arith.constant 0 : index
    %get3A_22 = arith.constant 0 : index
    %get3A_23 = arith.constant 0 : index
    %get3A_24 = vector.load %arg4[%get3A_21, %get3A_22, %get3A_23] : memref<32x136x16xf32, #tpu.memory_space<vmem>>, vector<32x136x16xf32>
    %slice3A_25 = vector.extract_strided_slice %get3A_24 {offsets = [0, 0, 0], sizes = [32, 128, 16], strides = [1, 1, 1]} : vector<32x136x16xf32> to vector<32x128x16xf32>
    %reduce_sum3A_26 = arith.constant dense<0.000000e+00> : vector<128x16xf32>
    %reduce_sum3A_27 = vector.multi_reduction <add>, %slice3A_25, %reduce_sum3A_26 [0] : vector<32x128x16xf32> to vector<128x16xf32>
    %concatenate3A = tpu.concatenate %reduce_sum3A_13, %reduce_sum3A_20, %reduce_sum3A_27 in 1 : vector<128x16xf32>, vector<128x16xf32>, vector<128x16xf32> -> vector<128x48xf32>
    %get3A_28 = arith.constant 0 : index
    %get3A_29 = arith.constant 0 : index
    %get3A_30 = arith.constant 0 : index
    %get3A_31 = vector.load %arg5[%get3A_28, %get3A_29, %get3A_30] : memref<32x136x16xf32, #tpu.memory_space<vmem>>, vector<32x136x16xf32>
    %slice3A_32 = vector.extract_strided_slice %get3A_31 {offsets = [0, 0, 0], sizes = [32, 128, 16], strides = [1, 1, 1]} : vector<32x136x16xf32> to vector<32x128x16xf32>
    %reduce_max3A = arith.constant dense<0xFF800000> : vector<128x16xf32>
    %reduce_max3A_33 = vector.multi_reduction <maximumf>, %slice3A_32, %reduce_max3A [0] : vector<32x128x16xf32> to vector<128x16xf32>
    %get3A_34 = arith.constant 0 : index
    %get3A_35 = arith.constant 0 : index
    %get3A_36 = arith.constant 0 : index
    %get3A_37 = vector.load %arg6[%get3A_34, %get3A_35, %get3A_36] : memref<32x136x16xf32, #tpu.memory_space<vmem>>, vector<32x136x16xf32>
    %slice3A_38 = vector.extract_strided_slice %get3A_37 {offsets = [0, 0, 0], sizes = [32, 128, 16], strides = [1, 1, 1]} : vector<32x136x16xf32> to vector<32x128x16xf32>
    %reduce_max3A_39 = arith.constant dense<0xFF800000> : vector<128x16xf32>
    %reduce_max3A_40 = vector.multi_reduction <maximumf>, %slice3A_38, %reduce_max3A_39 [0] : vector<32x128x16xf32> to vector<128x16xf32>
    %get3A_41 = arith.constant 0 : index
    %get3A_42 = arith.constant 0 : index
    %get3A_43 = arith.constant 0 : index
    %get3A_44 = vector.load %arg7[%get3A_41, %get3A_42, %get3A_43] : memref<32x136x16xf32, #tpu.memory_space<vmem>>, vector<32x136x16xf32>
    %slice3A_45 = vector.extract_strided_slice %get3A_44 {offsets = [0, 0, 0], sizes = [32, 128, 16], strides = [1, 1, 1]} : vector<32x136x16xf32> to vector<32x128x16xf32>
    %reduce_max3A_46 = arith.constant dense<0xFF800000> : vector<128x16xf32>
    %reduce_max3A_47 = vector.multi_reduction <maximumf>, %slice3A_45, %reduce_max3A_46 [0] : vector<32x128x16xf32> to vector<128x16xf32>
    %concatenate3A_48 = tpu.concatenate %reduce_max3A_33, %reduce_max3A_40, %reduce_max3A_47 in 1 : vector<128x16xf32>, vector<128x16xf32>, vector<128x16xf32> -> vector<128x48xf32>
    %max3A = arith.constant 1.000000e+00 : f32
    %max3A_49 = vector.broadcast %max3A : f32 to vector<128x1xf32>
    %max3A_50 = arith.maximumf %dot_general3A_7, %max3A_49 : vector<128x1xf32>
    %div3A = vector.broadcast %max3A_50 : vector<128x1xf32> to vector<128x48xf32>
    %div3A_51 = arith.divf %concatenate3A, %div3A : vector<128x48xf32>
    %concatenate3A_52 = tpu.concatenate %div3A_51, %concatenate3A_48 in 1 : vector<128x48xf32>, vector<128x48xf32> -> vector<128x96xf32>
    %get3A_53 = arith.constant 0 : index
    %get3A_54 = arith.constant 0 : index
    %get3A_55 = vector.load %arg8[%get3A_53, %get3A_54] : memref<104x6xf32, #tpu.memory_space<vmem>>, vector<104x6xf32>
    %slice3A_56 = vector.extract_strided_slice %get3A_55 {offsets = [0, 0], sizes = [96, 6], strides = [1, 1]} : vector<104x6xf32> to vector<96x6xf32>
    %dot_general3A_57 = arith.constant dense<0.000000e+00> : vector<128x6xf32>
    %dot_general3A_58 = tpu.matmul %concatenate3A_52, %slice3A_56, %dot_general3A_57 {dimension_numbers = #tpu.dot_dimension_numbers<[1], [0], [0], [1], [0, 0, 1, 1], [], []>, transpose_lhs_hint = false} : vector<128x96xf32>, vector<96x6xf32>, vector<128x6xf32> -> vector<128x6xf32>
    %slice3A_59 = vector.extract_strided_slice %get3A_55 {offsets = [96, 0], sizes = [1, 6], strides = [1, 1]} : vector<104x6xf32> to vector<1x6xf32>
    %add3A = vector.broadcast %slice3A_59 : vector<1x6xf32> to vector<128x6xf32>
    %add3A_60 = arith.addf %dot_general3A_58, %add3A : vector<128x6xf32>
    %reduce_max3A_61 = arith.constant dense<0xFF800000> : vector<128xf32>
    %reduce_max3A_62 = vector.multi_reduction <maximumf>, %add3A_60, %reduce_max3A_61 [1] : vector<128x6xf32> to vector<128xf32>
    %broadcast_in_dim3A_63 = vector.shape_cast %reduce_max3A_62 : vector<128xf32> to vector<128x1xf32>
    %sub3A = vector.broadcast %broadcast_in_dim3A_63 : vector<128x1xf32> to vector<128x6xf32>
    %sub3A_64 = arith.subf %add3A_60, %sub3A : vector<128x6xf32>
    %exp3A = math.exp %sub3A_64 : vector<128x6xf32>
    %reduce_sum3A_65 = arith.constant dense<0.000000e+00> : vector<128xf32>
    %reduce_sum3A_66 = vector.multi_reduction <add>, %exp3A, %reduce_sum3A_65 [1] : vector<128x6xf32> to vector<128xf32>
    %broadcast_in_dim3A_67 = vector.shape_cast %reduce_sum3A_66 : vector<128xf32> to vector<128x1xf32>
    %log3A = math.log %broadcast_in_dim3A_67 : vector<128x1xf32>
    %sub3A_68 = vector.broadcast %log3A : vector<128x1xf32> to vector<128x6xf32>
    %sub3A_69 = arith.subf %sub3A_64, %sub3A_68 : vector<128x6xf32>
    %swap3A = arith.constant 0 : index
    %swap3A_70 = arith.constant 0 : index
    %swap3A_71 = vector.load %arg9[%swap3A, %swap3A_70] : memref<128x6xf32, #tpu.memory_space<vmem>>, vector<128x6xf32>
    tpu.vector_store %arg9[%swap3A, %swap3A_70], %sub3A_69 {strides = array<i32>} : memref<128x6xf32, #tpu.memory_space<vmem>>, vector<128x6xf32>,
    return
  }
  func.func @transform_0(%arg0: i32) -> (i32, i32, i32) {
    %c0_i32 = arith.constant 0 : i32
    %c0_i32_0 = arith.constant 0 : i32
    %c0_i32_1 = arith.constant 0 : i32
    %c0_i32_2 = arith.constant 0 : i32
    return %c0_i32, %c0_i32_0, %c0_i32_1 : i32, i32, i32
  }
  func.func @transform_1(%arg0: i32) -> (i32, i32, i32) {
    %c0_i32 = arith.constant 0 : i32
    %c0_i32_0 = arith.constant 0 : i32
    %c0_i32_1 = arith.constant 0 : i32
    %c0_i32_2 = arith.constant 0 : i32
    return %c0_i32, %c0_i32_0, %c0_i32_1 : i32, i32, i32
  }
  func.func @transform_2(%arg0: i32) -> (i32, i32, i32) {
    %c0_i32 = arith.constant 0 : i32
    %c0_i32_0 = arith.constant 0 : i32
    %c0_i32_1 = arith.constant 0 : i32
    %c0_i32_2 = arith.constant 0 : i32
    return %c0_i32, %c0_i32_0, %c0_i32_1 : i32, i32, i32
  }
  func.func @transform_3(%arg0: i32) -> (i32, i32, i32) {
    %c0_i32 = arith.constant 0 : i32
    %c0_i32_0 = arith.constant 0 : i32
    %c0_i32_1 = arith.constant 0 : i32
    %c0_i32_2 = arith.constant 0 : i32
    return %c0_i32, %c0_i32_0, %c0_i32_1 : i32, i32, i32
  }
  func.func @transform_4(%arg0: i32) -> (i32, i32, i32) {
    %c0_i32 = arith.constant 0 : i32
    %c0_i32_0 = arith.constant 0 : i32
    %c0_i32_1 = arith.constant 0 : i32
    %c0_i32_2 = arith.constant 0 : i32
    return %c0_i32, %c0_i32_0, %c0_i32_1 : i32, i32, i32
  }
  func.func @transform_5(%arg0: i32) -> (i32, i32, i32) {
    %c0_i32 = arith.constant 0 : i32
    %c0_i32_0 = arith.constant 0 : i32
    %c0_i32_1 = arith.constant 0 : i32
    %c0_i32_2 = arith.constant 0 : i32
    return %c0_i32, %c0_i32_0, %c0_i32_1 : i32, i32, i32
  }
  func.func @transform_6(%arg0: i32) -> (i32, i32, i32) {
    %c0_i32 = arith.constant 0 : i32
    %c0_i32_0 = arith.constant 0 : i32
    %c0_i32_1 = arith.constant 0 : i32
    %c0_i32_2 = arith.constant 0 : i32
    return %c0_i32, %c0_i32_0, %c0_i32_1 : i32, i32, i32
  }
  func.func @transform_7(%arg0: i32) -> (i32, i32) {
    %c0_i32 = arith.constant 0 : i32
    %c0_i32_0 = arith.constant 0 : i32
    %c0_i32_1 = arith.constant 0 : i32
    return %c0_i32, %c0_i32_0 : i32, i32
  }
  func.func @transform_8(%arg0: i32) -> (i32, i32) {
    %c0_i32 = arith.constant 0 : i32
    %c0_i32_0 = arith.constant 0 : i32
    %c0_i32_1 = arith.constant 0 : i32
    return %c0_i32, %c0_i32_0 : i32, i32
  }
}

</mosaic_0001>

<sc_bundles>
// kernel: kernel.13.cloned.1.call-start
scs
__scs_entry_jumppad:
0x0: {  	(pc) =	sbr.rel $0x88, $3  }
0x1: {  	(tag) =	ssettag $0x0;
	lr =	simm.s32 $0x1  }
0x2: {  	[smem:$0x3F74] =	sst lr;
	_ =	strace $0xD0000000  }
0x3: {  	_ = 	snop  }
0x4: {  	_ = 	snop  }
0x5: {  	_ = 	snop  }
0x6: {  	_ = 	snop  }
0x7: {  	_ = 	snop  }
__scs_overlays_trampoline_lowered:
0x8: {  	[smem:$0x3F83] =	sst s0  }
0x9: {  	[smem:$0x3F84] =	sst s1  }
0xa: {  	[smem:$0x3F85] =	sst s2  }
0xb: {  	[smem:$0x3F86] =	sst s3  }
0xc: {  	[smem:$0x3F87] =	sst s4  }
0xd: {  	[smem:$0x3F88] =	sst s5  }
0xe: {  	[smem:$0x3F89] =	sst s6  }
0xf: {  	[smem:$0x3F8A] =	sst s7  }
0x10: {  	[smem:$0x3F8B] =	sst s8  }
0x11: {  	[smem:$0x3F8C] =	sst s9;
	s0 =	simm.s32 @!p0 $0x0  }
0x12: {  	s1 =	sld [smem:$0x3F72];
	s0 =	simm.s32 @p0 $0x1  }
0x13: {  	[smem:$0x3F8D] =	sst s0;
	s0 =	simm.s32 @!p1 $0x0  }
0x14: {  	s2 =	sld [smem:$0x3F71];
	s0 =	simm.s32 @p1 $0x1  }
0x15: {  	[smem:$0x3F8E] =	sst s0;
	s0 =	simm.s32 @!p2 $0x0  }
0x16: {  	s3 =	sld [smem:$0x3FDB];
	s0 =	simm.s32 @p2 $0x1  }
0x17: {  	s4 =	simm.s32 $0x1BF5;
	[smem:$0x3F90] =	sst s0  }
0x18: {  	s0 =	sld [smem:$0x3F73];
	_ =	swait.ge [sflag:s4], $0x0  }
0x19: {  	s7 =	sld [smem:$0x3F74]  }
0x1a: {  	s8 =	sadd.s32 $0xFFFFE003, lr  }
0x1b: {  	s9 =	sadd.s32 $0xFFFFFEF7, lr;
	s5 =	simm.s32 $0xFFFFFFFF;
	p2 =	slt.u32 s8, $0xFFFFF086  }
0x1c: {  	p1 =	slt.u32 s9, $0xF7A;
	s5 =	simm.s32 @!p2 $0x0  }
0x1d: {  	s5 =	simm.s32 @p1 $0x1;
	p0 =	seq.s32 s7, s2  }
0x1e: {  	s7 =	smul.u32 @!p0 $0xF7A, s2;
	p2 =	seq.s32 @!p0 s5, $0x0  }
0x1f: {  	s9 =	smul.u32 $0xF7A, s1;
	s8 =	simm.s32 @!p0 $0x1BF5;
	p2 =	por !p2, p0  }
0x20: {  	[sflag:s8] =	ssyncset.s32 @!p0 $0xFFFFF086;
	s6 =	sadd.s32 @!p0 s3, s7;
	s7 =	simm.s32 @!p0 $0x108  }
0x21: {  	s3 =	sadd.s32 s3, s9;
	s6 =	sadd.s32 @!p0 $0x88, s6;
	s7 =	simm.s32 @p2 $0x1082  }
0x22: {  	[simem:s7], [sflag:s8] =	dma.local @!p0 [hbm:s6], $0xF7A  }
0x23: {  	s9 =	sor.u32 $0xD0000000, s2;
	s6 =	simm.s32 $0x108;
	_ =	swait.ge @!p0 [sflag:s8], $0x0  }
0x24: {  	s3 =	sadd.s32 $0x88, s3;
	s6 =	simm.s32 @!p1 $0x1082;
	[sflag:s4] =	ssyncset.s32 $0xFFFFF086  }
0x25: {  	[simem:s6], [sflag:s4] =	dma.local [hbm:s3], $0xF7A  }
0x26: {  	[smem:$0x3F74] =	sst s1;
	(tag) =	ssettag s2;
	_ =	strace s9  }
0x27: {  	s1 =	sld [smem:$0x3F84]  }
0x28: {  	s2 =	sld [smem:$0x3F85]  }
0x29: {  	s4 =	sld [smem:$0x3F87]  }
0x2a: {  	p0 =	seq.s32 s5, $0x0;
	s5 =	sld [smem:$0x3F88]  }
0x2b: {  	s6 =	sld [smem:$0x3F89]  }
0x2c: {  	s7 =	sld [smem:$0x3F8A]  }
0x2d: {  	s3 =	simm.s32 $0x108;
	s8 =	sld [smem:$0x3F8B]  }
0x2e: {  	s3 =	simm.s32 @!p0 $0x1082;
	s9 =	sld [smem:$0x3F8C]  }
0x2f: {  	lr =	sadd.s32 s0, s3;
	s0 =	sld [smem:$0x3F83]  }
0x30: {  	s3 =	sld [smem:$0x3F86]  }
0x31: {  	[smem:$0x3F8F] =	sst s10  }
0x32: {  	s10 =	sld [smem:$0x3F8D];
	_ =	sdelay $0x3  }
0x33: {  	p0 =	seq.s32 s10, $0x1;
	s10 =	sld [smem:$0x3F8F];
	_ =	sdelay $0x3  }
0x34: {  	[smem:$0x3F8F] =	sst s10  }
0x35: {  	s10 =	sld [smem:$0x3F8E];
	_ =	sdelay $0x3  }
0x36: {  	p1 =	seq.s32 s10, $0x1;
	s10 =	sld [smem:$0x3F8F];
	_ =	sdelay $0x3  }
0x37: {  	[smem:$0x3F8F] =	sst s10  }
0x38: {  	s10 =	sld [smem:$0x3F90]  }
0x39: {  	_ = 	snop;
	(pc) =	sbr.ind lr, $3  }
0x3a: {  	_ = 	snop  }
0x3b: {  	_ = 	snop  }
0x3c: {  	p2 =	seq.s32 s10, $0x1;
	s10 =	sld [smem:$0x3F8F]  }
0x3d: {  	_ =	shalt  }
0x3e: {  	_ =	shalt  }
0x3f: {  	_ =	shalt  }
0x40: {  	_ =	shalt  }
0x41: {  	_ =	shalt  }
0x42: {  	_ =	shalt  }
0x43: {  	_ =	shalt  }
0x44: {  	_ =	shalt  }
0x45: {  	_ =	shalt  }
0x46: {  	_ =	shalt  }
0x47: {  	_ =	shalt  }
0x48: {  	_ =	shalt  }
0x49: {  	_ =	shalt  }
0x4a: {  	_ =	shalt  }
0x4b: {  	_ =	shalt  }
0x4c: {  	_ =	shalt  }
0x4d: {  	_ =	shalt  }
0x4e: {  	_ =	shalt  }
0x4f: {  	_ =	shalt  }
0x50: {  	_ =	shalt  }
0x51: {  	_ =	shalt  }
0x52: {  	_ =	shalt  }
0x53: {  	_ =	shalt  }
0x54: {  	_ =	shalt  }
0x55: {  	_ =	shalt  }
0x56: {  	_ =	shalt  }
0x57: {  	_ =	shalt  }
0x58: {  	_ =	shalt  }
0x59: {  	_ =	shalt  }
0x5a: {  	_ =	shalt  }
0x5b: {  	_ =	shalt  }
0x5c: {  	_ =	shalt  }
0x5d: {  	_ =	shalt  }
0x5e: {  	_ =	shalt  }
0x5f: {  	_ =	shalt  }
0x60: {  	_ =	shalt  }
0x61: {  	_ =	shalt  }
0x62: {  	_ =	shalt  }
0x63: {  	_ =	shalt  }
0x64: {  	_ =	shalt  }
0x65: {  	_ =	shalt  }
0x66: {  	_ =	shalt  }
0x67: {  	_ =	shalt  }
0x68: {  	_ =	shalt  }
0x69: {  	_ =	shalt  }
0x6a: {  	_ =	shalt  }
0x6b: {  	_ =	shalt  }
0x6c: {  	_ =	shalt  }
0x6d: {  	_ =	shalt  }
0x6e: {  	_ =	shalt  }
0x6f: {  	_ =	shalt  }
0x70: {  	_ =	shalt  }
0x71: {  	_ =	shalt  }
0x72: {  	_ =	shalt  }
0x73: {  	_ =	shalt  }
0x74: {  	_ =	shalt  }
0x75: {  	_ =	shalt  }
0x76: {  	_ =	shalt  }
0x77: {  	_ =	shalt  }
0x78: {  	_ =	shalt  }
0x79: {  	_ =	shalt  }
0x7a: {  	_ =	shalt  }
0x7b: {  	_ =	shalt  }
0x7c: {  	_ =	shalt  }
0x7d: {  	_ =	shalt  }
0x7e: {  	_ =	shalt  }
0x7f: {  	_ =	shalt  }
0x80: {  	_ =	shalt  }
0x81: {  	_ =	shalt  }
0x82: {  	_ =	shalt  }
0x83: {  	_ =	shalt  }
0x84: {  	_ =	shalt  }
0x85: {  	_ =	shalt  }
0x86: {  	_ =	shalt  }
0x87: {  	_ =	shalt  }
.Lfunc_end0:
.L_simem_size_0:
called_computation_lowered:
.L_overlay_start_0:
0x88: {  	s2 =	sld [smem:$0x3FD9]  }
0x89: {  	s3 =	sld [smem:$0x3FFE];
	_ =	sdelay $0x1  }
0x8a: {  	s1 =	srdreg.scid  }
0x8b: {  	s0 =	sand.u32 $0x1, s1  }
0x8c: {  	s16 =	sshll.u32 s0, $0xA;
	s2 =	sadd.s32 s3, s2  }
0x8d: {  	s2 =	sadd.s32 s2, s16  }
0x8e: {  	[smem:$0x3F9B] =	sst s2  }
0x8f: {  	_ = 	snop  }
0x90: {  	(tm) =	ssettm $0x1  }
0x91: {  	s17 =	sld [smem:$0x3FFB];
	_ =	sdelay $0x3  }
0x92: {  	_ =	strace s17  }
0x93: {  	s2 =	sld [smem:$0x3FFC];
	_ =	sdelay $0x3  }
0x94: {  	_ =	strace s2  }
0x95: {  	s2 =	sld [smem:$0x3FFD];
	_ =	sdelay $0x3  }
0x96: {  	_ =	strace s2  }
0x97: {  	_ =	strace $0x8FFFFFFF  }
0x98: {  	s18 =	sld [smem:$0x3FDB];
	_ =	sdelay $0x1  }
0x99: {  	s19 =	simm.s32 $_scs_section_size  }
0x9a: {  	s4 =	simm.s32 $_size__tile_overlayer_lowered;
	s5 =	simm.s32 $_tile_overlayer_lowered  }
0x9b: {  	s22 =	simm.s32 $0x1BFF;
	s21 =	sshll.u32 s5, $0x1;
	s2 =	sadd.s32 s19, s18  }
0x9c: {  	s6 =	simm.s32 $0x0;
	s20 =	sshll.u32 s4, $0x1;
	s4 =	sadd.s32 s21, s2  }
0x9d: {  	[timem:s6], [sflag:s22] =	dma.local [hbm:s4], s20  }
0x9e: {  	_ =	swait.ge [sflag:s22], s20  }
0x9f: {  	s3 =	ssub.s32 $0x0, s20;
	[sflag:s22] =	ssyncset.done $0x0  }
0xa0: {  	[sflag:s22] =	ssyncadd.s32 s3;
	_ =	sdelay $0x1  }
0xa1: {  	s23 =	simm.s32 $0x1B8B  }
0xa2: {  	_ =	swait.ge [sflag:s23], $0x1  }
0xa3: {  	[sflag:s23] =	ssyncset.done $0x0  }
0xa4: {  	s25 =	simm.s32 $0x1B8E;
	s24 =	sld [smem:$0x3FFE];
	[sflag:s23] =	ssyncadd.s32 $0xFFFFFFFF  }
0xa5: {  	s26 =	simm.s32 $execute0_lowered;
	[smem:$0x3FD2] =	sst s25  }
0xa6: {  	s4 =	sshll.u32 s26, $0x1;
	_ =	strace $0x80000046;
	[dreg:$0x1] =	wrdreg $0xFFFFFFFF  }
0xa7: {  	s28 =	simm.s32 $_size_execute0_lowered;
	s2 =	sadd.s32 s2, s4;
	[dreg:$0x0] =	wrdreg $0x0  }
0xa8: {  	s4 =	sshll.u32 s28, $0x1;
	[dreg:$0x2] =	wrdreg s2  }
0xa9: {  	[dreg:$0x3] =	wrdreg s4  }
0xaa: {  	[dreg:$0x4] =	wrdreg $0xC0  }
0xab: {  	_ =	task [dreg:s6], $0x5FFFF  }
0xac: {  	[dreg:$0x1] =	wrdreg $0xFFFFFFFF  }
0xad: {  	[dreg:$0x0] =	wrdreg $0x60  }
0xae: {  	[dreg:$0x2] =	wrdreg s24  }
0xaf: {  	[dreg:$0x3] =	wrdreg $0x16F00  }
0xb0: {  	[dreg:$0x4] =	wrdreg $0x9  }
0xb1: {  	_ =	task.clear_ibuf [dreg:s6], $0x5FFFF;
	_ =	strace $0x90000046  }
0xb2: {  	s29 =	simm.s32 $0x9;
	_ =	strace $0x80000048  }
0xb3: {  	_ =	swait.ge [sflag:s29], $0x1  }
0xb4: {  	[sflag:s29] =	ssyncadd.s32 $0xFFFFFFFF  }
0xb5: {  	_ =	strace $0x90000048  }
0xb6: {  	_ =	sfence  }
0xb7: {  	s30 =	sld [smem:$0x0];
	_ =	sdelay $0x2  }
0xb8: {  	s31 =	sshll.u32 s1, $0xD;
	s1 =	sshrl.u32 s1, $0x2  }
0xb9: {  	s3 =	sand.u32 $0x4000, s31;
	s1 =	sadd.s32 s1, s30  }
0xba: {  	s0 =	sor.u32 s3, s0;
	s1 =	sshll.u32 s1, $0x11  }
0xbb: {  	s0 =	sor.u32 s1, s0  }
0xbc: {  	s0 =	sadd.s32 $0x8F2B, s0  }
0xbd: {  	[sflag:s0] =	ssyncadd.remote.s32 $0x1  }
0xbe: {  	_ =	sfence.sel $0xFFFF  }
0xbf: {  	[dreg:$0x0] =	wrdreg $0xFFFFFFFF;
	(pc) =	sbr.abs _section_cstart, $3  }
0xc0: {  	[dreg:$0x1] =	wrdreg $0xFFFFFFFF  }
0xc1: {  	_ =	task.clear_ibuf [dreg:s6], $0x2FFFF;
	_ =	strace $0x9FFFFFFF  }
0xc2: {  	(tm) =	ssettm $0x7FFFFFFF  }
0xc3: {  	_ =	shalt  }
tec
execute0_lowered:
.L_overlay_start_1:
0x0: {  	(tag) =	ssettag $0x1  }
0x1: {  	s0 =	rddreg [dreg:$0x0]  }
0x2: {  	s2 =	rddreg [dreg:$0x1];
	s1 =	srdreg.scid  }
0x3: {  	s10 =	stileid.u32;
	s3 =	simm.s32 $0x0;
	s28 =	simm.s32 $0x80  }
0x4: {  	s29 =	simm.s32 $0x200;
	s30 =	simm.s32 $0x180;
	s5 =	smul.u32 $0x2780, s10  }
0x5: {  	s31 =	simm.s32 $0x4;
	s1 =	sand.u32 $0x1, s1;
	s9 =	smul.u32 $0x9E00, s10  }
0x6: {  	[smem:$0x7FF] =	sst s3;
	s4 =	sadd.s32 $0x7400, s0;
	s15 =	smul.u32 $0x2800, s10  }
0x7: {  	s7 =	sadd.s32 $0x16400, s0;
	s21 =	sadd.s32 $0xC400, s0;
	s6 =	smul.u32 $0x27800, s1  }
0x8: {  	_ =	strace $0x80000047;
	s8 =	ssub.s32 $0x2, s1;
	s19 =	sshll.u32 s1, $0x4  }
0x9: {  	s1 =	smul.u32 $0x28000, s1;
	s18 =	sshrl.u32 s8, $0x1;
	s9 =	sshrl.u32 s9, $0x2  }
0xa: {  	s6 =	sadd.s32 s5, s6;
	s5 =	sadd.s32 s5, s2;
	s9 =	sadd.s32 s9, s2  }
0xb: {  	s1 =	sadd.s32 s15, s1;
	s6 =	sshrl.u32 s6, $0x3;
	s11 =	sadd.s32 $0x4F0, s9  }
0xc: {  	s20 =	sadd.s32 $0x9E0, s9;
	s22 =	sadd.s32 $0xED0, s9;
	[dreg:$0x3] =	wrdreg s11  }
0xd: {  	s23 =	sadd.s32 $0x13C0, s9;
	s24 =	sadd.s32 $0x18B0, s9;
	[dreg:$0x4] =	wrdreg s20  }
0xe: {  	s12 =	sadd.s32 $0x2290, s9;
	s25 =	sor.u32 $0x180, s1;
	[dreg:$0x5] =	wrdreg s22  }
0xf: {  	s1 =	sor.u32 $0x100, s1;
	s0 =	sadd.s32 s6, s0;
	[dreg:$0x6] =	wrdreg s23  }
0x10: {  	s6 =	ssub.s32 s8, s18;
	s8 =	sor.u32 s10, s19;
	[dreg:$0x7] =	wrdreg s24  }
0x11: {  	s11 =	sadd.s32 $0x1DA0, s9;
	s26 =	sshrl.u32 s25, $0x3;
	s1 =	sshrl.u32 s1, $0x3  }
0x12: {  	s23 =	simm.s32 $0x1200;
	s24 =	simm.s32 $0x5;
	s25 =	simm.s32 $0x100  }
0x13: {  	s8 =	smul.u32 $0x2800, s8;
	s17 =	sadd.s32 $0x20400, s0;
	s18 =	smax.u32 s6, $0x1  }
0x14: {  	s19 =	sadd.s32 s26, s21;
	s20 =	sadd.s32 s26, s7;
	s22 =	sadd.s32 s1, s7  }
0x15: {  	s26 =	simm.s32 $0x3;
	s0 =	simm.s32 $0xA00;
	s8 =	sshrl.u32 s8, $0x3  }
0x16: {  	s13 =	sadd.s32 s7, s8;
	s14 =	sadd.s32 s21, s8;
	s8 =	sor.u32 $0x10, s8  }
0x17: {  	s6 =	simm.s32 $0x2;
	s15 =	sadd.s32 s7, s8;
	s16 =	sadd.s32 s21, s8  }
0x18: {  	v0 =	vimm.f32 $0.0e+00;
	s21 =	sadd.s32 s1, s21;
	s1 =	simm.s32 $0x1;
	s7 =	simm.s32 $0x0  }
.LBB2_1:
0x19: {  	s8 =	simm.s32 $0x40;
	s9 =	simm.s32 $0x0  }
.LBB2_2:
0x1a: {  	p0 =	sne.s32 s8, $0x1380;
	[tilespmem:s9+$0x1200] =	vst v0;
	s9 =	smov.u32 s8;
	s8 =	sadd.s32 $0x40, s8  }
.Ltmp0:
0x1b: {  	(pc) =	sbr.rel @p0 .LBB2_2-.Ltmp0, $2  }
0x1c: {  	_ =	sdelay $0x2  }
0x1d: {  	s9 =	sshra.s32 s9, $0x2  }
0x1e: {  	[tilespmem:s9+$0x1200] =	vst v0  }
0x1f: {  	[spmem:s5] =	stream.linear.scatter [tilespmem:s23], [sflag:$0x5], $0x4F0, $0x38;
	[tilespmem:$0x3E70] =	vst v63  }
0x20: {  	_ =	swait.ge [sflag:s24], $0x4F0  }
0x21: {  	[sflag:s24] =	ssyncset.done $0x0  }
0x22: {  	s8 =	rddreg [dreg:$0x3];
	[sflag:s24] =	ssyncadd.s32 $0xFFFFFB10  }
0x23: {  	[spmem:s8] =	stream.linear.scatter [tilespmem:s23], [sflag:$0x5], $0x4F0, $0x38;
	[tilespmem:$0x3E70] =	vst v63  }
0x24: {  	_ =	swait.ge [sflag:s24], $0x4F0  }
0x25: {  	[sflag:s24] =	ssyncset.done $0x0  }
0x26: {  	s9 =	rddreg [dreg:$0x4];
	[sflag:s24] =	ssyncadd.s32 $0xFFFFFB10  }
0x27: {  	[spmem:s9] =	stream.linear.scatter [tilespmem:s23], [sflag:$0x5], $0x4F0, $0x38;
	[tilespmem:$0x3E70] =	vst v63  }
0x28: {  	_ =	swait.ge [sflag:s24], $0x4F0  }
0x29: {  	[sflag:s24] =	ssyncset.done $0x0  }
0x2a: {  	s10 =	rddreg [dreg:$0x5];
	[sflag:s24] =	ssyncadd.s32 $0xFFFFFB10  }
0x2b: {  	[spmem:s10] =	stream.linear.scatter [tilespmem:s23], [sflag:$0x5], $0x4F0, $0x38;
	[tilespmem:$0x3E70] =	vst v63  }
0x2c: {  	_ =	swait.ge [sflag:s24], $0x4F0  }
0x2d: {  	[sflag:s24] =	ssyncset.done $0x0  }
0x2e: {  	s9 =	rddreg [dreg:$0x6];
	[sflag:s24] =	ssyncadd.s32 $0xFFFFFB10  }
0x2f: {  	[spmem:s9] =	stream.linear.scatter [tilespmem:s23], [sflag:$0x5], $0x4F0, $0x38;
	[tilespmem:$0x3E70] =	vst v63  }
0x30: {  	_ =	swait.ge [sflag:s24], $0x4F0  }
0x31: {  	[sflag:s24] =	ssyncset.done $0x0  }
0x32: {  	s10 =	rddreg [dreg:$0x7];
	[sflag:s24] =	ssyncadd.s32 $0xFFFFFB10  }
0x33: {  	[spmem:s10] =	stream.linear.scatter [tilespmem:s23], [sflag:$0x5], $0x4F0, $0x38;
	[tilespmem:$0x3E70] =	vst v63  }
0x34: {  	_ =	swait.ge [sflag:s24], $0x4F0  }
0x35: {  	[sflag:s24] =	ssyncset.done $0x0  }
0x36: {  	[sflag:s24] =	ssyncadd.s32 $0xFFFFFB10  }
0x37: {  	[spmem:s11] =	stream.linear.scatter [tilespmem:s23], [sflag:$0x5], $0x4F0, $0x38;
	[tilespmem:$0x3E70] =	vst v63  }
0x38: {  	_ =	swait.ge [sflag:s24], $0x4F0  }
0x39: {  	[sflag:s24] =	ssyncset.done $0x0  }
0x3a: {  	[sflag:s24] =	ssyncadd.s32 $0xFFFFFB10  }
0x3b: {  	[spmem:s12] =	stream.linear.scatter [tilespmem:s23], [sflag:$0x5], $0x4F0, $0x38;
	[tilespmem:$0x3E70] =	vst v63  }
0x3c: {  	_ =	swait.ge [sflag:s24], $0x4F0  }
0x3d: {  	[sflag:s24] =	ssyncset.done $0x0  }
0x3e: {  	[sflag:s24] =	ssyncadd.s32 $0xFFFFFB10  }
0x3f: {  	s9 =	simm.s32 $0x0;
	[bflag:$0x0] =	sbarrier.arrive $0xFFFF  }
0x40: {  	[tilespmem:s9], [sflag:$0x3] =	stream.linear.gather [hbm4b:s13+s9], $0x80, $0x38;
	[tilespmem:$0x3E70] =	vst v63  }
0x41: {  	_ = 	snop  }
0x42: {  	[tilespmem:s25], [sflag:$0x3] =	stream.linear.gather [hbm4b:s14+s9], $0x80, $0x38;
	[tilespmem:$0x3E70] =	vst v63  }
0x43: {  	_ =	swait.ge [sflag:s26], $0x80  }
0x44: {  	[sflag:s26] =	ssyncset.done $0x0  }
0x45: {  	[sflag:s26] =	ssyncadd.s32 $0xFFFFFF80  }
0x46: {  	_ =	swait.ge [sflag:s26], $0x80  }
0x47: {  	[sflag:s26] =	ssyncset.done $0x0  }
0x48: {  	[sflag:s26] =	ssyncadd.s32 $0xFFFFFF80  }
0x49: {  	[tilespmem:s29], [sflag:$0x1] =	stream.indirect.gather [hbm4b:s4+s28], $0x10, s9, s28, $0xb8;
	[tilespmem:$0x3E70] =	vst v63  }
0x4a: {  	_ = 	snop  }
0x4b: {  	[tilespmem:s28], [sflag:$0x4] =	stream.linear.gather [hbm4b:s15+s9], $0x80, $0x38;
	[tilespmem:$0x3E70] =	vst v63  }
0x4c: {  	_ = 	snop  }
0x4d: {  	[tilespmem:s30], [sflag:$0x4] =	stream.linear.gather [hbm4b:s16+s9], $0x80, $0x38;
	[tilespmem:$0x3E70] =	vst v63  }
0x4e: {  	_ =	swait.ge [sflag:s31], $0x80  }
0x4f: {  	[sflag:s31] =	ssyncset.done $0x0  }
0x50: {  	[sflag:s31] =	ssyncadd.s32 $0xFFFFFF80  }
0x51: {  	_ =	swait.ge [sflag:s31], $0x80  }
0x52: {  	[sflag:s31] =	ssyncset.done $0x0  }
0x53: {  	[sflag:s31] =	ssyncadd.s32 $0xFFFFFF80  }
0x54: {  	[tilespmem:s0], [sflag:$0x2] =	stream.indirect.gather [hbm4b:s4+s28], $0x10, s28, s28, $0xb8;
	[tilespmem:$0x3E70] =	vst v63  }
0x55: {  	_ =	swait.ge [sflag:s1], $0x800  }
0x56: {  	[sflag:s1] =	ssyncset.done $0x0  }
0x57: {  	[sflag:s1] =	ssyncadd.s32 $0xFFFFF800  }
0x58: {  	[spmem:s2] =	stream.indirect.scatter.add.f32 [tilespmem:s29], [sflag:$0x5], $0x10, s25, s28, $0xb8;
	[tilespmem:$0x3E70] =	vst v63  }
0x59: {  	_ =	swait.ge [sflag:s24], $0x800  }
0x5a: {  	[sflag:s24] =	ssyncset.done $0x0  }
0x5b: {  	s10 =	sadd.s32 $0x0, s22;
	[sflag:s24] =	ssyncadd.s32 $0xFFFFF800  }
0x5c: {  	[tilespmem:s3], [sflag:$0x3] =	stream.linear.gather [hbm4b:s10+s3], $0x80, $0x38;
	[tilespmem:$0x3E70] =	vst v63  }
0x5d: {  	s9 =	sadd.s32 $0x0, s21  }
0x5e: {  	[tilespmem:s25], [sflag:$0x3] =	stream.linear.gather [hbm4b:s9+s3], $0x80, $0x38;
	[tilespmem:$0x3E70] =	vst v63  }
0x5f: {  	_ =	swait.ge [sflag:s26], $0x80  }
0x60: {  	[sflag:s26] =	ssyncset.done $0x0  }
0x61: {  	[sflag:s26] =	ssyncadd.s32 $0xFFFFFF80  }
0x62: {  	_ =	swait.ge [sflag:s26], $0x80  }
0x63: {  	[sflag:s26] =	ssyncset.done $0x0  }
0x64: {  	[sflag:s26] =	ssyncadd.s32 $0xFFFFFF80  }
0x65: {  	[tilespmem:s29], [sflag:$0x1] =	stream.indirect.gather [hbm4b:s4+s28], $0x10, s3, s28, $0xb8;
	[tilespmem:$0x3E70] =	vst v63  }
0x66: {  	_ =	swait.ge [sflag:s6], $0x800  }
0x67: {  	[sflag:s6] =	ssyncset.done $0x0  }
0x68: {  	[sflag:s6] =	ssyncadd.s32 $0xFFFFF800  }
0x69: {  	[spmem:s2] =	stream.indirect.scatter.add.f32 [tilespmem:s0], [sflag:$0x5], $0x10, s30, s28, $0xb8;
	[tilespmem:$0x3E70] =	vst v63  }
0x6a: {  	_ =	swait.ge [sflag:s24], $0x800  }
0x6b: {  	s8 =	simm.s32 $0x20;
	[sflag:s24] =	ssyncset.done $0x0  }
0x6c: {  	s10 =	sadd.s32 $0x0, s20;
	s9 =	sadd.s32 $0x0, s19;
	[sflag:s24] =	ssyncadd.s32 $0xFFFFF800  }
0x6d: {  	[tilespmem:s28], [sflag:$0x4] =	stream.linear.gather [hbm4b:s10+s3], $0x80, $0x38;
	[tilespmem:$0x3E70] =	vst v63  }
.LBB2_4:
0x6e: {  	[tilespmem:s30], [sflag:$0x4] =	stream.linear.gather [hbm4b:s9+s3], $0x80, $0x38;
	[tilespmem:$0x3E70] =	vst v63  }
0x6f: {  	s9 =	smov.u32 s8  }
0x70: {  	p0 =	sne.s32 s8, $0x4C0;
	s8 =	sadd.s32 $0x20, s8;
	_ =	swait.ge [sflag:s31], $0x80  }
0x71: {  	[sflag:s31] =	ssyncset.done $0x0  }
0x72: {  	[sflag:s31] =	ssyncadd.s32 $0xFFFFFF80  }
0x73: {  	_ =	swait.ge [sflag:s31], $0x80  }
0x74: {  	[sflag:s31] =	ssyncset.done $0x0  }
0x75: {  	[sflag:s31] =	ssyncadd.s32 $0xFFFFFF80  }
0x76: {  	[tilespmem:s0], [sflag:$0x2] =	stream.indirect.gather [hbm4b:s4+s28], $0x10, s28, s28, $0xb8;
	[tilespmem:$0x3E70] =	vst v63  }
0x77: {  	_ =	swait.ge [sflag:s1], $0x800  }
0x78: {  	[sflag:s1] =	ssyncset.done $0x0  }
0x79: {  	[sflag:s1] =	ssyncadd.s32 $0xFFFFF800  }
0x7a: {  	[spmem:s2] =	stream.indirect.scatter.add.f32 [tilespmem:s29], [sflag:$0x5], $0x10, s25, s28, $0xb8;
	[tilespmem:$0x3E70] =	vst v63  }
0x7b: {  	_ =	swait.ge [sflag:s24], $0x800  }
0x7c: {  	[sflag:s24] =	ssyncset.done $0x0  }
0x7d: {  	s10 =	sadd.s32 s9, s22;
	[sflag:s24] =	ssyncadd.s32 $0xFFFFF800  }
0x7e: {  	[tilespmem:s3], [sflag:$0x3] =	stream.linear.gather [hbm4b:s10+s3], $0x80, $0x38;
	[tilespmem:$0x3E70] =	vst v63  }
0x7f: {  	s10 =	sadd.s32 s9, s21  }
0x80: {  	[tilespmem:s25], [sflag:$0x3] =	stream.linear.gather [hbm4b:s10+s3], $0x80, $0x38;
	[tilespmem:$0x3E70] =	vst v63  }
0x81: {  	_ =	swait.ge [sflag:s26], $0x80  }
0x82: {  	[sflag:s26] =	ssyncset.done $0x0  }
0x83: {  	[sflag:s26] =	ssyncadd.s32 $0xFFFFFF80  }
0x84: {  	_ =	swait.ge [sflag:s26], $0x80  }
0x85: {  	[sflag:s26] =	ssyncset.done $0x0  }
0x86: {  	[sflag:s26] =	ssyncadd.s32 $0xFFFFFF80  }
0x87: {  	[tilespmem:s29], [sflag:$0x1] =	stream.indirect.gather [hbm4b:s4+s28], $0x10, s3, s28, $0xb8;
	[tilespmem:$0x3E70] =	vst v63  }
0x88: {  	_ =	swait.ge [sflag:s6], $0x800  }
0x89: {  	[sflag:s6] =	ssyncset.done $0x0  }
0x8a: {  	[sflag:s6] =	ssyncadd.s32 $0xFFFFF800  }
0x8b: {  	[spmem:s2] =	stream.indirect.scatter.add.f32 [tilespmem:s0], [sflag:$0x5], $0x10, s30, s28, $0xb8;
	[tilespmem:$0x3E70] =	vst v63  }
.Ltmp1:
0x8c: {  	_ =	swait.ge [sflag:s24], $0x800;
	(pc) =	sbr.rel @p0 .LBB2_4-.Ltmp1, $4  }
0x8d: {  	[sflag:s24] =	ssyncset.done $0x0  }
0x8e: {  	s10 =	sadd.s32 s9, s20;
	[sflag:s24] =	ssyncadd.s32 $0xFFFFF800  }
0x8f: {  	[tilespmem:s28], [sflag:$0x4] =	stream.linear.gather [hbm4b:s10+s3], $0x80, $0x38;
	[tilespmem:$0x3E70] =	vst v63  }
0x90: {  	s9 =	sadd.s32 s9, s19  }
0x91: {  	[tilespmem:s30], [sflag:$0x4] =	stream.linear.gather [hbm4b:s9+s3], $0x80, $0x38;
	[tilespmem:$0x3E70] =	vst v63  }
0x92: {  	_ =	swait.ge [sflag:s31], $0x80  }
0x93: {  	[sflag:s31] =	ssyncset.done $0x0  }
0x94: {  	[sflag:s31] =	ssyncadd.s32 $0xFFFFFF80  }
0x95: {  	_ =	swait.ge [sflag:s31], $0x80  }
0x96: {  	[sflag:s31] =	ssyncset.done $0x0  }
0x97: {  	[sflag:s31] =	ssyncadd.s32 $0xFFFFFF80  }
0x98: {  	[tilespmem:s0], [sflag:$0x2] =	stream.indirect.gather [hbm4b:s4+s28], $0x10, s28, s28, $0xb8;
	[tilespmem:$0x3E70] =	vst v63  }
0x99: {  	_ =	swait.ge [sflag:s1], $0x800  }
0x9a: {  	[sflag:s1] =	ssyncset.done $0x0  }
0x9b: {  	[sflag:s1] =	ssyncadd.s32 $0xFFFFF800  }
0x9c: {  	[spmem:s2] =	stream.indirect.scatter.add.f32 [tilespmem:s29], [sflag:$0x5], $0x10, s25, s28, $0xb8;
	[tilespmem:$0x3E70] =	vst v63  }
0x9d: {  	_ =	swait.ge [sflag:s24], $0x800  }
0x9e: {  	[sflag:s24] =	ssyncset.done $0x0  }
0x9f: {  	[sflag:s24] =	ssyncadd.s32 $0xFFFFF800  }
0xa0: {  	[tilespmem:s3], [sflag:$0x3] =	stream.linear.gather [hbm4b:s13+s3], $0x80, $0x38;
	[tilespmem:$0x3E70] =	vst v63  }
0xa1: {  	_ = 	snop  }
0xa2: {  	[tilespmem:s25], [sflag:$0x3] =	stream.linear.gather [hbm4b:s14+s3], $0x80, $0x38;
	[tilespmem:$0x3E70] =	vst v63  }
0xa3: {  	_ =	swait.ge [sflag:s26], $0x80  }
0xa4: {  	[sflag:s26] =	ssyncset.done $0x0  }
0xa5: {  	[sflag:s26] =	ssyncadd.s32 $0xFFFFFF80  }
0xa6: {  	_ =	swait.ge [sflag:s26], $0x80  }
0xa7: {  	[sflag:s26] =	ssyncset.done $0x0  }
0xa8: {  	[sflag:s26] =	ssyncadd.s32 $0xFFFFFF80  }
0xa9: {  	[tilespmem:s29], [sflag:$0x1] =	stream.indirect.gather [hbm4b:s4+s28], $0x10, s3, s28, $0xb8;
	[tilespmem:$0x3E70] =	vst v63  }
0xaa: {  	_ =	swait.ge [sflag:s6], $0x800  }
0xab: {  	[sflag:s6] =	ssyncset.done $0x0  }
0xac: {  	[sflag:s6] =	ssyncadd.s32 $0xFFFFF800  }
0xad: {  	[spmem:s2] =	stream.indirect.scatter.add.f32 [tilespmem:s0], [sflag:$0x5], $0x10, s30, s28, $0xb8;
	[tilespmem:$0x3E70] =	vst v63  }
0xae: {  	_ =	swait.ge [sflag:s24], $0x800  }
0xaf: {  	[sflag:s24] =	ssyncset.done $0x0  }
0xb0: {  	[sflag:s24] =	ssyncadd.s32 $0xFFFFF800  }
0xb1: {  	[tilespmem:s28], [sflag:$0x4] =	stream.linear.gather [hbm4b:s15+s3], $0x80, $0x38;
	[tilespmem:$0x3E70] =	vst v63  }
0xb2: {  	_ = 	snop  }
0xb3: {  	[tilespmem:s30], [sflag:$0x4] =	stream.linear.gather [hbm4b:s16+s3], $0x80, $0x38;
	[tilespmem:$0x3E70] =	vst v63  }
0xb4: {  	_ =	swait.ge [sflag:s1], $0x800  }
0xb5: {  	[sflag:s1] =	ssyncset.done $0x0  }
0xb6: {  	[sflag:s1] =	ssyncadd.s32 $0xFFFFF800  }
0xb7: {  	_ =	swait.ge [sflag:s31], $0x80  }
0xb8: {  	[sflag:s31] =	ssyncset.done $0x0  }
0xb9: {  	[sflag:s31] =	ssyncadd.s32 $0xFFFFFF80  }
0xba: {  	s8 =	stileid.u32;
	_ =	swait.ge [sflag:s31], $0x80  }
0xbb: {  	s10 =	sshrl.u32 s5, $0x3;
	s7 =	sadd.s32 $0x1, s7;
	[sflag:s31] =	ssyncset.done $0x0  }
0xbc: {  	s8 =	sshll.u32 s8, $0x6;
	p0 =	sne.s32 s7, s18;
	[sflag:s31] =	ssyncadd.s32 $0xFFFFFF80  }
.Ltmp2:
0xbd: {  	s8 =	sor.u32 $0x1C05, s8;
	[bflag:$0x0] =	sbarrier.arrive $0xFFFF;
	(pc) =	sbr.rel @p0 .LBB2_1-.Ltmp2, $4  }
0xbe: {  	[hbm:s17], [sflag:s8] =	dma.local [spmem:s10], $0x4F0  }
0xbf: {  	_ =	swait.ge [sflag:s24], $0x4F0  }
0xc0: {  	[sflag:s24] =	ssyncset.done $0x0  }
0xc1: {  	[sflag:s24] =	ssyncadd.s32 $0xFFFFFB10  }
0xc2: {  	_ =	sfence.sel $0x180000  }
0xc3: {  	[bflag:$0x0] =	sbarrier.arrive $0xFFFF  }
0xc4: {  	_ =	strace $0x90000047  }
0xc5: {  	s0 =	stileid.u32;
	[bflag:$0x2] =	sbarrier.arrive $0xFFFF  }
0xc6: {  	p0 =	sne.s32 s0, $0x0;
	s0 =	rddreg [dreg:$0x2]  }
0xc7: {  	s0 =	sadd.s32 @!p0 $0x100000, s0  }
0xc8: {  	[sflag:s0] =	ssyncadd.tile.s32 @!p0 $0x1;
	_ =	shalt  }
.Lfunc_end2:
_tile_overlayer_lowered:
.L_overlay_start_2:
0xc9: {  	(tag) =	ssettag $0x2  }
0xca: {  	s0 =	rddreg [dreg:$0x0];
	s2 =	stileid.u32  }
0xcb: {  	s1 =	rddreg [dreg:$0x1];
	p0 =	sne.s32 s2, $0x0  }
0xcc: {  	s3 =	rddreg [dreg:$0x2];
	[bflag:$0x3] =	sbarrier.arrive $0xFFFF;
	s2 =	simm.s32 @!p0 $0x1C05  }
0xcd: {  	[timem:s3], [sflag:s2] =	dma.local @!p0 [hbm:s0], s1  }
0xce: {  	s0 =	simm.s32 @!p0 $0x5  }
0xcf: {  	_ =	swait.ge @!p0 [sflag:s0], s1  }
0xd0: {  	s1 =	ssub.s32 @!p0 $0x0, s1;
	[sflag:s0] =	ssyncset.done @!p0 $0x0  }
0xd1: {  	[sflag:s0] =	ssyncadd.s32 @!p0 s1  }
0xd2: {  	[bflag:$0x3] =	sbarrier.arrive $0xFFFF  }
0xd3: {  	_ =	shalt  }

// kernel: kernel.16.cloned.1.call-start
scs
__scs_entry_jumppad:
0x0: {  	(pc) =	sbr.rel $0x88, $3  }
0x1: {  	(tag) =	ssettag $0x0;
	lr =	simm.s32 $0x1  }
0x2: {  	[smem:$0x3F74] =	sst lr;
	_ =	strace $0xD0000000  }
0x3: {  	_ = 	snop  }
0x4: {  	_ = 	snop  }
0x5: {  	_ = 	snop  }
0x6: {  	_ = 	snop  }
0x7: {  	_ = 	snop  }
__scs_overlays_trampoline_lowered:
0x8: {  	[smem:$0x3F83] =	sst s0  }
0x9: {  	[smem:$0x3F84] =	sst s1  }
0xa: {  	[smem:$0x3F85] =	sst s2  }
0xb: {  	[smem:$0x3F86] =	sst s3  }
0xc: {  	[smem:$0x3F87] =	sst s4  }
0xd: {  	[smem:$0x3F88] =	sst s5  }
0xe: {  	[smem:$0x3F89] =	sst s6  }
0xf: {  	[smem:$0x3F8A] =	sst s7  }
0x10: {  	[smem:$0x3F8B] =	sst s8  }
0x11: {  	[smem:$0x3F8C] =	sst s9;
	s0 =	simm.s32 @!p0 $0x0  }
0x12: {  	s1 =	sld [smem:$0x3F72];
	s0 =	simm.s32 @p0 $0x1  }
0x13: {  	[smem:$0x3F8D] =	sst s0;
	s0 =	simm.s32 @!p1 $0x0  }
0x14: {  	s2 =	sld [smem:$0x3F71];
	s0 =	simm.s32 @p1 $0x1  }
0x15: {  	[smem:$0x3F8E] =	sst s0;
	s0 =	simm.s32 @!p2 $0x0  }
0x16: {  	s3 =	sld [smem:$0x3FDB];
	s0 =	simm.s32 @p2 $0x1  }
0x17: {  	s4 =	simm.s32 $0x1BF5;
	[smem:$0x3F90] =	sst s0  }
0x18: {  	s0 =	sld [smem:$0x3F73];
	_ =	swait.ge [sflag:s4], $0x0  }
0x19: {  	s7 =	sld [smem:$0x3F74]  }
0x1a: {  	s8 =	sadd.s32 $0xFFFFE003, lr  }
0x1b: {  	s9 =	sadd.s32 $0xFFFFFEF7, lr;
	s5 =	simm.s32 $0xFFFFFFFF;
	p2 =	slt.u32 s8, $0xFFFFF086  }
0x1c: {  	p1 =	slt.u32 s9, $0xF7A;
	s5 =	simm.s32 @!p2 $0x0  }
0x1d: {  	s5 =	simm.s32 @p1 $0x1;
	p0 =	seq.s32 s7, s2  }
0x1e: {  	s7 =	smul.u32 @!p0 $0xF7A, s2;
	p2 =	seq.s32 @!p0 s5, $0x0  }
0x1f: {  	s9 =	smul.u32 $0xF7A, s1;
	s8 =	simm.s32 @!p0 $0x1BF5;
	p2 =	por !p2, p0  }
0x20: {  	[sflag:s8] =	ssyncset.s32 @!p0 $0xFFFFF086;
	s6 =	sadd.s32 @!p0 s3, s7;
	s7 =	simm.s32 @!p0 $0x108  }
0x21: {  	s3 =	sadd.s32 s3, s9;
	s6 =	sadd.s32 @!p0 $0x88, s6;
	s7 =	simm.s32 @p2 $0x1082  }
0x22: {  	[simem:s7], [sflag:s8] =	dma.local @!p0 [hbm:s6], $0xF7A  }
0x23: {  	s9 =	sor.u32 $0xD0000000, s2;
	s6 =	simm.s32 $0x108;
	_ =	swait.ge @!p0 [sflag:s8], $0x0  }
0x24: {  	s3 =	sadd.s32 $0x88, s3;
	s6 =	simm.s32 @!p1 $0x1082;
	[sflag:s4] =	ssyncset.s32 $0xFFFFF086  }
0x25: {  	[simem:s6], [sflag:s4] =	dma.local [hbm:s3], $0xF7A  }
0x26: {  	[smem:$0x3F74] =	sst s1;
	(tag) =	ssettag s2;
	_ =	strace s9  }
0x27: {  	s1 =	sld [smem:$0x3F84]  }
0x28: {  	s2 =	sld [smem:$0x3F85]  }
0x29: {  	s4 =	sld [smem:$0x3F87]  }
0x2a: {  	p0 =	seq.s32 s5, $0x0;
	s5 =	sld [smem:$0x3F88]  }
0x2b: {  	s6 =	sld [smem:$0x3F89]  }
0x2c: {  	s7 =	sld [smem:$0x3F8A]  }
0x2d: {  	s3 =	simm.s32 $0x108;
	s8 =	sld [smem:$0x3F8B]  }
0x2e: {  	s3 =	simm.s32 @!p0 $0x1082;
	s9 =	sld [smem:$0x3F8C]  }
0x2f: {  	lr =	sadd.s32 s0, s3;
	s0 =	sld [smem:$0x3F83]  }
0x30: {  	s3 =	sld [smem:$0x3F86]  }
0x31: {  	[smem:$0x3F8F] =	sst s10  }
0x32: {  	s10 =	sld [smem:$0x3F8D];
	_ =	sdelay $0x3  }
0x33: {  	p0 =	seq.s32 s10, $0x1;
	s10 =	sld [smem:$0x3F8F];
	_ =	sdelay $0x3  }
0x34: {  	[smem:$0x3F8F] =	sst s10  }
0x35: {  	s10 =	sld [smem:$0x3F8E];
	_ =	sdelay $0x3  }
0x36: {  	p1 =	seq.s32 s10, $0x1;
	s10 =	sld [smem:$0x3F8F];
	_ =	sdelay $0x3  }
0x37: {  	[smem:$0x3F8F] =	sst s10  }
0x38: {  	s10 =	sld [smem:$0x3F90]  }
0x39: {  	_ = 	snop;
	(pc) =	sbr.ind lr, $3  }
0x3a: {  	_ = 	snop  }
0x3b: {  	_ = 	snop  }
0x3c: {  	p2 =	seq.s32 s10, $0x1;
	s10 =	sld [smem:$0x3F8F]  }
0x3d: {  	_ =	shalt  }
0x3e: {  	_ =	shalt  }
0x3f: {  	_ =	shalt  }
0x40: {  	_ =	shalt  }
0x41: {  	_ =	shalt  }
0x42: {  	_ =	shalt  }
0x43: {  	_ =	shalt  }
0x44: {  	_ =	shalt  }
0x45: {  	_ =	shalt  }
0x46: {  	_ =	shalt  }
0x47: {  	_ =	shalt  }
0x48: {  	_ =	shalt  }
0x49: {  	_ =	shalt  }
0x4a: {  	_ =	shalt  }
0x4b: {  	_ =	shalt  }
0x4c: {  	_ =	shalt  }
0x4d: {  	_ =	shalt  }
0x4e: {  	_ =	shalt  }
0x4f: {  	_ =	shalt  }
0x50: {  	_ =	shalt  }
0x51: {  	_ =	shalt  }
0x52: {  	_ =	shalt  }
0x53: {  	_ =	shalt  }
0x54: {  	_ =	shalt  }
0x55: {  	_ =	shalt  }
0x56: {  	_ =	shalt  }
0x57: {  	_ =	shalt  }
0x58: {  	_ =	shalt  }
0x59: {  	_ =	shalt  }
0x5a: {  	_ =	shalt  }
0x5b: {  	_ =	shalt  }
0x5c: {  	_ =	shalt  }
0x5d: {  	_ =	shalt  }
0x5e: {  	_ =	shalt  }
0x5f: {  	_ =	shalt  }
0x60: {  	_ =	shalt  }
0x61: {  	_ =	shalt  }
0x62: {  	_ =	shalt  }
0x63: {  	_ =	shalt  }
0x64: {  	_ =	shalt  }
0x65: {  	_ =	shalt  }
0x66: {  	_ =	shalt  }
0x67: {  	_ =	shalt  }
0x68: {  	_ =	shalt  }
0x69: {  	_ =	shalt  }
0x6a: {  	_ =	shalt  }
0x6b: {  	_ =	shalt  }
0x6c: {  	_ =	shalt  }
0x6d: {  	_ =	shalt  }
0x6e: {  	_ =	shalt  }
0x6f: {  	_ =	shalt  }
0x70: {  	_ =	shalt  }
0x71: {  	_ =	shalt  }
0x72: {  	_ =	shalt  }
0x73: {  	_ =	shalt  }
0x74: {  	_ =	shalt  }
0x75: {  	_ =	shalt  }
0x76: {  	_ =	shalt  }
0x77: {  	_ =	shalt  }
0x78: {  	_ =	shalt  }
0x79: {  	_ =	shalt  }
0x7a: {  	_ =	shalt  }
0x7b: {  	_ =	shalt  }
0x7c: {  	_ =	shalt  }
0x7d: {  	_ =	shalt  }
0x7e: {  	_ =	shalt  }
0x7f: {  	_ =	shalt  }
0x80: {  	_ =	shalt  }
0x81: {  	_ =	shalt  }
0x82: {  	_ =	shalt  }
0x83: {  	_ =	shalt  }
0x84: {  	_ =	shalt  }
0x85: {  	_ =	shalt  }
0x86: {  	_ =	shalt  }
0x87: {  	_ =	shalt  }
.Lfunc_end0:
.L_simem_size_0:
called_computation.1_lowered:
.L_overlay_start_0:
0x88: {  	s2 =	sld [smem:$0x3FD9]  }
0x89: {  	s3 =	sld [smem:$0x3FFE];
	_ =	sdelay $0x1  }
0x8a: {  	s1 =	srdreg.scid  }
0x8b: {  	s0 =	sand.u32 $0x1, s1  }
0x8c: {  	s16 =	sshll.u32 s0, $0xA;
	s2 =	sadd.s32 s3, s2  }
0x8d: {  	s2 =	sadd.s32 s2, s16  }
0x8e: {  	[smem:$0x3F9B] =	sst s2  }
0x8f: {  	_ = 	snop  }
0x90: {  	(tm) =	ssettm $0x1  }
0x91: {  	s17 =	sld [smem:$0x3FFB];
	_ =	sdelay $0x3  }
0x92: {  	_ =	strace s17  }
0x93: {  	s2 =	sld [smem:$0x3FFC];
	_ =	sdelay $0x3  }
0x94: {  	_ =	strace s2  }
0x95: {  	s2 =	sld [smem:$0x3FFD];
	_ =	sdelay $0x3  }
0x96: {  	_ =	strace s2  }
0x97: {  	_ =	strace $0x8FFFFFFF  }
0x98: {  	s18 =	sld [smem:$0x3FDB];
	_ =	sdelay $0x1  }
0x99: {  	s19 =	simm.s32 $_scs_section_size  }
0x9a: {  	s4 =	simm.s32 $_size__tile_overlayer_lowered;
	s5 =	simm.s32 $_tile_overlayer_lowered  }
0x9b: {  	s22 =	simm.s32 $0x1BFF;
	s21 =	sshll.u32 s5, $0x1;
	s2 =	sadd.s32 s19, s18  }
0x9c: {  	s6 =	simm.s32 $0x0;
	s20 =	sshll.u32 s4, $0x1;
	s4 =	sadd.s32 s21, s2  }
0x9d: {  	[timem:s6], [sflag:s22] =	dma.local [hbm:s4], s20  }
0x9e: {  	_ =	swait.ge [sflag:s22], s20  }
0x9f: {  	s3 =	ssub.s32 $0x0, s20;
	[sflag:s22] =	ssyncset.done $0x0  }
0xa0: {  	[sflag:s22] =	ssyncadd.s32 s3;
	_ =	sdelay $0x1  }
0xa1: {  	s23 =	simm.s32 $0x1B8B  }
0xa2: {  	_ =	swait.ge [sflag:s23], $0x1  }
0xa3: {  	[sflag:s23] =	ssyncset.done $0x0  }
0xa4: {  	s25 =	simm.s32 $0x1B8E;
	s24 =	sld [smem:$0x3FFE];
	[sflag:s23] =	ssyncadd.s32 $0xFFFFFFFF  }
0xa5: {  	s26 =	simm.s32 $execute0_lowered;
	[smem:$0x3FD2] =	sst s25  }
0xa6: {  	s4 =	sshll.u32 s26, $0x1;
	_ =	strace $0x80000049;
	[dreg:$0x1] =	wrdreg $0xFFFFFFFF  }
0xa7: {  	s28 =	simm.s32 $_size_execute0_lowered;
	s2 =	sadd.s32 s2, s4;
	[dreg:$0x0] =	wrdreg $0x0  }
0xa8: {  	s4 =	sshll.u32 s28, $0x1;
	[dreg:$0x2] =	wrdreg s2  }
0xa9: {  	[dreg:$0x3] =	wrdreg s4  }
0xaa: {  	[dreg:$0x4] =	wrdreg $0xC0  }
0xab: {  	_ =	task [dreg:s6], $0x5FFFF  }
0xac: {  	[dreg:$0x1] =	wrdreg $0xFFFFFFFF  }
0xad: {  	[dreg:$0x0] =	wrdreg $0x60  }
0xae: {  	[dreg:$0x2] =	wrdreg s24  }
0xaf: {  	[dreg:$0x3] =	wrdreg $0x16F00  }
0xb0: {  	[dreg:$0x4] =	wrdreg $0x9  }
0xb1: {  	_ =	task.clear_ibuf [dreg:s6], $0x5FFFF;
	_ =	strace $0x90000049  }
0xb2: {  	s29 =	simm.s32 $0x9;
	_ =	strace $0x8000004B  }
0xb3: {  	_ =	swait.ge [sflag:s29], $0x1  }
0xb4: {  	[sflag:s29] =	ssyncadd.s32 $0xFFFFFFFF  }
0xb5: {  	_ =	strace $0x9000004B  }
0xb6: {  	_ =	sfence  }
0xb7: {  	s30 =	sld [smem:$0x0];
	_ =	sdelay $0x2  }
0xb8: {  	s31 =	sshll.u32 s1, $0xD;
	s1 =	sshrl.u32 s1, $0x2  }
0xb9: {  	s3 =	sand.u32 $0x4000, s31;
	s1 =	sadd.s32 s1, s30  }
0xba: {  	s0 =	sor.u32 s3, s0;
	s1 =	sshll.u32 s1, $0x11  }
0xbb: {  	s0 =	sor.u32 s1, s0  }
0xbc: {  	s0 =	sadd.s32 $0x8F2B, s0  }
0xbd: {  	[sflag:s0] =	ssyncadd.remote.s32 $0x1  }
0xbe: {  	_ =	sfence.sel $0xFFFF  }
0xbf: {  	[dreg:$0x0] =	wrdreg $0xFFFFFFFF;
	(pc) =	sbr.abs _section_cstart, $3  }
0xc0: {  	[dreg:$0x1] =	wrdreg $0xFFFFFFFF  }
0xc1: {  	_ =	task.clear_ibuf [dreg:s6], $0x2FFFF;
	_ =	strace $0x9FFFFFFF  }
0xc2: {  	(tm) =	ssettm $0x7FFFFFFF  }
0xc3: {  	_ =	shalt  }
tec
execute0_lowered:
.L_overlay_start_1:
0x0: {  	(tag) =	ssettag $0x1  }
0x1: {  	s0 =	rddreg [dreg:$0x0]  }
0x2: {  	s2 =	rddreg [dreg:$0x1];
	s1 =	srdreg.scid  }
0x3: {  	s10 =	stileid.u32;
	s3 =	simm.s32 $0x0;
	s28 =	simm.s32 $0x80  }
0x4: {  	s29 =	simm.s32 $0x200;
	s30 =	simm.s32 $0x180;
	s5 =	smul.u32 $0x2780, s10  }
0x5: {  	s31 =	simm.s32 $0x4;
	s1 =	sand.u32 $0x1, s1;
	s9 =	smul.u32 $0x9E00, s10  }
0x6: {  	[smem:$0x7FF] =	sst s3;
	s4 =	sadd.s32 $0x7400, s0;
	s15 =	smul.u32 $0x2800, s10  }
0x7: {  	s7 =	sadd.s32 $0x16400, s0;
	s21 =	sadd.s32 $0xC400, s0;
	s6 =	smul.u32 $0x27800, s1  }
0x8: {  	_ =	strace $0x8000004A;
	s8 =	ssub.s32 $0x2, s1;
	s19 =	sshll.u32 s1, $0x4  }
0x9: {  	s1 =	smul.u32 $0x28000, s1;
	s18 =	sshrl.u32 s8, $0x1;
	s9 =	sshrl.u32 s9, $0x2  }
0xa: {  	s6 =	sadd.s32 s5, s6;
	s5 =	sadd.s32 s5, s2;
	s9 =	sadd.s32 s9, s2  }
0xb: {  	s1 =	sadd.s32 s15, s1;
	s6 =	sshrl.u32 s6, $0x3;
	s11 =	sadd.s32 $0x4F0, s9  }
0xc: {  	s20 =	sadd.s32 $0x9E0, s9;
	s22 =	sadd.s32 $0xED0, s9;
	[dreg:$0x3] =	wrdreg s11  }
0xd: {  	s23 =	sadd.s32 $0x13C0, s9;
	s24 =	sadd.s32 $0x18B0, s9;
	[dreg:$0x4] =	wrdreg s20  }
0xe: {  	s12 =	sadd.s32 $0x2290, s9;
	s25 =	sor.u32 $0x180, s1;
	[dreg:$0x5] =	wrdreg s22  }
0xf: {  	s1 =	sor.u32 $0x100, s1;
	s0 =	sadd.s32 s6, s0;
	[dreg:$0x6] =	wrdreg s23  }
0x10: {  	s6 =	ssub.s32 s8, s18;
	s8 =	sor.u32 s10, s19;
	[dreg:$0x7] =	wrdreg s24  }
0x11: {  	s11 =	sadd.s32 $0x1DA0, s9;
	s26 =	sshrl.u32 s25, $0x3;
	s1 =	sshrl.u32 s1, $0x3  }
0x12: {  	s23 =	simm.s32 $0x1200;
	s24 =	simm.s32 $0x5;
	s25 =	simm.s32 $0x100  }
0x13: {  	s8 =	smul.u32 $0x2800, s8;
	s17 =	sadd.s32 $0x20400, s0;
	s18 =	smax.u32 s6, $0x1  }
0x14: {  	s19 =	sadd.s32 s26, s21;
	s20 =	sadd.s32 s26, s7;
	s22 =	sadd.s32 s1, s7  }
0x15: {  	s26 =	simm.s32 $0x3;
	s0 =	simm.s32 $0xA00;
	s8 =	sshrl.u32 s8, $0x3  }
0x16: {  	s13 =	sadd.s32 s7, s8;
	s14 =	sadd.s32 s21, s8;
	s8 =	sor.u32 $0x10, s8  }
0x17: {  	s6 =	simm.s32 $0x2;
	s15 =	sadd.s32 s7, s8;
	s16 =	sadd.s32 s21, s8  }
0x18: {  	v0 =	vimm.f32 $0.0e+00;
	s21 =	sadd.s32 s1, s21;
	s1 =	simm.s32 $0x1;
	s7 =	simm.s32 $0x0  }
.LBB2_1:
0x19: {  	s8 =	simm.s32 $0x40;
	s9 =	simm.s32 $0x0  }
.LBB2_2:
0x1a: {  	p0 =	sne.s32 s8, $0x1380;
	[tilespmem:s9+$0x1200] =	vst v0;
	s9 =	smov.u32 s8;
	s8 =	sadd.s32 $0x40, s8  }
.Ltmp0:
0x1b: {  	(pc) =	sbr.rel @p0 .LBB2_2-.Ltmp0, $2  }
0x1c: {  	_ =	sdelay $0x2  }
0x1d: {  	s9 =	sshra.s32 s9, $0x2  }
0x1e: {  	[tilespmem:s9+$0x1200] =	vst v0  }
0x1f: {  	[spmem:s5] =	stream.linear.scatter [tilespmem:s23], [sflag:$0x5], $0x4F0, $0x38;
	[tilespmem:$0x3E70] =	vst v63  }
0x20: {  	_ =	swait.ge [sflag:s24], $0x4F0  }
0x21: {  	[sflag:s24] =	ssyncset.done $0x0  }
0x22: {  	s8 =	rddreg [dreg:$0x3];
	[sflag:s24] =	ssyncadd.s32 $0xFFFFFB10  }
0x23: {  	[spmem:s8] =	stream.linear.scatter [tilespmem:s23], [sflag:$0x5], $0x4F0, $0x38;
	[tilespmem:$0x3E70] =	vst v63  }
0x24: {  	_ =	swait.ge [sflag:s24], $0x4F0  }
0x25: {  	[sflag:s24] =	ssyncset.done $0x0  }
0x26: {  	s9 =	rddreg [dreg:$0x4];
	[sflag:s24] =	ssyncadd.s32 $0xFFFFFB10  }
0x27: {  	[spmem:s9] =	stream.linear.scatter [tilespmem:s23], [sflag:$0x5], $0x4F0, $0x38;
	[tilespmem:$0x3E70] =	vst v63  }
0x28: {  	_ =	swait.ge [sflag:s24], $0x4F0  }
0x29: {  	[sflag:s24] =	ssyncset.done $0x0  }
0x2a: {  	s10 =	rddreg [dreg:$0x5];
	[sflag:s24] =	ssyncadd.s32 $0xFFFFFB10  }
0x2b: {  	[spmem:s10] =	stream.linear.scatter [tilespmem:s23], [sflag:$0x5], $0x4F0, $0x38;
	[tilespmem:$0x3E70] =	vst v63  }
0x2c: {  	_ =	swait.ge [sflag:s24], $0x4F0  }
0x2d: {  	[sflag:s24] =	ssyncset.done $0x0  }
0x2e: {  	s9 =	rddreg [dreg:$0x6];
	[sflag:s24] =	ssyncadd.s32 $0xFFFFFB10  }
0x2f: {  	[spmem:s9] =	stream.linear.scatter [tilespmem:s23], [sflag:$0x5], $0x4F0, $0x38;
	[tilespmem:$0x3E70] =	vst v63  }
0x30: {  	_ =	swait.ge [sflag:s24], $0x4F0  }
0x31: {  	[sflag:s24] =	ssyncset.done $0x0  }
0x32: {  	s10 =	rddreg [dreg:$0x7];
	[sflag:s24] =	ssyncadd.s32 $0xFFFFFB10  }
0x33: {  	[spmem:s10] =	stream.linear.scatter [tilespmem:s23], [sflag:$0x5], $0x4F0, $0x38;
	[tilespmem:$0x3E70] =	vst v63  }
0x34: {  	_ =	swait.ge [sflag:s24], $0x4F0  }
0x35: {  	[sflag:s24] =	ssyncset.done $0x0  }
0x36: {  	[sflag:s24] =	ssyncadd.s32 $0xFFFFFB10  }
0x37: {  	[spmem:s11] =	stream.linear.scatter [tilespmem:s23], [sflag:$0x5], $0x4F0, $0x38;
	[tilespmem:$0x3E70] =	vst v63  }
0x38: {  	_ =	swait.ge [sflag:s24], $0x4F0  }
0x39: {  	[sflag:s24] =	ssyncset.done $0x0  }
0x3a: {  	[sflag:s24] =	ssyncadd.s32 $0xFFFFFB10  }
0x3b: {  	[spmem:s12] =	stream.linear.scatter [tilespmem:s23], [sflag:$0x5], $0x4F0, $0x38;
	[tilespmem:$0x3E70] =	vst v63  }
0x3c: {  	_ =	swait.ge [sflag:s24], $0x4F0  }
0x3d: {  	[sflag:s24] =	ssyncset.done $0x0  }
0x3e: {  	[sflag:s24] =	ssyncadd.s32 $0xFFFFFB10  }
0x3f: {  	s9 =	simm.s32 $0x0;
	[bflag:$0x0] =	sbarrier.arrive $0xFFFF  }
0x40: {  	[tilespmem:s9], [sflag:$0x3] =	stream.linear.gather [hbm4b:s13+s9], $0x80, $0x38;
	[tilespmem:$0x3E70] =	vst v63  }
0x41: {  	_ = 	snop  }
0x42: {  	[tilespmem:s25], [sflag:$0x3] =	stream.linear.gather [hbm4b:s14+s9], $0x80, $0x38;
	[tilespmem:$0x3E70] =	vst v63  }
0x43: {  	_ =	swait.ge [sflag:s26], $0x80  }
0x44: {  	[sflag:s26] =	ssyncset.done $0x0  }
0x45: {  	[sflag:s26] =	ssyncadd.s32 $0xFFFFFF80  }
0x46: {  	_ =	swait.ge [sflag:s26], $0x80  }
0x47: {  	[sflag:s26] =	ssyncset.done $0x0  }
0x48: {  	[sflag:s26] =	ssyncadd.s32 $0xFFFFFF80  }
0x49: {  	[tilespmem:s29], [sflag:$0x1] =	stream.indirect.gather [hbm4b:s4+s28], $0x10, s9, s28, $0xb8;
	[tilespmem:$0x3E70] =	vst v63  }
0x4a: {  	_ = 	snop  }
0x4b: {  	[tilespmem:s28], [sflag:$0x4] =	stream.linear.gather [hbm4b:s15+s9], $0x80, $0x38;
	[tilespmem:$0x3E70] =	vst v63  }
0x4c: {  	_ = 	snop  }
0x4d: {  	[tilespmem:s30], [sflag:$0x4] =	stream.linear.gather [hbm4b:s16+s9], $0x80, $0x38;
	[tilespmem:$0x3E70] =	vst v63  }
0x4e: {  	_ =	swait.ge [sflag:s31], $0x80  }
0x4f: {  	[sflag:s31] =	ssyncset.done $0x0  }
0x50: {  	[sflag:s31] =	ssyncadd.s32 $0xFFFFFF80  }
0x51: {  	_ =	swait.ge [sflag:s31], $0x80  }
0x52: {  	[sflag:s31] =	ssyncset.done $0x0  }
0x53: {  	[sflag:s31] =	ssyncadd.s32 $0xFFFFFF80  }
0x54: {  	[tilespmem:s0], [sflag:$0x2] =	stream.indirect.gather [hbm4b:s4+s28], $0x10, s28, s28, $0xb8;
	[tilespmem:$0x3E70] =	vst v63  }
0x55: {  	_ =	swait.ge [sflag:s1], $0x800  }
0x56: {  	[sflag:s1] =	ssyncset.done $0x0  }
0x57: {  	[sflag:s1] =	ssyncadd.s32 $0xFFFFF800  }
0x58: {  	[spmem:s2] =	stream.indirect.scatter.add.f32 [tilespmem:s29], [sflag:$0x5], $0x10, s25, s28, $0xb8;
	[tilespmem:$0x3E70] =	vst v63  }
0x59: {  	_ =	swait.ge [sflag:s24], $0x800  }
0x5a: {  	[sflag:s24] =	ssyncset.done $0x0  }
0x5b: {  	s10 =	sadd.s32 $0x0, s22;
	[sflag:s24] =	ssyncadd.s32 $0xFFFFF800  }
0x5c: {  	[tilespmem:s3], [sflag:$0x3] =	stream.linear.gather [hbm4b:s10+s3], $0x80, $0x38;
	[tilespmem:$0x3E70] =	vst v63  }
0x5d: {  	s9 =	sadd.s32 $0x0, s21  }
0x5e: {  	[tilespmem:s25], [sflag:$0x3] =	stream.linear.gather [hbm4b:s9+s3], $0x80, $0x38;
	[tilespmem:$0x3E70] =	vst v63  }
0x5f: {  	_ =	swait.ge [sflag:s26], $0x80  }
0x60: {  	[sflag:s26] =	ssyncset.done $0x0  }
0x61: {  	[sflag:s26] =	ssyncadd.s32 $0xFFFFFF80  }
0x62: {  	_ =	swait.ge [sflag:s26], $0x80  }
0x63: {  	[sflag:s26] =	ssyncset.done $0x0  }
0x64: {  	[sflag:s26] =	ssyncadd.s32 $0xFFFFFF80  }
0x65: {  	[tilespmem:s29], [sflag:$0x1] =	stream.indirect.gather [hbm4b:s4+s28], $0x10, s3, s28, $0xb8;
	[tilespmem:$0x3E70] =	vst v63  }
0x66: {  	_ =	swait.ge [sflag:s6], $0x800  }
0x67: {  	[sflag:s6] =	ssyncset.done $0x0  }
0x68: {  	[sflag:s6] =	ssyncadd.s32 $0xFFFFF800  }
0x69: {  	[spmem:s2] =	stream.indirect.scatter.add.f32 [tilespmem:s0], [sflag:$0x5], $0x10, s30, s28, $0xb8;
	[tilespmem:$0x3E70] =	vst v63  }
0x6a: {  	_ =	swait.ge [sflag:s24], $0x800  }
0x6b: {  	s8 =	simm.s32 $0x20;
	[sflag:s24] =	ssyncset.done $0x0  }
0x6c: {  	s10 =	sadd.s32 $0x0, s20;
	s9 =	sadd.s32 $0x0, s19;
	[sflag:s24] =	ssyncadd.s32 $0xFFFFF800  }
0x6d: {  	[tilespmem:s28], [sflag:$0x4] =	stream.linear.gather [hbm4b:s10+s3], $0x80, $0x38;
	[tilespmem:$0x3E70] =	vst v63  }
.LBB2_4:
0x6e: {  	[tilespmem:s30], [sflag:$0x4] =	stream.linear.gather [hbm4b:s9+s3], $0x80, $0x38;
	[tilespmem:$0x3E70] =	vst v63  }
0x6f: {  	s9 =	smov.u32 s8  }
0x70: {  	p0 =	sne.s32 s8, $0x4C0;
	s8 =	sadd.s32 $0x20, s8;
	_ =	swait.ge [sflag:s31], $0x80  }
0x71: {  	[sflag:s31] =	ssyncset.done $0x0  }
0x72: {  	[sflag:s31] =	ssyncadd.s32 $0xFFFFFF80  }
0x73: {  	_ =	swait.ge [sflag:s31], $0x80  }
0x74: {  	[sflag:s31] =	ssyncset.done $0x0  }
0x75: {  	[sflag:s31] =	ssyncadd.s32 $0xFFFFFF80  }
0x76: {  	[tilespmem:s0], [sflag:$0x2] =	stream.indirect.gather [hbm4b:s4+s28], $0x10, s28, s28, $0xb8;
	[tilespmem:$0x3E70] =	vst v63  }
0x77: {  	_ =	swait.ge [sflag:s1], $0x800  }
0x78: {  	[sflag:s1] =	ssyncset.done $0x0  }
0x79: {  	[sflag:s1] =	ssyncadd.s32 $0xFFFFF800  }
0x7a: {  	[spmem:s2] =	stream.indirect.scatter.add.f32 [tilespmem:s29], [sflag:$0x5], $0x10, s25, s28, $0xb8;
	[tilespmem:$0x3E70] =	vst v63  }
0x7b: {  	_ =	swait.ge [sflag:s24], $0x800  }
0x7c: {  	[sflag:s24] =	ssyncset.done $0x0  }
0x7d: {  	s10 =	sadd.s32 s9, s22;
	[sflag:s24] =	ssyncadd.s32 $0xFFFFF800  }
0x7e: {  	[tilespmem:s3], [sflag:$0x3] =	stream.linear.gather [hbm4b:s10+s3], $0x80, $0x38;
	[tilespmem:$0x3E70] =	vst v63  }
0x7f: {  	s10 =	sadd.s32 s9, s21  }
0x80: {  	[tilespmem:s25], [sflag:$0x3] =	stream.linear.gather [hbm4b:s10+s3], $0x80, $0x38;
	[tilespmem:$0x3E70] =	vst v63  }
0x81: {  	_ =	swait.ge [sflag:s26], $0x80  }
0x82: {  	[sflag:s26] =	ssyncset.done $0x0  }
0x83: {  	[sflag:s26] =	ssyncadd.s32 $0xFFFFFF80  }
0x84: {  	_ =	swait.ge [sflag:s26], $0x80  }
0x85: {  	[sflag:s26] =	ssyncset.done $0x0  }
0x86: {  	[sflag:s26] =	ssyncadd.s32 $0xFFFFFF80  }
0x87: {  	[tilespmem:s29], [sflag:$0x1] =	stream.indirect.gather [hbm4b:s4+s28], $0x10, s3, s28, $0xb8;
	[tilespmem:$0x3E70] =	vst v63  }
0x88: {  	_ =	swait.ge [sflag:s6], $0x800  }
0x89: {  	[sflag:s6] =	ssyncset.done $0x0  }
0x8a: {  	[sflag:s6] =	ssyncadd.s32 $0xFFFFF800  }
0x8b: {  	[spmem:s2] =	stream.indirect.scatter.add.f32 [tilespmem:s0], [sflag:$0x5], $0x10, s30, s28, $0xb8;
	[tilespmem:$0x3E70] =	vst v63  }
.Ltmp1:
0x8c: {  	_ =	swait.ge [sflag:s24], $0x800;
	(pc) =	sbr.rel @p0 .LBB2_4-.Ltmp1, $4  }
0x8d: {  	[sflag:s24] =	ssyncset.done $0x0  }
0x8e: {  	s10 =	sadd.s32 s9, s20;
	[sflag:s24] =	ssyncadd.s32 $0xFFFFF800  }
0x8f: {  	[tilespmem:s28], [sflag:$0x4] =	stream.linear.gather [hbm4b:s10+s3], $0x80, $0x38;
	[tilespmem:$0x3E70] =	vst v63  }
0x90: {  	s9 =	sadd.s32 s9, s19  }
0x91: {  	[tilespmem:s30], [sflag:$0x4] =	stream.linear.gather [hbm4b:s9+s3], $0x80, $0x38;
	[tilespmem:$0x3E70] =	vst v63  }
0x92: {  	_ =	swait.ge [sflag:s31], $0x80  }
0x93: {  	[sflag:s31] =	ssyncset.done $0x0  }
0x94: {  	[sflag:s31] =	ssyncadd.s32 $0xFFFFFF80  }
0x95: {  	_ =	swait.ge [sflag:s31], $0x80  }
0x96: {  	[sflag:s31] =	ssyncset.done $0x0  }
0x97: {  	[sflag:s31] =	ssyncadd.s32 $0xFFFFFF80  }
0x98: {  	[tilespmem:s0], [sflag:$0x2] =	stream.indirect.gather [hbm4b:s4+s28], $0x10, s28, s28, $0xb8;
	[tilespmem:$0x3E70] =	vst v63  }
0x99: {  	_ =	swait.ge [sflag:s1], $0x800  }
0x9a: {  	[sflag:s1] =	ssyncset.done $0x0  }
0x9b: {  	[sflag:s1] =	ssyncadd.s32 $0xFFFFF800  }
0x9c: {  	[spmem:s2] =	stream.indirect.scatter.add.f32 [tilespmem:s29], [sflag:$0x5], $0x10, s25, s28, $0xb8;
	[tilespmem:$0x3E70] =	vst v63  }
0x9d: {  	_ =	swait.ge [sflag:s24], $0x800  }
0x9e: {  	[sflag:s24] =	ssyncset.done $0x0  }
0x9f: {  	[sflag:s24] =	ssyncadd.s32 $0xFFFFF800  }
0xa0: {  	[tilespmem:s3], [sflag:$0x3] =	stream.linear.gather [hbm4b:s13+s3], $0x80, $0x38;
	[tilespmem:$0x3E70] =	vst v63  }
0xa1: {  	_ = 	snop  }
0xa2: {  	[tilespmem:s25], [sflag:$0x3] =	stream.linear.gather [hbm4b:s14+s3], $0x80, $0x38;
	[tilespmem:$0x3E70] =	vst v63  }
0xa3: {  	_ =	swait.ge [sflag:s26], $0x80  }
0xa4: {  	[sflag:s26] =	ssyncset.done $0x0  }
0xa5: {  	[sflag:s26] =	ssyncadd.s32 $0xFFFFFF80  }
0xa6: {  	_ =	swait.ge [sflag:s26], $0x80  }
0xa7: {  	[sflag:s26] =	ssyncset.done $0x0  }
0xa8: {  	[sflag:s26] =	ssyncadd.s32 $0xFFFFFF80  }
0xa9: {  	[tilespmem:s29], [sflag:$0x1] =	stream.indirect.gather [hbm4b:s4+s28], $0x10, s3, s28, $0xb8;
	[tilespmem:$0x3E70] =	vst v63  }
0xaa: {  	_ =	swait.ge [sflag:s6], $0x800  }
0xab: {  	[sflag:s6] =	ssyncset.done $0x0  }
0xac: {  	[sflag:s6] =	ssyncadd.s32 $0xFFFFF800  }
0xad: {  	[spmem:s2] =	stream.indirect.scatter.add.f32 [tilespmem:s0], [sflag:$0x5], $0x10, s30, s28, $0xb8;
	[tilespmem:$0x3E70] =	vst v63  }
0xae: {  	_ =	swait.ge [sflag:s24], $0x800  }
0xaf: {  	[sflag:s24] =	ssyncset.done $0x0  }
0xb0: {  	[sflag:s24] =	ssyncadd.s32 $0xFFFFF800  }
0xb1: {  	[tilespmem:s28], [sflag:$0x4] =	stream.linear.gather [hbm4b:s15+s3], $0x80, $0x38;
	[tilespmem:$0x3E70] =	vst v63  }
0xb2: {  	_ = 	snop  }
0xb3: {  	[tilespmem:s30], [sflag:$0x4] =	stream.linear.gather [hbm4b:s16+s3], $0x80, $0x38;
	[tilespmem:$0x3E70] =	vst v63  }
0xb4: {  	_ =	swait.ge [sflag:s1], $0x800  }
0xb5: {  	[sflag:s1] =	ssyncset.done $0x0  }
0xb6: {  	[sflag:s1] =	ssyncadd.s32 $0xFFFFF800  }
0xb7: {  	_ =	swait.ge [sflag:s31], $0x80  }
0xb8: {  	[sflag:s31] =	ssyncset.done $0x0  }
0xb9: {  	[sflag:s31] =	ssyncadd.s32 $0xFFFFFF80  }
0xba: {  	s8 =	stileid.u32;
	_ =	swait.ge [sflag:s31], $0x80  }
0xbb: {  	s10 =	sshrl.u32 s5, $0x3;
	s7 =	sadd.s32 $0x1, s7;
	[sflag:s31] =	ssyncset.done $0x0  }
0xbc: {  	s8 =	sshll.u32 s8, $0x6;
	p0 =	sne.s32 s7, s18;
	[sflag:s31] =	ssyncadd.s32 $0xFFFFFF80  }
.Ltmp2:
0xbd: {  	s8 =	sor.u32 $0x1C05, s8;
	[bflag:$0x0] =	sbarrier.arrive $0xFFFF;
	(pc) =	sbr.rel @p0 .LBB2_1-.Ltmp2, $4  }
0xbe: {  	[hbm:s17], [sflag:s8] =	dma.local [spmem:s10], $0x4F0  }
0xbf: {  	_ =	swait.ge [sflag:s24], $0x4F0  }
0xc0: {  	[sflag:s24] =	ssyncset.done $0x0  }
0xc1: {  	[sflag:s24] =	ssyncadd.s32 $0xFFFFFB10  }
0xc2: {  	_ =	sfence.sel $0x180000  }
0xc3: {  	[bflag:$0x0] =	sbarrier.arrive $0xFFFF  }
0xc4: {  	_ =	strace $0x9000004A  }
0xc5: {  	s0 =	stileid.u32;
	[bflag:$0x2] =	sbarrier.arrive $0xFFFF  }
0xc6: {  	p0 =	sne.s32 s0, $0x0;
	s0 =	rddreg [dreg:$0x2]  }
0xc7: {  	s0 =	sadd.s32 @!p0 $0x100000, s0  }
0xc8: {  	[sflag:s0] =	ssyncadd.tile.s32 @!p0 $0x1;
	_ =	shalt  }
.Lfunc_end2:
_tile_overlayer_lowered:
.L_overlay_start_2:
0xc9: {  	(tag) =	ssettag $0x2  }
0xca: {  	s0 =	rddreg [dreg:$0x0];
	s2 =	stileid.u32  }
0xcb: {  	s1 =	rddreg [dreg:$0x1];
	p0 =	sne.s32 s2, $0x0  }
0xcc: {  	s3 =	rddreg [dreg:$0x2];
	[bflag:$0x3] =	sbarrier.arrive $0xFFFF;
	s2 =	simm.s32 @!p0 $0x1C05  }
0xcd: {  	[timem:s3], [sflag:s2] =	dma.local @!p0 [hbm:s0], s1  }
0xce: {  	s0 =	simm.s32 @!p0 $0x5  }
0xcf: {  	_ =	swait.ge @!p0 [sflag:s0], s1  }
0xd0: {  	s1 =	ssub.s32 @!p0 $0x0, s1;
	[sflag:s0] =	ssyncset.done @!p0 $0x0  }
0xd1: {  	[sflag:s0] =	ssyncadd.s32 @!p0 s1  }
0xd2: {  	[bflag:$0x3] =	sbarrier.arrive $0xFFFF  }
0xd3: {  	_ =	shalt  }

// kernel: kernel.19.cloned.1.call-start
scs
__scs_entry_jumppad:
0x0: {  	(pc) =	sbr.rel $0x88, $3  }
0x1: {  	(tag) =	ssettag $0x0;
	lr =	simm.s32 $0x1  }
0x2: {  	[smem:$0x3F74] =	sst lr;
	_ =	strace $0xD0000000  }
0x3: {  	_ = 	snop  }
0x4: {  	_ = 	snop  }
0x5: {  	_ = 	snop  }
0x6: {  	_ = 	snop  }
0x7: {  	_ = 	snop  }
__scs_overlays_trampoline_lowered:
0x8: {  	[smem:$0x3F83] =	sst s0  }
0x9: {  	[smem:$0x3F84] =	sst s1  }
0xa: {  	[smem:$0x3F85] =	sst s2  }
0xb: {  	[smem:$0x3F86] =	sst s3  }
0xc: {  	[smem:$0x3F87] =	sst s4  }
0xd: {  	[smem:$0x3F88] =	sst s5  }
0xe: {  	[smem:$0x3F89] =	sst s6  }
0xf: {  	[smem:$0x3F8A] =	sst s7  }
0x10: {  	[smem:$0x3F8B] =	sst s8  }
0x11: {  	[smem:$0x3F8C] =	sst s9;
	s0 =	simm.s32 @!p0 $0x0  }
0x12: {  	s1 =	sld [smem:$0x3F72];
	s0 =	simm.s32 @p0 $0x1  }
0x13: {  	[smem:$0x3F8D] =	sst s0;
	s0 =	simm.s32 @!p1 $0x0  }
0x14: {  	s2 =	sld [smem:$0x3F71];
	s0 =	simm.s32 @p1 $0x1  }
0x15: {  	[smem:$0x3F8E] =	sst s0;
	s0 =	simm.s32 @!p2 $0x0  }
0x16: {  	s3 =	sld [smem:$0x3FDB];
	s0 =	simm.s32 @p2 $0x1  }
0x17: {  	s4 =	simm.s32 $0x1BF5;
	[smem:$0x3F90] =	sst s0  }
0x18: {  	s0 =	sld [smem:$0x3F73];
	_ =	swait.ge [sflag:s4], $0x0  }
0x19: {  	s7 =	sld [smem:$0x3F74]  }
0x1a: {  	s8 =	sadd.s32 $0xFFFFE003, lr  }
0x1b: {  	s9 =	sadd.s32 $0xFFFFFEF7, lr;
	s5 =	simm.s32 $0xFFFFFFFF;
	p2 =	slt.u32 s8, $0xFFFFF086  }
0x1c: {  	p1 =	slt.u32 s9, $0xF7A;
	s5 =	simm.s32 @!p2 $0x0  }
0x1d: {  	s5 =	simm.s32 @p1 $0x1;
	p0 =	seq.s32 s7, s2  }
0x1e: {  	s7 =	smul.u32 @!p0 $0xF7A, s2;
	p2 =	seq.s32 @!p0 s5, $0x0  }
0x1f: {  	s9 =	smul.u32 $0xF7A, s1;
	s8 =	simm.s32 @!p0 $0x1BF5;
	p2 =	por !p2, p0  }
0x20: {  	[sflag:s8] =	ssyncset.s32 @!p0 $0xFFFFF086;
	s6 =	sadd.s32 @!p0 s3, s7;
	s7 =	simm.s32 @!p0 $0x108  }
0x21: {  	s3 =	sadd.s32 s3, s9;
	s6 =	sadd.s32 @!p0 $0x88, s6;
	s7 =	simm.s32 @p2 $0x1082  }
0x22: {  	[simem:s7], [sflag:s8] =	dma.local @!p0 [hbm:s6], $0xF7A  }
0x23: {  	s9 =	sor.u32 $0xD0000000, s2;
	s6 =	simm.s32 $0x108;
	_ =	swait.ge @!p0 [sflag:s8], $0x0  }
0x24: {  	s3 =	sadd.s32 $0x88, s3;
	s6 =	simm.s32 @!p1 $0x1082;
	[sflag:s4] =	ssyncset.s32 $0xFFFFF086  }
0x25: {  	[simem:s6], [sflag:s4] =	dma.local [hbm:s3], $0xF7A  }
0x26: {  	[smem:$0x3F74] =	sst s1;
	(tag) =	ssettag s2;
	_ =	strace s9  }
0x27: {  	s1 =	sld [smem:$0x3F84]  }
0x28: {  	s2 =	sld [smem:$0x3F85]  }
0x29: {  	s4 =	sld [smem:$0x3F87]  }
0x2a: {  	p0 =	seq.s32 s5, $0x0;
	s5 =	sld [smem:$0x3F88]  }
0x2b: {  	s6 =	sld [smem:$0x3F89]  }
0x2c: {  	s7 =	sld [smem:$0x3F8A]  }
0x2d: {  	s3 =	simm.s32 $0x108;
	s8 =	sld [smem:$0x3F8B]  }
0x2e: {  	s3 =	simm.s32 @!p0 $0x1082;
	s9 =	sld [smem:$0x3F8C]  }
0x2f: {  	lr =	sadd.s32 s0, s3;
	s0 =	sld [smem:$0x3F83]  }
0x30: {  	s3 =	sld [smem:$0x3F86]  }
0x31: {  	[smem:$0x3F8F] =	sst s10  }
0x32: {  	s10 =	sld [smem:$0x3F8D];
	_ =	sdelay $0x3  }
0x33: {  	p0 =	seq.s32 s10, $0x1;
	s10 =	sld [smem:$0x3F8F];
	_ =	sdelay $0x3  }
0x34: {  	[smem:$0x3F8F] =	sst s10  }
0x35: {  	s10 =	sld [smem:$0x3F8E];
	_ =	sdelay $0x3  }
0x36: {  	p1 =	seq.s32 s10, $0x1;
	s10 =	sld [smem:$0x3F8F];
	_ =	sdelay $0x3  }
0x37: {  	[smem:$0x3F8F] =	sst s10  }
0x38: {  	s10 =	sld [smem:$0x3F90]  }
0x39: {  	_ = 	snop;
	(pc) =	sbr.ind lr, $3  }
0x3a: {  	_ = 	snop  }
0x3b: {  	_ = 	snop  }
0x3c: {  	p2 =	seq.s32 s10, $0x1;
	s10 =	sld [smem:$0x3F8F]  }
0x3d: {  	_ =	shalt  }
0x3e: {  	_ =	shalt  }
0x3f: {  	_ =	shalt  }
0x40: {  	_ =	shalt  }
0x41: {  	_ =	shalt  }
0x42: {  	_ =	shalt  }
0x43: {  	_ =	shalt  }
0x44: {  	_ =	shalt  }
0x45: {  	_ =	shalt  }
0x46: {  	_ =	shalt  }
0x47: {  	_ =	shalt  }
0x48: {  	_ =	shalt  }
0x49: {  	_ =	shalt  }
0x4a: {  	_ =	shalt  }
0x4b: {  	_ =	shalt  }
0x4c: {  	_ =	shalt  }
0x4d: {  	_ =	shalt  }
0x4e: {  	_ =	shalt  }
0x4f: {  	_ =	shalt  }
0x50: {  	_ =	shalt  }
0x51: {  	_ =	shalt  }
0x52: {  	_ =	shalt  }
0x53: {  	_ =	shalt  }
0x54: {  	_ =	shalt  }
0x55: {  	_ =	shalt  }
0x56: {  	_ =	shalt  }
0x57: {  	_ =	shalt  }
0x58: {  	_ =	shalt  }
0x59: {  	_ =	shalt  }
0x5a: {  	_ =	shalt  }
0x5b: {  	_ =	shalt  }
0x5c: {  	_ =	shalt  }
0x5d: {  	_ =	shalt  }
0x5e: {  	_ =	shalt  }
0x5f: {  	_ =	shalt  }
0x60: {  	_ =	shalt  }
0x61: {  	_ =	shalt  }
0x62: {  	_ =	shalt  }
0x63: {  	_ =	shalt  }
0x64: {  	_ =	shalt  }
0x65: {  	_ =	shalt  }
0x66: {  	_ =	shalt  }
0x67: {  	_ =	shalt  }
0x68: {  	_ =	shalt  }
0x69: {  	_ =	shalt  }
0x6a: {  	_ =	shalt  }
0x6b: {  	_ =	shalt  }
0x6c: {  	_ =	shalt  }
0x6d: {  	_ =	shalt  }
0x6e: {  	_ =	shalt  }
0x6f: {  	_ =	shalt  }
0x70: {  	_ =	shalt  }
0x71: {  	_ =	shalt  }
0x72: {  	_ =	shalt  }
0x73: {  	_ =	shalt  }
0x74: {  	_ =	shalt  }
0x75: {  	_ =	shalt  }
0x76: {  	_ =	shalt  }
0x77: {  	_ =	shalt  }
0x78: {  	_ =	shalt  }
0x79: {  	_ =	shalt  }
0x7a: {  	_ =	shalt  }
0x7b: {  	_ =	shalt  }
0x7c: {  	_ =	shalt  }
0x7d: {  	_ =	shalt  }
0x7e: {  	_ =	shalt  }
0x7f: {  	_ =	shalt  }
0x80: {  	_ =	shalt  }
0x81: {  	_ =	shalt  }
0x82: {  	_ =	shalt  }
0x83: {  	_ =	shalt  }
0x84: {  	_ =	shalt  }
0x85: {  	_ =	shalt  }
0x86: {  	_ =	shalt  }
0x87: {  	_ =	shalt  }
.Lfunc_end0:
.L_simem_size_0:
called_computation.2_lowered:
.L_overlay_start_0:
0x88: {  	s2 =	sld [smem:$0x3FD9]  }
0x89: {  	s3 =	sld [smem:$0x3FFE];
	_ =	sdelay $0x1  }
0x8a: {  	s1 =	srdreg.scid  }
0x8b: {  	s0 =	sand.u32 $0x1, s1  }
0x8c: {  	s16 =	sshll.u32 s0, $0xA;
	s2 =	sadd.s32 s3, s2  }
0x8d: {  	s2 =	sadd.s32 s2, s16  }
0x8e: {  	[smem:$0x3F9B] =	sst s2  }
0x8f: {  	_ = 	snop  }
0x90: {  	(tm) =	ssettm $0x1  }
0x91: {  	s17 =	sld [smem:$0x3FFB];
	_ =	sdelay $0x3  }
0x92: {  	_ =	strace s17  }
0x93: {  	s2 =	sld [smem:$0x3FFC];
	_ =	sdelay $0x3  }
0x94: {  	_ =	strace s2  }
0x95: {  	s2 =	sld [smem:$0x3FFD];
	_ =	sdelay $0x3  }
0x96: {  	_ =	strace s2  }
0x97: {  	_ =	strace $0x8FFFFFFF  }
0x98: {  	s18 =	sld [smem:$0x3FDB];
	_ =	sdelay $0x1  }
0x99: {  	s19 =	simm.s32 $_scs_section_size  }
0x9a: {  	s4 =	simm.s32 $_size__tile_overlayer_lowered;
	s5 =	simm.s32 $_tile_overlayer_lowered  }
0x9b: {  	s22 =	simm.s32 $0x1BFF;
	s21 =	sshll.u32 s5, $0x1;
	s2 =	sadd.s32 s19, s18  }
0x9c: {  	s6 =	simm.s32 $0x0;
	s20 =	sshll.u32 s4, $0x1;
	s4 =	sadd.s32 s21, s2  }
0x9d: {  	[timem:s6], [sflag:s22] =	dma.local [hbm:s4], s20  }
0x9e: {  	_ =	swait.ge [sflag:s22], s20  }
0x9f: {  	s3 =	ssub.s32 $0x0, s20;
	[sflag:s22] =	ssyncset.done $0x0  }
0xa0: {  	[sflag:s22] =	ssyncadd.s32 s3;
	_ =	sdelay $0x1  }
0xa1: {  	s23 =	simm.s32 $0x1B8B  }
0xa2: {  	_ =	swait.ge [sflag:s23], $0x1  }
0xa3: {  	[sflag:s23] =	ssyncset.done $0x0  }
0xa4: {  	s25 =	simm.s32 $0x1B8E;
	s24 =	sld [smem:$0x3FFE];
	[sflag:s23] =	ssyncadd.s32 $0xFFFFFFFF  }
0xa5: {  	s26 =	simm.s32 $execute0_lowered;
	[smem:$0x3FD2] =	sst s25  }
0xa6: {  	s4 =	sshll.u32 s26, $0x1;
	_ =	strace $0x8000004C;
	[dreg:$0x1] =	wrdreg $0xFFFFFFFF  }
0xa7: {  	s28 =	simm.s32 $_size_execute0_lowered;
	s2 =	sadd.s32 s2, s4;
	[dreg:$0x0] =	wrdreg $0x0  }
0xa8: {  	s4 =	sshll.u32 s28, $0x1;
	[dreg:$0x2] =	wrdreg s2  }
0xa9: {  	[dreg:$0x3] =	wrdreg s4  }
0xaa: {  	[dreg:$0x4] =	wrdreg $0xC0  }
0xab: {  	_ =	task [dreg:s6], $0x5FFFF  }
0xac: {  	[dreg:$0x1] =	wrdreg $0xFFFFFFFF  }
0xad: {  	[dreg:$0x0] =	wrdreg $0x60  }
0xae: {  	[dreg:$0x2] =	wrdreg s24  }
0xaf: {  	[dreg:$0x3] =	wrdreg $0x16F00  }
0xb0: {  	[dreg:$0x4] =	wrdreg $0x9  }
0xb1: {  	_ =	task.clear_ibuf [dreg:s6], $0x5FFFF;
	_ =	strace $0x9000004C  }
0xb2: {  	s29 =	simm.s32 $0x9;
	_ =	strace $0x8000004E  }
0xb3: {  	_ =	swait.ge [sflag:s29], $0x1  }
0xb4: {  	[sflag:s29] =	ssyncadd.s32 $0xFFFFFFFF  }
0xb5: {  	_ =	strace $0x9000004E  }
0xb6: {  	_ =	sfence  }
0xb7: {  	s30 =	sld [smem:$0x0];
	_ =	sdelay $0x2  }
0xb8: {  	s31 =	sshll.u32 s1, $0xD;
	s1 =	sshrl.u32 s1, $0x2  }
0xb9: {  	s3 =	sand.u32 $0x4000, s31;
	s1 =	sadd.s32 s1, s30  }
0xba: {  	s0 =	sor.u32 s3, s0;
	s1 =	sshll.u32 s1, $0x11  }
0xbb: {  	s0 =	sor.u32 s1, s0  }
0xbc: {  	s0 =	sadd.s32 $0x8F2B, s0  }
0xbd: {  	[sflag:s0] =	ssyncadd.remote.s32 $0x1  }
0xbe: {  	_ =	sfence.sel $0xFFFF  }
0xbf: {  	[dreg:$0x0] =	wrdreg $0xFFFFFFFF;
	(pc) =	sbr.abs _section_cstart, $3  }
0xc0: {  	[dreg:$0x1] =	wrdreg $0xFFFFFFFF  }
0xc1: {  	_ =	task.clear_ibuf [dreg:s6], $0x2FFFF;
	_ =	strace $0x9FFFFFFF  }
0xc2: {  	(tm) =	ssettm $0x7FFFFFFF  }
0xc3: {  	_ =	shalt  }
tec
execute0_lowered:
.L_overlay_start_1:
0x0: {  	(tag) =	ssettag $0x1  }
0x1: {  	s0 =	rddreg [dreg:$0x0]  }
0x2: {  	s2 =	rddreg [dreg:$0x1];
	s1 =	srdreg.scid  }
0x3: {  	s10 =	stileid.u32;
	s3 =	simm.s32 $0x0;
	s28 =	simm.s32 $0x80  }
0x4: {  	s29 =	simm.s32 $0x200;
	s30 =	simm.s32 $0x180;
	s5 =	smul.u32 $0x2780, s10  }
0x5: {  	s31 =	simm.s32 $0x4;
	s1 =	sand.u32 $0x1, s1;
	s9 =	smul.u32 $0x9E00, s10  }
0x6: {  	[smem:$0x7FF] =	sst s3;
	s4 =	sadd.s32 $0x7400, s0;
	s15 =	smul.u32 $0x2800, s10  }
0x7: {  	s7 =	sadd.s32 $0x16400, s0;
	s21 =	sadd.s32 $0xC400, s0;
	s6 =	smul.u32 $0x27800, s1  }
0x8: {  	_ =	strace $0x8000004D;
	s8 =	ssub.s32 $0x2, s1;
	s19 =	sshll.u32 s1, $0x4  }
0x9: {  	s1 =	smul.u32 $0x28000, s1;
	s18 =	sshrl.u32 s8, $0x1;
	s9 =	sshrl.u32 s9, $0x2  }
0xa: {  	s6 =	sadd.s32 s5, s6;
	s5 =	sadd.s32 s5, s2;
	s9 =	sadd.s32 s9, s2  }
0xb: {  	s1 =	sadd.s32 s15, s1;
	s6 =	sshrl.u32 s6, $0x3;
	s11 =	sadd.s32 $0x4F0, s9  }
0xc: {  	s20 =	sadd.s32 $0x9E0, s9;
	s22 =	sadd.s32 $0xED0, s9;
	[dreg:$0x3] =	wrdreg s11  }
0xd: {  	s23 =	sadd.s32 $0x13C0, s9;
	s24 =	sadd.s32 $0x18B0, s9;
	[dreg:$0x4] =	wrdreg s20  }
0xe: {  	s12 =	sadd.s32 $0x2290, s9;
	s25 =	sor.u32 $0x180, s1;
	[dreg:$0x5] =	wrdreg s22  }
0xf: {  	s1 =	sor.u32 $0x100, s1;
	s0 =	sadd.s32 s6, s0;
	[dreg:$0x6] =	wrdreg s23  }
0x10: {  	s6 =	ssub.s32 s8, s18;
	s8 =	sor.u32 s10, s19;
	[dreg:$0x7] =	wrdreg s24  }
0x11: {  	s11 =	sadd.s32 $0x1DA0, s9;
	s26 =	sshrl.u32 s25, $0x3;
	s1 =	sshrl.u32 s1, $0x3  }
0x12: {  	s23 =	simm.s32 $0x1200;
	s24 =	simm.s32 $0x5;
	s25 =	simm.s32 $0x100  }
0x13: {  	s8 =	smul.u32 $0x2800, s8;
	s17 =	sadd.s32 $0x20400, s0;
	s18 =	smax.u32 s6, $0x1  }
0x14: {  	s19 =	sadd.s32 s26, s21;
	s20 =	sadd.s32 s26, s7;
	s22 =	sadd.s32 s1, s7  }
0x15: {  	s26 =	simm.s32 $0x3;
	s0 =	simm.s32 $0xA00;
	s8 =	sshrl.u32 s8, $0x3  }
0x16: {  	s13 =	sadd.s32 s7, s8;
	s14 =	sadd.s32 s21, s8;
	s8 =	sor.u32 $0x10, s8  }
0x17: {  	s6 =	simm.s32 $0x2;
	s15 =	sadd.s32 s7, s8;
	s16 =	sadd.s32 s21, s8  }
0x18: {  	v0 =	vimm.f32 $0.0e+00;
	s21 =	sadd.s32 s1, s21;
	s1 =	simm.s32 $0x1;
	s7 =	simm.s32 $0x0  }
.LBB2_1:
0x19: {  	s8 =	simm.s32 $0x40;
	s9 =	simm.s32 $0x0  }
.LBB2_2:
0x1a: {  	p0 =	sne.s32 s8, $0x1380;
	[tilespmem:s9+$0x1200] =	vst v0;
	s9 =	smov.u32 s8;
	s8 =	sadd.s32 $0x40, s8  }
.Ltmp0:
0x1b: {  	(pc) =	sbr.rel @p0 .LBB2_2-.Ltmp0, $2  }
0x1c: {  	_ =	sdelay $0x2  }
0x1d: {  	s9 =	sshra.s32 s9, $0x2  }
0x1e: {  	[tilespmem:s9+$0x1200] =	vst v0  }
0x1f: {  	[spmem:s5] =	stream.linear.scatter [tilespmem:s23], [sflag:$0x5], $0x4F0, $0x38;
	[tilespmem:$0x3E70] =	vst v63  }
0x20: {  	_ =	swait.ge [sflag:s24], $0x4F0  }
0x21: {  	[sflag:s24] =	ssyncset.done $0x0  }
0x22: {  	s8 =	rddreg [dreg:$0x3];
	[sflag:s24] =	ssyncadd.s32 $0xFFFFFB10  }
0x23: {  	[spmem:s8] =	stream.linear.scatter [tilespmem:s23], [sflag:$0x5], $0x4F0, $0x38;
	[tilespmem:$0x3E70] =	vst v63  }
0x24: {  	_ =	swait.ge [sflag:s24], $0x4F0  }
0x25: {  	[sflag:s24] =	ssyncset.done $0x0  }
0x26: {  	s9 =	rddreg [dreg:$0x4];
	[sflag:s24] =	ssyncadd.s32 $0xFFFFFB10  }
0x27: {  	[spmem:s9] =	stream.linear.scatter [tilespmem:s23], [sflag:$0x5], $0x4F0, $0x38;
	[tilespmem:$0x3E70] =	vst v63  }
0x28: {  	_ =	swait.ge [sflag:s24], $0x4F0  }
0x29: {  	[sflag:s24] =	ssyncset.done $0x0  }
0x2a: {  	s10 =	rddreg [dreg:$0x5];
	[sflag:s24] =	ssyncadd.s32 $0xFFFFFB10  }
0x2b: {  	[spmem:s10] =	stream.linear.scatter [tilespmem:s23], [sflag:$0x5], $0x4F0, $0x38;
	[tilespmem:$0x3E70] =	vst v63  }
0x2c: {  	_ =	swait.ge [sflag:s24], $0x4F0  }
0x2d: {  	[sflag:s24] =	ssyncset.done $0x0  }
0x2e: {  	s9 =	rddreg [dreg:$0x6];
	[sflag:s24] =	ssyncadd.s32 $0xFFFFFB10  }
0x2f: {  	[spmem:s9] =	stream.linear.scatter [tilespmem:s23], [sflag:$0x5], $0x4F0, $0x38;
	[tilespmem:$0x3E70] =	vst v63  }
0x30: {  	_ =	swait.ge [sflag:s24], $0x4F0  }
0x31: {  	[sflag:s24] =	ssyncset.done $0x0  }
0x32: {  	s10 =	rddreg [dreg:$0x7];
	[sflag:s24] =	ssyncadd.s32 $0xFFFFFB10  }
0x33: {  	[spmem:s10] =	stream.linear.scatter [tilespmem:s23], [sflag:$0x5], $0x4F0, $0x38;
	[tilespmem:$0x3E70] =	vst v63  }
0x34: {  	_ =	swait.ge [sflag:s24], $0x4F0  }
0x35: {  	[sflag:s24] =	ssyncset.done $0x0  }
0x36: {  	[sflag:s24] =	ssyncadd.s32 $0xFFFFFB10  }
0x37: {  	[spmem:s11] =	stream.linear.scatter [tilespmem:s23], [sflag:$0x5], $0x4F0, $0x38;
	[tilespmem:$0x3E70] =	vst v63  }
0x38: {  	_ =	swait.ge [sflag:s24], $0x4F0  }
0x39: {  	[sflag:s24] =	ssyncset.done $0x0  }
0x3a: {  	[sflag:s24] =	ssyncadd.s32 $0xFFFFFB10  }
0x3b: {  	[spmem:s12] =	stream.linear.scatter [tilespmem:s23], [sflag:$0x5], $0x4F0, $0x38;
	[tilespmem:$0x3E70] =	vst v63  }
0x3c: {  	_ =	swait.ge [sflag:s24], $0x4F0  }
0x3d: {  	[sflag:s24] =	ssyncset.done $0x0  }
0x3e: {  	[sflag:s24] =	ssyncadd.s32 $0xFFFFFB10  }
0x3f: {  	s9 =	simm.s32 $0x0;
	[bflag:$0x0] =	sbarrier.arrive $0xFFFF  }
0x40: {  	[tilespmem:s9], [sflag:$0x3] =	stream.linear.gather [hbm4b:s13+s9], $0x80, $0x38;
	[tilespmem:$0x3E70] =	vst v63  }
0x41: {  	_ = 	snop  }
0x42: {  	[tilespmem:s25], [sflag:$0x3] =	stream.linear.gather [hbm4b:s14+s9], $0x80, $0x38;
	[tilespmem:$0x3E70] =	vst v63  }
0x43: {  	_ =	swait.ge [sflag:s26], $0x80  }
0x44: {  	[sflag:s26] =	ssyncset.done $0x0  }
0x45: {  	[sflag:s26] =	ssyncadd.s32 $0xFFFFFF80  }
0x46: {  	_ =	swait.ge [sflag:s26], $0x80  }
0x47: {  	[sflag:s26] =	ssyncset.done $0x0  }
0x48: {  	[sflag:s26] =	ssyncadd.s32 $0xFFFFFF80  }
0x49: {  	[tilespmem:s29], [sflag:$0x1] =	stream.indirect.gather [hbm4b:s4+s28], $0x10, s9, s28, $0xb8;
	[tilespmem:$0x3E70] =	vst v63  }
0x4a: {  	_ = 	snop  }
0x4b: {  	[tilespmem:s28], [sflag:$0x4] =	stream.linear.gather [hbm4b:s15+s9], $0x80, $0x38;
	[tilespmem:$0x3E70] =	vst v63  }
0x4c: {  	_ = 	snop  }
0x4d: {  	[tilespmem:s30], [sflag:$0x4] =	stream.linear.gather [hbm4b:s16+s9], $0x80, $0x38;
	[tilespmem:$0x3E70] =	vst v63  }
0x4e: {  	_ =	swait.ge [sflag:s31], $0x80  }
0x4f: {  	[sflag:s31] =	ssyncset.done $0x0  }
0x50: {  	[sflag:s31] =	ssyncadd.s32 $0xFFFFFF80  }
0x51: {  	_ =	swait.ge [sflag:s31], $0x80  }
0x52: {  	[sflag:s31] =	ssyncset.done $0x0  }
0x53: {  	[sflag:s31] =	ssyncadd.s32 $0xFFFFFF80  }
0x54: {  	[tilespmem:s0], [sflag:$0x2] =	stream.indirect.gather [hbm4b:s4+s28], $0x10, s28, s28, $0xb8;
	[tilespmem:$0x3E70] =	vst v63  }
0x55: {  	_ =	swait.ge [sflag:s1], $0x800  }
0x56: {  	[sflag:s1] =	ssyncset.done $0x0  }
0x57: {  	[sflag:s1] =	ssyncadd.s32 $0xFFFFF800  }
0x58: {  	[spmem:s2] =	stream.indirect.scatter.add.f32 [tilespmem:s29], [sflag:$0x5], $0x10, s25, s28, $0xb8;
	[tilespmem:$0x3E70] =	vst v63  }
0x59: {  	_ =	swait.ge [sflag:s24], $0x800  }
0x5a: {  	[sflag:s24] =	ssyncset.done $0x0  }
0x5b: {  	s10 =	sadd.s32 $0x0, s22;
	[sflag:s24] =	ssyncadd.s32 $0xFFFFF800  }
0x5c: {  	[tilespmem:s3], [sflag:$0x3] =	stream.linear.gather [hbm4b:s10+s3], $0x80, $0x38;
	[tilespmem:$0x3E70] =	vst v63  }
0x5d: {  	s9 =	sadd.s32 $0x0, s21  }
0x5e: {  	[tilespmem:s25], [sflag:$0x3] =	stream.linear.gather [hbm4b:s9+s3], $0x80, $0x38;
	[tilespmem:$0x3E70] =	vst v63  }
0x5f: {  	_ =	swait.ge [sflag:s26], $0x80  }
0x60: {  	[sflag:s26] =	ssyncset.done $0x0  }
0x61: {  	[sflag:s26] =	ssyncadd.s32 $0xFFFFFF80  }
0x62: {  	_ =	swait.ge [sflag:s26], $0x80  }
0x63: {  	[sflag:s26] =	ssyncset.done $0x0  }
0x64: {  	[sflag:s26] =	ssyncadd.s32 $0xFFFFFF80  }
0x65: {  	[tilespmem:s29], [sflag:$0x1] =	stream.indirect.gather [hbm4b:s4+s28], $0x10, s3, s28, $0xb8;
	[tilespmem:$0x3E70] =	vst v63  }
0x66: {  	_ =	swait.ge [sflag:s6], $0x800  }
0x67: {  	[sflag:s6] =	ssyncset.done $0x0  }
0x68: {  	[sflag:s6] =	ssyncadd.s32 $0xFFFFF800  }
0x69: {  	[spmem:s2] =	stream.indirect.scatter.add.f32 [tilespmem:s0], [sflag:$0x5], $0x10, s30, s28, $0xb8;
	[tilespmem:$0x3E70] =	vst v63  }
0x6a: {  	_ =	swait.ge [sflag:s24], $0x800  }
0x6b: {  	s8 =	simm.s32 $0x20;
	[sflag:s24] =	ssyncset.done $0x0  }
0x6c: {  	s10 =	sadd.s32 $0x0, s20;
	s9 =	sadd.s32 $0x0, s19;
	[sflag:s24] =	ssyncadd.s32 $0xFFFFF800  }
0x6d: {  	[tilespmem:s28], [sflag:$0x4] =	stream.linear.gather [hbm4b:s10+s3], $0x80, $0x38;
	[tilespmem:$0x3E70] =	vst v63  }
.LBB2_4:
0x6e: {  	[tilespmem:s30], [sflag:$0x4] =	stream.linear.gather [hbm4b:s9+s3], $0x80, $0x38;
	[tilespmem:$0x3E70] =	vst v63  }
0x6f: {  	s9 =	smov.u32 s8  }
0x70: {  	p0 =	sne.s32 s8, $0x4C0;
	s8 =	sadd.s32 $0x20, s8;
	_ =	swait.ge [sflag:s31], $0x80  }
0x71: {  	[sflag:s31] =	ssyncset.done $0x0  }
0x72: {  	[sflag:s31] =	ssyncadd.s32 $0xFFFFFF80  }
0x73: {  	_ =	swait.ge [sflag:s31], $0x80  }
0x74: {  	[sflag:s31] =	ssyncset.done $0x0  }
0x75: {  	[sflag:s31] =	ssyncadd.s32 $0xFFFFFF80  }
0x76: {  	[tilespmem:s0], [sflag:$0x2] =	stream.indirect.gather [hbm4b:s4+s28], $0x10, s28, s28, $0xb8;
	[tilespmem:$0x3E70] =	vst v63  }
0x77: {  	_ =	swait.ge [sflag:s1], $0x800  }
0x78: {  	[sflag:s1] =	ssyncset.done $0x0  }
0x79: {  	[sflag:s1] =	ssyncadd.s32 $0xFFFFF800  }
0x7a: {  	[spmem:s2] =	stream.indirect.scatter.add.f32 [tilespmem:s29], [sflag:$0x5], $0x10, s25, s28, $0xb8;
	[tilespmem:$0x3E70] =	vst v63  }
0x7b: {  	_ =	swait.ge [sflag:s24], $0x800  }
0x7c: {  	[sflag:s24] =	ssyncset.done $0x0  }
0x7d: {  	s10 =	sadd.s32 s9, s22;
	[sflag:s24] =	ssyncadd.s32 $0xFFFFF800  }
0x7e: {  	[tilespmem:s3], [sflag:$0x3] =	stream.linear.gather [hbm4b:s10+s3], $0x80, $0x38;
	[tilespmem:$0x3E70] =	vst v63  }
0x7f: {  	s10 =	sadd.s32 s9, s21  }
0x80: {  	[tilespmem:s25], [sflag:$0x3] =	stream.linear.gather [hbm4b:s10+s3], $0x80, $0x38;
	[tilespmem:$0x3E70] =	vst v63  }
0x81: {  	_ =	swait.ge [sflag:s26], $0x80  }
0x82: {  	[sflag:s26] =	ssyncset.done $0x0  }
0x83: {  	[sflag:s26] =	ssyncadd.s32 $0xFFFFFF80  }
0x84: {  	_ =	swait.ge [sflag:s26], $0x80  }
0x85: {  	[sflag:s26] =	ssyncset.done $0x0  }
0x86: {  	[sflag:s26] =	ssyncadd.s32 $0xFFFFFF80  }
0x87: {  	[tilespmem:s29], [sflag:$0x1] =	stream.indirect.gather [hbm4b:s4+s28], $0x10, s3, s28, $0xb8;
	[tilespmem:$0x3E70] =	vst v63  }
0x88: {  	_ =	swait.ge [sflag:s6], $0x800  }
0x89: {  	[sflag:s6] =	ssyncset.done $0x0  }
0x8a: {  	[sflag:s6] =	ssyncadd.s32 $0xFFFFF800  }
0x8b: {  	[spmem:s2] =	stream.indirect.scatter.add.f32 [tilespmem:s0], [sflag:$0x5], $0x10, s30, s28, $0xb8;
	[tilespmem:$0x3E70] =	vst v63  }
.Ltmp1:
0x8c: {  	_ =	swait.ge [sflag:s24], $0x800;
	(pc) =	sbr.rel @p0 .LBB2_4-.Ltmp1, $4  }
0x8d: {  	[sflag:s24] =	ssyncset.done $0x0  }
0x8e: {  	s10 =	sadd.s32 s9, s20;
	[sflag:s24] =	ssyncadd.s32 $0xFFFFF800  }
0x8f: {  	[tilespmem:s28], [sflag:$0x4] =	stream.linear.gather [hbm4b:s10+s3], $0x80, $0x38;
	[tilespmem:$0x3E70] =	vst v63  }
0x90: {  	s9 =	sadd.s32 s9, s19  }
0x91: {  	[tilespmem:s30], [sflag:$0x4] =	stream.linear.gather [hbm4b:s9+s3], $0x80, $0x38;
	[tilespmem:$0x3E70] =	vst v63  }
0x92: {  	_ =	swait.ge [sflag:s31], $0x80  }
0x93: {  	[sflag:s31] =	ssyncset.done $0x0  }
0x94: {  	[sflag:s31] =	ssyncadd.s32 $0xFFFFFF80  }
0x95: {  	_ =	swait.ge [sflag:s31], $0x80  }
0x96: {  	[sflag:s31] =	ssyncset.done $0x0  }
0x97: {  	[sflag:s31] =	ssyncadd.s32 $0xFFFFFF80  }
0x98: {  	[tilespmem:s0], [sflag:$0x2] =	stream.indirect.gather [hbm4b:s4+s28], $0x10, s28, s28, $0xb8;
	[tilespmem:$0x3E70] =	vst v63  }
0x99: {  	_ =	swait.ge [sflag:s1], $0x800  }
0x9a: {  	[sflag:s1] =	ssyncset.done $0x0  }
0x9b: {  	[sflag:s1] =	ssyncadd.s32 $0xFFFFF800  }
0x9c: {  	[spmem:s2] =	stream.indirect.scatter.add.f32 [tilespmem:s29], [sflag:$0x5], $0x10, s25, s28, $0xb8;
	[tilespmem:$0x3E70] =	vst v63  }
0x9d: {  	_ =	swait.ge [sflag:s24], $0x800  }
0x9e: {  	[sflag:s24] =	ssyncset.done $0x0  }
0x9f: {  	[sflag:s24] =	ssyncadd.s32 $0xFFFFF800  }
0xa0: {  	[tilespmem:s3], [sflag:$0x3] =	stream.linear.gather [hbm4b:s13+s3], $0x80, $0x38;
	[tilespmem:$0x3E70] =	vst v63  }
0xa1: {  	_ = 	snop  }
0xa2: {  	[tilespmem:s25], [sflag:$0x3] =	stream.linear.gather [hbm4b:s14+s3], $0x80, $0x38;
	[tilespmem:$0x3E70] =	vst v63  }
0xa3: {  	_ =	swait.ge [sflag:s26], $0x80  }
0xa4: {  	[sflag:s26] =	ssyncset.done $0x0  }
0xa5: {  	[sflag:s26] =	ssyncadd.s32 $0xFFFFFF80  }
0xa6: {  	_ =	swait.ge [sflag:s26], $0x80  }
0xa7: {  	[sflag:s26] =	ssyncset.done $0x0  }
0xa8: {  	[sflag:s26] =	ssyncadd.s32 $0xFFFFFF80  }
0xa9: {  	[tilespmem:s29], [sflag:$0x1] =	stream.indirect.gather [hbm4b:s4+s28], $0x10, s3, s28, $0xb8;
	[tilespmem:$0x3E70] =	vst v63  }
0xaa: {  	_ =	swait.ge [sflag:s6], $0x800  }
0xab: {  	[sflag:s6] =	ssyncset.done $0x0  }
0xac: {  	[sflag:s6] =	ssyncadd.s32 $0xFFFFF800  }
0xad: {  	[spmem:s2] =	stream.indirect.scatter.add.f32 [tilespmem:s0], [sflag:$0x5], $0x10, s30, s28, $0xb8;
	[tilespmem:$0x3E70] =	vst v63  }
0xae: {  	_ =	swait.ge [sflag:s24], $0x800  }
0xaf: {  	[sflag:s24] =	ssyncset.done $0x0  }
0xb0: {  	[sflag:s24] =	ssyncadd.s32 $0xFFFFF800  }
0xb1: {  	[tilespmem:s28], [sflag:$0x4] =	stream.linear.gather [hbm4b:s15+s3], $0x80, $0x38;
	[tilespmem:$0x3E70] =	vst v63  }
0xb2: {  	_ = 	snop  }
0xb3: {  	[tilespmem:s30], [sflag:$0x4] =	stream.linear.gather [hbm4b:s16+s3], $0x80, $0x38;
	[tilespmem:$0x3E70] =	vst v63  }
0xb4: {  	_ =	swait.ge [sflag:s1], $0x800  }
0xb5: {  	[sflag:s1] =	ssyncset.done $0x0  }
0xb6: {  	[sflag:s1] =	ssyncadd.s32 $0xFFFFF800  }
0xb7: {  	_ =	swait.ge [sflag:s31], $0x80  }
0xb8: {  	[sflag:s31] =	ssyncset.done $0x0  }
0xb9: {  	[sflag:s31] =	ssyncadd.s32 $0xFFFFFF80  }
0xba: {  	s8 =	stileid.u32;
	_ =	swait.ge [sflag:s31], $0x80  }
0xbb: {  	s10 =	sshrl.u32 s5, $0x3;
	s7 =	sadd.s32 $0x1, s7;
	[sflag:s31] =	ssyncset.done $0x0  }
0xbc: {  	s8 =	sshll.u32 s8, $0x6;
	p0 =	sne.s32 s7, s18;
	[sflag:s31] =	ssyncadd.s32 $0xFFFFFF80  }
.Ltmp2:
0xbd: {  	s8 =	sor.u32 $0x1C05, s8;
	[bflag:$0x0] =	sbarrier.arrive $0xFFFF;
	(pc) =	sbr.rel @p0 .LBB2_1-.Ltmp2, $4  }
0xbe: {  	[hbm:s17], [sflag:s8] =	dma.local [spmem:s10], $0x4F0  }
0xbf: {  	_ =	swait.ge [sflag:s24], $0x4F0  }
0xc0: {  	[sflag:s24] =	ssyncset.done $0x0  }
0xc1: {  	[sflag:s24] =	ssyncadd.s32 $0xFFFFFB10  }
0xc2: {  	_ =	sfence.sel $0x180000  }
0xc3: {  	[bflag:$0x0] =	sbarrier.arrive $0xFFFF  }
0xc4: {  	_ =	strace $0x9000004D  }
0xc5: {  	s0 =	stileid.u32;
	[bflag:$0x2] =	sbarrier.arrive $0xFFFF  }
0xc6: {  	p0 =	sne.s32 s0, $0x0;
	s0 =	rddreg [dreg:$0x2]  }
0xc7: {  	s0 =	sadd.s32 @!p0 $0x100000, s0  }
0xc8: {  	[sflag:s0] =	ssyncadd.tile.s32 @!p0 $0x1;
	_ =	shalt  }
.Lfunc_end2:
_tile_overlayer_lowered:
.L_overlay_start_2:
0xc9: {  	(tag) =	ssettag $0x2  }
0xca: {  	s0 =	rddreg [dreg:$0x0];
	s2 =	stileid.u32  }
0xcb: {  	s1 =	rddreg [dreg:$0x1];
	p0 =	sne.s32 s2, $0x0  }
0xcc: {  	s3 =	rddreg [dreg:$0x2];
	[bflag:$0x3] =	sbarrier.arrive $0xFFFF;
	s2 =	simm.s32 @!p0 $0x1C05  }
0xcd: {  	[timem:s3], [sflag:s2] =	dma.local @!p0 [hbm:s0], s1  }
0xce: {  	s0 =	simm.s32 @!p0 $0x5  }
0xcf: {  	_ =	swait.ge @!p0 [sflag:s0], s1  }
0xd0: {  	s1 =	ssub.s32 @!p0 $0x0, s1;
	[sflag:s0] =	ssyncset.done @!p0 $0x0  }
0xd1: {  	[sflag:s0] =	ssyncadd.s32 @!p0 s1  }
0xd2: {  	[bflag:$0x3] =	sbarrier.arrive $0xFFFF  }
0xd3: {  	_ =	shalt  }

// kernel: kernel.22.cloned.1.call-start
scs
__scs_entry_jumppad:
0x0: {  	(pc) =	sbr.rel $0x88, $3  }
0x1: {  	(tag) =	ssettag $0x0;
	lr =	simm.s32 $0x1  }
0x2: {  	[smem:$0x3F74] =	sst lr;
	_ =	strace $0xD0000000  }
0x3: {  	_ = 	snop  }
0x4: {  	_ = 	snop  }
0x5: {  	_ = 	snop  }
0x6: {  	_ = 	snop  }
0x7: {  	_ = 	snop  }
__scs_overlays_trampoline_lowered:
0x8: {  	[smem:$0x3F83] =	sst s0  }
0x9: {  	[smem:$0x3F84] =	sst s1  }
0xa: {  	[smem:$0x3F85] =	sst s2  }
0xb: {  	[smem:$0x3F86] =	sst s3  }
0xc: {  	[smem:$0x3F87] =	sst s4  }
0xd: {  	[smem:$0x3F88] =	sst s5  }
0xe: {  	[smem:$0x3F89] =	sst s6  }
0xf: {  	[smem:$0x3F8A] =	sst s7  }
0x10: {  	[smem:$0x3F8B] =	sst s8  }
0x11: {  	[smem:$0x3F8C] =	sst s9;
	s0 =	simm.s32 @!p0 $0x0  }
0x12: {  	s1 =	sld [smem:$0x3F72];
	s0 =	simm.s32 @p0 $0x1  }
0x13: {  	[smem:$0x3F8D] =	sst s0;
	s0 =	simm.s32 @!p1 $0x0  }
0x14: {  	s2 =	sld [smem:$0x3F71];
	s0 =	simm.s32 @p1 $0x1  }
0x15: {  	[smem:$0x3F8E] =	sst s0;
	s0 =	simm.s32 @!p2 $0x0  }
0x16: {  	s3 =	sld [smem:$0x3FDB];
	s0 =	simm.s32 @p2 $0x1  }
0x17: {  	s4 =	simm.s32 $0x1BF5;
	[smem:$0x3F90] =	sst s0  }
0x18: {  	s0 =	sld [smem:$0x3F73];
	_ =	swait.ge [sflag:s4], $0x0  }
0x19: {  	s7 =	sld [smem:$0x3F74]  }
0x1a: {  	s8 =	sadd.s32 $0xFFFFE003, lr  }
0x1b: {  	s9 =	sadd.s32 $0xFFFFFEF7, lr;
	s5 =	simm.s32 $0xFFFFFFFF;
	p2 =	slt.u32 s8, $0xFFFFF086  }
0x1c: {  	p1 =	slt.u32 s9, $0xF7A;
	s5 =	simm.s32 @!p2 $0x0  }
0x1d: {  	s5 =	simm.s32 @p1 $0x1;
	p0 =	seq.s32 s7, s2  }
0x1e: {  	s7 =	smul.u32 @!p0 $0xF7A, s2;
	p2 =	seq.s32 @!p0 s5, $0x0  }
0x1f: {  	s9 =	smul.u32 $0xF7A, s1;
	s8 =	simm.s32 @!p0 $0x1BF5;
	p2 =	por !p2, p0  }
0x20: {  	[sflag:s8] =	ssyncset.s32 @!p0 $0xFFFFF086;
	s6 =	sadd.s32 @!p0 s3, s7;
	s7 =	simm.s32 @!p0 $0x108  }
0x21: {  	s3 =	sadd.s32 s3, s9;
	s6 =	sadd.s32 @!p0 $0x88, s6;
	s7 =	simm.s32 @p2 $0x1082  }
0x22: {  	[simem:s7], [sflag:s8] =	dma.local @!p0 [hbm:s6], $0xF7A  }
0x23: {  	s9 =	sor.u32 $0xD0000000, s2;
	s6 =	simm.s32 $0x108;
	_ =	swait.ge @!p0 [sflag:s8], $0x0  }
0x24: {  	s3 =	sadd.s32 $0x88, s3;
	s6 =	simm.s32 @!p1 $0x1082;
	[sflag:s4] =	ssyncset.s32 $0xFFFFF086  }
0x25: {  	[simem:s6], [sflag:s4] =	dma.local [hbm:s3], $0xF7A  }
0x26: {  	[smem:$0x3F74] =	sst s1;
	(tag) =	ssettag s2;
	_ =	strace s9  }
0x27: {  	s1 =	sld [smem:$0x3F84]  }
0x28: {  	s2 =	sld [smem:$0x3F85]  }
0x29: {  	s4 =	sld [smem:$0x3F87]  }
0x2a: {  	p0 =	seq.s32 s5, $0x0;
	s5 =	sld [smem:$0x3F88]  }
0x2b: {  	s6 =	sld [smem:$0x3F89]  }
0x2c: {  	s7 =	sld [smem:$0x3F8A]  }
0x2d: {  	s3 =	simm.s32 $0x108;
	s8 =	sld [smem:$0x3F8B]  }
0x2e: {  	s3 =	simm.s32 @!p0 $0x1082;
	s9 =	sld [smem:$0x3F8C]  }
0x2f: {  	lr =	sadd.s32 s0, s3;
	s0 =	sld [smem:$0x3F83]  }
0x30: {  	s3 =	sld [smem:$0x3F86]  }
0x31: {  	[smem:$0x3F8F] =	sst s10  }
0x32: {  	s10 =	sld [smem:$0x3F8D];
	_ =	sdelay $0x3  }
0x33: {  	p0 =	seq.s32 s10, $0x1;
	s10 =	sld [smem:$0x3F8F];
	_ =	sdelay $0x3  }
0x34: {  	[smem:$0x3F8F] =	sst s10  }
0x35: {  	s10 =	sld [smem:$0x3F8E];
	_ =	sdelay $0x3  }
0x36: {  	p1 =	seq.s32 s10, $0x1;
	s10 =	sld [smem:$0x3F8F];
	_ =	sdelay $0x3  }
0x37: {  	[smem:$0x3F8F] =	sst s10  }
0x38: {  	s10 =	sld [smem:$0x3F90]  }
0x39: {  	_ = 	snop;
	(pc) =	sbr.ind lr, $3  }
0x3a: {  	_ = 	snop  }
0x3b: {  	_ = 	snop  }
0x3c: {  	p2 =	seq.s32 s10, $0x1;
	s10 =	sld [smem:$0x3F8F]  }
0x3d: {  	_ =	shalt  }
0x3e: {  	_ =	shalt  }
0x3f: {  	_ =	shalt  }
0x40: {  	_ =	shalt  }
0x41: {  	_ =	shalt  }
0x42: {  	_ =	shalt  }
0x43: {  	_ =	shalt  }
0x44: {  	_ =	shalt  }
0x45: {  	_ =	shalt  }
0x46: {  	_ =	shalt  }
0x47: {  	_ =	shalt  }
0x48: {  	_ =	shalt  }
0x49: {  	_ =	shalt  }
0x4a: {  	_ =	shalt  }
0x4b: {  	_ =	shalt  }
0x4c: {  	_ =	shalt  }
0x4d: {  	_ =	shalt  }
0x4e: {  	_ =	shalt  }
0x4f: {  	_ =	shalt  }
0x50: {  	_ =	shalt  }
0x51: {  	_ =	shalt  }
0x52: {  	_ =	shalt  }
0x53: {  	_ =	shalt  }
0x54: {  	_ =	shalt  }
0x55: {  	_ =	shalt  }
0x56: {  	_ =	shalt  }
0x57: {  	_ =	shalt  }
0x58: {  	_ =	shalt  }
0x59: {  	_ =	shalt  }
0x5a: {  	_ =	shalt  }
0x5b: {  	_ =	shalt  }
0x5c: {  	_ =	shalt  }
0x5d: {  	_ =	shalt  }
0x5e: {  	_ =	shalt  }
0x5f: {  	_ =	shalt  }
0x60: {  	_ =	shalt  }
0x61: {  	_ =	shalt  }
0x62: {  	_ =	shalt  }
0x63: {  	_ =	shalt  }
0x64: {  	_ =	shalt  }
0x65: {  	_ =	shalt  }
0x66: {  	_ =	shalt  }
0x67: {  	_ =	shalt  }
0x68: {  	_ =	shalt  }
0x69: {  	_ =	shalt  }
0x6a: {  	_ =	shalt  }
0x6b: {  	_ =	shalt  }
0x6c: {  	_ =	shalt  }
0x6d: {  	_ =	shalt  }
0x6e: {  	_ =	shalt  }
0x6f: {  	_ =	shalt  }
0x70: {  	_ =	shalt  }
0x71: {  	_ =	shalt  }
0x72: {  	_ =	shalt  }
0x73: {  	_ =	shalt  }
0x74: {  	_ =	shalt  }
0x75: {  	_ =	shalt  }
0x76: {  	_ =	shalt  }
0x77: {  	_ =	shalt  }
0x78: {  	_ =	shalt  }
0x79: {  	_ =	shalt  }
0x7a: {  	_ =	shalt  }
0x7b: {  	_ =	shalt  }
0x7c: {  	_ =	shalt  }
0x7d: {  	_ =	shalt  }
0x7e: {  	_ =	shalt  }
0x7f: {  	_ =	shalt  }
0x80: {  	_ =	shalt  }
0x81: {  	_ =	shalt  }
0x82: {  	_ =	shalt  }
0x83: {  	_ =	shalt  }
0x84: {  	_ =	shalt  }
0x85: {  	_ =	shalt  }
0x86: {  	_ =	shalt  }
0x87: {  	_ =	shalt  }
.Lfunc_end0:
.L_simem_size_0:
called_computation.3_lowered:
.L_overlay_start_0:
0x88: {  	s2 =	sld [smem:$0x3FD9]  }
0x89: {  	s3 =	sld [smem:$0x3FFE];
	_ =	sdelay $0x1  }
0x8a: {  	s1 =	srdreg.scid  }
0x8b: {  	s0 =	sand.u32 $0x1, s1  }
0x8c: {  	s16 =	sshll.u32 s0, $0xA;
	s2 =	sadd.s32 s3, s2  }
0x8d: {  	s2 =	sadd.s32 s2, s16  }
0x8e: {  	[smem:$0x3F9B] =	sst s2  }
0x8f: {  	_ = 	snop  }
0x90: {  	(tm) =	ssettm $0x1  }
0x91: {  	s17 =	sld [smem:$0x3FFB];
	_ =	sdelay $0x3  }
0x92: {  	_ =	strace s17  }
0x93: {  	s2 =	sld [smem:$0x3FFC];
	_ =	sdelay $0x3  }
0x94: {  	_ =	strace s2  }
0x95: {  	s2 =	sld [smem:$0x3FFD];
	_ =	sdelay $0x3  }
0x96: {  	_ =	strace s2  }
0x97: {  	_ =	strace $0x8FFFFFFF  }
0x98: {  	s18 =	sld [smem:$0x3FDB];
	_ =	sdelay $0x1  }
0x99: {  	s19 =	simm.s32 $_scs_section_size  }
0x9a: {  	s4 =	simm.s32 $_size__tile_overlayer_lowered;
	s5 =	simm.s32 $_tile_overlayer_lowered  }
0x9b: {  	s22 =	simm.s32 $0x1BFF;
	s21 =	sshll.u32 s5, $0x1;
	s2 =	sadd.s32 s19, s18  }
0x9c: {  	s6 =	simm.s32 $0x0;
	s20 =	sshll.u32 s4, $0x1;
	s4 =	sadd.s32 s21, s2  }
0x9d: {  	[timem:s6], [sflag:s22] =	dma.local [hbm:s4], s20  }
0x9e: {  	_ =	swait.ge [sflag:s22], s20  }
0x9f: {  	s3 =	ssub.s32 $0x0, s20;
	[sflag:s22] =	ssyncset.done $0x0  }
0xa0: {  	[sflag:s22] =	ssyncadd.s32 s3;
	_ =	sdelay $0x1  }
0xa1: {  	s23 =	simm.s32 $0x1B8B  }
0xa2: {  	_ =	swait.ge [sflag:s23], $0x1  }
0xa3: {  	[sflag:s23] =	ssyncset.done $0x0  }
0xa4: {  	s25 =	simm.s32 $0x1B8E;
	s24 =	sld [smem:$0x3FFE];
	[sflag:s23] =	ssyncadd.s32 $0xFFFFFFFF  }
0xa5: {  	s26 =	simm.s32 $execute0_lowered;
	[smem:$0x3FD2] =	sst s25  }
0xa6: {  	s4 =	sshll.u32 s26, $0x1;
	_ =	strace $0x8000004F;
	[dreg:$0x1] =	wrdreg $0xFFFFFFFF  }
0xa7: {  	s28 =	simm.s32 $_size_execute0_lowered;
	s2 =	sadd.s32 s2, s4;
	[dreg:$0x0] =	wrdreg $0x0  }
0xa8: {  	s4 =	sshll.u32 s28, $0x1;
	[dreg:$0x2] =	wrdreg s2  }
0xa9: {  	[dreg:$0x3] =	wrdreg s4  }
0xaa: {  	[dreg:$0x4] =	wrdreg $0xC0  }
0xab: {  	_ =	task [dreg:s6], $0x5FFFF  }
0xac: {  	[dreg:$0x1] =	wrdreg $0xFFFFFFFF  }
0xad: {  	[dreg:$0x0] =	wrdreg $0x60  }
0xae: {  	[dreg:$0x2] =	wrdreg s24  }
0xaf: {  	[dreg:$0x3] =	wrdreg $0x16F00  }
0xb0: {  	[dreg:$0x4] =	wrdreg $0x9  }
0xb1: {  	_ =	task.clear_ibuf [dreg:s6], $0x5FFFF;
	_ =	strace $0x9000004F  }
0xb2: {  	s29 =	simm.s32 $0x9;
	_ =	strace $0x80000051  }
0xb3: {  	_ =	swait.ge [sflag:s29], $0x1  }
0xb4: {  	[sflag:s29] =	ssyncadd.s32 $0xFFFFFFFF  }
0xb5: {  	_ =	strace $0x90000051  }
0xb6: {  	_ =	sfence  }
0xb7: {  	s30 =	sld [smem:$0x0];
	_ =	sdelay $0x2  }
0xb8: {  	s31 =	sshll.u32 s1, $0xD;
	s1 =	sshrl.u32 s1, $0x2  }
0xb9: {  	s3 =	sand.u32 $0x4000, s31;
	s1 =	sadd.s32 s1, s30  }
0xba: {  	s0 =	sor.u32 s3, s0;
	s1 =	sshll.u32 s1, $0x11  }
0xbb: {  	s0 =	sor.u32 s1, s0  }
0xbc: {  	s0 =	sadd.s32 $0x8F2B, s0  }
0xbd: {  	[sflag:s0] =	ssyncadd.remote.s32 $0x1  }
0xbe: {  	_ =	sfence.sel $0xFFFF  }
0xbf: {  	[dreg:$0x0] =	wrdreg $0xFFFFFFFF;
	(pc) =	sbr.abs _section_cstart, $3  }
0xc0: {  	[dreg:$0x1] =	wrdreg $0xFFFFFFFF  }
0xc1: {  	_ =	task.clear_ibuf [dreg:s6], $0x2FFFF;
	_ =	strace $0x9FFFFFFF  }
0xc2: {  	(tm) =	ssettm $0x7FFFFFFF  }
0xc3: {  	_ =	shalt  }
tec
execute0_lowered:
.L_overlay_start_1:
0x0: {  	(tag) =	ssettag $0x1  }
0x1: {  	s0 =	rddreg [dreg:$0x0]  }
0x2: {  	s2 =	rddreg [dreg:$0x1];
	s1 =	srdreg.scid  }
0x3: {  	s10 =	stileid.u32;
	s3 =	simm.s32 $0x0;
	s28 =	simm.s32 $0x80  }
0x4: {  	s29 =	simm.s32 $0x200;
	s30 =	simm.s32 $0x180;
	s5 =	smul.u32 $0x2780, s10  }
0x5: {  	s31 =	simm.s32 $0x4;
	s1 =	sand.u32 $0x1, s1;
	s9 =	smul.u32 $0x9E00, s10  }
0x6: {  	[smem:$0x7FF] =	sst s3;
	s4 =	sadd.s32 $0x7400, s0;
	s15 =	smul.u32 $0x2800, s10  }
0x7: {  	s7 =	sadd.s32 $0x16400, s0;
	s21 =	sadd.s32 $0xC400, s0;
	s6 =	smul.u32 $0x27800, s1  }
0x8: {  	_ =	strace $0x80000050;
	s8 =	ssub.s32 $0x2, s1;
	s19 =	sshll.u32 s1, $0x4  }
0x9: {  	s1 =	smul.u32 $0x28000, s1;
	s18 =	sshrl.u32 s8, $0x1;
	s9 =	sshrl.u32 s9, $0x2  }
0xa: {  	s6 =	sadd.s32 s5, s6;
	s5 =	sadd.s32 s5, s2;
	s9 =	sadd.s32 s9, s2  }
0xb: {  	s1 =	sadd.s32 s15, s1;
	s6 =	sshrl.u32 s6, $0x3;
	s11 =	sadd.s32 $0x4F0, s9  }
0xc: {  	s20 =	sadd.s32 $0x9E0, s9;
	s22 =	sadd.s32 $0xED0, s9;
	[dreg:$0x3] =	wrdreg s11  }
0xd: {  	s23 =	sadd.s32 $0x13C0, s9;
	s24 =	sadd.s32 $0x18B0, s9;
	[dreg:$0x4] =	wrdreg s20  }
0xe: {  	s12 =	sadd.s32 $0x2290, s9;
	s25 =	sor.u32 $0x180, s1;
	[dreg:$0x5] =	wrdreg s22  }
0xf: {  	s1 =	sor.u32 $0x100, s1;
	s0 =	sadd.s32 s6, s0;
	[dreg:$0x6] =	wrdreg s23  }
0x10: {  	s6 =	ssub.s32 s8, s18;
	s8 =	sor.u32 s10, s19;
	[dreg:$0x7] =	wrdreg s24  }
0x11: {  	s11 =	sadd.s32 $0x1DA0, s9;
	s26 =	sshrl.u32 s25, $0x3;
	s1 =	sshrl.u32 s1, $0x3  }
0x12: {  	s23 =	simm.s32 $0x1200;
	s24 =	simm.s32 $0x5;
	s25 =	simm.s32 $0x100  }
0x13: {  	s8 =	smul.u32 $0x2800, s8;
	s17 =	sadd.s32 $0x20400, s0;
	s18 =	smax.u32 s6, $0x1  }
0x14: {  	s19 =	sadd.s32 s26, s21;
	s20 =	sadd.s32 s26, s7;
	s22 =	sadd.s32 s1, s7  }
0x15: {  	s26 =	simm.s32 $0x3;
	s0 =	simm.s32 $0xA00;
	s8 =	sshrl.u32 s8, $0x3  }
0x16: {  	s13 =	sadd.s32 s7, s8;
	s14 =	sadd.s32 s21, s8;
	s8 =	sor.u32 $0x10, s8  }
0x17: {  	s6 =	simm.s32 $0x2;
	s15 =	sadd.s32 s7, s8;
	s16 =	sadd.s32 s21, s8  }
0x18: {  	v0 =	vimm.f32 $0.0e+00;
	s21 =	sadd.s32 s1, s21;
	s1 =	simm.s32 $0x1;
	s7 =	simm.s32 $0x0  }
.LBB2_1:
0x19: {  	s8 =	simm.s32 $0x40;
	s9 =	simm.s32 $0x0  }
.LBB2_2:
0x1a: {  	p0 =	sne.s32 s8, $0x1380;
	[tilespmem:s9+$0x1200] =	vst v0;
	s9 =	smov.u32 s8;
	s8 =	sadd.s32 $0x40, s8  }
.Ltmp0:
0x1b: {  	(pc) =	sbr.rel @p0 .LBB2_2-.Ltmp0, $2  }
0x1c: {  	_ =	sdelay $0x2  }
0x1d: {  	s9 =	sshra.s32 s9, $0x2  }
0x1e: {  	[tilespmem:s9+$0x1200] =	vst v0  }
0x1f: {  	[spmem:s5] =	stream.linear.scatter [tilespmem:s23], [sflag:$0x5], $0x4F0, $0x38;
	[tilespmem:$0x3E70] =	vst v63  }
0x20: {  	_ =	swait.ge [sflag:s24], $0x4F0  }
0x21: {  	[sflag:s24] =	ssyncset.done $0x0  }
0x22: {  	s8 =	rddreg [dreg:$0x3];
	[sflag:s24] =	ssyncadd.s32 $0xFFFFFB10  }
0x23: {  	[spmem:s8] =	stream.linear.scatter [tilespmem:s23], [sflag:$0x5], $0x4F0, $0x38;
	[tilespmem:$0x3E70] =	vst v63  }
0x24: {  	_ =	swait.ge [sflag:s24], $0x4F0  }
0x25: {  	[sflag:s24] =	ssyncset.done $0x0  }
0x26: {  	s9 =	rddreg [dreg:$0x4];
	[sflag:s24] =	ssyncadd.s32 $0xFFFFFB10  }
0x27: {  	[spmem:s9] =	stream.linear.scatter [tilespmem:s23], [sflag:$0x5], $0x4F0, $0x38;
	[tilespmem:$0x3E70] =	vst v63  }
0x28: {  	_ =	swait.ge [sflag:s24], $0x4F0  }
0x29: {  	[sflag:s24] =	ssyncset.done $0x0  }
0x2a: {  	s10 =	rddreg [dreg:$0x5];
	[sflag:s24] =	ssyncadd.s32 $0xFFFFFB10  }
0x2b: {  	[spmem:s10] =	stream.linear.scatter [tilespmem:s23], [sflag:$0x5], $0x4F0, $0x38;
	[tilespmem:$0x3E70] =	vst v63  }
0x2c: {  	_ =	swait.ge [sflag:s24], $0x4F0  }
0x2d: {  	[sflag:s24] =	ssyncset.done $0x0  }
0x2e: {  	s9 =	rddreg [dreg:$0x6];
	[sflag:s24] =	ssyncadd.s32 $0xFFFFFB10  }
0x2f: {  	[spmem:s9] =	stream.linear.scatter [tilespmem:s23], [sflag:$0x5], $0x4F0, $0x38;
	[tilespmem:$0x3E70] =	vst v63  }
0x30: {  	_ =	swait.ge [sflag:s24], $0x4F0  }
0x31: {  	[sflag:s24] =	ssyncset.done $0x0  }
0x32: {  	s10 =	rddreg [dreg:$0x7];
	[sflag:s24] =	ssyncadd.s32 $0xFFFFFB10  }
0x33: {  	[spmem:s10] =	stream.linear.scatter [tilespmem:s23], [sflag:$0x5], $0x4F0, $0x38;
	[tilespmem:$0x3E70] =	vst v63  }
0x34: {  	_ =	swait.ge [sflag:s24], $0x4F0  }
0x35: {  	[sflag:s24] =	ssyncset.done $0x0  }
0x36: {  	[sflag:s24] =	ssyncadd.s32 $0xFFFFFB10  }
0x37: {  	[spmem:s11] =	stream.linear.scatter [tilespmem:s23], [sflag:$0x5], $0x4F0, $0x38;
	[tilespmem:$0x3E70] =	vst v63  }
0x38: {  	_ =	swait.ge [sflag:s24], $0x4F0  }
0x39: {  	[sflag:s24] =	ssyncset.done $0x0  }
0x3a: {  	[sflag:s24] =	ssyncadd.s32 $0xFFFFFB10  }
0x3b: {  	[spmem:s12] =	stream.linear.scatter [tilespmem:s23], [sflag:$0x5], $0x4F0, $0x38;
	[tilespmem:$0x3E70] =	vst v63  }
0x3c: {  	_ =	swait.ge [sflag:s24], $0x4F0  }
0x3d: {  	[sflag:s24] =	ssyncset.done $0x0  }
0x3e: {  	[sflag:s24] =	ssyncadd.s32 $0xFFFFFB10  }
0x3f: {  	s9 =	simm.s32 $0x0;
	[bflag:$0x0] =	sbarrier.arrive $0xFFFF  }
0x40: {  	[tilespmem:s9], [sflag:$0x3] =	stream.linear.gather [hbm4b:s13+s9], $0x80, $0x38;
	[tilespmem:$0x3E70] =	vst v63  }
0x41: {  	_ = 	snop  }
0x42: {  	[tilespmem:s25], [sflag:$0x3] =	stream.linear.gather [hbm4b:s14+s9], $0x80, $0x38;
	[tilespmem:$0x3E70] =	vst v63  }
0x43: {  	_ =	swait.ge [sflag:s26], $0x80  }
0x44: {  	[sflag:s26] =	ssyncset.done $0x0  }
0x45: {  	[sflag:s26] =	ssyncadd.s32 $0xFFFFFF80  }
0x46: {  	_ =	swait.ge [sflag:s26], $0x80  }
0x47: {  	[sflag:s26] =	ssyncset.done $0x0  }
0x48: {  	[sflag:s26] =	ssyncadd.s32 $0xFFFFFF80  }
0x49: {  	[tilespmem:s29], [sflag:$0x1] =	stream.indirect.gather [hbm4b:s4+s28], $0x10, s9, s28, $0xb8;
	[tilespmem:$0x3E70] =	vst v63  }
0x4a: {  	_ = 	snop  }
0x4b: {  	[tilespmem:s28], [sflag:$0x4] =	stream.linear.gather [hbm4b:s15+s9], $0x80, $0x38;
	[tilespmem:$0x3E70] =	vst v63  }
0x4c: {  	_ = 	snop  }
0x4d: {  	[tilespmem:s30], [sflag:$0x4] =	stream.linear.gather [hbm4b:s16+s9], $0x80, $0x38;
	[tilespmem:$0x3E70] =	vst v63  }
0x4e: {  	_ =	swait.ge [sflag:s31], $0x80  }
0x4f: {  	[sflag:s31] =	ssyncset.done $0x0  }
0x50: {  	[sflag:s31] =	ssyncadd.s32 $0xFFFFFF80  }
0x51: {  	_ =	swait.ge [sflag:s31], $0x80  }
0x52: {  	[sflag:s31] =	ssyncset.done $0x0  }
0x53: {  	[sflag:s31] =	ssyncadd.s32 $0xFFFFFF80  }
0x54: {  	[tilespmem:s0], [sflag:$0x2] =	stream.indirect.gather [hbm4b:s4+s28], $0x10, s28, s28, $0xb8;
	[tilespmem:$0x3E70] =	vst v63  }
0x55: {  	_ =	swait.ge [sflag:s1], $0x800  }
0x56: {  	[sflag:s1] =	ssyncset.done $0x0  }
0x57: {  	[sflag:s1] =	ssyncadd.s32 $0xFFFFF800  }
0x58: {  	[spmem:s2] =	stream.indirect.scatter.add.f32 [tilespmem:s29], [sflag:$0x5], $0x10, s25, s28, $0xb8;
	[tilespmem:$0x3E70] =	vst v63  }
0x59: {  	_ =	swait.ge [sflag:s24], $0x800  }
0x5a: {  	[sflag:s24] =	ssyncset.done $0x0  }
0x5b: {  	s10 =	sadd.s32 $0x0, s22;
	[sflag:s24] =	ssyncadd.s32 $0xFFFFF800  }
0x5c: {  	[tilespmem:s3], [sflag:$0x3] =	stream.linear.gather [hbm4b:s10+s3], $0x80, $0x38;
	[tilespmem:$0x3E70] =	vst v63  }
0x5d: {  	s9 =	sadd.s32 $0x0, s21  }
0x5e: {  	[tilespmem:s25], [sflag:$0x3] =	stream.linear.gather [hbm4b:s9+s3], $0x80, $0x38;
	[tilespmem:$0x3E70] =	vst v63  }
0x5f: {  	_ =	swait.ge [sflag:s26], $0x80  }
0x60: {  	[sflag:s26] =	ssyncset.done $0x0  }
0x61: {  	[sflag:s26] =	ssyncadd.s32 $0xFFFFFF80  }
0x62: {  	_ =	swait.ge [sflag:s26], $0x80  }
0x63: {  	[sflag:s26] =	ssyncset.done $0x0  }
0x64: {  	[sflag:s26] =	ssyncadd.s32 $0xFFFFFF80  }
0x65: {  	[tilespmem:s29], [sflag:$0x1] =	stream.indirect.gather [hbm4b:s4+s28], $0x10, s3, s28, $0xb8;
	[tilespmem:$0x3E70] =	vst v63  }
0x66: {  	_ =	swait.ge [sflag:s6], $0x800  }
0x67: {  	[sflag:s6] =	ssyncset.done $0x0  }
0x68: {  	[sflag:s6] =	ssyncadd.s32 $0xFFFFF800  }
0x69: {  	[spmem:s2] =	stream.indirect.scatter.add.f32 [tilespmem:s0], [sflag:$0x5], $0x10, s30, s28, $0xb8;
	[tilespmem:$0x3E70] =	vst v63  }
0x6a: {  	_ =	swait.ge [sflag:s24], $0x800  }
0x6b: {  	s8 =	simm.s32 $0x20;
	[sflag:s24] =	ssyncset.done $0x0  }
0x6c: {  	s10 =	sadd.s32 $0x0, s20;
	s9 =	sadd.s32 $0x0, s19;
	[sflag:s24] =	ssyncadd.s32 $0xFFFFF800  }
0x6d: {  	[tilespmem:s28], [sflag:$0x4] =	stream.linear.gather [hbm4b:s10+s3], $0x80, $0x38;
	[tilespmem:$0x3E70] =	vst v63  }
.LBB2_4:
0x6e: {  	[tilespmem:s30], [sflag:$0x4] =	stream.linear.gather [hbm4b:s9+s3], $0x80, $0x38;
	[tilespmem:$0x3E70] =	vst v63  }
0x6f: {  	s9 =	smov.u32 s8  }
0x70: {  	p0 =	sne.s32 s8, $0x4C0;
	s8 =	sadd.s32 $0x20, s8;
	_ =	swait.ge [sflag:s31], $0x80  }
0x71: {  	[sflag:s31] =	ssyncset.done $0x0  }
0x72: {  	[sflag:s31] =	ssyncadd.s32 $0xFFFFFF80  }
0x73: {  	_ =	swait.ge [sflag:s31], $0x80  }
0x74: {  	[sflag:s31] =	ssyncset.done $0x0  }
0x75: {  	[sflag:s31] =	ssyncadd.s32 $0xFFFFFF80  }
0x76: {  	[tilespmem:s0], [sflag:$0x2] =	stream.indirect.gather [hbm4b:s4+s28], $0x10, s28, s28, $0xb8;
	[tilespmem:$0x3E70] =	vst v63  }
0x77: {  	_ =	swait.ge [sflag:s1], $0x800  }
0x78: {  	[sflag:s1] =	ssyncset.done $0x0  }
0x79: {  	[sflag:s1] =	ssyncadd.s32 $0xFFFFF800  }
0x7a: {  	[spmem:s2] =	stream.indirect.scatter.add.f32 [tilespmem:s29], [sflag:$0x5], $0x10, s25, s28, $0xb8;
	[tilespmem:$0x3E70] =	vst v63  }
0x7b: {  	_ =	swait.ge [sflag:s24], $0x800  }
0x7c: {  	[sflag:s24] =	ssyncset.done $0x0  }
0x7d: {  	s10 =	sadd.s32 s9, s22;
	[sflag:s24] =	ssyncadd.s32 $0xFFFFF800  }
0x7e: {  	[tilespmem:s3], [sflag:$0x3] =	stream.linear.gather [hbm4b:s10+s3], $0x80, $0x38;
	[tilespmem:$0x3E70] =	vst v63  }
0x7f: {  	s10 =	sadd.s32 s9, s21  }
0x80: {  	[tilespmem:s25], [sflag:$0x3] =	stream.linear.gather [hbm4b:s10+s3], $0x80, $0x38;
	[tilespmem:$0x3E70] =	vst v63  }
0x81: {  	_ =	swait.ge [sflag:s26], $0x80  }
0x82: {  	[sflag:s26] =	ssyncset.done $0x0  }
0x83: {  	[sflag:s26] =	ssyncadd.s32 $0xFFFFFF80  }
0x84: {  	_ =	swait.ge [sflag:s26], $0x80  }
0x85: {  	[sflag:s26] =	ssyncset.done $0x0  }
0x86: {  	[sflag:s26] =	ssyncadd.s32 $0xFFFFFF80  }
0x87: {  	[tilespmem:s29], [sflag:$0x1] =	stream.indirect.gather [hbm4b:s4+s28], $0x10, s3, s28, $0xb8;
	[tilespmem:$0x3E70] =	vst v63  }
0x88: {  	_ =	swait.ge [sflag:s6], $0x800  }
0x89: {  	[sflag:s6] =	ssyncset.done $0x0  }
0x8a: {  	[sflag:s6] =	ssyncadd.s32 $0xFFFFF800  }
0x8b: {  	[spmem:s2] =	stream.indirect.scatter.add.f32 [tilespmem:s0], [sflag:$0x5], $0x10, s30, s28, $0xb8;
	[tilespmem:$0x3E70] =	vst v63  }
.Ltmp1:
0x8c: {  	_ =	swait.ge [sflag:s24], $0x800;
	(pc) =	sbr.rel @p0 .LBB2_4-.Ltmp1, $4  }
0x8d: {  	[sflag:s24] =	ssyncset.done $0x0  }
0x8e: {  	s10 =	sadd.s32 s9, s20;
	[sflag:s24] =	ssyncadd.s32 $0xFFFFF800  }
0x8f: {  	[tilespmem:s28], [sflag:$0x4] =	stream.linear.gather [hbm4b:s10+s3], $0x80, $0x38;
	[tilespmem:$0x3E70] =	vst v63  }
0x90: {  	s9 =	sadd.s32 s9, s19  }
0x91: {  	[tilespmem:s30], [sflag:$0x4] =	stream.linear.gather [hbm4b:s9+s3], $0x80, $0x38;
	[tilespmem:$0x3E70] =	vst v63  }
0x92: {  	_ =	swait.ge [sflag:s31], $0x80  }
0x93: {  	[sflag:s31] =	ssyncset.done $0x0  }
0x94: {  	[sflag:s31] =	ssyncadd.s32 $0xFFFFFF80  }
0x95: {  	_ =	swait.ge [sflag:s31], $0x80  }
0x96: {  	[sflag:s31] =	ssyncset.done $0x0  }
0x97: {  	[sflag:s31] =	ssyncadd.s32 $0xFFFFFF80  }
0x98: {  	[tilespmem:s0], [sflag:$0x2] =	stream.indirect.gather [hbm4b:s4+s28], $0x10, s28, s28, $0xb8;
	[tilespmem:$0x3E70] =	vst v63  }
0x99: {  	_ =	swait.ge [sflag:s1], $0x800  }
0x9a: {  	[sflag:s1] =	ssyncset.done $0x0  }
0x9b: {  	[sflag:s1] =	ssyncadd.s32 $0xFFFFF800  }
0x9c: {  	[spmem:s2] =	stream.indirect.scatter.add.f32 [tilespmem:s29], [sflag:$0x5], $0x10, s25, s28, $0xb8;
	[tilespmem:$0x3E70] =	vst v63  }
0x9d: {  	_ =	swait.ge [sflag:s24], $0x800  }
0x9e: {  	[sflag:s24] =	ssyncset.done $0x0  }
0x9f: {  	[sflag:s24] =	ssyncadd.s32 $0xFFFFF800  }
0xa0: {  	[tilespmem:s3], [sflag:$0x3] =	stream.linear.gather [hbm4b:s13+s3], $0x80, $0x38;
	[tilespmem:$0x3E70] =	vst v63  }
0xa1: {  	_ = 	snop  }
0xa2: {  	[tilespmem:s25], [sflag:$0x3] =	stream.linear.gather [hbm4b:s14+s3], $0x80, $0x38;
	[tilespmem:$0x3E70] =	vst v63  }
0xa3: {  	_ =	swait.ge [sflag:s26], $0x80  }
0xa4: {  	[sflag:s26] =	ssyncset.done $0x0  }
0xa5: {  	[sflag:s26] =	ssyncadd.s32 $0xFFFFFF80  }
0xa6: {  	_ =	swait.ge [sflag:s26], $0x80  }
0xa7: {  	[sflag:s26] =	ssyncset.done $0x0  }
0xa8: {  	[sflag:s26] =	ssyncadd.s32 $0xFFFFFF80  }
0xa9: {  	[tilespmem:s29], [sflag:$0x1] =	stream.indirect.gather [hbm4b:s4+s28], $0x10, s3, s28, $0xb8;
	[tilespmem:$0x3E70] =	vst v63  }
0xaa: {  	_ =	swait.ge [sflag:s6], $0x800  }
0xab: {  	[sflag:s6] =	ssyncset.done $0x0  }
0xac: {  	[sflag:s6] =	ssyncadd.s32 $0xFFFFF800  }
0xad: {  	[spmem:s2] =	stream.indirect.scatter.add.f32 [tilespmem:s0], [sflag:$0x5], $0x10, s30, s28, $0xb8;
	[tilespmem:$0x3E70] =	vst v63  }
0xae: {  	_ =	swait.ge [sflag:s24], $0x800  }
0xaf: {  	[sflag:s24] =	ssyncset.done $0x0  }
0xb0: {  	[sflag:s24] =	ssyncadd.s32 $0xFFFFF800  }
0xb1: {  	[tilespmem:s28], [sflag:$0x4] =	stream.linear.gather [hbm4b:s15+s3], $0x80, $0x38;
	[tilespmem:$0x3E70] =	vst v63  }
0xb2: {  	_ = 	snop  }
0xb3: {  	[tilespmem:s30], [sflag:$0x4] =	stream.linear.gather [hbm4b:s16+s3], $0x80, $0x38;
	[tilespmem:$0x3E70] =	vst v63  }
0xb4: {  	_ =	swait.ge [sflag:s1], $0x800  }
0xb5: {  	[sflag:s1] =	ssyncset.done $0x0  }
0xb6: {  	[sflag:s1] =	ssyncadd.s32 $0xFFFFF800  }
0xb7: {  	_ =	swait.ge [sflag:s31], $0x80  }
0xb8: {  	[sflag:s31] =	ssyncset.done $0x0  }
0xb9: {  	[sflag:s31] =	ssyncadd.s32 $0xFFFFFF80  }
0xba: {  	s8 =	stileid.u32;
	_ =	swait.ge [sflag:s31], $0x80  }
0xbb: {  	s10 =	sshrl.u32 s5, $0x3;
	s7 =	sadd.s32 $0x1, s7;
	[sflag:s31] =	ssyncset.done $0x0  }
0xbc: {  	s8 =	sshll.u32 s8, $0x6;
	p0 =	sne.s32 s7, s18;
	[sflag:s31] =	ssyncadd.s32 $0xFFFFFF80  }
.Ltmp2:
0xbd: {  	s8 =	sor.u32 $0x1C05, s8;
	[bflag:$0x0] =	sbarrier.arrive $0xFFFF;
	(pc) =	sbr.rel @p0 .LBB2_1-.Ltmp2, $4  }
0xbe: {  	[hbm:s17], [sflag:s8] =	dma.local [spmem:s10], $0x4F0  }
0xbf: {  	_ =	swait.ge [sflag:s24], $0x4F0  }
0xc0: {  	[sflag:s24] =	ssyncset.done $0x0  }
0xc1: {  	[sflag:s24] =	ssyncadd.s32 $0xFFFFFB10  }
0xc2: {  	_ =	sfence.sel $0x180000  }
0xc3: {  	[bflag:$0x0] =	sbarrier.arrive $0xFFFF  }
0xc4: {  	_ =	strace $0x90000050  }
0xc5: {  	s0 =	stileid.u32;
	[bflag:$0x2] =	sbarrier.arrive $0xFFFF  }
0xc6: {  	p0 =	sne.s32 s0, $0x0;
	s0 =	rddreg [dreg:$0x2]  }
0xc7: {  	s0 =	sadd.s32 @!p0 $0x100000, s0  }
0xc8: {  	[sflag:s0] =	ssyncadd.tile.s32 @!p0 $0x1;
	_ =	shalt  }
.Lfunc_end2:
_tile_overlayer_lowered:
.L_overlay_start_2:
0xc9: {  	(tag) =	ssettag $0x2  }
0xca: {  	s0 =	rddreg [dreg:$0x0];
	s2 =	stileid.u32  }
0xcb: {  	s1 =	rddreg [dreg:$0x1];
	p0 =	sne.s32 s2, $0x0  }
0xcc: {  	s3 =	rddreg [dreg:$0x2];
	[bflag:$0x3] =	sbarrier.arrive $0xFFFF;
	s2 =	simm.s32 @!p0 $0x1C05  }
0xcd: {  	[timem:s3], [sflag:s2] =	dma.local @!p0 [hbm:s0], s1  }
0xce: {  	s0 =	simm.s32 @!p0 $0x5  }
0xcf: {  	_ =	swait.ge @!p0 [sflag:s0], s1  }
0xd0: {  	s1 =	ssub.s32 @!p0 $0x0, s1;
	[sflag:s0] =	ssyncset.done @!p0 $0x0  }
0xd1: {  	[sflag:s0] =	ssyncadd.s32 @!p0 s1  }
0xd2: {  	[bflag:$0x3] =	sbarrier.arrive $0xFFFF  }
0xd3: {  	_ =	shalt  }

// kernel: kernel.25.cloned.1.call-start
scs
__scs_entry_jumppad:
0x0: {  	(pc) =	sbr.rel $0x88, $3  }
0x1: {  	(tag) =	ssettag $0x0;
	lr =	simm.s32 $0x1  }
0x2: {  	[smem:$0x3F74] =	sst lr;
	_ =	strace $0xD0000000  }
0x3: {  	_ = 	snop  }
0x4: {  	_ = 	snop  }
0x5: {  	_ = 	snop  }
0x6: {  	_ = 	snop  }
0x7: {  	_ = 	snop  }
__scs_overlays_trampoline_lowered:
0x8: {  	[smem:$0x3F83] =	sst s0  }
0x9: {  	[smem:$0x3F84] =	sst s1  }
0xa: {  	[smem:$0x3F85] =	sst s2  }
0xb: {  	[smem:$0x3F86] =	sst s3  }
0xc: {  	[smem:$0x3F87] =	sst s4  }
0xd: {  	[smem:$0x3F88] =	sst s5  }
0xe: {  	[smem:$0x3F89] =	sst s6  }
0xf: {  	[smem:$0x3F8A] =	sst s7  }
0x10: {  	[smem:$0x3F8B] =	sst s8  }
0x11: {  	[smem:$0x3F8C] =	sst s9;
	s0 =	simm.s32 @!p0 $0x0  }
0x12: {  	s1 =	sld [smem:$0x3F72];
	s0 =	simm.s32 @p0 $0x1  }
0x13: {  	[smem:$0x3F8D] =	sst s0;
	s0 =	simm.s32 @!p1 $0x0  }
0x14: {  	s2 =	sld [smem:$0x3F71];
	s0 =	simm.s32 @p1 $0x1  }
0x15: {  	[smem:$0x3F8E] =	sst s0;
	s0 =	simm.s32 @!p2 $0x0  }
0x16: {  	s3 =	sld [smem:$0x3FDB];
	s0 =	simm.s32 @p2 $0x1  }
0x17: {  	s4 =	simm.s32 $0x1BF5;
	[smem:$0x3F90] =	sst s0  }
0x18: {  	s0 =	sld [smem:$0x3F73];
	_ =	swait.ge [sflag:s4], $0x0  }
0x19: {  	s7 =	sld [smem:$0x3F74]  }
0x1a: {  	s8 =	sadd.s32 $0xFFFFE003, lr  }
0x1b: {  	s9 =	sadd.s32 $0xFFFFFEF7, lr;
	s5 =	simm.s32 $0xFFFFFFFF;
	p2 =	slt.u32 s8, $0xFFFFF086  }
0x1c: {  	p1 =	slt.u32 s9, $0xF7A;
	s5 =	simm.s32 @!p2 $0x0  }
0x1d: {  	s5 =	simm.s32 @p1 $0x1;
	p0 =	seq.s32 s7, s2  }
0x1e: {  	s7 =	smul.u32 @!p0 $0xF7A, s2;
	p2 =	seq.s32 @!p0 s5, $0x0  }
0x1f: {  	s9 =	smul.u32 $0xF7A, s1;
	s8 =	simm.s32 @!p0 $0x1BF5;
	p2 =	por !p2, p0  }
0x20: {  	[sflag:s8] =	ssyncset.s32 @!p0 $0xFFFFF086;
	s6 =	sadd.s32 @!p0 s3, s7;
	s7 =	simm.s32 @!p0 $0x108  }
0x21: {  	s3 =	sadd.s32 s3, s9;
	s6 =	sadd.s32 @!p0 $0x88, s6;
	s7 =	simm.s32 @p2 $0x1082  }
0x22: {  	[simem:s7], [sflag:s8] =	dma.local @!p0 [hbm:s6], $0xF7A  }
0x23: {  	s9 =	sor.u32 $0xD0000000, s2;
	s6 =	simm.s32 $0x108;
	_ =	swait.ge @!p0 [sflag:s8], $0x0  }
0x24: {  	s3 =	sadd.s32 $0x88, s3;
	s6 =	simm.s32 @!p1 $0x1082;
	[sflag:s4] =	ssyncset.s32 $0xFFFFF086  }
0x25: {  	[simem:s6], [sflag:s4] =	dma.local [hbm:s3], $0xF7A  }
0x26: {  	[smem:$0x3F74] =	sst s1;
	(tag) =	ssettag s2;
	_ =	strace s9  }
0x27: {  	s1 =	sld [smem:$0x3F84]  }
0x28: {  	s2 =	sld [smem:$0x3F85]  }
0x29: {  	s4 =	sld [smem:$0x3F87]  }
0x2a: {  	p0 =	seq.s32 s5, $0x0;
	s5 =	sld [smem:$0x3F88]  }
0x2b: {  	s6 =	sld [smem:$0x3F89]  }
0x2c: {  	s7 =	sld [smem:$0x3F8A]  }
0x2d: {  	s3 =	simm.s32 $0x108;
	s8 =	sld [smem:$0x3F8B]  }
0x2e: {  	s3 =	simm.s32 @!p0 $0x1082;
	s9 =	sld [smem:$0x3F8C]  }
0x2f: {  	lr =	sadd.s32 s0, s3;
	s0 =	sld [smem:$0x3F83]  }
0x30: {  	s3 =	sld [smem:$0x3F86]  }
0x31: {  	[smem:$0x3F8F] =	sst s10  }
0x32: {  	s10 =	sld [smem:$0x3F8D];
	_ =	sdelay $0x3  }
0x33: {  	p0 =	seq.s32 s10, $0x1;
	s10 =	sld [smem:$0x3F8F];
	_ =	sdelay $0x3  }
0x34: {  	[smem:$0x3F8F] =	sst s10  }
0x35: {  	s10 =	sld [smem:$0x3F8E];
	_ =	sdelay $0x3  }
0x36: {  	p1 =	seq.s32 s10, $0x1;
	s10 =	sld [smem:$0x3F8F];
	_ =	sdelay $0x3  }
0x37: {  	[smem:$0x3F8F] =	sst s10  }
0x38: {  	s10 =	sld [smem:$0x3F90]  }
0x39: {  	_ = 	snop;
	(pc) =	sbr.ind lr, $3  }
0x3a: {  	_ = 	snop  }
0x3b: {  	_ = 	snop  }
0x3c: {  	p2 =	seq.s32 s10, $0x1;
	s10 =	sld [smem:$0x3F8F]  }
0x3d: {  	_ =	shalt  }
0x3e: {  	_ =	shalt  }
0x3f: {  	_ =	shalt  }
0x40: {  	_ =	shalt  }
0x41: {  	_ =	shalt  }
0x42: {  	_ =	shalt  }
0x43: {  	_ =	shalt  }
0x44: {  	_ =	shalt  }
0x45: {  	_ =	shalt  }
0x46: {  	_ =	shalt  }
0x47: {  	_ =	shalt  }
0x48: {  	_ =	shalt  }
0x49: {  	_ =	shalt  }
0x4a: {  	_ =	shalt  }
0x4b: {  	_ =	shalt  }
0x4c: {  	_ =	shalt  }
0x4d: {  	_ =	shalt  }
0x4e: {  	_ =	shalt  }
0x4f: {  	_ =	shalt  }
0x50: {  	_ =	shalt  }
0x51: {  	_ =	shalt  }
0x52: {  	_ =	shalt  }
0x53: {  	_ =	shalt  }
0x54: {  	_ =	shalt  }
0x55: {  	_ =	shalt  }
0x56: {  	_ =	shalt  }
0x57: {  	_ =	shalt  }
0x58: {  	_ =	shalt  }
0x59: {  	_ =	shalt  }
0x5a: {  	_ =	shalt  }
0x5b: {  	_ =	shalt  }
0x5c: {  	_ =	shalt  }
0x5d: {  	_ =	shalt  }
0x5e: {  	_ =	shalt  }
0x5f: {  	_ =	shalt  }
0x60: {  	_ =	shalt  }
0x61: {  	_ =	shalt  }
0x62: {  	_ =	shalt  }
0x63: {  	_ =	shalt  }
0x64: {  	_ =	shalt  }
0x65: {  	_ =	shalt  }
0x66: {  	_ =	shalt  }
0x67: {  	_ =	shalt  }
0x68: {  	_ =	shalt  }
0x69: {  	_ =	shalt  }
0x6a: {  	_ =	shalt  }
0x6b: {  	_ =	shalt  }
0x6c: {  	_ =	shalt  }
0x6d: {  	_ =	shalt  }
0x6e: {  	_ =	shalt  }
0x6f: {  	_ =	shalt  }
0x70: {  	_ =	shalt  }
0x71: {  	_ =	shalt  }
0x72: {  	_ =	shalt  }
0x73: {  	_ =	shalt  }
0x74: {  	_ =	shalt  }
0x75: {  	_ =	shalt  }
0x76: {  	_ =	shalt  }
0x77: {  	_ =	shalt  }
0x78: {  	_ =	shalt  }
0x79: {  	_ =	shalt  }
0x7a: {  	_ =	shalt  }
0x7b: {  	_ =	shalt  }
0x7c: {  	_ =	shalt  }
0x7d: {  	_ =	shalt  }
0x7e: {  	_ =	shalt  }
0x7f: {  	_ =	shalt  }
0x80: {  	_ =	shalt  }
0x81: {  	_ =	shalt  }
0x82: {  	_ =	shalt  }
0x83: {  	_ =	shalt  }
0x84: {  	_ =	shalt  }
0x85: {  	_ =	shalt  }
0x86: {  	_ =	shalt  }
0x87: {  	_ =	shalt  }
.Lfunc_end0:
.L_simem_size_0:
called_computation.4_lowered:
.L_overlay_start_0:
0x88: {  	s2 =	sld [smem:$0x3FD9]  }
0x89: {  	s3 =	sld [smem:$0x3FFE];
	_ =	sdelay $0x1  }
0x8a: {  	s1 =	srdreg.scid  }
0x8b: {  	s0 =	sand.u32 $0x1, s1  }
0x8c: {  	s16 =	sshll.u32 s0, $0xA;
	s2 =	sadd.s32 s3, s2  }
0x8d: {  	s2 =	sadd.s32 s2, s16  }
0x8e: {  	[smem:$0x3F9B] =	sst s2  }
0x8f: {  	_ = 	snop  }
0x90: {  	(tm) =	ssettm $0x1  }
0x91: {  	s17 =	sld [smem:$0x3FFB];
	_ =	sdelay $0x3  }
0x92: {  	_ =	strace s17  }
0x93: {  	s2 =	sld [smem:$0x3FFC];
	_ =	sdelay $0x3  }
0x94: {  	_ =	strace s2  }
0x95: {  	s2 =	sld [smem:$0x3FFD];
	_ =	sdelay $0x3  }
0x96: {  	_ =	strace s2  }
0x97: {  	_ =	strace $0x8FFFFFFF  }
0x98: {  	s18 =	sld [smem:$0x3FDB];
	_ =	sdelay $0x1  }
0x99: {  	s19 =	simm.s32 $_scs_section_size  }
0x9a: {  	s4 =	simm.s32 $_size__tile_overlayer_lowered;
	s5 =	simm.s32 $_tile_overlayer_lowered  }
0x9b: {  	s22 =	simm.s32 $0x1BFF;
	s21 =	sshll.u32 s5, $0x1;
	s2 =	sadd.s32 s19, s18  }
0x9c: {  	s6 =	simm.s32 $0x0;
	s20 =	sshll.u32 s4, $0x1;
	s4 =	sadd.s32 s21, s2  }
0x9d: {  	[timem:s6], [sflag:s22] =	dma.local [hbm:s4], s20  }
0x9e: {  	_ =	swait.ge [sflag:s22], s20  }
0x9f: {  	s3 =	ssub.s32 $0x0, s20;
	[sflag:s22] =	ssyncset.done $0x0  }
0xa0: {  	[sflag:s22] =	ssyncadd.s32 s3;
	_ =	sdelay $0x1  }
0xa1: {  	s23 =	simm.s32 $0x1B8B  }
0xa2: {  	_ =	swait.ge [sflag:s23], $0x1  }
0xa3: {  	[sflag:s23] =	ssyncset.done $0x0  }
0xa4: {  	s25 =	simm.s32 $0x1B8E;
	s24 =	sld [smem:$0x3FFE];
	[sflag:s23] =	ssyncadd.s32 $0xFFFFFFFF  }
0xa5: {  	s26 =	simm.s32 $execute0_lowered;
	[smem:$0x3FD2] =	sst s25  }
0xa6: {  	s4 =	sshll.u32 s26, $0x1;
	_ =	strace $0x80000052;
	[dreg:$0x1] =	wrdreg $0xFFFFFFFF  }
0xa7: {  	s28 =	simm.s32 $_size_execute0_lowered;
	s2 =	sadd.s32 s2, s4;
	[dreg:$0x0] =	wrdreg $0x0  }
0xa8: {  	s4 =	sshll.u32 s28, $0x1;
	[dreg:$0x2] =	wrdreg s2  }
0xa9: {  	[dreg:$0x3] =	wrdreg s4  }
0xaa: {  	[dreg:$0x4] =	wrdreg $0xC0  }
0xab: {  	_ =	task [dreg:s6], $0x5FFFF  }
0xac: {  	[dreg:$0x1] =	wrdreg $0xFFFFFFFF  }
0xad: {  	[dreg:$0x0] =	wrdreg $0x60  }
0xae: {  	[dreg:$0x2] =	wrdreg s24  }
0xaf: {  	[dreg:$0x3] =	wrdreg $0x9  }
0xb0: {  	_ =	task.clear_ibuf [dreg:s6], $0x4FFFF;
	_ =	strace $0x90000052  }
0xb1: {  	s29 =	simm.s32 $0x9;
	_ =	strace $0x80000054  }
0xb2: {  	_ =	swait.ge [sflag:s29], $0x1  }
0xb3: {  	[sflag:s29] =	ssyncadd.s32 $0xFFFFFFFF  }
0xb4: {  	_ =	strace $0x90000054  }
0xb5: {  	_ =	sfence  }
0xb6: {  	s30 =	sld [smem:$0x0];
	_ =	sdelay $0x2  }
0xb7: {  	s31 =	sshll.u32 s1, $0xD;
	s1 =	sshrl.u32 s1, $0x2  }
0xb8: {  	s3 =	sand.u32 $0x4000, s31;
	s1 =	sadd.s32 s1, s30  }
0xb9: {  	s0 =	sor.u32 s3, s0;
	s1 =	sshll.u32 s1, $0x11  }
0xba: {  	s0 =	sor.u32 s1, s0  }
0xbb: {  	s0 =	sadd.s32 $0x8F2B, s0  }
0xbc: {  	[sflag:s0] =	ssyncadd.remote.s32 $0x1  }
0xbd: {  	_ =	sfence.sel $0xFFFF  }
0xbe: {  	[dreg:$0x0] =	wrdreg $0xFFFFFFFF;
	(pc) =	sbr.abs _section_cstart, $3  }
0xbf: {  	[dreg:$0x1] =	wrdreg $0xFFFFFFFF  }
0xc0: {  	_ =	task.clear_ibuf [dreg:s6], $0x2FFFF;
	_ =	strace $0x9FFFFFFF  }
0xc1: {  	(tm) =	ssettm $0x7FFFFFFF  }
tec
execute0_lowered:
.L_overlay_start_1:
0x0: {  	(tag) =	ssettag $0x1  }
0x1: {  	s0 =	srdreg.scid  }
0x2: {  	s31 =	stileid.u32;
	s4 =	rddreg [dreg:$0x0];
	s2 =	simm.s32 $0x0  }
0x3: {  	s14 =	simm.s32 $0x1;
	s15 =	simm.s32 $0x1400;
	s16 =	simm.s32 $0x2800  }
0x4: {  	s17 =	simm.s32 $0x3C00;
	s18 =	simm.s32 $0x3D40;
	s3 =	sand.u32 $0x1, s0  }
0x5: {  	s19 =	simm.s32 $0x45C0;
	s20 =	simm.s32 $0x4E40;
	s1 =	sshll.u32 s3, $0x4  }
0x6: {  	s21 =	simm.s32 $0x56C0;
	s22 =	simm.s32 $0x5F40;
	s5 =	sor.u32 s31, s1  }
0x7: {  	s23 =	simm.s32 $0x67C0;
	s3 =	ssub.s32 $0x2, s3;
	s6 =	smul.u32 $0x280, s5  }
0x8: {  	s24 =	simm.s32 $0x0;
	s8 =	sshrl.u32 s3, $0x1;
	s7 =	smul.u32 $0x28, s5  }
0x9: {  	[smem:$0x7FF] =	sst s2;
	s5 =	smul.u32 $0x110, s5;
	s13 =	ssub.s32 s3, s8  }
0xa: {  	_ =	strace $0x80000053;
	s13 =	smax.u32 s13, $0x1;
	s6 =	sadd.s32 s6, s4  }
0xb: {  	s7 =	sadd.s32 s7, s4;
	s12 =	sadd.s32 s5, s4;
	s3 =	sadd.s32 $0x11400, s6  }
0xc: {  	s4 =	sadd.s32 $0xC400, s6;
	s5 =	sadd.s32 $0x7400, s6;
	s6 =	sadd.s32 $0x2A200, s7  }
0xd: {  	s7 =	sadd.s32 $0x20E00, s12;
	s8 =	sadd.s32 $0x1EC00, s12;
	s9 =	sadd.s32 $0x1CA00, s12  }
0xe: {  	v0 =	vlaneseq.u32;
	s10 =	sadd.s32 $0x1A800, s12;
	s11 =	sadd.s32 $0x18600, s12;
	s12 =	sadd.s32 $0x16400, s12  }
.LBB2_1:
0xf: {  	[tilespmem:s2], [sflag:$0x1] =	stream.linear.gather [hbm4b:s3+s2], $0x1400, $0x38;
	[tilespmem:$0x7040] =	vst v63  }
0x10: {  	_ =	swait.ge [sflag:s14], $0x1400  }
0x11: {  	[sflag:s14] =	ssyncset.done $0x0  }
0x12: {  	[sflag:s14] =	ssyncadd.s32 $0xFFFFEC00  }
0x13: {  	[tilespmem:s15], [sflag:$0x1] =	stream.linear.gather [hbm4b:s4+s2], $0x1400, $0x38;
	[tilespmem:$0x7040] =	vst v63  }
0x14: {  	_ =	swait.ge [sflag:s14], $0x1400  }
0x15: {  	[sflag:s14] =	ssyncset.done $0x0  }
0x16: {  	[sflag:s14] =	ssyncadd.s32 $0xFFFFEC00  }
0x17: {  	[tilespmem:s16], [sflag:$0x1] =	stream.linear.gather [hbm4b:s5+s2], $0x1400, $0x38;
	[tilespmem:$0x7040] =	vst v63  }
0x18: {  	_ =	swait.ge [sflag:s14], $0x1400  }
0x19: {  	[sflag:s14] =	ssyncset.done $0x0  }
0x1a: {  	[sflag:s14] =	ssyncadd.s32 $0xFFFFEC00  }
0x1b: {  	[tilespmem:s17], [sflag:$0x1] =	stream.linear.gather [hbm4b:s6+s2], $0x140, $0x38;
	[tilespmem:$0x7040] =	vst v63  }
0x1c: {  	_ =	swait.ge [sflag:s14], $0x140  }
0x1d: {  	[sflag:s14] =	ssyncset.done $0x0  }
0x1e: {  	s26 =	simm.s32 $0x0;
	v4 =	vimm.f32 $-Inf;
	[sflag:s14] =	ssyncadd.s32 $0xFFFFFEC0  }
0x1f: {  	v1 =	vimm.f32 $0.0e+00;
	[tilespmem:s26+$0x67C0] =	vst v4  }
0x20: {  	[tilespmem:s26+$0x3D40] =	vst v1  }
0x21: {  	[tilespmem:s26+$0x45C0] =	vst v1  }
0x22: {  	[tilespmem:s26+$0x4E40] =	vst v1  }
0x23: {  	s25 =	simm.s32 $0x40;
	[tilespmem:s26+$0x56C0] =	vst v4  }
.LBB2_2:
0x24: {  	p0 =	sne.s32 s25, $0x21C0;
	[tilespmem:s26+$0x5F40] =	vst v4;
	s26 =	sshra.s32 s25, $0x2;
	s25 =	sadd.s32 $0x40, s25  }
.Ltmp0:
0x25: {  	[tilespmem:s26+$0x67C0] =	vst v4;
	(pc) =	sbr.rel @p0 .LBB2_2-.Ltmp0, $4  }
0x26: {  	[tilespmem:s26+$0x3D40] =	vst v1  }
0x27: {  	[tilespmem:s26+$0x45C0] =	vst v1  }
0x28: {  	[tilespmem:s26+$0x4E40] =	vst v1  }
0x29: {  	[tilespmem:s26+$0x56C0] =	vst v4  }
0x2a: {  	s25 =	simm.s32 $0x0  }
0x2b: {  	[tilespmem:s26+$0x5F40] =	vst v4;
	s0 =	sand.u32 $0x1F0, s25  }
0x2c: {  	v2 =	vld [tilespmem:s0+$0x3C00];
	_ =	sdelay $0x1  }
0x2d: {  	s1 =	sand.u32 $0xF, s25  }
0x2e: {  	v3 =	vmov s1  }
0x2f: {  	vm0 =	veq.s32 v3, v0  }
0x30: {  	v2 =	vnsel vm0, $0x0, v2  }
0x31: {  	(xrf0) =	vadd.scan.msk.s32 $0xffff, v2;
	_ =	sdelay $0x5  }
0x32: {  	v2, _, _ =	vpop (xrf0)  }
0x33: {  	(v2sf) =	vpush v2, $0xF;
	_ =	sdelay $0x7  }
0x34: {  	s26 =	simm.s32 $0x1400  }
0x35: {  	v5 =	vld [tilespmem:s26+$0x0]  }
0x36: {  	s28 =	simm.s32 $0x2800;
	v6 =	vld [tilespmem:s25+$0x0]  }
0x37: {  	v3 =	vld [tilespmem:s28+$0x0];
	_ =	sdelay $0x3  }
0x38: {  	v10 =	vadd.f32 v5, v1;
	v2 =	vadd.f32 v6, v1;
	s30 =	spop (v2sf)  }
0x39: {  	v9 =	vmax.f32 v4, v6;
	v8 =	vmax.f32 v4, v5;
	v7 =	vadd.f32 v3, v1;
	p1 =	seq.s32 s30, $0xFFFFFFFF  }
0x3a: {  	s29 =	simm.s32 $0x1;
	v4 =	vmax.f32 v4, v3;
	s31 =	sshll.u32 s30, $0x4;
	v2 =	vpsel p1, v2, v6;
	v1 =	vpsel p1, v10, v5  }
.LBB2_4:
0x3b: {  	v7 =	vpsel p1, v7, v3;
	v9 =	vpsel p1, v9, v6;
	v8 =	vpsel p1, v8, v5;
	[tilespmem:s31+$0x3D40] =	vst v2;
	s25 =	sadd.s32 $0x10, s25;
	s26 =	sadd.s32 $0x10, s26;
	s28 =	sadd.s32 $0x10, s28  }
0x3c: {  	p0 =	sne.s32 s29, $0x13F;
	s1 =	smov.u32 s29;
	s29 =	sadd.s32 $0x1, s29;
	[tilespmem:s31+$0x56C0] =	vst v9  }
0x3d: {  	s0 =	smov.u32 s30;
	[tilespmem:s31+$0x45C0] =	vst v1  }
0x3e: {  	[tilespmem:s31+$0x5F40] =	vst v8  }
0x3f: {  	v4 =	vpsel p1, v4, v3;
	[tilespmem:s31+$0x4E40] =	vst v7  }
0x40: {  	s30 =	sand.u32 $0x1F0, s1;
	[tilespmem:s31+$0x67C0] =	vst v4  }
0x41: {  	v3 =	vld [tilespmem:s30+$0x3C00];
	_ =	sdelay $0x1  }
0x42: {  	s1 =	sand.u32 $0xF, s1  }
0x43: {  	v5 =	vmov s1  }
0x44: {  	vm0 =	veq.s32 v5, v0  }
0x45: {  	v3 =	vnsel vm0, $0x0, v3  }
0x46: {  	(xrf0) =	vadd.scan.msk.s32 $0xffff, v3;
	_ =	sdelay $0x5  }
0x47: {  	v3, _, _ =	vpop (xrf0)  }
0x48: {  	(v2sf) =	vpush v3, $0xF;
	_ =	sdelay $0x8  }
0x49: {  	v5 =	vld [tilespmem:s26+$0x0]  }
0x4a: {  	v6 =	vld [tilespmem:s25+$0x0]  }
0x4b: {  	v3 =	vld [tilespmem:s28+$0x0];
	_ =	sdelay $0x1  }
.Ltmp1:
0x4c: {  	(pc) =	sbr.rel @p0 .LBB2_4-.Ltmp1, $4  }
0x4d: {  	_ = 	snop  }
0x4e: {  	v1 =	vadd.f32 v5, v1;
	v2 =	vadd.f32 v6, v2;
	s30 =	spop (v2sf)  }
0x4f: {  	v8 =	vmax.f32 v8, v5;
	v9 =	vmax.f32 v9, v6;
	p1 =	seq.s32 s30, s0;
	v7 =	vadd.f32 v3, v7  }
0x50: {  	v4 =	vmax.f32 v4, v3;
	s31 =	sshll.u32 s30, $0x4;
	v2 =	vpsel p1, v2, v6;
	v1 =	vpsel p1, v1, v5  }
0x51: {  	[tilespmem:s31+$0x3D40] =	vst v2  }
0x52: {  	v6 =	vpsel p1, v9, v6;
	[tilespmem:s31+$0x45C0] =	vst v1  }
0x53: {  	v2 =	vpsel p1, v8, v5;
	[tilespmem:s31+$0x56C0] =	vst v6  }
0x54: {  	v1 =	vpsel p1, v7, v3;
	[tilespmem:s31+$0x5F40] =	vst v2  }
0x55: {  	v2 =	vpsel p1, v4, v3;
	[tilespmem:s31+$0x4E40] =	vst v1  }
0x56: {  	[tilespmem:s31+$0x67C0] =	vst v2  }
0x57: {  	[hbm4b:s7+s2] =	stream.linear.scatter [tilespmem:s18], [sflag:$0x1], $0x880, $0x38;
	[tilespmem:$0x7040] =	vst v63  }
0x58: {  	_ =	swait.ge [sflag:s14], $0x880  }
0x59: {  	[sflag:s14] =	ssyncset.done $0x0  }
0x5a: {  	[sflag:s14] =	ssyncadd.s32 $0xFFFFF780  }
0x5b: {  	[hbm4b:s8+s2] =	stream.linear.scatter [tilespmem:s19], [sflag:$0x1], $0x880, $0x38;
	[tilespmem:$0x7040] =	vst v63  }
0x5c: {  	_ =	swait.ge [sflag:s14], $0x880  }
0x5d: {  	[sflag:s14] =	ssyncset.done $0x0  }
0x5e: {  	[sflag:s14] =	ssyncadd.s32 $0xFFFFF780  }
0x5f: {  	[hbm4b:s9+s2] =	stream.linear.scatter [tilespmem:s20], [sflag:$0x1], $0x880, $0x38;
	[tilespmem:$0x7040] =	vst v63  }
0x60: {  	_ =	swait.ge [sflag:s14], $0x880  }
0x61: {  	[sflag:s14] =	ssyncset.done $0x0  }
0x62: {  	[sflag:s14] =	ssyncadd.s32 $0xFFFFF780  }
0x63: {  	[hbm4b:s10+s2] =	stream.linear.scatter [tilespmem:s21], [sflag:$0x1], $0x880, $0x38;
	[tilespmem:$0x7040] =	vst v63  }
0x64: {  	_ =	swait.ge [sflag:s14], $0x880  }
0x65: {  	[sflag:s14] =	ssyncset.done $0x0  }
0x66: {  	[sflag:s14] =	ssyncadd.s32 $0xFFFFF780  }
0x67: {  	[hbm4b:s11+s2] =	stream.linear.scatter [tilespmem:s22], [sflag:$0x1], $0x880, $0x38;
	[tilespmem:$0x7040] =	vst v63  }
0x68: {  	s24 =	sadd.s32 $0x1, s24;
	_ =	swait.ge [sflag:s14], $0x880  }
0x69: {  	p0 =	sne.s32 s24, s13;
	[sflag:s14] =	ssyncset.done $0x0  }
.Ltmp2:
0x6a: {  	[sflag:s14] =	ssyncadd.s32 $0xFFFFF780;
	(pc) =	sbr.rel @p0 .LBB2_1-.Ltmp2, $4  }
0x6b: {  	[hbm4b:s12+s2] =	stream.linear.scatter [tilespmem:s23], [sflag:$0x1], $0x880, $0x38;
	[tilespmem:$0x7040] =	vst v63  }
0x6c: {  	_ =	swait.ge [sflag:s14], $0x880  }
0x6d: {  	[sflag:s14] =	ssyncset.done $0x0  }
0x6e: {  	[sflag:s14] =	ssyncadd.s32 $0xFFFFF780  }
0x6f: {  	_ =	sfence.sel $0x180000  }
0x70: {  	[bflag:$0x0] =	sbarrier.arrive $0xFFFF  }
0x71: {  	_ =	strace $0x90000053  }
0x72: {  	s0 =	stileid.u32;
	[bflag:$0x2] =	sbarrier.arrive $0xFFFF  }
0x73: {  	p0 =	sne.s32 s0, $0x0;
	s0 =	rddreg [dreg:$0x1]  }
0x74: {  	s0 =	sadd.s32 @!p0 $0x100000, s0  }
0x75: {  	[sflag:s0] =	ssyncadd.tile.s32 @!p0 $0x1;
	_ =	shalt  }
.Lfunc_end2:
_tile_overlayer_lowered:
.L_overlay_start_2:
0x76: {  	(tag) =	ssettag $0x2  }
0x77: {  	s0 =	rddreg [dreg:$0x0];
	s2 =	stileid.u32  }
0x78: {  	s1 =	rddreg [dreg:$0x1];
	p0 =	sne.s32 s2, $0x0  }
0x79: {  	s3 =	rddreg [dreg:$0x2];
	[bflag:$0x3] =	sbarrier.arrive $0xFFFF;
	s2 =	simm.s32 @!p0 $0x1C01  }
0x7a: {  	[timem:s3], [sflag:s2] =	dma.local @!p0 [hbm:s0], s1  }
0x7b: {  	s0 =	simm.s32 @!p0 $0x1  }
0x7c: {  	_ =	swait.ge @!p0 [sflag:s0], s1  }
0x7d: {  	s1 =	ssub.s32 @!p0 $0x0, s1;
	[sflag:s0] =	ssyncset.done @!p0 $0x0  }
0x7e: {  	[sflag:s0] =	ssyncadd.s32 @!p0 s1  }
0x7f: {  	[bflag:$0x3] =	sbarrier.arrive $0xFFFF  }
0x80: {  	_ =	shalt  }

</sc_bundles>
